<compile_context>
chip_gen: v7x
topology: tpu7x:2x2x1
jax: 0.10.2.dev20260603
libtpu: 0.0.44.dev20260713+nightly
codegen_flags: <defaults>
</compile_context>

<pallas_src>
import jax
import jax.numpy as jnp
from jax import lax
from jax.experimental import pallas as pl
from jax.experimental.pallas import tpu as pltpu
from jax.experimental.pallas import tpu_sc as plsc

B, L, V, D, H, C = 16384, 50, 100000, 128, 50, 10

NC, NS = 2, 16
NW = NC * NS
ROWS_PER_W = B // NW
CHUNK_ROWS = 8
CHUNK_IDX = CHUNK_ROWS * L
NCHUNK = ROWS_PER_W // CHUNK_ROWS
GSPLIT = 5
GSIZE = CHUNK_IDX // GSPLIT
NLANE = 16
NVREG = D // NLANE


def _sc_embed_body(text_hbm, table_hbm, out_hbm, idx_v0, idx_v1, rows_v0,
                   rows_v1, obuf0, obuf1, gsem0, gsem1, isem0, isem1,
                   osem0, osem1):
    wid = lax.axis_index("s") * NC + lax.axis_index("c")
    base_idx = wid * (ROWS_PER_W * L)
    base_row = wid * ROWS_PER_W
    gsems = (gsem0, gsem1)
    isems = (isem0, isem1)
    osems = (osem0, osem1)
    idxs = (idx_v0, idx_v1)
    rows = (rows_v0, rows_v1)
    obufs = (obuf0, obuf1)

    def idx_src(c):
        return text_hbm.at[pl.ds(base_idx + c * CHUNK_IDX, CHUNK_IDX)]

    def idx_start(b, c):
        pltpu.async_copy(idx_src(c), idxs[b], isems[b])

    def idx_wait(b, c):
        pltpu.make_async_copy(idx_src(c), idxs[b], isems[b]).wait()

    def fire(b):
        for j in range(GSPLIT):
            pltpu.async_copy(
                table_hbm.at[idxs[b].at[pl.ds(j * GSIZE, GSIZE)]],
                rows[b].at[pl.ds(j * GSIZE, GSIZE)],
                gsems[b])

    def drain(b):
        for j in range(GSPLIT):
            pltpu.make_async_copy(
                table_hbm.at[idxs[b].at[pl.ds(j * GSIZE, GSIZE)]],
                rows[b].at[pl.ds(j * GSIZE, GSIZE)],
                gsems[b]).wait()

    def out_dst(c):
        return out_hbm.at[pl.ds(base_row + c * CHUNK_ROWS, CHUNK_ROWS)]

    def out_start(b, c):
        pltpu.async_copy(obufs[b], out_dst(c), osems[b])

    def out_wait(b, c):
        pltpu.make_async_copy(obufs[b], out_dst(c), osems[b]).wait()

    def reduce(b):
        for r in range(CHUNK_ROWS):
            def lbody(l, accs):
                row = r * L + l
                return tuple(accs[d] + rows[b][row, pl.ds(NLANE * d, NLANE)]
                             for d in range(NVREG))
            accs = lax.fori_loop(
                0, L, lbody,
                tuple(jnp.zeros((NLANE,), jnp.float32)
                      for _ in range(NVREG)))
            for d in range(NVREG):
                obufs[b][r, pl.ds(NLANE * d, NLANE)] = accs[d] * (1.0 / L)

    pltpu.sync_copy(idx_src(0), idxs[0])
    fire(0)
    pltpu.sync_copy(idx_src(1), idxs[1])
    out_start(0, 0)
    out_start(1, 1)

    def chunk_body(i, _):
        c0 = 2 * i
        fire(1)
        drain(0)
        c2 = jnp.minimum(c0 + 2, NCHUNK - 1)
        idx_start(0, c2)
        out_wait(0, jnp.maximum(c0 - 2, 0))
        reduce(0)
        out_start(0, c0)
        idx_wait(0, c2)
        fire(0)
        drain(1)
        c3 = jnp.minimum(c0 + 3, NCHUNK - 1)
        idx_start(1, c3)
        out_wait(1, jnp.maximum(c0 - 1, 1))
        reduce(1)
        out_start(1, c0 + 1)
        idx_wait(1, c3)
        return 0

    lax.fori_loop(0, NCHUNK // 2, chunk_body, 0)
    drain(0)
    out_wait(0, NCHUNK - 2)
    out_wait(1, NCHUNK - 1)


_sc_embed = pl.kernel(
    _sc_embed_body,
    out_type=jax.ShapeDtypeStruct((B, D), jnp.float32),
    mesh=plsc.VectorSubcoreMesh(core_axis_name="c", subcore_axis_name="s",
                                num_cores=NC, num_subcores=NS),
    scratch_types=[
        pltpu.VMEM((CHUNK_IDX,), jnp.int32),
        pltpu.VMEM((CHUNK_IDX,), jnp.int32),
        pltpu.VMEM((CHUNK_IDX, D), jnp.float32),
        pltpu.VMEM((CHUNK_IDX, D), jnp.float32),
        pltpu.VMEM((CHUNK_ROWS, D), jnp.float32),
        pltpu.VMEM((CHUNK_ROWS, D), jnp.float32),
    ] + [pltpu.SemaphoreType.DMA] * 6,
)


def _mlp_body(pooled_ref, ly_ref, W1a_ref, W1b_ref, b1_ref, W2_ref, b2_ref,
              W3_ref, b3_ref, out_ref):
    x = pooled_ref[...]
    h = jnp.dot(x, W1a_ref[...], preferred_element_type=jnp.float32)
    h += jnp.dot(ly_ref[...], W1b_ref[...], preferred_element_type=jnp.float32)
    h = jnp.maximum(h + b1_ref[...], 0.0)
    h = jnp.maximum(
        jnp.dot(h, W2_ref[...], preferred_element_type=jnp.float32)
        + b2_ref[...], 0.0)
    out_ref[...] = (jnp.dot(h, W3_ref[...], preferred_element_type=jnp.float32)
                    + b3_ref[...]).T


BM = 8192


def _mlp(pooled, ly, W1a, W1b, b1, W2, b2, W3, b3):
    grid = (B // BM,)
    return pl.pallas_call(
        _mlp_body,
        grid=grid,
        in_specs=[
            pl.BlockSpec((BM, D), lambda i: (i, 0)),
            pl.BlockSpec((BM, 2), lambda i: (i, 0)),
            pl.BlockSpec((D, H), lambda i: (0, 0)),
            pl.BlockSpec((2, H), lambda i: (0, 0)),
            pl.BlockSpec((1, H), lambda i: (0, 0)),
            pl.BlockSpec((H, H), lambda i: (0, 0)),
            pl.BlockSpec((1, H), lambda i: (0, 0)),
            pl.BlockSpec((H, C), lambda i: (0, 0)),
            pl.BlockSpec((1, C), lambda i: (0, 0)),
        ],
        out_specs=pl.BlockSpec((C, BM), lambda i: (0, i)),
        out_shape=jax.ShapeDtypeStruct((C, B), jnp.float32),
    )(pooled, ly, W1a, W1b, b1, W2, b2, W3, b3)


@jax.jit
def kernel(text, text_len, year, table, W1, b1, W2, b2, W3, b3):
    text_flat = text.astype(jnp.int32).reshape(-1)
    pooled = _sc_embed(text_flat, table)
    ly = jnp.stack([text_len.astype(jnp.float32),
                    year.astype(jnp.float32)], axis=1)
    W1a = W1[:D]
    W1b = W1[D:]
    out_t = _mlp(pooled, ly, W1a, W1b, b1.reshape(1, H), W2, b2.reshape(1, H),
                 W3, b3.reshape(1, C))
    return out_t.T

# --- scband reference (transcript-rebuilt; emitter-appended) ---
"""Pipeline reference for scband-text-year-model-13786845020359 (READ-ONLY COPY).

The authoritative reference and input builder live on the scoring server;
editing this copy changes nothing except your own understanding.
"""

import jax, jax.numpy as jnp
import numpy as np

B, L, V, D, H, C = 16384, 50, 100000, 128, 50, 10

def setup_inputs(seed: int = 0):
    key = jax.random.key(seed)
    ks = jax.random.split(key, 10)
    text = jax.random.randint(ks[0], (B, L), 0, V, dtype=jnp.int64)
    text_len = jax.random.randint(ks[1], (B,), 0, L, dtype=jnp.int64)
    year = jax.random.randint(ks[2], (B,), 0, 2024, dtype=jnp.int64)
    table = jax.random.normal(ks[3], (V, D), dtype=jnp.float32)
    W1 = jax.random.normal(ks[4], (D + 2, H), dtype=jnp.float32) * 0.05
    b1 = jnp.zeros((H,), jnp.float32)
    W2 = jax.random.normal(ks[5], (H, H), dtype=jnp.float32) * 0.05
    b2 = jnp.zeros((H,), jnp.float32)
    W3 = jax.random.normal(ks[6], (H, C), dtype=jnp.float32) * 0.05
    b3 = jnp.zeros((C,), jnp.float32)
    return {"text": text, "text_len": text_len, "year": year, "table": table,
            "W1": W1, "b1": b1, "W2": W2, "b2": b2, "W3": W3, "b3": b3}

def reference(text, text_len, year, table, W1, b1, W2, b2, W3, b3):
    # nn.EmbeddingBag with 2D input: gather then mean-pool over dim 1 (default mode='mean')
    embedded = jnp.take(table, text, axis=0).mean(axis=1)
    embedded = embedded[:, :D]
    feat = jnp.concatenate([embedded,
                            text_len.astype(jnp.float32)[:, None],
                            year.astype(jnp.float32)[:, None]], axis=1)
    h = jax.nn.relu(feat @ W1 + b1)
    h = jax.nn.relu(h @ W2 + b2)
    return h @ W3 + b3

if __name__ == "__main__":
    import jax
    _d = setup_inputs()
    print(jax.jit(kernel)(*tuple(_d.values())))

</pallas_src>

<mosaic_0001>
#map = affine_map<(d0, d1) -> (0)>
#map1 = affine_map<(d0, d1) -> (0, 0)>
module attributes {stable_mosaic.version = 14 : i64} {
  func.func @_sc_embed_body(%arg0: i32, %arg1: i32, %arg2: memref<819200xi32, #tpu.memory_space<hbm>>, %arg3: memref<100000x128xf32, #tpu.memory_space<hbm>>, %arg4: memref<16384x128xf32, #tpu.memory_space<hbm>>, %arg5: memref<400xi32, #tpu.memory_space<vmem>>, %arg6: memref<400xi32, #tpu.memory_space<vmem>>, %arg7: memref<400x128xf32, #tpu.memory_space<vmem>>, %arg8: memref<400x128xf32, #tpu.memory_space<vmem>>, %arg9: memref<8x128xf32, #tpu.memory_space<vmem>>, %arg10: memref<8x128xf32, #tpu.memory_space<vmem>>, %arg11: memref<!tpu.dma_semaphore, #tpu.memory_space<semaphore_mem>>, %arg12: memref<!tpu.dma_semaphore, #tpu.memory_space<semaphore_mem>>, %arg13: memref<!tpu.dma_semaphore, #tpu.memory_space<semaphore_mem>>, %arg14: memref<!tpu.dma_semaphore, #tpu.memory_space<semaphore_mem>>, %arg15: memref<!tpu.dma_semaphore, #tpu.memory_space<semaphore_mem>>, %arg16: memref<!tpu.dma_semaphore, #tpu.memory_space<semaphore_mem>>) attributes {dimension_semantics = [#tpu.dimension_semantics<core_parallel>, #tpu.dimension_semantics<subcore_parallel>], iteration_bounds = array<i64: 2, 16>, scalar_prefetch = 0 : i64, scratch_operands = 12 : i64, tpu.core_type = #tpu.core_type<sc_vector_subcore>, window_params = [{transform_indices = #map}, {transform_indices = #map1}, {transform_indices = #map1}]} {
    %mul3A = arith.constant 2 : i32
    %mul3A_0 = arith.muli %arg1, %mul3A : i32
    %add3A = arith.addi %mul3A_0, %arg0 : i32
    %mul3A_1 = arith.constant 25600 : i32
    %mul3A_2 = arith.muli %add3A, %mul3A_1 : i32
    %mul3A_3 = arith.constant 512 : i32
    %mul3A_4 = arith.muli %add3A, %mul3A_3 : i32
    %add3A_5 = arith.constant 0 : i32
    %add3A_6 = arith.addi %mul3A_2, %add3A_5 : i32
    "tpu.region"() ({
      %run_scoped3A = tpu.sem_alloc : memref<!tpu.dma_semaphore, #tpu.memory_space<semaphore_mem>>
      %dma_start3A_117 = tpu.memref_slice %arg2[%add3A_6] : memref<819200xi32, #tpu.memory_space<hbm>> -> memref<400xi32, #tpu.memory_space<hbm>>
      %dma_start3A_118 = tpu.memref_slice %arg2[%add3A_6] : memref<819200xi32, #tpu.memory_space<hbm>> -> memref<400xi32, #tpu.memory_space<hbm>>
      tpu.enqueue_dma source(%dma_start3A_118 : memref<400xi32, #tpu.memory_space<hbm>>) target(%arg5 : memref<400xi32, #tpu.memory_space<vmem>>) target_semaphore(%run_scoped3A : memref<!tpu.dma_semaphore, #tpu.memory_space<semaphore_mem>>)
      %dma_wait3A_119 = tpu.memref_slice %arg2[%add3A_6] : memref<819200xi32, #tpu.memory_space<hbm>> -> memref<400xi32, #tpu.memory_space<hbm>>
      %dma_wait3A_120 = tpu.memref_slice %arg2[%add3A_6] : memref<819200xi32, #tpu.memory_space<hbm>> -> memref<400xi32, #tpu.memory_space<hbm>>
      tpu.wait_dma2 semaphore(%run_scoped3A : memref<!tpu.dma_semaphore, #tpu.memory_space<semaphore_mem>>) src(%dma_wait3A_120 : memref<400xi32, #tpu.memory_space<hbm>>) dst(%arg5 : memref<400xi32, #tpu.memory_space<vmem>>)
      tpu.yield
    }) : () -> ()
    %dma_start3A = arith.constant 0 : i32
    %dma_start3A_7 = arith.constant 0 : i32
    %dma_start3A_8 = tpu.memref_slice %arg7[%dma_start3A, %dma_start3A_7] : memref<400x128xf32, #tpu.memory_space<vmem>> -> memref<80x128xf32, #tpu.memory_space<vmem>>
    %dma_start3A_9 = arith.constant 0 : i32
    %dma_start3A_10 = tpu.memref_slice %arg5[%dma_start3A_9] : memref<400xi32, #tpu.memory_space<vmem>> -> memref<80xi32, #tpu.memory_space<vmem>>
    %dma_start3A_11 = arith.constant 0 : i32
    %dma_start3A_12 = arith.constant 0 : i32
    %dma_start3A_13 = tpu.memref_slice %arg3[%dma_start3A_11, %dma_start3A_12] : memref<100000x128xf32, #tpu.memory_space<hbm>> -> memref<100000x128xf32, #tpu.memory_space<hbm>>
    tpu.enqueue_indirect_dma source(%dma_start3A_13 : memref<100000x128xf32, #tpu.memory_space<hbm>>) target(%dma_start3A_8 : memref<80x128xf32, #tpu.memory_space<vmem>>) offsets(%dma_start3A_10 : memref<80xi32, #tpu.memory_space<vmem>>) semaphore(%arg11 : memref<!tpu.dma_semaphore, #tpu.memory_space<semaphore_mem>>)
    %dma_start3A_14 = arith.constant 80 : i32
    %dma_start3A_15 = arith.constant 0 : i32
    %dma_start3A_16 = tpu.memref_slice %arg7[%dma_start3A_14, %dma_start3A_15] : memref<400x128xf32, #tpu.memory_space<vmem>> -> memref<80x128xf32, #tpu.memory_space<vmem>>
    %dma_start3A_17 = arith.constant 80 : i32
    %dma_start3A_18 = tpu.memref_slice %arg5[%dma_start3A_17] : memref<400xi32, #tpu.memory_space<vmem>> -> memref<80xi32, #tpu.memory_space<vmem>>
    %dma_start3A_19 = arith.constant 0 : i32
    %dma_start3A_20 = arith.constant 0 : i32
    %dma_start3A_21 = tpu.memref_slice %arg3[%dma_start3A_19, %dma_start3A_20] : memref<100000x128xf32, #tpu.memory_space<hbm>> -> memref<100000x128xf32, #tpu.memory_space<hbm>>
    tpu.enqueue_indirect_dma source(%dma_start3A_21 : memref<100000x128xf32, #tpu.memory_space<hbm>>) target(%dma_start3A_16 : memref<80x128xf32, #tpu.memory_space<vmem>>) offsets(%dma_start3A_18 : memref<80xi32, #tpu.memory_space<vmem>>) semaphore(%arg11 : memref<!tpu.dma_semaphore, #tpu.memory_space<semaphore_mem>>)
    %dma_start3A_22 = arith.constant 160 : i32
    %dma_start3A_23 = arith.constant 0 : i32
    %dma_start3A_24 = tpu.memref_slice %arg7[%dma_start3A_22, %dma_start3A_23] : memref<400x128xf32, #tpu.memory_space<vmem>> -> memref<80x128xf32, #tpu.memory_space<vmem>>
    %dma_start3A_25 = arith.constant 160 : i32
    %dma_start3A_26 = tpu.memref_slice %arg5[%dma_start3A_25] : memref<400xi32, #tpu.memory_space<vmem>> -> memref<80xi32, #tpu.memory_space<vmem>>
    %dma_start3A_27 = arith.constant 0 : i32
    %dma_start3A_28 = arith.constant 0 : i32
    %dma_start3A_29 = tpu.memref_slice %arg3[%dma_start3A_27, %dma_start3A_28] : memref<100000x128xf32, #tpu.memory_space<hbm>> -> memref<100000x128xf32, #tpu.memory_space<hbm>>
    tpu.enqueue_indirect_dma source(%dma_start3A_29 : memref<100000x128xf32, #tpu.memory_space<hbm>>) target(%dma_start3A_24 : memref<80x128xf32, #tpu.memory_space<vmem>>) offsets(%dma_start3A_26 : memref<80xi32, #tpu.memory_space<vmem>>) semaphore(%arg11 : memref<!tpu.dma_semaphore, #tpu.memory_space<semaphore_mem>>)
    %dma_start3A_30 = arith.constant 240 : i32
    %dma_start3A_31 = arith.constant 0 : i32
    %dma_start3A_32 = tpu.memref_slice %arg7[%dma_start3A_30, %dma_start3A_31] : memref<400x128xf32, #tpu.memory_space<vmem>> -> memref<80x128xf32, #tpu.memory_space<vmem>>
    %dma_start3A_33 = arith.constant 240 : i32
    %dma_start3A_34 = tpu.memref_slice %arg5[%dma_start3A_33] : memref<400xi32, #tpu.memory_space<vmem>> -> memref<80xi32, #tpu.memory_space<vmem>>
    %dma_start3A_35 = arith.constant 0 : i32
    %dma_start3A_36 = arith.constant 0 : i32
    %dma_start3A_37 = tpu.memref_slice %arg3[%dma_start3A_35, %dma_start3A_36] : memref<100000x128xf32, #tpu.memory_space<hbm>> -> memref<100000x128xf32, #tpu.memory_space<hbm>>
    tpu.enqueue_indirect_dma source(%dma_start3A_37 : memref<100000x128xf32, #tpu.memory_space<hbm>>) target(%dma_start3A_32 : memref<80x128xf32, #tpu.memory_space<vmem>>) offsets(%dma_start3A_34 : memref<80xi32, #tpu.memory_space<vmem>>) semaphore(%arg11 : memref<!tpu.dma_semaphore, #tpu.memory_space<semaphore_mem>>)
    %dma_start3A_38 = arith.constant 320 : i32
    %dma_start3A_39 = arith.constant 0 : i32
    %dma_start3A_40 = tpu.memref_slice %arg7[%dma_start3A_38, %dma_start3A_39] : memref<400x128xf32, #tpu.memory_space<vmem>> -> memref<80x128xf32, #tpu.memory_space<vmem>>
    %dma_start3A_41 = arith.constant 320 : i32
    %dma_start3A_42 = tpu.memref_slice %arg5[%dma_start3A_41] : memref<400xi32, #tpu.memory_space<vmem>> -> memref<80xi32, #tpu.memory_space<vmem>>
    %dma_start3A_43 = arith.constant 0 : i32
    %dma_start3A_44 = arith.constant 0 : i32
    %dma_start3A_45 = tpu.memref_slice %arg3[%dma_start3A_43, %dma_start3A_44] : memref<100000x128xf32, #tpu.memory_space<hbm>> -> memref<100000x128xf32, #tpu.memory_space<hbm>>
    tpu.enqueue_indirect_dma source(%dma_start3A_45 : memref<100000x128xf32, #tpu.memory_space<hbm>>) target(%dma_start3A_40 : memref<80x128xf32, #tpu.memory_space<vmem>>) offsets(%dma_start3A_42 : memref<80xi32, #tpu.memory_space<vmem>>) semaphore(%arg11 : memref<!tpu.dma_semaphore, #tpu.memory_space<semaphore_mem>>)
    %add3A_46 = arith.constant 400 : i32
    %add3A_47 = arith.addi %mul3A_2, %add3A_46 : i32
    "tpu.region"() ({
      %run_scoped3A = tpu.sem_alloc : memref<!tpu.dma_semaphore, #tpu.memory_space<semaphore_mem>>
      %dma_start3A_117 = tpu.memref_slice %arg2[%add3A_47] : memref<819200xi32, #tpu.memory_space<hbm>> -> memref<400xi32, #tpu.memory_space<hbm>>
      %dma_start3A_118 = tpu.memref_slice %arg2[%add3A_47] : memref<819200xi32, #tpu.memory_space<hbm>> -> memref<400xi32, #tpu.memory_space<hbm>>
      tpu.enqueue_dma source(%dma_start3A_118 : memref<400xi32, #tpu.memory_space<hbm>>) target(%arg6 : memref<400xi32, #tpu.memory_space<vmem>>) target_semaphore(%run_scoped3A : memref<!tpu.dma_semaphore, #tpu.memory_space<semaphore_mem>>)
      %dma_wait3A_119 = tpu.memref_slice %arg2[%add3A_47] : memref<819200xi32, #tpu.memory_space<hbm>> -> memref<400xi32, #tpu.memory_space<hbm>>
      %dma_wait3A_120 = tpu.memref_slice %arg2[%add3A_47] : memref<819200xi32, #tpu.memory_space<hbm>> -> memref<400xi32, #tpu.memory_space<hbm>>
      tpu.wait_dma2 semaphore(%run_scoped3A : memref<!tpu.dma_semaphore, #tpu.memory_space<semaphore_mem>>) src(%dma_wait3A_120 : memref<400xi32, #tpu.memory_space<hbm>>) dst(%arg6 : memref<400xi32, #tpu.memory_space<vmem>>)
      tpu.yield
    }) : () -> ()
    %add3A_48 = arith.constant 0 : i32
    %add3A_49 = arith.addi %mul3A_4, %add3A_48 : i32
    %dma_start3A_50 = arith.constant 0 : i32
    %dma_start3A_51 = tpu.memref_slice %arg4[%add3A_49, %dma_start3A_50] : memref<16384x128xf32, #tpu.memory_space<hbm>> -> memref<8x128xf32, #tpu.memory_space<hbm>>
    %dma_start3A_52 = arith.constant 0 : i32
    %dma_start3A_53 = tpu.memref_slice %arg4[%add3A_49, %dma_start3A_52] : memref<16384x128xf32, #tpu.memory_space<hbm>> -> memref<8x128xf32, #tpu.memory_space<hbm>>
    tpu.enqueue_dma source(%arg9 : memref<8x128xf32, #tpu.memory_space<vmem>>) target(%dma_start3A_53 : memref<8x128xf32, #tpu.memory_space<hbm>>) target_semaphore(%arg15 : memref<!tpu.dma_semaphore, #tpu.memory_space<semaphore_mem>>)
    %add3A_54 = arith.constant 8 : i32
    %add3A_55 = arith.addi %mul3A_4, %add3A_54 : i32
    %dma_start3A_56 = arith.constant 0 : i32
    %dma_start3A_57 = tpu.memref_slice %arg4[%add3A_55, %dma_start3A_56] : memref<16384x128xf32, #tpu.memory_space<hbm>> -> memref<8x128xf32, #tpu.memory_space<hbm>>
    %dma_start3A_58 = arith.constant 0 : i32
    %dma_start3A_59 = tpu.memref_slice %arg4[%add3A_55, %dma_start3A_58] : memref<16384x128xf32, #tpu.memory_space<hbm>> -> memref<8x128xf32, #tpu.memory_space<hbm>>
    tpu.enqueue_dma source(%arg10 : memref<8x128xf32, #tpu.memory_space<vmem>>) target(%dma_start3A_59 : memref<8x128xf32, #tpu.memory_space<hbm>>) target_semaphore(%arg16 : memref<!tpu.dma_semaphore, #tpu.memory_space<semaphore_mem>>)
    %scan3A = arith.constant 0 : i32
    %scan3A_60 = arith.constant 0 : i32
    %scan3A_61 = arith.constant 32 : i32
    %scan3A_62 = arith.addi %scan3A_60, %scan3A_61 : i32
    %scan3A_63 = arith.constant 1 : i32
    %scan3A_64 = scf.for %scan3A_117 = %scan3A_60 to %scan3A_62 step %scan3A_63 iter_args(%scan3A_118 = %scan3A) -> (i32)  : i32 {
      %mul3A_119 = arith.constant 2 : i32
      %mul3A_120 = arith.muli %mul3A_119, %scan3A_117 : i32
      %dma_start3A_121 = arith.constant 0 : i32
      %dma_start3A_122 = arith.constant 0 : i32
      %dma_start3A_123 = tpu.memref_slice %arg8[%dma_start3A_121, %dma_start3A_122] : memref<400x128xf32, #tpu.memory_space<vmem>> -> memref<80x128xf32, #tpu.memory_space<vmem>>
      %dma_start3A_124 = arith.constant 0 : i32
      %dma_start3A_125 = tpu.memref_slice %arg6[%dma_start3A_124] : memref<400xi32, #tpu.memory_space<vmem>> -> memref<80xi32, #tpu.memory_space<vmem>>
      %dma_start3A_126 = arith.constant 0 : i32
      %dma_start3A_127 = arith.constant 0 : i32
      %dma_start3A_128 = tpu.memref_slice %arg3[%dma_start3A_126, %dma_start3A_127] : memref<100000x128xf32, #tpu.memory_space<hbm>> -> memref<100000x128xf32, #tpu.memory_space<hbm>>
      tpu.enqueue_indirect_dma source(%dma_start3A_128 : memref<100000x128xf32, #tpu.memory_space<hbm>>) target(%dma_start3A_123 : memref<80x128xf32, #tpu.memory_space<vmem>>) offsets(%dma_start3A_125 : memref<80xi32, #tpu.memory_space<vmem>>) semaphore(%arg12 : memref<!tpu.dma_semaphore, #tpu.memory_space<semaphore_mem>>)
      %dma_start3A_129 = arith.constant 80 : i32
      %dma_start3A_130 = arith.constant 0 : i32
      %dma_start3A_131 = tpu.memref_slice %arg8[%dma_start3A_129, %dma_start3A_130] : memref<400x128xf32, #tpu.memory_space<vmem>> -> memref<80x128xf32, #tpu.memory_space<vmem>>
      %dma_start3A_132 = arith.constant 80 : i32
      %dma_start3A_133 = tpu.memref_slice %arg6[%dma_start3A_132] : memref<400xi32, #tpu.memory_space<vmem>> -> memref<80xi32, #tpu.memory_space<vmem>>
      %dma_start3A_134 = arith.constant 0 : i32
      %dma_start3A_135 = arith.constant 0 : i32
      %dma_start3A_136 = tpu.memref_slice %arg3[%dma_start3A_134, %dma_start3A_135] : memref<100000x128xf32, #tpu.memory_space<hbm>> -> memref<100000x128xf32, #tpu.memory_space<hbm>>
      tpu.enqueue_indirect_dma source(%dma_start3A_136 : memref<100000x128xf32, #tpu.memory_space<hbm>>) target(%dma_start3A_131 : memref<80x128xf32, #tpu.memory_space<vmem>>) offsets(%dma_start3A_133 : memref<80xi32, #tpu.memory_space<vmem>>) semaphore(%arg12 : memref<!tpu.dma_semaphore, #tpu.memory_space<semaphore_mem>>)
      %dma_start3A_137 = arith.constant 160 : i32
      %dma_start3A_138 = arith.constant 0 : i32
      %dma_start3A_139 = tpu.memref_slice %arg8[%dma_start3A_137, %dma_start3A_138] : memref<400x128xf32, #tpu.memory_space<vmem>> -> memref<80x128xf32, #tpu.memory_space<vmem>>
      %dma_start3A_140 = arith.constant 160 : i32
      %dma_start3A_141 = tpu.memref_slice %arg6[%dma_start3A_140] : memref<400xi32, #tpu.memory_space<vmem>> -> memref<80xi32, #tpu.memory_space<vmem>>
      %dma_start3A_142 = arith.constant 0 : i32
      %dma_start3A_143 = arith.constant 0 : i32
      %dma_start3A_144 = tpu.memref_slice %arg3[%dma_start3A_142, %dma_start3A_143] : memref<100000x128xf32, #tpu.memory_space<hbm>> -> memref<100000x128xf32, #tpu.memory_space<hbm>>
      tpu.enqueue_indirect_dma source(%dma_start3A_144 : memref<100000x128xf32, #tpu.memory_space<hbm>>) target(%dma_start3A_139 : memref<80x128xf32, #tpu.memory_space<vmem>>) offsets(%dma_start3A_141 : memref<80xi32, #tpu.memory_space<vmem>>) semaphore(%arg12 : memref<!tpu.dma_semaphore, #tpu.memory_space<semaphore_mem>>)
      %dma_start3A_145 = arith.constant 240 : i32
      %dma_start3A_146 = arith.constant 0 : i32
      %dma_start3A_147 = tpu.memref_slice %arg8[%dma_start3A_145, %dma_start3A_146] : memref<400x128xf32, #tpu.memory_space<vmem>> -> memref<80x128xf32, #tpu.memory_space<vmem>>
      %dma_start3A_148 = arith.constant 240 : i32
      %dma_start3A_149 = tpu.memref_slice %arg6[%dma_start3A_148] : memref<400xi32, #tpu.memory_space<vmem>> -> memref<80xi32, #tpu.memory_space<vmem>>
      %dma_start3A_150 = arith.constant 0 : i32
      %dma_start3A_151 = arith.constant 0 : i32
      %dma_start3A_152 = tpu.memref_slice %arg3[%dma_start3A_150, %dma_start3A_151] : memref<100000x128xf32, #tpu.memory_space<hbm>> -> memref<100000x128xf32, #tpu.memory_space<hbm>>
      tpu.enqueue_indirect_dma source(%dma_start3A_152 : memref<100000x128xf32, #tpu.memory_space<hbm>>) target(%dma_start3A_147 : memref<80x128xf32, #tpu.memory_space<vmem>>) offsets(%dma_start3A_149 : memref<80xi32, #tpu.memory_space<vmem>>) semaphore(%arg12 : memref<!tpu.dma_semaphore, #tpu.memory_space<semaphore_mem>>)
      %dma_start3A_153 = arith.constant 320 : i32
      %dma_start3A_154 = arith.constant 0 : i32
      %dma_start3A_155 = tpu.memref_slice %arg8[%dma_start3A_153, %dma_start3A_154] : memref<400x128xf32, #tpu.memory_space<vmem>> -> memref<80x128xf32, #tpu.memory_space<vmem>>
      %dma_start3A_156 = arith.constant 320 : i32
      %dma_start3A_157 = tpu.memref_slice %arg6[%dma_start3A_156] : memref<400xi32, #tpu.memory_space<vmem>> -> memref<80xi32, #tpu.memory_space<vmem>>
      %dma_start3A_158 = arith.constant 0 : i32
      %dma_start3A_159 = arith.constant 0 : i32
      %dma_start3A_160 = tpu.memref_slice %arg3[%dma_start3A_158, %dma_start3A_159] : memref<100000x128xf32, #tpu.memory_space<hbm>> -> memref<100000x128xf32, #tpu.memory_space<hbm>>
      tpu.enqueue_indirect_dma source(%dma_start3A_160 : memref<100000x128xf32, #tpu.memory_space<hbm>>) target(%dma_start3A_155 : memref<80x128xf32, #tpu.memory_space<vmem>>) offsets(%dma_start3A_157 : memref<80xi32, #tpu.memory_space<vmem>>) semaphore(%arg12 : memref<!tpu.dma_semaphore, #tpu.memory_space<semaphore_mem>>)
      %dma_wait3A_161 = arith.constant 0 : i32
      %dma_wait3A_162 = arith.constant 0 : i32
      %dma_wait3A_163 = tpu.memref_slice %arg7[%dma_wait3A_161, %dma_wait3A_162] : memref<400x128xf32, #tpu.memory_space<vmem>> -> memref<80x128xf32, #tpu.memory_space<vmem>>
      %dma_wait3A_164 = arith.constant 0 : i32
      %dma_wait3A_165 = tpu.memref_slice %arg5[%dma_wait3A_164] : memref<400xi32, #tpu.memory_space<vmem>> -> memref<80xi32, #tpu.memory_space<vmem>>
      %dma_wait3A_166 = arith.constant 0 : i32
      %dma_wait3A_167 = arith.constant 0 : i32
      %dma_wait3A_168 = tpu.memref_slice %arg3[%dma_wait3A_166, %dma_wait3A_167] : memref<100000x128xf32, #tpu.memory_space<hbm>> -> memref<100000x128xf32, #tpu.memory_space<hbm>>
      tpu.wait_indirect_dma semaphore(%arg11 : memref<!tpu.dma_semaphore, #tpu.memory_space<semaphore_mem>>) src(%dma_wait3A_168 : memref<100000x128xf32, #tpu.memory_space<hbm>>) dst(%dma_wait3A_163 : memref<80x128xf32, #tpu.memory_space<vmem>>)
      %dma_wait3A_169 = arith.constant 80 : i32
      %dma_wait3A_170 = arith.constant 0 : i32
      %dma_wait3A_171 = tpu.memref_slice %arg7[%dma_wait3A_169, %dma_wait3A_170] : memref<400x128xf32, #tpu.memory_space<vmem>> -> memref<80x128xf32, #tpu.memory_space<vmem>>
      %dma_wait3A_172 = arith.constant 80 : i32
      %dma_wait3A_173 = tpu.memref_slice %arg5[%dma_wait3A_172] : memref<400xi32, #tpu.memory_space<vmem>> -> memref<80xi32, #tpu.memory_space<vmem>>
      %dma_wait3A_174 = arith.constant 0 : i32
      %dma_wait3A_175 = arith.constant 0 : i32
      %dma_wait3A_176 = tpu.memref_slice %arg3[%dma_wait3A_174, %dma_wait3A_175] : memref<100000x128xf32, #tpu.memory_space<hbm>> -> memref<100000x128xf32, #tpu.memory_space<hbm>>
      tpu.wait_indirect_dma semaphore(%arg11 : memref<!tpu.dma_semaphore, #tpu.memory_space<semaphore_mem>>) src(%dma_wait3A_176 : memref<100000x128xf32, #tpu.memory_space<hbm>>) dst(%dma_wait3A_171 : memref<80x128xf32, #tpu.memory_space<vmem>>)
      %dma_wait3A_177 = arith.constant 160 : i32
      %dma_wait3A_178 = arith.constant 0 : i32
      %dma_wait3A_179 = tpu.memref_slice %arg7[%dma_wait3A_177, %dma_wait3A_178] : memref<400x128xf32, #tpu.memory_space<vmem>> -> memref<80x128xf32, #tpu.memory_space<vmem>>
      %dma_wait3A_180 = arith.constant 160 : i32
      %dma_wait3A_181 = tpu.memref_slice %arg5[%dma_wait3A_180] : memref<400xi32, #tpu.memory_space<vmem>> -> memref<80xi32, #tpu.memory_space<vmem>>
      %dma_wait3A_182 = arith.constant 0 : i32
      %dma_wait3A_183 = arith.constant 0 : i32
      %dma_wait3A_184 = tpu.memref_slice %arg3[%dma_wait3A_182, %dma_wait3A_183] : memref<100000x128xf32, #tpu.memory_space<hbm>> -> memref<100000x128xf32, #tpu.memory_space<hbm>>
      tpu.wait_indirect_dma semaphore(%arg11 : memref<!tpu.dma_semaphore, #tpu.memory_space<semaphore_mem>>) src(%dma_wait3A_184 : memref<100000x128xf32, #tpu.memory_space<hbm>>) dst(%dma_wait3A_179 : memref<80x128xf32, #tpu.memory_space<vmem>>)
      %dma_wait3A_185 = arith.constant 240 : i32
      %dma_wait3A_186 = arith.constant 0 : i32
      %dma_wait3A_187 = tpu.memref_slice %arg7[%dma_wait3A_185, %dma_wait3A_186] : memref<400x128xf32, #tpu.memory_space<vmem>> -> memref<80x128xf32, #tpu.memory_space<vmem>>
      %dma_wait3A_188 = arith.constant 240 : i32
      %dma_wait3A_189 = tpu.memref_slice %arg5[%dma_wait3A_188] : memref<400xi32, #tpu.memory_space<vmem>> -> memref<80xi32, #tpu.memory_space<vmem>>
      %dma_wait3A_190 = arith.constant 0 : i32
      %dma_wait3A_191 = arith.constant 0 : i32
      %dma_wait3A_192 = tpu.memref_slice %arg3[%dma_wait3A_190, %dma_wait3A_191] : memref<100000x128xf32, #tpu.memory_space<hbm>> -> memref<100000x128xf32, #tpu.memory_space<hbm>>
      tpu.wait_indirect_dma semaphore(%arg11 : memref<!tpu.dma_semaphore, #tpu.memory_space<semaphore_mem>>) src(%dma_wait3A_192 : memref<100000x128xf32, #tpu.memory_space<hbm>>) dst(%dma_wait3A_187 : memref<80x128xf32, #tpu.memory_space<vmem>>)
      %dma_wait3A_193 = arith.constant 320 : i32
      %dma_wait3A_194 = arith.constant 0 : i32
      %dma_wait3A_195 = tpu.memref_slice %arg7[%dma_wait3A_193, %dma_wait3A_194] : memref<400x128xf32, #tpu.memory_space<vmem>> -> memref<80x128xf32, #tpu.memory_space<vmem>>
      %dma_wait3A_196 = arith.constant 320 : i32
      %dma_wait3A_197 = tpu.memref_slice %arg5[%dma_wait3A_196] : memref<400xi32, #tpu.memory_space<vmem>> -> memref<80xi32, #tpu.memory_space<vmem>>
      %dma_wait3A_198 = arith.constant 0 : i32
      %dma_wait3A_199 = arith.constant 0 : i32
      %dma_wait3A_200 = tpu.memref_slice %arg3[%dma_wait3A_198, %dma_wait3A_199] : memref<100000x128xf32, #tpu.memory_space<hbm>> -> memref<100000x128xf32, #tpu.memory_space<hbm>>
      tpu.wait_indirect_dma semaphore(%arg11 : memref<!tpu.dma_semaphore, #tpu.memory_space<semaphore_mem>>) src(%dma_wait3A_200 : memref<100000x128xf32, #tpu.memory_space<hbm>>) dst(%dma_wait3A_195 : memref<80x128xf32, #tpu.memory_space<vmem>>)
      %add3A_201 = arith.constant 2 : i32
      %add3A_202 = arith.addi %mul3A_120, %add3A_201 : i32
      %min3A = arith.constant 63 : i32
      %min3A_203 = arith.minsi %add3A_202, %min3A : i32
      %mul3A_204 = arith.constant 400 : i32
      %mul3A_205 = arith.muli %min3A_203, %mul3A_204 : i32
      %add3A_206 = arith.addi %mul3A_2, %mul3A_205 : i32
      %dma_start3A_207 = tpu.memref_slice %arg2[%add3A_206] : memref<819200xi32, #tpu.memory_space<hbm>> -> memref<400xi32, #tpu.memory_space<hbm>>
      %dma_start3A_208 = tpu.memref_slice %arg2[%add3A_206] : memref<819200xi32, #tpu.memory_space<hbm>> -> memref<400xi32, #tpu.memory_space<hbm>>
      tpu.enqueue_dma source(%dma_start3A_208 : memref<400xi32, #tpu.memory_space<hbm>>) target(%arg5 : memref<400xi32, #tpu.memory_space<vmem>>) target_semaphore(%arg13 : memref<!tpu.dma_semaphore, #tpu.memory_space<semaphore_mem>>)
      %sub3A = arith.constant 2 : i32
      %sub3A_209 = arith.subi %mul3A_120, %sub3A : i32
      %max3A = arith.constant 0 : i32
      %max3A_210 = arith.maxsi %sub3A_209, %max3A : i32
      %mul3A_211 = arith.constant 8 : i32
      %mul3A_212 = arith.muli %max3A_210, %mul3A_211 : i32
      %add3A_213 = arith.addi %mul3A_4, %mul3A_212 : i32
      %dma_wait3A_214 = arith.constant 0 : i32
      %dma_wait3A_215 = tpu.memref_slice %arg4[%add3A_213, %dma_wait3A_214] : memref<16384x128xf32, #tpu.memory_space<hbm>> -> memref<8x128xf32, #tpu.memory_space<hbm>>
      %dma_wait3A_216 = arith.constant 0 : i32
      %dma_wait3A_217 = tpu.memref_slice %arg4[%add3A_213, %dma_wait3A_216] : memref<16384x128xf32, #tpu.memory_space<hbm>> -> memref<8x128xf32, #tpu.memory_space<hbm>>
      tpu.wait_dma2 semaphore(%arg15 : memref<!tpu.dma_semaphore, #tpu.memory_space<semaphore_mem>>) src(%arg9 : memref<8x128xf32, #tpu.memory_space<vmem>>) dst(%dma_wait3A_217 : memref<8x128xf32, #tpu.memory_space<hbm>>)
      %broadcast_in_dim3A = arith.constant 0.000000e+00 : f32
      %broadcast_in_dim3A_218 = vector.broadcast %broadcast_in_dim3A : f32 to vector<16xf32>
      %broadcast_in_dim3A_219 = arith.constant 0.000000e+00 : f32
      %broadcast_in_dim3A_220 = vector.broadcast %broadcast_in_dim3A_219 : f32 to vector<16xf32>
      %broadcast_in_dim3A_221 = arith.constant 0.000000e+00 : f32
      %broadcast_in_dim3A_222 = vector.broadcast %broadcast_in_dim3A_221 : f32 to vector<16xf32>
      %broadcast_in_dim3A_223 = arith.constant 0.000000e+00 : f32
      %broadcast_in_dim3A_224 = vector.broadcast %broadcast_in_dim3A_223 : f32 to vector<16xf32>
      %broadcast_in_dim3A_225 = arith.constant 0.000000e+00 : f32
      %broadcast_in_dim3A_226 = vector.broadcast %broadcast_in_dim3A_225 : f32 to vector<16xf32>
      %broadcast_in_dim3A_227 = arith.constant 0.000000e+00 : f32
      %broadcast_in_dim3A_228 = vector.broadcast %broadcast_in_dim3A_227 : f32 to vector<16xf32>
      %broadcast_in_dim3A_229 = arith.constant 0.000000e+00 : f32
      %broadcast_in_dim3A_230 = vector.broadcast %broadcast_in_dim3A_229 : f32 to vector<16xf32>
      %broadcast_in_dim3A_231 = arith.constant 0.000000e+00 : f32
      %broadcast_in_dim3A_232 = vector.broadcast %broadcast_in_dim3A_231 : f32 to vector<16xf32>
      %scan3A_233 = arith.constant 0 : i32
      %scan3A_234 = arith.constant 50 : i32
      %scan3A_235 = arith.addi %scan3A_233, %scan3A_234 : i32
      %scan3A_236 = arith.constant 1 : i32
      %scan3A_237:8 = scf.for %scan3A_1847 = %scan3A_233 to %scan3A_235 step %scan3A_236 iter_args(%scan3A_1848 = %broadcast_in_dim3A_218, %scan3A_1849 = %broadcast_in_dim3A_220, %scan3A_1850 = %broadcast_in_dim3A_222, %scan3A_1851 = %broadcast_in_dim3A_224, %scan3A_1852 = %broadcast_in_dim3A_226, %scan3A_1853 = %broadcast_in_dim3A_228, %scan3A_1854 = %broadcast_in_dim3A_230, %scan3A_1855 = %broadcast_in_dim3A_232) -> (vector<16xf32>, vector<16xf32>, vector<16xf32>, vector<16xf32>, vector<16xf32>, vector<16xf32>, vector<16xf32>, vector<16xf32>)  : i32 {
        %add3A_1856 = arith.constant 0 : i32
        %add3A_1857 = arith.addi %add3A_1856, %scan3A_1847 : i32
        %get3A = arith.index_cast %add3A_1857 : i32 to index
        %get3A_1858 = arith.constant 0 : index
        %get3A_1859 = tpu.vector_load %arg7[%get3A, %get3A_1858] {strides = array<i32>} : memref<400x128xf32, #tpu.memory_space<vmem>>, vector<1x16xf32>,
        %get3A_1860 = vector.shape_cast %get3A_1859 : vector<1x16xf32> to vector<16xf32>
        %add3A_1861 = arith.addf %scan3A_1848, %get3A_1860 : vector<16xf32>
        %get3A_1862 = arith.index_cast %add3A_1857 : i32 to index
        %get3A_1863 = arith.constant 16 : index
        %get3A_1864 = tpu.vector_load %arg7[%get3A_1862, %get3A_1863] {strides = array<i32>} : memref<400x128xf32, #tpu.memory_space<vmem>>, vector<1x16xf32>,
        %get3A_1865 = vector.shape_cast %get3A_1864 : vector<1x16xf32> to vector<16xf32>
        %add3A_1866 = arith.addf %scan3A_1849, %get3A_1865 : vector<16xf32>
        %get3A_1867 = arith.index_cast %add3A_1857 : i32 to index
        %get3A_1868 = arith.constant 32 : index
        %get3A_1869 = tpu.vector_load %arg7[%get3A_1867, %get3A_1868] {strides = array<i32>} : memref<400x128xf32, #tpu.memory_space<vmem>>, vector<1x16xf32>,
        %get3A_1870 = vector.shape_cast %get3A_1869 : vector<1x16xf32> to vector<16xf32>
        %add3A_1871 = arith.addf %scan3A_1850, %get3A_1870 : vector<16xf32>
        %get3A_1872 = arith.index_cast %add3A_1857 : i32 to index
        %get3A_1873 = arith.constant 48 : index
        %get3A_1874 = tpu.vector_load %arg7[%get3A_1872, %get3A_1873] {strides = array<i32>} : memref<400x128xf32, #tpu.memory_space<vmem>>, vector<1x16xf32>,
        %get3A_1875 = vector.shape_cast %get3A_1874 : vector<1x16xf32> to vector<16xf32>
        %add3A_1876 = arith.addf %scan3A_1851, %get3A_1875 : vector<16xf32>
        %get3A_1877 = arith.index_cast %add3A_1857 : i32 to index
        %get3A_1878 = arith.constant 64 : index
        %get3A_1879 = tpu.vector_load %arg7[%get3A_1877, %get3A_1878] {strides = array<i32>} : memref<400x128xf32, #tpu.memory_space<vmem>>, vector<1x16xf32>,
        %get3A_1880 = vector.shape_cast %get3A_1879 : vector<1x16xf32> to vector<16xf32>
        %add3A_1881 = arith.addf %scan3A_1852, %get3A_1880 : vector<16xf32>
        %get3A_1882 = arith.index_cast %add3A_1857 : i32 to index
        %get3A_1883 = arith.constant 80 : index
        %get3A_1884 = tpu.vector_load %arg7[%get3A_1882, %get3A_1883] {strides = array<i32>} : memref<400x128xf32, #tpu.memory_space<vmem>>, vector<1x16xf32>,
        %get3A_1885 = vector.shape_cast %get3A_1884 : vector<1x16xf32> to vector<16xf32>
        %add3A_1886 = arith.addf %scan3A_1853, %get3A_1885 : vector<16xf32>
        %get3A_1887 = arith.index_cast %add3A_1857 : i32 to index
        %get3A_1888 = arith.constant 96 : index
        %get3A_1889 = tpu.vector_load %arg7[%get3A_1887, %get3A_1888] {strides = array<i32>} : memref<400x128xf32, #tpu.memory_space<vmem>>, vector<1x16xf32>,
        %get3A_1890 = vector.shape_cast %get3A_1889 : vector<1x16xf32> to vector<16xf32>
        %add3A_1891 = arith.addf %scan3A_1854, %get3A_1890 : vector<16xf32>
        %get3A_1892 = arith.index_cast %add3A_1857 : i32 to index
        %get3A_1893 = arith.constant 112 : index
        %get3A_1894 = tpu.vector_load %arg7[%get3A_1892, %get3A_1893] {strides = array<i32>} : memref<400x128xf32, #tpu.memory_space<vmem>>, vector<1x16xf32>,
        %get3A_1895 = vector.shape_cast %get3A_1894 : vector<1x16xf32> to vector<16xf32>
        %add3A_1896 = arith.addf %scan3A_1855, %get3A_1895 : vector<16xf32>
        scf.yield %add3A_1861, %add3A_1866, %add3A_1871, %add3A_1876, %add3A_1881, %add3A_1886, %add3A_1891, %add3A_1896 : vector<16xf32>, vector<16xf32>, vector<16xf32>, vector<16xf32>, vector<16xf32>, vector<16xf32>, vector<16xf32>, vector<16xf32>
      }
      %scan3A_238 = arith.constant 50 : i32
      %mul3A_239 = arith.constant 2.000000e-02 : f32
      %mul3A_240 = vector.broadcast %mul3A_239 : f32 to vector<16xf32>
      %mul3A_241 = arith.mulf %scan3A_237#0, %mul3A_240 : vector<16xf32>
      %swap3A = arith.constant 0 : i32
      %swap3A_242 = arith.index_cast %swap3A : i32 to index
      %swap3A_243 = arith.constant 0 : index
      %swap3A_244 = tpu.vector_load %arg9[%swap3A_242, %swap3A_243] {strides = array<i32>} : memref<8x128xf32, #tpu.memory_space<vmem>>, vector<1x16xf32>,
      %swap3A_245 = vector.shape_cast %swap3A_244 : vector<1x16xf32> to vector<16xf32>
      %swap3A_246 = vector.shape_cast %mul3A_241 : vector<16xf32> to vector<1x16xf32>
      tpu.vector_store %arg9[%swap3A_242, %swap3A_243], %swap3A_246 {strides = array<i32>} : memref<8x128xf32, #tpu.memory_space<vmem>>, vector<1x16xf32>,
      %mul3A_247 = arith.constant 2.000000e-02 : f32
      %mul3A_248 = vector.broadcast %mul3A_247 : f32 to vector<16xf32>
      %mul3A_249 = arith.mulf %scan3A_237#1, %mul3A_248 : vector<16xf32>
      %swap3A_250 = arith.constant 0 : i32
      %swap3A_251 = arith.index_cast %swap3A_250 : i32 to index
      %swap3A_252 = arith.constant 16 : index
      %swap3A_253 = tpu.vector_load %arg9[%swap3A_251, %swap3A_252] {strides = array<i32>} : memref<8x128xf32, #tpu.memory_space<vmem>>, vector<1x16xf32>,
      %swap3A_254 = vector.shape_cast %swap3A_253 : vector<1x16xf32> to vector<16xf32>
      %swap3A_255 = vector.shape_cast %mul3A_249 : vector<16xf32> to vector<1x16xf32>
      tpu.vector_store %arg9[%swap3A_251, %swap3A_252], %swap3A_255 {strides = array<i32>} : memref<8x128xf32, #tpu.memory_space<vmem>>, vector<1x16xf32>,
      %mul3A_256 = arith.constant 2.000000e-02 : f32
      %mul3A_257 = vector.broadcast %mul3A_256 : f32 to vector<16xf32>
      %mul3A_258 = arith.mulf %scan3A_237#2, %mul3A_257 : vector<16xf32>
      %swap3A_259 = arith.constant 0 : i32
      %swap3A_260 = arith.index_cast %swap3A_259 : i32 to index
      %swap3A_261 = arith.constant 32 : index
      %swap3A_262 = tpu.vector_load %arg9[%swap3A_260, %swap3A_261] {strides = array<i32>} : memref<8x128xf32, #tpu.memory_space<vmem>>, vector<1x16xf32>,
      %swap3A_263 = vector.shape_cast %swap3A_262 : vector<1x16xf32> to vector<16xf32>
      %swap3A_264 = vector.shape_cast %mul3A_258 : vector<16xf32> to vector<1x16xf32>
      tpu.vector_store %arg9[%swap3A_260, %swap3A_261], %swap3A_264 {strides = array<i32>} : memref<8x128xf32, #tpu.memory_space<vmem>>, vector<1x16xf32>,
      %mul3A_265 = arith.constant 2.000000e-02 : f32
      %mul3A_266 = vector.broadcast %mul3A_265 : f32 to vector<16xf32>
      %mul3A_267 = arith.mulf %scan3A_237#3, %mul3A_266 : vector<16xf32>
      %swap3A_268 = arith.constant 0 : i32
      %swap3A_269 = arith.index_cast %swap3A_268 : i32 to index
      %swap3A_270 = arith.constant 48 : index
      %swap3A_271 = tpu.vector_load %arg9[%swap3A_269, %swap3A_270] {strides = array<i32>} : memref<8x128xf32, #tpu.memory_space<vmem>>, vector<1x16xf32>,
      %swap3A_272 = vector.shape_cast %swap3A_271 : vector<1x16xf32> to vector<16xf32>
      %swap3A_273 = vector.shape_cast %mul3A_267 : vector<16xf32> to vector<1x16xf32>
      tpu.vector_store %arg9[%swap3A_269, %swap3A_270], %swap3A_273 {strides = array<i32>} : memref<8x128xf32, #tpu.memory_space<vmem>>, vector<1x16xf32>,
      %mul3A_274 = arith.constant 2.000000e-02 : f32
      %mul3A_275 = vector.broadcast %mul3A_274 : f32 to vector<16xf32>
      %mul3A_276 = arith.mulf %scan3A_237#4, %mul3A_275 : vector<16xf32>
      %swap3A_277 = arith.constant 0 : i32
      %swap3A_278 = arith.index_cast %swap3A_277 : i32 to index
      %swap3A_279 = arith.constant 64 : index
      %swap3A_280 = tpu.vector_load %arg9[%swap3A_278, %swap3A_279] {strides = array<i32>} : memref<8x128xf32, #tpu.memory_space<vmem>>, vector<1x16xf32>,
      %swap3A_281 = vector.shape_cast %swap3A_280 : vector<1x16xf32> to vector<16xf32>
      %swap3A_282 = vector.shape_cast %mul3A_276 : vector<16xf32> to vector<1x16xf32>
      tpu.vector_store %arg9[%swap3A_278, %swap3A_279], %swap3A_282 {strides = array<i32>} : memref<8x128xf32, #tpu.memory_space<vmem>>, vector<1x16xf32>,
      %mul3A_283 = arith.constant 2.000000e-02 : f32
      %mul3A_284 = vector.broadcast %mul3A_283 : f32 to vector<16xf32>
      %mul3A_285 = arith.mulf %scan3A_237#5, %mul3A_284 : vector<16xf32>
      %swap3A_286 = arith.constant 0 : i32
      %swap3A_287 = arith.index_cast %swap3A_286 : i32 to index
      %swap3A_288 = arith.constant 80 : index
      %swap3A_289 = tpu.vector_load %arg9[%swap3A_287, %swap3A_288] {strides = array<i32>} : memref<8x128xf32, #tpu.memory_space<vmem>>, vector<1x16xf32>,
      %swap3A_290 = vector.shape_cast %swap3A_289 : vector<1x16xf32> to vector<16xf32>
      %swap3A_291 = vector.shape_cast %mul3A_285 : vector<16xf32> to vector<1x16xf32>
      tpu.vector_store %arg9[%swap3A_287, %swap3A_288], %swap3A_291 {strides = array<i32>} : memref<8x128xf32, #tpu.memory_space<vmem>>, vector<1x16xf32>,
      %mul3A_292 = arith.constant 2.000000e-02 : f32
      %mul3A_293 = vector.broadcast %mul3A_292 : f32 to vector<16xf32>
      %mul3A_294 = arith.mulf %scan3A_237#6, %mul3A_293 : vector<16xf32>
      %swap3A_295 = arith.constant 0 : i32
      %swap3A_296 = arith.index_cast %swap3A_295 : i32 to index
      %swap3A_297 = arith.constant 96 : index
      %swap3A_298 = tpu.vector_load %arg9[%swap3A_296, %swap3A_297] {strides = array<i32>} : memref<8x128xf32, #tpu.memory_space<vmem>>, vector<1x16xf32>,
      %swap3A_299 = vector.shape_cast %swap3A_298 : vector<1x16xf32> to vector<16xf32>
      %swap3A_300 = vector.shape_cast %mul3A_294 : vector<16xf32> to vector<1x16xf32>
      tpu.vector_store %arg9[%swap3A_296, %swap3A_297], %swap3A_300 {strides = array<i32>} : memref<8x128xf32, #tpu.memory_space<vmem>>, vector<1x16xf32>,
      %mul3A_301 = arith.constant 2.000000e-02 : f32
      %mul3A_302 = vector.broadcast %mul3A_301 : f32 to vector<16xf32>
      %mul3A_303 = arith.mulf %scan3A_237#7, %mul3A_302 : vector<16xf32>
      %swap3A_304 = arith.constant 0 : i32
      %swap3A_305 = arith.index_cast %swap3A_304 : i32 to index
      %swap3A_306 = arith.constant 112 : index
      %swap3A_307 = tpu.vector_load %arg9[%swap3A_305, %swap3A_306] {strides = array<i32>} : memref<8x128xf32, #tpu.memory_space<vmem>>, vector<1x16xf32>,
      %swap3A_308 = vector.shape_cast %swap3A_307 : vector<1x16xf32> to vector<16xf32>
      %swap3A_309 = vector.shape_cast %mul3A_303 : vector<16xf32> to vector<1x16xf32>
      tpu.vector_store %arg9[%swap3A_305, %swap3A_306], %swap3A_309 {strides = array<i32>} : memref<8x128xf32, #tpu.memory_space<vmem>>, vector<1x16xf32>,
      %broadcast_in_dim3A_310 = arith.constant 0.000000e+00 : f32
      %broadcast_in_dim3A_311 = vector.broadcast %broadcast_in_dim3A_310 : f32 to vector<16xf32>
      %broadcast_in_dim3A_312 = arith.constant 0.000000e+00 : f32
      %broadcast_in_dim3A_313 = vector.broadcast %broadcast_in_dim3A_312 : f32 to vector<16xf32>
      %broadcast_in_dim3A_314 = arith.constant 0.000000e+00 : f32
      %broadcast_in_dim3A_315 = vector.broadcast %broadcast_in_dim3A_314 : f32 to vector<16xf32>
      %broadcast_in_dim3A_316 = arith.constant 0.000000e+00 : f32
      %broadcast_in_dim3A_317 = vector.broadcast %broadcast_in_dim3A_316 : f32 to vector<16xf32>
      %broadcast_in_dim3A_318 = arith.constant 0.000000e+00 : f32
      %broadcast_in_dim3A_319 = vector.broadcast %broadcast_in_dim3A_318 : f32 to vector<16xf32>
      %broadcast_in_dim3A_320 = arith.constant 0.000000e+00 : f32
      %broadcast_in_dim3A_321 = vector.broadcast %broadcast_in_dim3A_320 : f32 to vector<16xf32>
      %broadcast_in_dim3A_322 = arith.constant 0.000000e+00 : f32
      %broadcast_in_dim3A_323 = vector.broadcast %broadcast_in_dim3A_322 : f32 to vector<16xf32>
      %broadcast_in_dim3A_324 = arith.constant 0.000000e+00 : f32
      %broadcast_in_dim3A_325 = vector.broadcast %broadcast_in_dim3A_324 : f32 to vector<16xf32>
      %scan3A_326 = arith.constant 0 : i32
      %scan3A_327 = arith.constant 50 : i32
      %scan3A_328 = arith.addi %scan3A_326, %scan3A_327 : i32
      %scan3A_329 = arith.constant 1 : i32
      %scan3A_330:8 = scf.for %scan3A_1847 = %scan3A_326 to %scan3A_328 step %scan3A_329 iter_args(%scan3A_1848 = %broadcast_in_dim3A_311, %scan3A_1849 = %broadcast_in_dim3A_313, %scan3A_1850 = %broadcast_in_dim3A_315, %scan3A_1851 = %broadcast_in_dim3A_317, %scan3A_1852 = %broadcast_in_dim3A_319, %scan3A_1853 = %broadcast_in_dim3A_321, %scan3A_1854 = %broadcast_in_dim3A_323, %scan3A_1855 = %broadcast_in_dim3A_325) -> (vector<16xf32>, vector<16xf32>, vector<16xf32>, vector<16xf32>, vector<16xf32>, vector<16xf32>, vector<16xf32>, vector<16xf32>)  : i32 {
        %add3A_1856 = arith.constant 50 : i32
        %add3A_1857 = arith.addi %add3A_1856, %scan3A_1847 : i32
        %get3A = arith.index_cast %add3A_1857 : i32 to index
        %get3A_1858 = arith.constant 0 : index
        %get3A_1859 = tpu.vector_load %arg7[%get3A, %get3A_1858] {strides = array<i32>} : memref<400x128xf32, #tpu.memory_space<vmem>>, vector<1x16xf32>,
        %get3A_1860 = vector.shape_cast %get3A_1859 : vector<1x16xf32> to vector<16xf32>
        %add3A_1861 = arith.addf %scan3A_1848, %get3A_1860 : vector<16xf32>
        %get3A_1862 = arith.index_cast %add3A_1857 : i32 to index
        %get3A_1863 = arith.constant 16 : index
        %get3A_1864 = tpu.vector_load %arg7[%get3A_1862, %get3A_1863] {strides = array<i32>} : memref<400x128xf32, #tpu.memory_space<vmem>>, vector<1x16xf32>,
        %get3A_1865 = vector.shape_cast %get3A_1864 : vector<1x16xf32> to vector<16xf32>
        %add3A_1866 = arith.addf %scan3A_1849, %get3A_1865 : vector<16xf32>
        %get3A_1867 = arith.index_cast %add3A_1857 : i32 to index
        %get3A_1868 = arith.constant 32 : index
        %get3A_1869 = tpu.vector_load %arg7[%get3A_1867, %get3A_1868] {strides = array<i32>} : memref<400x128xf32, #tpu.memory_space<vmem>>, vector<1x16xf32>,
        %get3A_1870 = vector.shape_cast %get3A_1869 : vector<1x16xf32> to vector<16xf32>
        %add3A_1871 = arith.addf %scan3A_1850, %get3A_1870 : vector<16xf32>
        %get3A_1872 = arith.index_cast %add3A_1857 : i32 to index
        %get3A_1873 = arith.constant 48 : index
        %get3A_1874 = tpu.vector_load %arg7[%get3A_1872, %get3A_1873] {strides = array<i32>} : memref<400x128xf32, #tpu.memory_space<vmem>>, vector<1x16xf32>,
        %get3A_1875 = vector.shape_cast %get3A_1874 : vector<1x16xf32> to vector<16xf32>
        %add3A_1876 = arith.addf %scan3A_1851, %get3A_1875 : vector<16xf32>
        %get3A_1877 = arith.index_cast %add3A_1857 : i32 to index
        %get3A_1878 = arith.constant 64 : index
        %get3A_1879 = tpu.vector_load %arg7[%get3A_1877, %get3A_1878] {strides = array<i32>} : memref<400x128xf32, #tpu.memory_space<vmem>>, vector<1x16xf32>,
        %get3A_1880 = vector.shape_cast %get3A_1879 : vector<1x16xf32> to vector<16xf32>
        %add3A_1881 = arith.addf %scan3A_1852, %get3A_1880 : vector<16xf32>
        %get3A_1882 = arith.index_cast %add3A_1857 : i32 to index
        %get3A_1883 = arith.constant 80 : index
        %get3A_1884 = tpu.vector_load %arg7[%get3A_1882, %get3A_1883] {strides = array<i32>} : memref<400x128xf32, #tpu.memory_space<vmem>>, vector<1x16xf32>,
        %get3A_1885 = vector.shape_cast %get3A_1884 : vector<1x16xf32> to vector<16xf32>
        %add3A_1886 = arith.addf %scan3A_1853, %get3A_1885 : vector<16xf32>
        %get3A_1887 = arith.index_cast %add3A_1857 : i32 to index
        %get3A_1888 = arith.constant 96 : index
        %get3A_1889 = tpu.vector_load %arg7[%get3A_1887, %get3A_1888] {strides = array<i32>} : memref<400x128xf32, #tpu.memory_space<vmem>>, vector<1x16xf32>,
        %get3A_1890 = vector.shape_cast %get3A_1889 : vector<1x16xf32> to vector<16xf32>
        %add3A_1891 = arith.addf %scan3A_1854, %get3A_1890 : vector<16xf32>
        %get3A_1892 = arith.index_cast %add3A_1857 : i32 to index
        %get3A_1893 = arith.constant 112 : index
        %get3A_1894 = tpu.vector_load %arg7[%get3A_1892, %get3A_1893] {strides = array<i32>} : memref<400x128xf32, #tpu.memory_space<vmem>>, vector<1x16xf32>,
        %get3A_1895 = vector.shape_cast %get3A_1894 : vector<1x16xf32> to vector<16xf32>
        %add3A_1896 = arith.addf %scan3A_1855, %get3A_1895 : vector<16xf32>
        scf.yield %add3A_1861, %add3A_1866, %add3A_1871, %add3A_1876, %add3A_1881, %add3A_1886, %add3A_1891, %add3A_1896 : vector<16xf32>, vector<16xf32>, vector<16xf32>, vector<16xf32>, vector<16xf32>, vector<16xf32>, vector<16xf32>, vector<16xf32>
      }
      %scan3A_331 = arith.constant 50 : i32
      %mul3A_332 = arith.constant 2.000000e-02 : f32
      %mul3A_333 = vector.broadcast %mul3A_332 : f32 to vector<16xf32>
      %mul3A_334 = arith.mulf %scan3A_330#0, %mul3A_333 : vector<16xf32>
      %swap3A_335 = arith.constant 1 : i32
      %swap3A_336 = arith.index_cast %swap3A_335 : i32 to index
      %swap3A_337 = arith.constant 0 : index
      %swap3A_338 = tpu.vector_load %arg9[%swap3A_336, %swap3A_337] {strides = array<i32>} : memref<8x128xf32, #tpu.memory_space<vmem>>, vector<1x16xf32>,
      %swap3A_339 = vector.shape_cast %swap3A_338 : vector<1x16xf32> to vector<16xf32>
      %swap3A_340 = vector.shape_cast %mul3A_334 : vector<16xf32> to vector<1x16xf32>
      tpu.vector_store %arg9[%swap3A_336, %swap3A_337], %swap3A_340 {strides = array<i32>} : memref<8x128xf32, #tpu.memory_space<vmem>>, vector<1x16xf32>,
      %mul3A_341 = arith.constant 2.000000e-02 : f32
      %mul3A_342 = vector.broadcast %mul3A_341 : f32 to vector<16xf32>
      %mul3A_343 = arith.mulf %scan3A_330#1, %mul3A_342 : vector<16xf32>
      %swap3A_344 = arith.constant 1 : i32
      %swap3A_345 = arith.index_cast %swap3A_344 : i32 to index
      %swap3A_346 = arith.constant 16 : index
      %swap3A_347 = tpu.vector_load %arg9[%swap3A_345, %swap3A_346] {strides = array<i32>} : memref<8x128xf32, #tpu.memory_space<vmem>>, vector<1x16xf32>,
      %swap3A_348 = vector.shape_cast %swap3A_347 : vector<1x16xf32> to vector<16xf32>
      %swap3A_349 = vector.shape_cast %mul3A_343 : vector<16xf32> to vector<1x16xf32>
      tpu.vector_store %arg9[%swap3A_345, %swap3A_346], %swap3A_349 {strides = array<i32>} : memref<8x128xf32, #tpu.memory_space<vmem>>, vector<1x16xf32>,
      %mul3A_350 = arith.constant 2.000000e-02 : f32
      %mul3A_351 = vector.broadcast %mul3A_350 : f32 to vector<16xf32>
      %mul3A_352 = arith.mulf %scan3A_330#2, %mul3A_351 : vector<16xf32>
      %swap3A_353 = arith.constant 1 : i32
      %swap3A_354 = arith.index_cast %swap3A_353 : i32 to index
      %swap3A_355 = arith.constant 32 : index
      %swap3A_356 = tpu.vector_load %arg9[%swap3A_354, %swap3A_355] {strides = array<i32>} : memref<8x128xf32, #tpu.memory_space<vmem>>, vector<1x16xf32>,
      %swap3A_357 = vector.shape_cast %swap3A_356 : vector<1x16xf32> to vector<16xf32>
      %swap3A_358 = vector.shape_cast %mul3A_352 : vector<16xf32> to vector<1x16xf32>
      tpu.vector_store %arg9[%swap3A_354, %swap3A_355], %swap3A_358 {strides = array<i32>} : memref<8x128xf32, #tpu.memory_space<vmem>>, vector<1x16xf32>,
      %mul3A_359 = arith.constant 2.000000e-02 : f32
      %mul3A_360 = vector.broadcast %mul3A_359 : f32 to vector<16xf32>
      %mul3A_361 = arith.mulf %scan3A_330#3, %mul3A_360 : vector<16xf32>
      %swap3A_362 = arith.constant 1 : i32
      %swap3A_363 = arith.index_cast %swap3A_362 : i32 to index
      %swap3A_364 = arith.constant 48 : index
      %swap3A_365 = tpu.vector_load %arg9[%swap3A_363, %swap3A_364] {strides = array<i32>} : memref<8x128xf32, #tpu.memory_space<vmem>>, vector<1x16xf32>,
      %swap3A_366 = vector.shape_cast %swap3A_365 : vector<1x16xf32> to vector<16xf32>
      %swap3A_367 = vector.shape_cast %mul3A_361 : vector<16xf32> to vector<1x16xf32>
      tpu.vector_store %arg9[%swap3A_363, %swap3A_364], %swap3A_367 {strides = array<i32>} : memref<8x128xf32, #tpu.memory_space<vmem>>, vector<1x16xf32>,
      %mul3A_368 = arith.constant 2.000000e-02 : f32
      %mul3A_369 = vector.broadcast %mul3A_368 : f32 to vector<16xf32>
      %mul3A_370 = arith.mulf %scan3A_330#4, %mul3A_369 : vector<16xf32>
      %swap3A_371 = arith.constant 1 : i32
      %swap3A_372 = arith.index_cast %swap3A_371 : i32 to index
      %swap3A_373 = arith.constant 64 : index
      %swap3A_374 = tpu.vector_load %arg9[%swap3A_372, %swap3A_373] {strides = array<i32>} : memref<8x128xf32, #tpu.memory_space<vmem>>, vector<1x16xf32>,
      %swap3A_375 = vector.shape_cast %swap3A_374 : vector<1x16xf32> to vector<16xf32>
      %swap3A_376 = vector.shape_cast %mul3A_370 : vector<16xf32> to vector<1x16xf32>
      tpu.vector_store %arg9[%swap3A_372, %swap3A_373], %swap3A_376 {strides = array<i32>} : memref<8x128xf32, #tpu.memory_space<vmem>>, vector<1x16xf32>,
      %mul3A_377 = arith.constant 2.000000e-02 : f32
      %mul3A_378 = vector.broadcast %mul3A_377 : f32 to vector<16xf32>
      %mul3A_379 = arith.mulf %scan3A_330#5, %mul3A_378 : vector<16xf32>
      %swap3A_380 = arith.constant 1 : i32
      %swap3A_381 = arith.index_cast %swap3A_380 : i32 to index
      %swap3A_382 = arith.constant 80 : index
      %swap3A_383 = tpu.vector_load %arg9[%swap3A_381, %swap3A_382] {strides = array<i32>} : memref<8x128xf32, #tpu.memory_space<vmem>>, vector<1x16xf32>,
      %swap3A_384 = vector.shape_cast %swap3A_383 : vector<1x16xf32> to vector<16xf32>
      %swap3A_385 = vector.shape_cast %mul3A_379 : vector<16xf32> to vector<1x16xf32>
      tpu.vector_store %arg9[%swap3A_381, %swap3A_382], %swap3A_385 {strides = array<i32>} : memref<8x128xf32, #tpu.memory_space<vmem>>, vector<1x16xf32>,
      %mul3A_386 = arith.constant 2.000000e-02 : f32
      %mul3A_387 = vector.broadcast %mul3A_386 : f32 to vector<16xf32>
      %mul3A_388 = arith.mulf %scan3A_330#6, %mul3A_387 : vector<16xf32>
      %swap3A_389 = arith.constant 1 : i32
      %swap3A_390 = arith.index_cast %swap3A_389 : i32 to index
      %swap3A_391 = arith.constant 96 : index
      %swap3A_392 = tpu.vector_load %arg9[%swap3A_390, %swap3A_391] {strides = array<i32>} : memref<8x128xf32, #tpu.memory_space<vmem>>, vector<1x16xf32>,
      %swap3A_393 = vector.shape_cast %swap3A_392 : vector<1x16xf32> to vector<16xf32>
      %swap3A_394 = vector.shape_cast %mul3A_388 : vector<16xf32> to vector<1x16xf32>
      tpu.vector_store %arg9[%swap3A_390, %swap3A_391], %swap3A_394 {strides = array<i32>} : memref<8x128xf32, #tpu.memory_space<vmem>>, vector<1x16xf32>,
      %mul3A_395 = arith.constant 2.000000e-02 : f32
      %mul3A_396 = vector.broadcast %mul3A_395 : f32 to vector<16xf32>
      %mul3A_397 = arith.mulf %scan3A_330#7, %mul3A_396 : vector<16xf32>
      %swap3A_398 = arith.constant 1 : i32
      %swap3A_399 = arith.index_cast %swap3A_398 : i32 to index
      %swap3A_400 = arith.constant 112 : index
      %swap3A_401 = tpu.vector_load %arg9[%swap3A_399, %swap3A_400] {strides = array<i32>} : memref<8x128xf32, #tpu.memory_space<vmem>>, vector<1x16xf32>,
      %swap3A_402 = vector.shape_cast %swap3A_401 : vector<1x16xf32> to vector<16xf32>
      %swap3A_403 = vector.shape_cast %mul3A_397 : vector<16xf32> to vector<1x16xf32>
      tpu.vector_store %arg9[%swap3A_399, %swap3A_400], %swap3A_403 {strides = array<i32>} : memref<8x128xf32, #tpu.memory_space<vmem>>, vector<1x16xf32>,
      %broadcast_in_dim3A_404 = arith.constant 0.000000e+00 : f32
      %broadcast_in_dim3A_405 = vector.broadcast %broadcast_in_dim3A_404 : f32 to vector<16xf32>
      %broadcast_in_dim3A_406 = arith.constant 0.000000e+00 : f32
      %broadcast_in_dim3A_407 = vector.broadcast %broadcast_in_dim3A_406 : f32 to vector<16xf32>
      %broadcast_in_dim3A_408 = arith.constant 0.000000e+00 : f32
      %broadcast_in_dim3A_409 = vector.broadcast %broadcast_in_dim3A_408 : f32 to vector<16xf32>
      %broadcast_in_dim3A_410 = arith.constant 0.000000e+00 : f32
      %broadcast_in_dim3A_411 = vector.broadcast %broadcast_in_dim3A_410 : f32 to vector<16xf32>
      %broadcast_in_dim3A_412 = arith.constant 0.000000e+00 : f32
      %broadcast_in_dim3A_413 = vector.broadcast %broadcast_in_dim3A_412 : f32 to vector<16xf32>
      %broadcast_in_dim3A_414 = arith.constant 0.000000e+00 : f32
      %broadcast_in_dim3A_415 = vector.broadcast %broadcast_in_dim3A_414 : f32 to vector<16xf32>
      %broadcast_in_dim3A_416 = arith.constant 0.000000e+00 : f32
      %broadcast_in_dim3A_417 = vector.broadcast %broadcast_in_dim3A_416 : f32 to vector<16xf32>
      %broadcast_in_dim3A_418 = arith.constant 0.000000e+00 : f32
      %broadcast_in_dim3A_419 = vector.broadcast %broadcast_in_dim3A_418 : f32 to vector<16xf32>
      %scan3A_420 = arith.constant 0 : i32
      %scan3A_421 = arith.constant 50 : i32
      %scan3A_422 = arith.addi %scan3A_420, %scan3A_421 : i32
      %scan3A_423 = arith.constant 1 : i32
      %scan3A_424:8 = scf.for %scan3A_1847 = %scan3A_420 to %scan3A_422 step %scan3A_423 iter_args(%scan3A_1848 = %broadcast_in_dim3A_405, %scan3A_1849 = %broadcast_in_dim3A_407, %scan3A_1850 = %broadcast_in_dim3A_409, %scan3A_1851 = %broadcast_in_dim3A_411, %scan3A_1852 = %broadcast_in_dim3A_413, %scan3A_1853 = %broadcast_in_dim3A_415, %scan3A_1854 = %broadcast_in_dim3A_417, %scan3A_1855 = %broadcast_in_dim3A_419) -> (vector<16xf32>, vector<16xf32>, vector<16xf32>, vector<16xf32>, vector<16xf32>, vector<16xf32>, vector<16xf32>, vector<16xf32>)  : i32 {
        %add3A_1856 = arith.constant 100 : i32
        %add3A_1857 = arith.addi %add3A_1856, %scan3A_1847 : i32
        %get3A = arith.index_cast %add3A_1857 : i32 to index
        %get3A_1858 = arith.constant 0 : index
        %get3A_1859 = tpu.vector_load %arg7[%get3A, %get3A_1858] {strides = array<i32>} : memref<400x128xf32, #tpu.memory_space<vmem>>, vector<1x16xf32>,
        %get3A_1860 = vector.shape_cast %get3A_1859 : vector<1x16xf32> to vector<16xf32>
        %add3A_1861 = arith.addf %scan3A_1848, %get3A_1860 : vector<16xf32>
        %get3A_1862 = arith.index_cast %add3A_1857 : i32 to index
        %get3A_1863 = arith.constant 16 : index
        %get3A_1864 = tpu.vector_load %arg7[%get3A_1862, %get3A_1863] {strides = array<i32>} : memref<400x128xf32, #tpu.memory_space<vmem>>, vector<1x16xf32>,
        %get3A_1865 = vector.shape_cast %get3A_1864 : vector<1x16xf32> to vector<16xf32>
        %add3A_1866 = arith.addf %scan3A_1849, %get3A_1865 : vector<16xf32>
        %get3A_1867 = arith.index_cast %add3A_1857 : i32 to index
        %get3A_1868 = arith.constant 32 : index
        %get3A_1869 = tpu.vector_load %arg7[%get3A_1867, %get3A_1868] {strides = array<i32>} : memref<400x128xf32, #tpu.memory_space<vmem>>, vector<1x16xf32>,
        %get3A_1870 = vector.shape_cast %get3A_1869 : vector<1x16xf32> to vector<16xf32>
        %add3A_1871 = arith.addf %scan3A_1850, %get3A_1870 : vector<16xf32>
        %get3A_1872 = arith.index_cast %add3A_1857 : i32 to index
        %get3A_1873 = arith.constant 48 : index
        %get3A_1874 = tpu.vector_load %arg7[%get3A_1872, %get3A_1873] {strides = array<i32>} : memref<400x128xf32, #tpu.memory_space<vmem>>, vector<1x16xf32>,
        %get3A_1875 = vector.shape_cast %get3A_1874 : vector<1x16xf32> to vector<16xf32>
        %add3A_1876 = arith.addf %scan3A_1851, %get3A_1875 : vector<16xf32>
        %get3A_1877 = arith.index_cast %add3A_1857 : i32 to index
        %get3A_1878 = arith.constant 64 : index
        %get3A_1879 = tpu.vector_load %arg7[%get3A_1877, %get3A_1878] {strides = array<i32>} : memref<400x128xf32, #tpu.memory_space<vmem>>, vector<1x16xf32>,
        %get3A_1880 = vector.shape_cast %get3A_1879 : vector<1x16xf32> to vector<16xf32>
        %add3A_1881 = arith.addf %scan3A_1852, %get3A_1880 : vector<16xf32>
        %get3A_1882 = arith.index_cast %add3A_1857 : i32 to index
        %get3A_1883 = arith.constant 80 : index
        %get3A_1884 = tpu.vector_load %arg7[%get3A_1882, %get3A_1883] {strides = array<i32>} : memref<400x128xf32, #tpu.memory_space<vmem>>, vector<1x16xf32>,
        %get3A_1885 = vector.shape_cast %get3A_1884 : vector<1x16xf32> to vector<16xf32>
        %add3A_1886 = arith.addf %scan3A_1853, %get3A_1885 : vector<16xf32>
        %get3A_1887 = arith.index_cast %add3A_1857 : i32 to index
        %get3A_1888 = arith.constant 96 : index
        %get3A_1889 = tpu.vector_load %arg7[%get3A_1887, %get3A_1888] {strides = array<i32>} : memref<400x128xf32, #tpu.memory_space<vmem>>, vector<1x16xf32>,
        %get3A_1890 = vector.shape_cast %get3A_1889 : vector<1x16xf32> to vector<16xf32>
        %add3A_1891 = arith.addf %scan3A_1854, %get3A_1890 : vector<16xf32>
        %get3A_1892 = arith.index_cast %add3A_1857 : i32 to index
        %get3A_1893 = arith.constant 112 : index
        %get3A_1894 = tpu.vector_load %arg7[%get3A_1892, %get3A_1893] {strides = array<i32>} : memref<400x128xf32, #tpu.memory_space<vmem>>, vector<1x16xf32>,
        %get3A_1895 = vector.shape_cast %get3A_1894 : vector<1x16xf32> to vector<16xf32>
        %add3A_1896 = arith.addf %scan3A_1855, %get3A_1895 : vector<16xf32>
        scf.yield %add3A_1861, %add3A_1866, %add3A_1871, %add3A_1876, %add3A_1881, %add3A_1886, %add3A_1891, %add3A_1896 : vector<16xf32>, vector<16xf32>, vector<16xf32>, vector<16xf32>, vector<16xf32>, vector<16xf32>, vector<16xf32>, vector<16xf32>
      }
      %scan3A_425 = arith.constant 50 : i32
      %mul3A_426 = arith.constant 2.000000e-02 : f32
      %mul3A_427 = vector.broadcast %mul3A_426 : f32 to vector<16xf32>
      %mul3A_428 = arith.mulf %scan3A_424#0, %mul3A_427 : vector<16xf32>
      %swap3A_429 = arith.constant 2 : i32
      %swap3A_430 = arith.index_cast %swap3A_429 : i32 to index
      %swap3A_431 = arith.constant 0 : index
      %swap3A_432 = tpu.vector_load %arg9[%swap3A_430, %swap3A_431] {strides = array<i32>} : memref<8x128xf32, #tpu.memory_space<vmem>>, vector<1x16xf32>,
      %swap3A_433 = vector.shape_cast %swap3A_432 : vector<1x16xf32> to vector<16xf32>
      %swap3A_434 = vector.shape_cast %mul3A_428 : vector<16xf32> to vector<1x16xf32>
      tpu.vector_store %arg9[%swap3A_430, %swap3A_431], %swap3A_434 {strides = array<i32>} : memref<8x128xf32, #tpu.memory_space<vmem>>, vector<1x16xf32>,
      %mul3A_435 = arith.constant 2.000000e-02 : f32
      %mul3A_436 = vector.broadcast %mul3A_435 : f32 to vector<16xf32>
      %mul3A_437 = arith.mulf %scan3A_424#1, %mul3A_436 : vector<16xf32>
      %swap3A_438 = arith.constant 2 : i32
      %swap3A_439 = arith.index_cast %swap3A_438 : i32 to index
      %swap3A_440 = arith.constant 16 : index
      %swap3A_441 = tpu.vector_load %arg9[%swap3A_439, %swap3A_440] {strides = array<i32>} : memref<8x128xf32, #tpu.memory_space<vmem>>, vector<1x16xf32>,
      %swap3A_442 = vector.shape_cast %swap3A_441 : vector<1x16xf32> to vector<16xf32>
      %swap3A_443 = vector.shape_cast %mul3A_437 : vector<16xf32> to vector<1x16xf32>
      tpu.vector_store %arg9[%swap3A_439, %swap3A_440], %swap3A_443 {strides = array<i32>} : memref<8x128xf32, #tpu.memory_space<vmem>>, vector<1x16xf32>,
      %mul3A_444 = arith.constant 2.000000e-02 : f32
      %mul3A_445 = vector.broadcast %mul3A_444 : f32 to vector<16xf32>
      %mul3A_446 = arith.mulf %scan3A_424#2, %mul3A_445 : vector<16xf32>
      %swap3A_447 = arith.constant 2 : i32
      %swap3A_448 = arith.index_cast %swap3A_447 : i32 to index
      %swap3A_449 = arith.constant 32 : index
      %swap3A_450 = tpu.vector_load %arg9[%swap3A_448, %swap3A_449] {strides = array<i32>} : memref<8x128xf32, #tpu.memory_space<vmem>>, vector<1x16xf32>,
      %swap3A_451 = vector.shape_cast %swap3A_450 : vector<1x16xf32> to vector<16xf32>
      %swap3A_452 = vector.shape_cast %mul3A_446 : vector<16xf32> to vector<1x16xf32>
      tpu.vector_store %arg9[%swap3A_448, %swap3A_449], %swap3A_452 {strides = array<i32>} : memref<8x128xf32, #tpu.memory_space<vmem>>, vector<1x16xf32>,
      %mul3A_453 = arith.constant 2.000000e-02 : f32
      %mul3A_454 = vector.broadcast %mul3A_453 : f32 to vector<16xf32>
      %mul3A_455 = arith.mulf %scan3A_424#3, %mul3A_454 : vector<16xf32>
      %swap3A_456 = arith.constant 2 : i32
      %swap3A_457 = arith.index_cast %swap3A_456 : i32 to index
      %swap3A_458 = arith.constant 48 : index
      %swap3A_459 = tpu.vector_load %arg9[%swap3A_457, %swap3A_458] {strides = array<i32>} : memref<8x128xf32, #tpu.memory_space<vmem>>, vector<1x16xf32>,
      %swap3A_460 = vector.shape_cast %swap3A_459 : vector<1x16xf32> to vector<16xf32>
      %swap3A_461 = vector.shape_cast %mul3A_455 : vector<16xf32> to vector<1x16xf32>
      tpu.vector_store %arg9[%swap3A_457, %swap3A_458], %swap3A_461 {strides = array<i32>} : memref<8x128xf32, #tpu.memory_space<vmem>>, vector<1x16xf32>,
      %mul3A_462 = arith.constant 2.000000e-02 : f32
      %mul3A_463 = vector.broadcast %mul3A_462 : f32 to vector<16xf32>
      %mul3A_464 = arith.mulf %scan3A_424#4, %mul3A_463 : vector<16xf32>
      %swap3A_465 = arith.constant 2 : i32
      %swap3A_466 = arith.index_cast %swap3A_465 : i32 to index
      %swap3A_467 = arith.constant 64 : index
      %swap3A_468 = tpu.vector_load %arg9[%swap3A_466, %swap3A_467] {strides = array<i32>} : memref<8x128xf32, #tpu.memory_space<vmem>>, vector<1x16xf32>,
      %swap3A_469 = vector.shape_cast %swap3A_468 : vector<1x16xf32> to vector<16xf32>
      %swap3A_470 = vector.shape_cast %mul3A_464 : vector<16xf32> to vector<1x16xf32>
      tpu.vector_store %arg9[%swap3A_466, %swap3A_467], %swap3A_470 {strides = array<i32>} : memref<8x128xf32, #tpu.memory_space<vmem>>, vector<1x16xf32>,
      %mul3A_471 = arith.constant 2.000000e-02 : f32
      %mul3A_472 = vector.broadcast %mul3A_471 : f32 to vector<16xf32>
      %mul3A_473 = arith.mulf %scan3A_424#5, %mul3A_472 : vector<16xf32>
      %swap3A_474 = arith.constant 2 : i32
      %swap3A_475 = arith.index_cast %swap3A_474 : i32 to index
      %swap3A_476 = arith.constant 80 : index
      %swap3A_477 = tpu.vector_load %arg9[%swap3A_475, %swap3A_476] {strides = array<i32>} : memref<8x128xf32, #tpu.memory_space<vmem>>, vector<1x16xf32>,
      %swap3A_478 = vector.shape_cast %swap3A_477 : vector<1x16xf32> to vector<16xf32>
      %swap3A_479 = vector.shape_cast %mul3A_473 : vector<16xf32> to vector<1x16xf32>
      tpu.vector_store %arg9[%swap3A_475, %swap3A_476], %swap3A_479 {strides = array<i32>} : memref<8x128xf32, #tpu.memory_space<vmem>>, vector<1x16xf32>,
      %mul3A_480 = arith.constant 2.000000e-02 : f32
      %mul3A_481 = vector.broadcast %mul3A_480 : f32 to vector<16xf32>
      %mul3A_482 = arith.mulf %scan3A_424#6, %mul3A_481 : vector<16xf32>
      %swap3A_483 = arith.constant 2 : i32
      %swap3A_484 = arith.index_cast %swap3A_483 : i32 to index
      %swap3A_485 = arith.constant 96 : index
      %swap3A_486 = tpu.vector_load %arg9[%swap3A_484, %swap3A_485] {strides = array<i32>} : memref<8x128xf32, #tpu.memory_space<vmem>>, vector<1x16xf32>,
      %swap3A_487 = vector.shape_cast %swap3A_486 : vector<1x16xf32> to vector<16xf32>
      %swap3A_488 = vector.shape_cast %mul3A_482 : vector<16xf32> to vector<1x16xf32>
      tpu.vector_store %arg9[%swap3A_484, %swap3A_485], %swap3A_488 {strides = array<i32>} : memref<8x128xf32, #tpu.memory_space<vmem>>, vector<1x16xf32>,
      %mul3A_489 = arith.constant 2.000000e-02 : f32
      %mul3A_490 = vector.broadcast %mul3A_489 : f32 to vector<16xf32>
      %mul3A_491 = arith.mulf %scan3A_424#7, %mul3A_490 : vector<16xf32>
      %swap3A_492 = arith.constant 2 : i32
      %swap3A_493 = arith.index_cast %swap3A_492 : i32 to index
      %swap3A_494 = arith.constant 112 : index
      %swap3A_495 = tpu.vector_load %arg9[%swap3A_493, %swap3A_494] {strides = array<i32>} : memref<8x128xf32, #tpu.memory_space<vmem>>, vector<1x16xf32>,
      %swap3A_496 = vector.shape_cast %swap3A_495 : vector<1x16xf32> to vector<16xf32>
      %swap3A_497 = vector.shape_cast %mul3A_491 : vector<16xf32> to vector<1x16xf32>
      tpu.vector_store %arg9[%swap3A_493, %swap3A_494], %swap3A_497 {strides = array<i32>} : memref<8x128xf32, #tpu.memory_space<vmem>>, vector<1x16xf32>,
      %broadcast_in_dim3A_498 = arith.constant 0.000000e+00 : f32
      %broadcast_in_dim3A_499 = vector.broadcast %broadcast_in_dim3A_498 : f32 to vector<16xf32>
      %broadcast_in_dim3A_500 = arith.constant 0.000000e+00 : f32
      %broadcast_in_dim3A_501 = vector.broadcast %broadcast_in_dim3A_500 : f32 to vector<16xf32>
      %broadcast_in_dim3A_502 = arith.constant 0.000000e+00 : f32
      %broadcast_in_dim3A_503 = vector.broadcast %broadcast_in_dim3A_502 : f32 to vector<16xf32>
      %broadcast_in_dim3A_504 = arith.constant 0.000000e+00 : f32
      %broadcast_in_dim3A_505 = vector.broadcast %broadcast_in_dim3A_504 : f32 to vector<16xf32>
      %broadcast_in_dim3A_506 = arith.constant 0.000000e+00 : f32
      %broadcast_in_dim3A_507 = vector.broadcast %broadcast_in_dim3A_506 : f32 to vector<16xf32>
      %broadcast_in_dim3A_508 = arith.constant 0.000000e+00 : f32
      %broadcast_in_dim3A_509 = vector.broadcast %broadcast_in_dim3A_508 : f32 to vector<16xf32>
      %broadcast_in_dim3A_510 = arith.constant 0.000000e+00 : f32
      %broadcast_in_dim3A_511 = vector.broadcast %broadcast_in_dim3A_510 : f32 to vector<16xf32>
      %broadcast_in_dim3A_512 = arith.constant 0.000000e+00 : f32
      %broadcast_in_dim3A_513 = vector.broadcast %broadcast_in_dim3A_512 : f32 to vector<16xf32>
      %scan3A_514 = arith.constant 0 : i32
      %scan3A_515 = arith.constant 50 : i32
      %scan3A_516 = arith.addi %scan3A_514, %scan3A_515 : i32
      %scan3A_517 = arith.constant 1 : i32
      %scan3A_518:8 = scf.for %scan3A_1847 = %scan3A_514 to %scan3A_516 step %scan3A_517 iter_args(%scan3A_1848 = %broadcast_in_dim3A_499, %scan3A_1849 = %broadcast_in_dim3A_501, %scan3A_1850 = %broadcast_in_dim3A_503, %scan3A_1851 = %broadcast_in_dim3A_505, %scan3A_1852 = %broadcast_in_dim3A_507, %scan3A_1853 = %broadcast_in_dim3A_509, %scan3A_1854 = %broadcast_in_dim3A_511, %scan3A_1855 = %broadcast_in_dim3A_513) -> (vector<16xf32>, vector<16xf32>, vector<16xf32>, vector<16xf32>, vector<16xf32>, vector<16xf32>, vector<16xf32>, vector<16xf32>)  : i32 {
        %add3A_1856 = arith.constant 150 : i32
        %add3A_1857 = arith.addi %add3A_1856, %scan3A_1847 : i32
        %get3A = arith.index_cast %add3A_1857 : i32 to index
        %get3A_1858 = arith.constant 0 : index
        %get3A_1859 = tpu.vector_load %arg7[%get3A, %get3A_1858] {strides = array<i32>} : memref<400x128xf32, #tpu.memory_space<vmem>>, vector<1x16xf32>,
        %get3A_1860 = vector.shape_cast %get3A_1859 : vector<1x16xf32> to vector<16xf32>
        %add3A_1861 = arith.addf %scan3A_1848, %get3A_1860 : vector<16xf32>
        %get3A_1862 = arith.index_cast %add3A_1857 : i32 to index
        %get3A_1863 = arith.constant 16 : index
        %get3A_1864 = tpu.vector_load %arg7[%get3A_1862, %get3A_1863] {strides = array<i32>} : memref<400x128xf32, #tpu.memory_space<vmem>>, vector<1x16xf32>,
        %get3A_1865 = vector.shape_cast %get3A_1864 : vector<1x16xf32> to vector<16xf32>
        %add3A_1866 = arith.addf %scan3A_1849, %get3A_1865 : vector<16xf32>
        %get3A_1867 = arith.index_cast %add3A_1857 : i32 to index
        %get3A_1868 = arith.constant 32 : index
        %get3A_1869 = tpu.vector_load %arg7[%get3A_1867, %get3A_1868] {strides = array<i32>} : memref<400x128xf32, #tpu.memory_space<vmem>>, vector<1x16xf32>,
        %get3A_1870 = vector.shape_cast %get3A_1869 : vector<1x16xf32> to vector<16xf32>
        %add3A_1871 = arith.addf %scan3A_1850, %get3A_1870 : vector<16xf32>
        %get3A_1872 = arith.index_cast %add3A_1857 : i32 to index
        %get3A_1873 = arith.constant 48 : index
        %get3A_1874 = tpu.vector_load %arg7[%get3A_1872, %get3A_1873] {strides = array<i32>} : memref<400x128xf32, #tpu.memory_space<vmem>>, vector<1x16xf32>,
        %get3A_1875 = vector.shape_cast %get3A_1874 : vector<1x16xf32> to vector<16xf32>
        %add3A_1876 = arith.addf %scan3A_1851, %get3A_1875 : vector<16xf32>
        %get3A_1877 = arith.index_cast %add3A_1857 : i32 to index
        %get3A_1878 = arith.constant 64 : index
        %get3A_1879 = tpu.vector_load %arg7[%get3A_1877, %get3A_1878] {strides = array<i32>} : memref<400x128xf32, #tpu.memory_space<vmem>>, vector<1x16xf32>,
        %get3A_1880 = vector.shape_cast %get3A_1879 : vector<1x16xf32> to vector<16xf32>
        %add3A_1881 = arith.addf %scan3A_1852, %get3A_1880 : vector<16xf32>
        %get3A_1882 = arith.index_cast %add3A_1857 : i32 to index
        %get3A_1883 = arith.constant 80 : index
        %get3A_1884 = tpu.vector_load %arg7[%get3A_1882, %get3A_1883] {strides = array<i32>} : memref<400x128xf32, #tpu.memory_space<vmem>>, vector<1x16xf32>,
        %get3A_1885 = vector.shape_cast %get3A_1884 : vector<1x16xf32> to vector<16xf32>
        %add3A_1886 = arith.addf %scan3A_1853, %get3A_1885 : vector<16xf32>
        %get3A_1887 = arith.index_cast %add3A_1857 : i32 to index
        %get3A_1888 = arith.constant 96 : index
        %get3A_1889 = tpu.vector_load %arg7[%get3A_1887, %get3A_1888] {strides = array<i32>} : memref<400x128xf32, #tpu.memory_space<vmem>>, vector<1x16xf32>,
        %get3A_1890 = vector.shape_cast %get3A_1889 : vector<1x16xf32> to vector<16xf32>
        %add3A_1891 = arith.addf %scan3A_1854, %get3A_1890 : vector<16xf32>
        %get3A_1892 = arith.index_cast %add3A_1857 : i32 to index
        %get3A_1893 = arith.constant 112 : index
        %get3A_1894 = tpu.vector_load %arg7[%get3A_1892, %get3A_1893] {strides = array<i32>} : memref<400x128xf32, #tpu.memory_space<vmem>>, vector<1x16xf32>,
        %get3A_1895 = vector.shape_cast %get3A_1894 : vector<1x16xf32> to vector<16xf32>
        %add3A_1896 = arith.addf %scan3A_1855, %get3A_1895 : vector<16xf32>
        scf.yield %add3A_1861, %add3A_1866, %add3A_1871, %add3A_1876, %add3A_1881, %add3A_1886, %add3A_1891, %add3A_1896 : vector<16xf32>, vector<16xf32>, vector<16xf32>, vector<16xf32>, vector<16xf32>, vector<16xf32>, vector<16xf32>, vector<16xf32>
      }
      %scan3A_519 = arith.constant 50 : i32
      %mul3A_520 = arith.constant 2.000000e-02 : f32
      %mul3A_521 = vector.broadcast %mul3A_520 : f32 to vector<16xf32>
      %mul3A_522 = arith.mulf %scan3A_518#0, %mul3A_521 : vector<16xf32>
      %swap3A_523 = arith.constant 3 : i32
      %swap3A_524 = arith.index_cast %swap3A_523 : i32 to index
      %swap3A_525 = arith.constant 0 : index
      %swap3A_526 = tpu.vector_load %arg9[%swap3A_524, %swap3A_525] {strides = array<i32>} : memref<8x128xf32, #tpu.memory_space<vmem>>, vector<1x16xf32>,
      %swap3A_527 = vector.shape_cast %swap3A_526 : vector<1x16xf32> to vector<16xf32>
      %swap3A_528 = vector.shape_cast %mul3A_522 : vector<16xf32> to vector<1x16xf32>
      tpu.vector_store %arg9[%swap3A_524, %swap3A_525], %swap3A_528 {strides = array<i32>} : memref<8x128xf32, #tpu.memory_space<vmem>>, vector<1x16xf32>,
      %mul3A_529 = arith.constant 2.000000e-02 : f32
      %mul3A_530 = vector.broadcast %mul3A_529 : f32 to vector<16xf32>
      %mul3A_531 = arith.mulf %scan3A_518#1, %mul3A_530 : vector<16xf32>
      %swap3A_532 = arith.constant 3 : i32
      %swap3A_533 = arith.index_cast %swap3A_532 : i32 to index
      %swap3A_534 = arith.constant 16 : index
      %swap3A_535 = tpu.vector_load %arg9[%swap3A_533, %swap3A_534] {strides = array<i32>} : memref<8x128xf32, #tpu.memory_space<vmem>>, vector<1x16xf32>,
      %swap3A_536 = vector.shape_cast %swap3A_535 : vector<1x16xf32> to vector<16xf32>
      %swap3A_537 = vector.shape_cast %mul3A_531 : vector<16xf32> to vector<1x16xf32>
      tpu.vector_store %arg9[%swap3A_533, %swap3A_534], %swap3A_537 {strides = array<i32>} : memref<8x128xf32, #tpu.memory_space<vmem>>, vector<1x16xf32>,
      %mul3A_538 = arith.constant 2.000000e-02 : f32
      %mul3A_539 = vector.broadcast %mul3A_538 : f32 to vector<16xf32>
      %mul3A_540 = arith.mulf %scan3A_518#2, %mul3A_539 : vector<16xf32>
      %swap3A_541 = arith.constant 3 : i32
      %swap3A_542 = arith.index_cast %swap3A_541 : i32 to index
      %swap3A_543 = arith.constant 32 : index
      %swap3A_544 = tpu.vector_load %arg9[%swap3A_542, %swap3A_543] {strides = array<i32>} : memref<8x128xf32, #tpu.memory_space<vmem>>, vector<1x16xf32>,
      %swap3A_545 = vector.shape_cast %swap3A_544 : vector<1x16xf32> to vector<16xf32>
      %swap3A_546 = vector.shape_cast %mul3A_540 : vector<16xf32> to vector<1x16xf32>
      tpu.vector_store %arg9[%swap3A_542, %swap3A_543], %swap3A_546 {strides = array<i32>} : memref<8x128xf32, #tpu.memory_space<vmem>>, vector<1x16xf32>,
      %mul3A_547 = arith.constant 2.000000e-02 : f32
      %mul3A_548 = vector.broadcast %mul3A_547 : f32 to vector<16xf32>
      %mul3A_549 = arith.mulf %scan3A_518#3, %mul3A_548 : vector<16xf32>
      %swap3A_550 = arith.constant 3 : i32
      %swap3A_551 = arith.index_cast %swap3A_550 : i32 to index
      %swap3A_552 = arith.constant 48 : index
      %swap3A_553 = tpu.vector_load %arg9[%swap3A_551, %swap3A_552] {strides = array<i32>} : memref<8x128xf32, #tpu.memory_space<vmem>>, vector<1x16xf32>,
      %swap3A_554 = vector.shape_cast %swap3A_553 : vector<1x16xf32> to vector<16xf32>
      %swap3A_555 = vector.shape_cast %mul3A_549 : vector<16xf32> to vector<1x16xf32>
      tpu.vector_store %arg9[%swap3A_551, %swap3A_552], %swap3A_555 {strides = array<i32>} : memref<8x128xf32, #tpu.memory_space<vmem>>, vector<1x16xf32>,
      %mul3A_556 = arith.constant 2.000000e-02 : f32
      %mul3A_557 = vector.broadcast %mul3A_556 : f32 to vector<16xf32>
      %mul3A_558 = arith.mulf %scan3A_518#4, %mul3A_557 : vector<16xf32>
      %swap3A_559 = arith.constant 3 : i32
      %swap3A_560 = arith.index_cast %swap3A_559 : i32 to index
      %swap3A_561 = arith.constant 64 : index
      %swap3A_562 = tpu.vector_load %arg9[%swap3A_560, %swap3A_561] {strides = array<i32>} : memref<8x128xf32, #tpu.memory_space<vmem>>, vector<1x16xf32>,
      %swap3A_563 = vector.shape_cast %swap3A_562 : vector<1x16xf32> to vector<16xf32>
      %swap3A_564 = vector.shape_cast %mul3A_558 : vector<16xf32> to vector<1x16xf32>
      tpu.vector_store %arg9[%swap3A_560, %swap3A_561], %swap3A_564 {strides = array<i32>} : memref<8x128xf32, #tpu.memory_space<vmem>>, vector<1x16xf32>,
      %mul3A_565 = arith.constant 2.000000e-02 : f32
      %mul3A_566 = vector.broadcast %mul3A_565 : f32 to vector<16xf32>
      %mul3A_567 = arith.mulf %scan3A_518#5, %mul3A_566 : vector<16xf32>
      %swap3A_568 = arith.constant 3 : i32
      %swap3A_569 = arith.index_cast %swap3A_568 : i32 to index
      %swap3A_570 = arith.constant 80 : index
      %swap3A_571 = tpu.vector_load %arg9[%swap3A_569, %swap3A_570] {strides = array<i32>} : memref<8x128xf32, #tpu.memory_space<vmem>>, vector<1x16xf32>,
      %swap3A_572 = vector.shape_cast %swap3A_571 : vector<1x16xf32> to vector<16xf32>
      %swap3A_573 = vector.shape_cast %mul3A_567 : vector<16xf32> to vector<1x16xf32>
      tpu.vector_store %arg9[%swap3A_569, %swap3A_570], %swap3A_573 {strides = array<i32>} : memref<8x128xf32, #tpu.memory_space<vmem>>, vector<1x16xf32>,
      %mul3A_574 = arith.constant 2.000000e-02 : f32
      %mul3A_575 = vector.broadcast %mul3A_574 : f32 to vector<16xf32>
      %mul3A_576 = arith.mulf %scan3A_518#6, %mul3A_575 : vector<16xf32>
      %swap3A_577 = arith.constant 3 : i32
      %swap3A_578 = arith.index_cast %swap3A_577 : i32 to index
      %swap3A_579 = arith.constant 96 : index
      %swap3A_580 = tpu.vector_load %arg9[%swap3A_578, %swap3A_579] {strides = array<i32>} : memref<8x128xf32, #tpu.memory_space<vmem>>, vector<1x16xf32>,
      %swap3A_581 = vector.shape_cast %swap3A_580 : vector<1x16xf32> to vector<16xf32>
      %swap3A_582 = vector.shape_cast %mul3A_576 : vector<16xf32> to vector<1x16xf32>
      tpu.vector_store %arg9[%swap3A_578, %swap3A_579], %swap3A_582 {strides = array<i32>} : memref<8x128xf32, #tpu.memory_space<vmem>>, vector<1x16xf32>,
      %mul3A_583 = arith.constant 2.000000e-02 : f32
      %mul3A_584 = vector.broadcast %mul3A_583 : f32 to vector<16xf32>
      %mul3A_585 = arith.mulf %scan3A_518#7, %mul3A_584 : vector<16xf32>
      %swap3A_586 = arith.constant 3 : i32
      %swap3A_587 = arith.index_cast %swap3A_586 : i32 to index
      %swap3A_588 = arith.constant 112 : index
      %swap3A_589 = tpu.vector_load %arg9[%swap3A_587, %swap3A_588] {strides = array<i32>} : memref<8x128xf32, #tpu.memory_space<vmem>>, vector<1x16xf32>,
      %swap3A_590 = vector.shape_cast %swap3A_589 : vector<1x16xf32> to vector<16xf32>
      %swap3A_591 = vector.shape_cast %mul3A_585 : vector<16xf32> to vector<1x16xf32>
      tpu.vector_store %arg9[%swap3A_587, %swap3A_588], %swap3A_591 {strides = array<i32>} : memref<8x128xf32, #tpu.memory_space<vmem>>, vector<1x16xf32>,
      %broadcast_in_dim3A_592 = arith.constant 0.000000e+00 : f32
      %broadcast_in_dim3A_593 = vector.broadcast %broadcast_in_dim3A_592 : f32 to vector<16xf32>
      %broadcast_in_dim3A_594 = arith.constant 0.000000e+00 : f32
      %broadcast_in_dim3A_595 = vector.broadcast %broadcast_in_dim3A_594 : f32 to vector<16xf32>
      %broadcast_in_dim3A_596 = arith.constant 0.000000e+00 : f32
      %broadcast_in_dim3A_597 = vector.broadcast %broadcast_in_dim3A_596 : f32 to vector<16xf32>
      %broadcast_in_dim3A_598 = arith.constant 0.000000e+00 : f32
      %broadcast_in_dim3A_599 = vector.broadcast %broadcast_in_dim3A_598 : f32 to vector<16xf32>
      %broadcast_in_dim3A_600 = arith.constant 0.000000e+00 : f32
      %broadcast_in_dim3A_601 = vector.broadcast %broadcast_in_dim3A_600 : f32 to vector<16xf32>
      %broadcast_in_dim3A_602 = arith.constant 0.000000e+00 : f32
      %broadcast_in_dim3A_603 = vector.broadcast %broadcast_in_dim3A_602 : f32 to vector<16xf32>
      %broadcast_in_dim3A_604 = arith.constant 0.000000e+00 : f32
      %broadcast_in_dim3A_605 = vector.broadcast %broadcast_in_dim3A_604 : f32 to vector<16xf32>
      %broadcast_in_dim3A_606 = arith.constant 0.000000e+00 : f32
      %broadcast_in_dim3A_607 = vector.broadcast %broadcast_in_dim3A_606 : f32 to vector<16xf32>
      %scan3A_608 = arith.constant 0 : i32
      %scan3A_609 = arith.constant 50 : i32
      %scan3A_610 = arith.addi %scan3A_608, %scan3A_609 : i32
      %scan3A_611 = arith.constant 1 : i32
      %scan3A_612:8 = scf.for %scan3A_1847 = %scan3A_608 to %scan3A_610 step %scan3A_611 iter_args(%scan3A_1848 = %broadcast_in_dim3A_593, %scan3A_1849 = %broadcast_in_dim3A_595, %scan3A_1850 = %broadcast_in_dim3A_597, %scan3A_1851 = %broadcast_in_dim3A_599, %scan3A_1852 = %broadcast_in_dim3A_601, %scan3A_1853 = %broadcast_in_dim3A_603, %scan3A_1854 = %broadcast_in_dim3A_605, %scan3A_1855 = %broadcast_in_dim3A_607) -> (vector<16xf32>, vector<16xf32>, vector<16xf32>, vector<16xf32>, vector<16xf32>, vector<16xf32>, vector<16xf32>, vector<16xf32>)  : i32 {
        %add3A_1856 = arith.constant 200 : i32
        %add3A_1857 = arith.addi %add3A_1856, %scan3A_1847 : i32
        %get3A = arith.index_cast %add3A_1857 : i32 to index
        %get3A_1858 = arith.constant 0 : index
        %get3A_1859 = tpu.vector_load %arg7[%get3A, %get3A_1858] {strides = array<i32>} : memref<400x128xf32, #tpu.memory_space<vmem>>, vector<1x16xf32>,
        %get3A_1860 = vector.shape_cast %get3A_1859 : vector<1x16xf32> to vector<16xf32>
        %add3A_1861 = arith.addf %scan3A_1848, %get3A_1860 : vector<16xf32>
        %get3A_1862 = arith.index_cast %add3A_1857 : i32 to index
        %get3A_1863 = arith.constant 16 : index
        %get3A_1864 = tpu.vector_load %arg7[%get3A_1862, %get3A_1863] {strides = array<i32>} : memref<400x128xf32, #tpu.memory_space<vmem>>, vector<1x16xf32>,
        %get3A_1865 = vector.shape_cast %get3A_1864 : vector<1x16xf32> to vector<16xf32>
        %add3A_1866 = arith.addf %scan3A_1849, %get3A_1865 : vector<16xf32>
        %get3A_1867 = arith.index_cast %add3A_1857 : i32 to index
        %get3A_1868 = arith.constant 32 : index
        %get3A_1869 = tpu.vector_load %arg7[%get3A_1867, %get3A_1868] {strides = array<i32>} : memref<400x128xf32, #tpu.memory_space<vmem>>, vector<1x16xf32>,
        %get3A_1870 = vector.shape_cast %get3A_1869 : vector<1x16xf32> to vector<16xf32>
        %add3A_1871 = arith.addf %scan3A_1850, %get3A_1870 : vector<16xf32>
        %get3A_1872 = arith.index_cast %add3A_1857 : i32 to index
        %get3A_1873 = arith.constant 48 : index
        %get3A_1874 = tpu.vector_load %arg7[%get3A_1872, %get3A_1873] {strides = array<i32>} : memref<400x128xf32, #tpu.memory_space<vmem>>, vector<1x16xf32>,
        %get3A_1875 = vector.shape_cast %get3A_1874 : vector<1x16xf32> to vector<16xf32>
        %add3A_1876 = arith.addf %scan3A_1851, %get3A_1875 : vector<16xf32>
        %get3A_1877 = arith.index_cast %add3A_1857 : i32 to index
        %get3A_1878 = arith.constant 64 : index
        %get3A_1879 = tpu.vector_load %arg7[%get3A_1877, %get3A_1878] {strides = array<i32>} : memref<400x128xf32, #tpu.memory_space<vmem>>, vector<1x16xf32>,
        %get3A_1880 = vector.shape_cast %get3A_1879 : vector<1x16xf32> to vector<16xf32>
        %add3A_1881 = arith.addf %scan3A_1852, %get3A_1880 : vector<16xf32>
        %get3A_1882 = arith.index_cast %add3A_1857 : i32 to index
        %get3A_1883 = arith.constant 80 : index
        %get3A_1884 = tpu.vector_load %arg7[%get3A_1882, %get3A_1883] {strides = array<i32>} : memref<400x128xf32, #tpu.memory_space<vmem>>, vector<1x16xf32>,
        %get3A_1885 = vector.shape_cast %get3A_1884 : vector<1x16xf32> to vector<16xf32>
        %add3A_1886 = arith.addf %scan3A_1853, %get3A_1885 : vector<16xf32>
        %get3A_1887 = arith.index_cast %add3A_1857 : i32 to index
        %get3A_1888 = arith.constant 96 : index
        %get3A_1889 = tpu.vector_load %arg7[%get3A_1887, %get3A_1888] {strides = array<i32>} : memref<400x128xf32, #tpu.memory_space<vmem>>, vector<1x16xf32>,
        %get3A_1890 = vector.shape_cast %get3A_1889 : vector<1x16xf32> to vector<16xf32>
        %add3A_1891 = arith.addf %scan3A_1854, %get3A_1890 : vector<16xf32>
        %get3A_1892 = arith.index_cast %add3A_1857 : i32 to index
        %get3A_1893 = arith.constant 112 : index
        %get3A_1894 = tpu.vector_load %arg7[%get3A_1892, %get3A_1893] {strides = array<i32>} : memref<400x128xf32, #tpu.memory_space<vmem>>, vector<1x16xf32>,
        %get3A_1895 = vector.shape_cast %get3A_1894 : vector<1x16xf32> to vector<16xf32>
        %add3A_1896 = arith.addf %scan3A_1855, %get3A_1895 : vector<16xf32>
        scf.yield %add3A_1861, %add3A_1866, %add3A_1871, %add3A_1876, %add3A_1881, %add3A_1886, %add3A_1891, %add3A_1896 : vector<16xf32>, vector<16xf32>, vector<16xf32>, vector<16xf32>, vector<16xf32>, vector<16xf32>, vector<16xf32>, vector<16xf32>
      }
      %scan3A_613 = arith.constant 50 : i32
      %mul3A_614 = arith.constant 2.000000e-02 : f32
      %mul3A_615 = vector.broadcast %mul3A_614 : f32 to vector<16xf32>
      %mul3A_616 = arith.mulf %scan3A_612#0, %mul3A_615 : vector<16xf32>
      %swap3A_617 = arith.constant 4 : i32
      %swap3A_618 = arith.index_cast %swap3A_617 : i32 to index
      %swap3A_619 = arith.constant 0 : index
      %swap3A_620 = tpu.vector_load %arg9[%swap3A_618, %swap3A_619] {strides = array<i32>} : memref<8x128xf32, #tpu.memory_space<vmem>>, vector<1x16xf32>,
      %swap3A_621 = vector.shape_cast %swap3A_620 : vector<1x16xf32> to vector<16xf32>
      %swap3A_622 = vector.shape_cast %mul3A_616 : vector<16xf32> to vector<1x16xf32>
      tpu.vector_store %arg9[%swap3A_618, %swap3A_619], %swap3A_622 {strides = array<i32>} : memref<8x128xf32, #tpu.memory_space<vmem>>, vector<1x16xf32>,
      %mul3A_623 = arith.constant 2.000000e-02 : f32
      %mul3A_624 = vector.broadcast %mul3A_623 : f32 to vector<16xf32>
      %mul3A_625 = arith.mulf %scan3A_612#1, %mul3A_624 : vector<16xf32>
      %swap3A_626 = arith.constant 4 : i32
      %swap3A_627 = arith.index_cast %swap3A_626 : i32 to index
      %swap3A_628 = arith.constant 16 : index
      %swap3A_629 = tpu.vector_load %arg9[%swap3A_627, %swap3A_628] {strides = array<i32>} : memref<8x128xf32, #tpu.memory_space<vmem>>, vector<1x16xf32>,
      %swap3A_630 = vector.shape_cast %swap3A_629 : vector<1x16xf32> to vector<16xf32>
      %swap3A_631 = vector.shape_cast %mul3A_625 : vector<16xf32> to vector<1x16xf32>
      tpu.vector_store %arg9[%swap3A_627, %swap3A_628], %swap3A_631 {strides = array<i32>} : memref<8x128xf32, #tpu.memory_space<vmem>>, vector<1x16xf32>,
      %mul3A_632 = arith.constant 2.000000e-02 : f32
      %mul3A_633 = vector.broadcast %mul3A_632 : f32 to vector<16xf32>
      %mul3A_634 = arith.mulf %scan3A_612#2, %mul3A_633 : vector<16xf32>
      %swap3A_635 = arith.constant 4 : i32
      %swap3A_636 = arith.index_cast %swap3A_635 : i32 to index
      %swap3A_637 = arith.constant 32 : index
      %swap3A_638 = tpu.vector_load %arg9[%swap3A_636, %swap3A_637] {strides = array<i32>} : memref<8x128xf32, #tpu.memory_space<vmem>>, vector<1x16xf32>,
      %swap3A_639 = vector.shape_cast %swap3A_638 : vector<1x16xf32> to vector<16xf32>
      %swap3A_640 = vector.shape_cast %mul3A_634 : vector<16xf32> to vector<1x16xf32>
      tpu.vector_store %arg9[%swap3A_636, %swap3A_637], %swap3A_640 {strides = array<i32>} : memref<8x128xf32, #tpu.memory_space<vmem>>, vector<1x16xf32>,
      %mul3A_641 = arith.constant 2.000000e-02 : f32
      %mul3A_642 = vector.broadcast %mul3A_641 : f32 to vector<16xf32>
      %mul3A_643 = arith.mulf %scan3A_612#3, %mul3A_642 : vector<16xf32>
      %swap3A_644 = arith.constant 4 : i32
      %swap3A_645 = arith.index_cast %swap3A_644 : i32 to index
      %swap3A_646 = arith.constant 48 : index
      %swap3A_647 = tpu.vector_load %arg9[%swap3A_645, %swap3A_646] {strides = array<i32>} : memref<8x128xf32, #tpu.memory_space<vmem>>, vector<1x16xf32>,
      %swap3A_648 = vector.shape_cast %swap3A_647 : vector<1x16xf32> to vector<16xf32>
      %swap3A_649 = vector.shape_cast %mul3A_643 : vector<16xf32> to vector<1x16xf32>
      tpu.vector_store %arg9[%swap3A_645, %swap3A_646], %swap3A_649 {strides = array<i32>} : memref<8x128xf32, #tpu.memory_space<vmem>>, vector<1x16xf32>,
      %mul3A_650 = arith.constant 2.000000e-02 : f32
      %mul3A_651 = vector.broadcast %mul3A_650 : f32 to vector<16xf32>
      %mul3A_652 = arith.mulf %scan3A_612#4, %mul3A_651 : vector<16xf32>
      %swap3A_653 = arith.constant 4 : i32
      %swap3A_654 = arith.index_cast %swap3A_653 : i32 to index
      %swap3A_655 = arith.constant 64 : index
      %swap3A_656 = tpu.vector_load %arg9[%swap3A_654, %swap3A_655] {strides = array<i32>} : memref<8x128xf32, #tpu.memory_space<vmem>>, vector<1x16xf32>,
      %swap3A_657 = vector.shape_cast %swap3A_656 : vector<1x16xf32> to vector<16xf32>
      %swap3A_658 = vector.shape_cast %mul3A_652 : vector<16xf32> to vector<1x16xf32>
      tpu.vector_store %arg9[%swap3A_654, %swap3A_655], %swap3A_658 {strides = array<i32>} : memref<8x128xf32, #tpu.memory_space<vmem>>, vector<1x16xf32>,
      %mul3A_659 = arith.constant 2.000000e-02 : f32
      %mul3A_660 = vector.broadcast %mul3A_659 : f32 to vector<16xf32>
      %mul3A_661 = arith.mulf %scan3A_612#5, %mul3A_660 : vector<16xf32>
      %swap3A_662 = arith.constant 4 : i32
      %swap3A_663 = arith.index_cast %swap3A_662 : i32 to index
      %swap3A_664 = arith.constant 80 : index
      %swap3A_665 = tpu.vector_load %arg9[%swap3A_663, %swap3A_664] {strides = array<i32>} : memref<8x128xf32, #tpu.memory_space<vmem>>, vector<1x16xf32>,
      %swap3A_666 = vector.shape_cast %swap3A_665 : vector<1x16xf32> to vector<16xf32>
      %swap3A_667 = vector.shape_cast %mul3A_661 : vector<16xf32> to vector<1x16xf32>
      tpu.vector_store %arg9[%swap3A_663, %swap3A_664], %swap3A_667 {strides = array<i32>} : memref<8x128xf32, #tpu.memory_space<vmem>>, vector<1x16xf32>,
      %mul3A_668 = arith.constant 2.000000e-02 : f32
      %mul3A_669 = vector.broadcast %mul3A_668 : f32 to vector<16xf32>
      %mul3A_670 = arith.mulf %scan3A_612#6, %mul3A_669 : vector<16xf32>
      %swap3A_671 = arith.constant 4 : i32
      %swap3A_672 = arith.index_cast %swap3A_671 : i32 to index
      %swap3A_673 = arith.constant 96 : index
      %swap3A_674 = tpu.vector_load %arg9[%swap3A_672, %swap3A_673] {strides = array<i32>} : memref<8x128xf32, #tpu.memory_space<vmem>>, vector<1x16xf32>,
      %swap3A_675 = vector.shape_cast %swap3A_674 : vector<1x16xf32> to vector<16xf32>
      %swap3A_676 = vector.shape_cast %mul3A_670 : vector<16xf32> to vector<1x16xf32>
      tpu.vector_store %arg9[%swap3A_672, %swap3A_673], %swap3A_676 {strides = array<i32>} : memref<8x128xf32, #tpu.memory_space<vmem>>, vector<1x16xf32>,
      %mul3A_677 = arith.constant 2.000000e-02 : f32
      %mul3A_678 = vector.broadcast %mul3A_677 : f32 to vector<16xf32>
      %mul3A_679 = arith.mulf %scan3A_612#7, %mul3A_678 : vector<16xf32>
      %swap3A_680 = arith.constant 4 : i32
      %swap3A_681 = arith.index_cast %swap3A_680 : i32 to index
      %swap3A_682 = arith.constant 112 : index
      %swap3A_683 = tpu.vector_load %arg9[%swap3A_681, %swap3A_682] {strides = array<i32>} : memref<8x128xf32, #tpu.memory_space<vmem>>, vector<1x16xf32>,
      %swap3A_684 = vector.shape_cast %swap3A_683 : vector<1x16xf32> to vector<16xf32>
      %swap3A_685 = vector.shape_cast %mul3A_679 : vector<16xf32> to vector<1x16xf32>
      tpu.vector_store %arg9[%swap3A_681, %swap3A_682], %swap3A_685 {strides = array<i32>} : memref<8x128xf32, #tpu.memory_space<vmem>>, vector<1x16xf32>,
      %broadcast_in_dim3A_686 = arith.constant 0.000000e+00 : f32
      %broadcast_in_dim3A_687 = vector.broadcast %broadcast_in_dim3A_686 : f32 to vector<16xf32>
      %broadcast_in_dim3A_688 = arith.constant 0.000000e+00 : f32
      %broadcast_in_dim3A_689 = vector.broadcast %broadcast_in_dim3A_688 : f32 to vector<16xf32>
      %broadcast_in_dim3A_690 = arith.constant 0.000000e+00 : f32
      %broadcast_in_dim3A_691 = vector.broadcast %broadcast_in_dim3A_690 : f32 to vector<16xf32>
      %broadcast_in_dim3A_692 = arith.constant 0.000000e+00 : f32
      %broadcast_in_dim3A_693 = vector.broadcast %broadcast_in_dim3A_692 : f32 to vector<16xf32>
      %broadcast_in_dim3A_694 = arith.constant 0.000000e+00 : f32
      %broadcast_in_dim3A_695 = vector.broadcast %broadcast_in_dim3A_694 : f32 to vector<16xf32>
      %broadcast_in_dim3A_696 = arith.constant 0.000000e+00 : f32
      %broadcast_in_dim3A_697 = vector.broadcast %broadcast_in_dim3A_696 : f32 to vector<16xf32>
      %broadcast_in_dim3A_698 = arith.constant 0.000000e+00 : f32
      %broadcast_in_dim3A_699 = vector.broadcast %broadcast_in_dim3A_698 : f32 to vector<16xf32>
      %broadcast_in_dim3A_700 = arith.constant 0.000000e+00 : f32
      %broadcast_in_dim3A_701 = vector.broadcast %broadcast_in_dim3A_700 : f32 to vector<16xf32>
      %scan3A_702 = arith.constant 0 : i32
      %scan3A_703 = arith.constant 50 : i32
      %scan3A_704 = arith.addi %scan3A_702, %scan3A_703 : i32
      %scan3A_705 = arith.constant 1 : i32
      %scan3A_706:8 = scf.for %scan3A_1847 = %scan3A_702 to %scan3A_704 step %scan3A_705 iter_args(%scan3A_1848 = %broadcast_in_dim3A_687, %scan3A_1849 = %broadcast_in_dim3A_689, %scan3A_1850 = %broadcast_in_dim3A_691, %scan3A_1851 = %broadcast_in_dim3A_693, %scan3A_1852 = %broadcast_in_dim3A_695, %scan3A_1853 = %broadcast_in_dim3A_697, %scan3A_1854 = %broadcast_in_dim3A_699, %scan3A_1855 = %broadcast_in_dim3A_701) -> (vector<16xf32>, vector<16xf32>, vector<16xf32>, vector<16xf32>, vector<16xf32>, vector<16xf32>, vector<16xf32>, vector<16xf32>)  : i32 {
        %add3A_1856 = arith.constant 250 : i32
        %add3A_1857 = arith.addi %add3A_1856, %scan3A_1847 : i32
        %get3A = arith.index_cast %add3A_1857 : i32 to index
        %get3A_1858 = arith.constant 0 : index
        %get3A_1859 = tpu.vector_load %arg7[%get3A, %get3A_1858] {strides = array<i32>} : memref<400x128xf32, #tpu.memory_space<vmem>>, vector<1x16xf32>,
        %get3A_1860 = vector.shape_cast %get3A_1859 : vector<1x16xf32> to vector<16xf32>
        %add3A_1861 = arith.addf %scan3A_1848, %get3A_1860 : vector<16xf32>
        %get3A_1862 = arith.index_cast %add3A_1857 : i32 to index
        %get3A_1863 = arith.constant 16 : index
        %get3A_1864 = tpu.vector_load %arg7[%get3A_1862, %get3A_1863] {strides = array<i32>} : memref<400x128xf32, #tpu.memory_space<vmem>>, vector<1x16xf32>,
        %get3A_1865 = vector.shape_cast %get3A_1864 : vector<1x16xf32> to vector<16xf32>
        %add3A_1866 = arith.addf %scan3A_1849, %get3A_1865 : vector<16xf32>
        %get3A_1867 = arith.index_cast %add3A_1857 : i32 to index
        %get3A_1868 = arith.constant 32 : index
        %get3A_1869 = tpu.vector_load %arg7[%get3A_1867, %get3A_1868] {strides = array<i32>} : memref<400x128xf32, #tpu.memory_space<vmem>>, vector<1x16xf32>,
        %get3A_1870 = vector.shape_cast %get3A_1869 : vector<1x16xf32> to vector<16xf32>
        %add3A_1871 = arith.addf %scan3A_1850, %get3A_1870 : vector<16xf32>
        %get3A_1872 = arith.index_cast %add3A_1857 : i32 to index
        %get3A_1873 = arith.constant 48 : index
        %get3A_1874 = tpu.vector_load %arg7[%get3A_1872, %get3A_1873] {strides = array<i32>} : memref<400x128xf32, #tpu.memory_space<vmem>>, vector<1x16xf32>,
        %get3A_1875 = vector.shape_cast %get3A_1874 : vector<1x16xf32> to vector<16xf32>
        %add3A_1876 = arith.addf %scan3A_1851, %get3A_1875 : vector<16xf32>
        %get3A_1877 = arith.index_cast %add3A_1857 : i32 to index
        %get3A_1878 = arith.constant 64 : index
        %get3A_1879 = tpu.vector_load %arg7[%get3A_1877, %get3A_1878] {strides = array<i32>} : memref<400x128xf32, #tpu.memory_space<vmem>>, vector<1x16xf32>,
        %get3A_1880 = vector.shape_cast %get3A_1879 : vector<1x16xf32> to vector<16xf32>
        %add3A_1881 = arith.addf %scan3A_1852, %get3A_1880 : vector<16xf32>
        %get3A_1882 = arith.index_cast %add3A_1857 : i32 to index
        %get3A_1883 = arith.constant 80 : index
        %get3A_1884 = tpu.vector_load %arg7[%get3A_1882, %get3A_1883] {strides = array<i32>} : memref<400x128xf32, #tpu.memory_space<vmem>>, vector<1x16xf32>,
        %get3A_1885 = vector.shape_cast %get3A_1884 : vector<1x16xf32> to vector<16xf32>
        %add3A_1886 = arith.addf %scan3A_1853, %get3A_1885 : vector<16xf32>
        %get3A_1887 = arith.index_cast %add3A_1857 : i32 to index
        %get3A_1888 = arith.constant 96 : index
        %get3A_1889 = tpu.vector_load %arg7[%get3A_1887, %get3A_1888] {strides = array<i32>} : memref<400x128xf32, #tpu.memory_space<vmem>>, vector<1x16xf32>,
        %get3A_1890 = vector.shape_cast %get3A_1889 : vector<1x16xf32> to vector<16xf32>
        %add3A_1891 = arith.addf %scan3A_1854, %get3A_1890 : vector<16xf32>
        %get3A_1892 = arith.index_cast %add3A_1857 : i32 to index
        %get3A_1893 = arith.constant 112 : index
        %get3A_1894 = tpu.vector_load %arg7[%get3A_1892, %get3A_1893] {strides = array<i32>} : memref<400x128xf32, #tpu.memory_space<vmem>>, vector<1x16xf32>,
        %get3A_1895 = vector.shape_cast %get3A_1894 : vector<1x16xf32> to vector<16xf32>
        %add3A_1896 = arith.addf %scan3A_1855, %get3A_1895 : vector<16xf32>
        scf.yield %add3A_1861, %add3A_1866, %add3A_1871, %add3A_1876, %add3A_1881, %add3A_1886, %add3A_1891, %add3A_1896 : vector<16xf32>, vector<16xf32>, vector<16xf32>, vector<16xf32>, vector<16xf32>, vector<16xf32>, vector<16xf32>, vector<16xf32>
      }
      %scan3A_707 = arith.constant 50 : i32
      %mul3A_708 = arith.constant 2.000000e-02 : f32
      %mul3A_709 = vector.broadcast %mul3A_708 : f32 to vector<16xf32>
      %mul3A_710 = arith.mulf %scan3A_706#0, %mul3A_709 : vector<16xf32>
      %swap3A_711 = arith.constant 5 : i32
      %swap3A_712 = arith.index_cast %swap3A_711 : i32 to index
      %swap3A_713 = arith.constant 0 : index
      %swap3A_714 = tpu.vector_load %arg9[%swap3A_712, %swap3A_713] {strides = array<i32>} : memref<8x128xf32, #tpu.memory_space<vmem>>, vector<1x16xf32>,
      %swap3A_715 = vector.shape_cast %swap3A_714 : vector<1x16xf32> to vector<16xf32>
      %swap3A_716 = vector.shape_cast %mul3A_710 : vector<16xf32> to vector<1x16xf32>
      tpu.vector_store %arg9[%swap3A_712, %swap3A_713], %swap3A_716 {strides = array<i32>} : memref<8x128xf32, #tpu.memory_space<vmem>>, vector<1x16xf32>,
      %mul3A_717 = arith.constant 2.000000e-02 : f32
      %mul3A_718 = vector.broadcast %mul3A_717 : f32 to vector<16xf32>
      %mul3A_719 = arith.mulf %scan3A_706#1, %mul3A_718 : vector<16xf32>
      %swap3A_720 = arith.constant 5 : i32
      %swap3A_721 = arith.index_cast %swap3A_720 : i32 to index
      %swap3A_722 = arith.constant 16 : index
      %swap3A_723 = tpu.vector_load %arg9[%swap3A_721, %swap3A_722] {strides = array<i32>} : memref<8x128xf32, #tpu.memory_space<vmem>>, vector<1x16xf32>,
      %swap3A_724 = vector.shape_cast %swap3A_723 : vector<1x16xf32> to vector<16xf32>
      %swap3A_725 = vector.shape_cast %mul3A_719 : vector<16xf32> to vector<1x16xf32>
      tpu.vector_store %arg9[%swap3A_721, %swap3A_722], %swap3A_725 {strides = array<i32>} : memref<8x128xf32, #tpu.memory_space<vmem>>, vector<1x16xf32>,
      %mul3A_726 = arith.constant 2.000000e-02 : f32
      %mul3A_727 = vector.broadcast %mul3A_726 : f32 to vector<16xf32>
      %mul3A_728 = arith.mulf %scan3A_706#2, %mul3A_727 : vector<16xf32>
      %swap3A_729 = arith.constant 5 : i32
      %swap3A_730 = arith.index_cast %swap3A_729 : i32 to index
      %swap3A_731 = arith.constant 32 : index
      %swap3A_732 = tpu.vector_load %arg9[%swap3A_730, %swap3A_731] {strides = array<i32>} : memref<8x128xf32, #tpu.memory_space<vmem>>, vector<1x16xf32>,
      %swap3A_733 = vector.shape_cast %swap3A_732 : vector<1x16xf32> to vector<16xf32>
      %swap3A_734 = vector.shape_cast %mul3A_728 : vector<16xf32> to vector<1x16xf32>
      tpu.vector_store %arg9[%swap3A_730, %swap3A_731], %swap3A_734 {strides = array<i32>} : memref<8x128xf32, #tpu.memory_space<vmem>>, vector<1x16xf32>,
      %mul3A_735 = arith.constant 2.000000e-02 : f32
      %mul3A_736 = vector.broadcast %mul3A_735 : f32 to vector<16xf32>
      %mul3A_737 = arith.mulf %scan3A_706#3, %mul3A_736 : vector<16xf32>
      %swap3A_738 = arith.constant 5 : i32
      %swap3A_739 = arith.index_cast %swap3A_738 : i32 to index
      %swap3A_740 = arith.constant 48 : index
      %swap3A_741 = tpu.vector_load %arg9[%swap3A_739, %swap3A_740] {strides = array<i32>} : memref<8x128xf32, #tpu.memory_space<vmem>>, vector<1x16xf32>,
      %swap3A_742 = vector.shape_cast %swap3A_741 : vector<1x16xf32> to vector<16xf32>
      %swap3A_743 = vector.shape_cast %mul3A_737 : vector<16xf32> to vector<1x16xf32>
      tpu.vector_store %arg9[%swap3A_739, %swap3A_740], %swap3A_743 {strides = array<i32>} : memref<8x128xf32, #tpu.memory_space<vmem>>, vector<1x16xf32>,
      %mul3A_744 = arith.constant 2.000000e-02 : f32
      %mul3A_745 = vector.broadcast %mul3A_744 : f32 to vector<16xf32>
      %mul3A_746 = arith.mulf %scan3A_706#4, %mul3A_745 : vector<16xf32>
      %swap3A_747 = arith.constant 5 : i32
      %swap3A_748 = arith.index_cast %swap3A_747 : i32 to index
      %swap3A_749 = arith.constant 64 : index
      %swap3A_750 = tpu.vector_load %arg9[%swap3A_748, %swap3A_749] {strides = array<i32>} : memref<8x128xf32, #tpu.memory_space<vmem>>, vector<1x16xf32>,
      %swap3A_751 = vector.shape_cast %swap3A_750 : vector<1x16xf32> to vector<16xf32>
      %swap3A_752 = vector.shape_cast %mul3A_746 : vector<16xf32> to vector<1x16xf32>
      tpu.vector_store %arg9[%swap3A_748, %swap3A_749], %swap3A_752 {strides = array<i32>} : memref<8x128xf32, #tpu.memory_space<vmem>>, vector<1x16xf32>,
      %mul3A_753 = arith.constant 2.000000e-02 : f32
      %mul3A_754 = vector.broadcast %mul3A_753 : f32 to vector<16xf32>
      %mul3A_755 = arith.mulf %scan3A_706#5, %mul3A_754 : vector<16xf32>
      %swap3A_756 = arith.constant 5 : i32
      %swap3A_757 = arith.index_cast %swap3A_756 : i32 to index
      %swap3A_758 = arith.constant 80 : index
      %swap3A_759 = tpu.vector_load %arg9[%swap3A_757, %swap3A_758] {strides = array<i32>} : memref<8x128xf32, #tpu.memory_space<vmem>>, vector<1x16xf32>,
      %swap3A_760 = vector.shape_cast %swap3A_759 : vector<1x16xf32> to vector<16xf32>
      %swap3A_761 = vector.shape_cast %mul3A_755 : vector<16xf32> to vector<1x16xf32>
      tpu.vector_store %arg9[%swap3A_757, %swap3A_758], %swap3A_761 {strides = array<i32>} : memref<8x128xf32, #tpu.memory_space<vmem>>, vector<1x16xf32>,
      %mul3A_762 = arith.constant 2.000000e-02 : f32
      %mul3A_763 = vector.broadcast %mul3A_762 : f32 to vector<16xf32>
      %mul3A_764 = arith.mulf %scan3A_706#6, %mul3A_763 : vector<16xf32>
      %swap3A_765 = arith.constant 5 : i32
      %swap3A_766 = arith.index_cast %swap3A_765 : i32 to index
      %swap3A_767 = arith.constant 96 : index
      %swap3A_768 = tpu.vector_load %arg9[%swap3A_766, %swap3A_767] {strides = array<i32>} : memref<8x128xf32, #tpu.memory_space<vmem>>, vector<1x16xf32>,
      %swap3A_769 = vector.shape_cast %swap3A_768 : vector<1x16xf32> to vector<16xf32>
      %swap3A_770 = vector.shape_cast %mul3A_764 : vector<16xf32> to vector<1x16xf32>
      tpu.vector_store %arg9[%swap3A_766, %swap3A_767], %swap3A_770 {strides = array<i32>} : memref<8x128xf32, #tpu.memory_space<vmem>>, vector<1x16xf32>,
      %mul3A_771 = arith.constant 2.000000e-02 : f32
      %mul3A_772 = vector.broadcast %mul3A_771 : f32 to vector<16xf32>
      %mul3A_773 = arith.mulf %scan3A_706#7, %mul3A_772 : vector<16xf32>
      %swap3A_774 = arith.constant 5 : i32
      %swap3A_775 = arith.index_cast %swap3A_774 : i32 to index
      %swap3A_776 = arith.constant 112 : index
      %swap3A_777 = tpu.vector_load %arg9[%swap3A_775, %swap3A_776] {strides = array<i32>} : memref<8x128xf32, #tpu.memory_space<vmem>>, vector<1x16xf32>,
      %swap3A_778 = vector.shape_cast %swap3A_777 : vector<1x16xf32> to vector<16xf32>
      %swap3A_779 = vector.shape_cast %mul3A_773 : vector<16xf32> to vector<1x16xf32>
      tpu.vector_store %arg9[%swap3A_775, %swap3A_776], %swap3A_779 {strides = array<i32>} : memref<8x128xf32, #tpu.memory_space<vmem>>, vector<1x16xf32>,
      %broadcast_in_dim3A_780 = arith.constant 0.000000e+00 : f32
      %broadcast_in_dim3A_781 = vector.broadcast %broadcast_in_dim3A_780 : f32 to vector<16xf32>
      %broadcast_in_dim3A_782 = arith.constant 0.000000e+00 : f32
      %broadcast_in_dim3A_783 = vector.broadcast %broadcast_in_dim3A_782 : f32 to vector<16xf32>
      %broadcast_in_dim3A_784 = arith.constant 0.000000e+00 : f32
      %broadcast_in_dim3A_785 = vector.broadcast %broadcast_in_dim3A_784 : f32 to vector<16xf32>
      %broadcast_in_dim3A_786 = arith.constant 0.000000e+00 : f32
      %broadcast_in_dim3A_787 = vector.broadcast %broadcast_in_dim3A_786 : f32 to vector<16xf32>
      %broadcast_in_dim3A_788 = arith.constant 0.000000e+00 : f32
      %broadcast_in_dim3A_789 = vector.broadcast %broadcast_in_dim3A_788 : f32 to vector<16xf32>
      %broadcast_in_dim3A_790 = arith.constant 0.000000e+00 : f32
      %broadcast_in_dim3A_791 = vector.broadcast %broadcast_in_dim3A_790 : f32 to vector<16xf32>
      %broadcast_in_dim3A_792 = arith.constant 0.000000e+00 : f32
      %broadcast_in_dim3A_793 = vector.broadcast %broadcast_in_dim3A_792 : f32 to vector<16xf32>
      %broadcast_in_dim3A_794 = arith.constant 0.000000e+00 : f32
      %broadcast_in_dim3A_795 = vector.broadcast %broadcast_in_dim3A_794 : f32 to vector<16xf32>
      %scan3A_796 = arith.constant 0 : i32
      %scan3A_797 = arith.constant 50 : i32
      %scan3A_798 = arith.addi %scan3A_796, %scan3A_797 : i32
      %scan3A_799 = arith.constant 1 : i32
      %scan3A_800:8 = scf.for %scan3A_1847 = %scan3A_796 to %scan3A_798 step %scan3A_799 iter_args(%scan3A_1848 = %broadcast_in_dim3A_781, %scan3A_1849 = %broadcast_in_dim3A_783, %scan3A_1850 = %broadcast_in_dim3A_785, %scan3A_1851 = %broadcast_in_dim3A_787, %scan3A_1852 = %broadcast_in_dim3A_789, %scan3A_1853 = %broadcast_in_dim3A_791, %scan3A_1854 = %broadcast_in_dim3A_793, %scan3A_1855 = %broadcast_in_dim3A_795) -> (vector<16xf32>, vector<16xf32>, vector<16xf32>, vector<16xf32>, vector<16xf32>, vector<16xf32>, vector<16xf32>, vector<16xf32>)  : i32 {
        %add3A_1856 = arith.constant 300 : i32
        %add3A_1857 = arith.addi %add3A_1856, %scan3A_1847 : i32
        %get3A = arith.index_cast %add3A_1857 : i32 to index
        %get3A_1858 = arith.constant 0 : index
        %get3A_1859 = tpu.vector_load %arg7[%get3A, %get3A_1858] {strides = array<i32>} : memref<400x128xf32, #tpu.memory_space<vmem>>, vector<1x16xf32>,
        %get3A_1860 = vector.shape_cast %get3A_1859 : vector<1x16xf32> to vector<16xf32>
        %add3A_1861 = arith.addf %scan3A_1848, %get3A_1860 : vector<16xf32>
        %get3A_1862 = arith.index_cast %add3A_1857 : i32 to index
        %get3A_1863 = arith.constant 16 : index
        %get3A_1864 = tpu.vector_load %arg7[%get3A_1862, %get3A_1863] {strides = array<i32>} : memref<400x128xf32, #tpu.memory_space<vmem>>, vector<1x16xf32>,
        %get3A_1865 = vector.shape_cast %get3A_1864 : vector<1x16xf32> to vector<16xf32>
        %add3A_1866 = arith.addf %scan3A_1849, %get3A_1865 : vector<16xf32>
        %get3A_1867 = arith.index_cast %add3A_1857 : i32 to index
        %get3A_1868 = arith.constant 32 : index
        %get3A_1869 = tpu.vector_load %arg7[%get3A_1867, %get3A_1868] {strides = array<i32>} : memref<400x128xf32, #tpu.memory_space<vmem>>, vector<1x16xf32>,
        %get3A_1870 = vector.shape_cast %get3A_1869 : vector<1x16xf32> to vector<16xf32>
        %add3A_1871 = arith.addf %scan3A_1850, %get3A_1870 : vector<16xf32>
        %get3A_1872 = arith.index_cast %add3A_1857 : i32 to index
        %get3A_1873 = arith.constant 48 : index
        %get3A_1874 = tpu.vector_load %arg7[%get3A_1872, %get3A_1873] {strides = array<i32>} : memref<400x128xf32, #tpu.memory_space<vmem>>, vector<1x16xf32>,
        %get3A_1875 = vector.shape_cast %get3A_1874 : vector<1x16xf32> to vector<16xf32>
        %add3A_1876 = arith.addf %scan3A_1851, %get3A_1875 : vector<16xf32>
        %get3A_1877 = arith.index_cast %add3A_1857 : i32 to index
        %get3A_1878 = arith.constant 64 : index
        %get3A_1879 = tpu.vector_load %arg7[%get3A_1877, %get3A_1878] {strides = array<i32>} : memref<400x128xf32, #tpu.memory_space<vmem>>, vector<1x16xf32>,
        %get3A_1880 = vector.shape_cast %get3A_1879 : vector<1x16xf32> to vector<16xf32>
        %add3A_1881 = arith.addf %scan3A_1852, %get3A_1880 : vector<16xf32>
        %get3A_1882 = arith.index_cast %add3A_1857 : i32 to index
        %get3A_1883 = arith.constant 80 : index
        %get3A_1884 = tpu.vector_load %arg7[%get3A_1882, %get3A_1883] {strides = array<i32>} : memref<400x128xf32, #tpu.memory_space<vmem>>, vector<1x16xf32>,
        %get3A_1885 = vector.shape_cast %get3A_1884 : vector<1x16xf32> to vector<16xf32>
        %add3A_1886 = arith.addf %scan3A_1853, %get3A_1885 : vector<16xf32>
        %get3A_1887 = arith.index_cast %add3A_1857 : i32 to index
        %get3A_1888 = arith.constant 96 : index
        %get3A_1889 = tpu.vector_load %arg7[%get3A_1887, %get3A_1888] {strides = array<i32>} : memref<400x128xf32, #tpu.memory_space<vmem>>, vector<1x16xf32>,
        %get3A_1890 = vector.shape_cast %get3A_1889 : vector<1x16xf32> to vector<16xf32>
        %add3A_1891 = arith.addf %scan3A_1854, %get3A_1890 : vector<16xf32>
        %get3A_1892 = arith.index_cast %add3A_1857 : i32 to index
        %get3A_1893 = arith.constant 112 : index
        %get3A_1894 = tpu.vector_load %arg7[%get3A_1892, %get3A_1893] {strides = array<i32>} : memref<400x128xf32, #tpu.memory_space<vmem>>, vector<1x16xf32>,
        %get3A_1895 = vector.shape_cast %get3A_1894 : vector<1x16xf32> to vector<16xf32>
        %add3A_1896 = arith.addf %scan3A_1855, %get3A_1895 : vector<16xf32>
        scf.yield %add3A_1861, %add3A_1866, %add3A_1871, %add3A_1876, %add3A_1881, %add3A_1886, %add3A_1891, %add3A_1896 : vector<16xf32>, vector<16xf32>, vector<16xf32>, vector<16xf32>, vector<16xf32>, vector<16xf32>, vector<16xf32>, vector<16xf32>
      }
      %scan3A_801 = arith.constant 50 : i32
      %mul3A_802 = arith.constant 2.000000e-02 : f32
      %mul3A_803 = vector.broadcast %mul3A_802 : f32 to vector<16xf32>
      %mul3A_804 = arith.mulf %scan3A_800#0, %mul3A_803 : vector<16xf32>
      %swap3A_805 = arith.constant 6 : i32
      %swap3A_806 = arith.index_cast %swap3A_805 : i32 to index
      %swap3A_807 = arith.constant 0 : index
      %swap3A_808 = tpu.vector_load %arg9[%swap3A_806, %swap3A_807] {strides = array<i32>} : memref<8x128xf32, #tpu.memory_space<vmem>>, vector<1x16xf32>,
      %swap3A_809 = vector.shape_cast %swap3A_808 : vector<1x16xf32> to vector<16xf32>
      %swap3A_810 = vector.shape_cast %mul3A_804 : vector<16xf32> to vector<1x16xf32>
      tpu.vector_store %arg9[%swap3A_806, %swap3A_807], %swap3A_810 {strides = array<i32>} : memref<8x128xf32, #tpu.memory_space<vmem>>, vector<1x16xf32>,
      %mul3A_811 = arith.constant 2.000000e-02 : f32
      %mul3A_812 = vector.broadcast %mul3A_811 : f32 to vector<16xf32>
      %mul3A_813 = arith.mulf %scan3A_800#1, %mul3A_812 : vector<16xf32>
      %swap3A_814 = arith.constant 6 : i32
      %swap3A_815 = arith.index_cast %swap3A_814 : i32 to index
      %swap3A_816 = arith.constant 16 : index
      %swap3A_817 = tpu.vector_load %arg9[%swap3A_815, %swap3A_816] {strides = array<i32>} : memref<8x128xf32, #tpu.memory_space<vmem>>, vector<1x16xf32>,
      %swap3A_818 = vector.shape_cast %swap3A_817 : vector<1x16xf32> to vector<16xf32>
      %swap3A_819 = vector.shape_cast %mul3A_813 : vector<16xf32> to vector<1x16xf32>
      tpu.vector_store %arg9[%swap3A_815, %swap3A_816], %swap3A_819 {strides = array<i32>} : memref<8x128xf32, #tpu.memory_space<vmem>>, vector<1x16xf32>,
      %mul3A_820 = arith.constant 2.000000e-02 : f32
      %mul3A_821 = vector.broadcast %mul3A_820 : f32 to vector<16xf32>
      %mul3A_822 = arith.mulf %scan3A_800#2, %mul3A_821 : vector<16xf32>
      %swap3A_823 = arith.constant 6 : i32
      %swap3A_824 = arith.index_cast %swap3A_823 : i32 to index
      %swap3A_825 = arith.constant 32 : index
      %swap3A_826 = tpu.vector_load %arg9[%swap3A_824, %swap3A_825] {strides = array<i32>} : memref<8x128xf32, #tpu.memory_space<vmem>>, vector<1x16xf32>,
      %swap3A_827 = vector.shape_cast %swap3A_826 : vector<1x16xf32> to vector<16xf32>
      %swap3A_828 = vector.shape_cast %mul3A_822 : vector<16xf32> to vector<1x16xf32>
      tpu.vector_store %arg9[%swap3A_824, %swap3A_825], %swap3A_828 {strides = array<i32>} : memref<8x128xf32, #tpu.memory_space<vmem>>, vector<1x16xf32>,
      %mul3A_829 = arith.constant 2.000000e-02 : f32
      %mul3A_830 = vector.broadcast %mul3A_829 : f32 to vector<16xf32>
      %mul3A_831 = arith.mulf %scan3A_800#3, %mul3A_830 : vector<16xf32>
      %swap3A_832 = arith.constant 6 : i32
      %swap3A_833 = arith.index_cast %swap3A_832 : i32 to index
      %swap3A_834 = arith.constant 48 : index
      %swap3A_835 = tpu.vector_load %arg9[%swap3A_833, %swap3A_834] {strides = array<i32>} : memref<8x128xf32, #tpu.memory_space<vmem>>, vector<1x16xf32>,
      %swap3A_836 = vector.shape_cast %swap3A_835 : vector<1x16xf32> to vector<16xf32>
      %swap3A_837 = vector.shape_cast %mul3A_831 : vector<16xf32> to vector<1x16xf32>
      tpu.vector_store %arg9[%swap3A_833, %swap3A_834], %swap3A_837 {strides = array<i32>} : memref<8x128xf32, #tpu.memory_space<vmem>>, vector<1x16xf32>,
      %mul3A_838 = arith.constant 2.000000e-02 : f32
      %mul3A_839 = vector.broadcast %mul3A_838 : f32 to vector<16xf32>
      %mul3A_840 = arith.mulf %scan3A_800#4, %mul3A_839 : vector<16xf32>
      %swap3A_841 = arith.constant 6 : i32
      %swap3A_842 = arith.index_cast %swap3A_841 : i32 to index
      %swap3A_843 = arith.constant 64 : index
      %swap3A_844 = tpu.vector_load %arg9[%swap3A_842, %swap3A_843] {strides = array<i32>} : memref<8x128xf32, #tpu.memory_space<vmem>>, vector<1x16xf32>,
      %swap3A_845 = vector.shape_cast %swap3A_844 : vector<1x16xf32> to vector<16xf32>
      %swap3A_846 = vector.shape_cast %mul3A_840 : vector<16xf32> to vector<1x16xf32>
      tpu.vector_store %arg9[%swap3A_842, %swap3A_843], %swap3A_846 {strides = array<i32>} : memref<8x128xf32, #tpu.memory_space<vmem>>, vector<1x16xf32>,
      %mul3A_847 = arith.constant 2.000000e-02 : f32
      %mul3A_848 = vector.broadcast %mul3A_847 : f32 to vector<16xf32>
      %mul3A_849 = arith.mulf %scan3A_800#5, %mul3A_848 : vector<16xf32>
      %swap3A_850 = arith.constant 6 : i32
      %swap3A_851 = arith.index_cast %swap3A_850 : i32 to index
      %swap3A_852 = arith.constant 80 : index
      %swap3A_853 = tpu.vector_load %arg9[%swap3A_851, %swap3A_852] {strides = array<i32>} : memref<8x128xf32, #tpu.memory_space<vmem>>, vector<1x16xf32>,
      %swap3A_854 = vector.shape_cast %swap3A_853 : vector<1x16xf32> to vector<16xf32>
      %swap3A_855 = vector.shape_cast %mul3A_849 : vector<16xf32> to vector<1x16xf32>
      tpu.vector_store %arg9[%swap3A_851, %swap3A_852], %swap3A_855 {strides = array<i32>} : memref<8x128xf32, #tpu.memory_space<vmem>>, vector<1x16xf32>,
      %mul3A_856 = arith.constant 2.000000e-02 : f32
      %mul3A_857 = vector.broadcast %mul3A_856 : f32 to vector<16xf32>
      %mul3A_858 = arith.mulf %scan3A_800#6, %mul3A_857 : vector<16xf32>
      %swap3A_859 = arith.constant 6 : i32
      %swap3A_860 = arith.index_cast %swap3A_859 : i32 to index
      %swap3A_861 = arith.constant 96 : index
      %swap3A_862 = tpu.vector_load %arg9[%swap3A_860, %swap3A_861] {strides = array<i32>} : memref<8x128xf32, #tpu.memory_space<vmem>>, vector<1x16xf32>,
      %swap3A_863 = vector.shape_cast %swap3A_862 : vector<1x16xf32> to vector<16xf32>
      %swap3A_864 = vector.shape_cast %mul3A_858 : vector<16xf32> to vector<1x16xf32>
      tpu.vector_store %arg9[%swap3A_860, %swap3A_861], %swap3A_864 {strides = array<i32>} : memref<8x128xf32, #tpu.memory_space<vmem>>, vector<1x16xf32>,
      %mul3A_865 = arith.constant 2.000000e-02 : f32
      %mul3A_866 = vector.broadcast %mul3A_865 : f32 to vector<16xf32>
      %mul3A_867 = arith.mulf %scan3A_800#7, %mul3A_866 : vector<16xf32>
      %swap3A_868 = arith.constant 6 : i32
      %swap3A_869 = arith.index_cast %swap3A_868 : i32 to index
      %swap3A_870 = arith.constant 112 : index
      %swap3A_871 = tpu.vector_load %arg9[%swap3A_869, %swap3A_870] {strides = array<i32>} : memref<8x128xf32, #tpu.memory_space<vmem>>, vector<1x16xf32>,
      %swap3A_872 = vector.shape_cast %swap3A_871 : vector<1x16xf32> to vector<16xf32>
      %swap3A_873 = vector.shape_cast %mul3A_867 : vector<16xf32> to vector<1x16xf32>
      tpu.vector_store %arg9[%swap3A_869, %swap3A_870], %swap3A_873 {strides = array<i32>} : memref<8x128xf32, #tpu.memory_space<vmem>>, vector<1x16xf32>,
      %broadcast_in_dim3A_874 = arith.constant 0.000000e+00 : f32
      %broadcast_in_dim3A_875 = vector.broadcast %broadcast_in_dim3A_874 : f32 to vector<16xf32>
      %broadcast_in_dim3A_876 = arith.constant 0.000000e+00 : f32
      %broadcast_in_dim3A_877 = vector.broadcast %broadcast_in_dim3A_876 : f32 to vector<16xf32>
      %broadcast_in_dim3A_878 = arith.constant 0.000000e+00 : f32
      %broadcast_in_dim3A_879 = vector.broadcast %broadcast_in_dim3A_878 : f32 to vector<16xf32>
      %broadcast_in_dim3A_880 = arith.constant 0.000000e+00 : f32
      %broadcast_in_dim3A_881 = vector.broadcast %broadcast_in_dim3A_880 : f32 to vector<16xf32>
      %broadcast_in_dim3A_882 = arith.constant 0.000000e+00 : f32
      %broadcast_in_dim3A_883 = vector.broadcast %broadcast_in_dim3A_882 : f32 to vector<16xf32>
      %broadcast_in_dim3A_884 = arith.constant 0.000000e+00 : f32
      %broadcast_in_dim3A_885 = vector.broadcast %broadcast_in_dim3A_884 : f32 to vector<16xf32>
      %broadcast_in_dim3A_886 = arith.constant 0.000000e+00 : f32
      %broadcast_in_dim3A_887 = vector.broadcast %broadcast_in_dim3A_886 : f32 to vector<16xf32>
      %broadcast_in_dim3A_888 = arith.constant 0.000000e+00 : f32
      %broadcast_in_dim3A_889 = vector.broadcast %broadcast_in_dim3A_888 : f32 to vector<16xf32>
      %scan3A_890 = arith.constant 0 : i32
      %scan3A_891 = arith.constant 50 : i32
      %scan3A_892 = arith.addi %scan3A_890, %scan3A_891 : i32
      %scan3A_893 = arith.constant 1 : i32
      %scan3A_894:8 = scf.for %scan3A_1847 = %scan3A_890 to %scan3A_892 step %scan3A_893 iter_args(%scan3A_1848 = %broadcast_in_dim3A_875, %scan3A_1849 = %broadcast_in_dim3A_877, %scan3A_1850 = %broadcast_in_dim3A_879, %scan3A_1851 = %broadcast_in_dim3A_881, %scan3A_1852 = %broadcast_in_dim3A_883, %scan3A_1853 = %broadcast_in_dim3A_885, %scan3A_1854 = %broadcast_in_dim3A_887, %scan3A_1855 = %broadcast_in_dim3A_889) -> (vector<16xf32>, vector<16xf32>, vector<16xf32>, vector<16xf32>, vector<16xf32>, vector<16xf32>, vector<16xf32>, vector<16xf32>)  : i32 {
        %add3A_1856 = arith.constant 350 : i32
        %add3A_1857 = arith.addi %add3A_1856, %scan3A_1847 : i32
        %get3A = arith.index_cast %add3A_1857 : i32 to index
        %get3A_1858 = arith.constant 0 : index
        %get3A_1859 = tpu.vector_load %arg7[%get3A, %get3A_1858] {strides = array<i32>} : memref<400x128xf32, #tpu.memory_space<vmem>>, vector<1x16xf32>,
        %get3A_1860 = vector.shape_cast %get3A_1859 : vector<1x16xf32> to vector<16xf32>
        %add3A_1861 = arith.addf %scan3A_1848, %get3A_1860 : vector<16xf32>
        %get3A_1862 = arith.index_cast %add3A_1857 : i32 to index
        %get3A_1863 = arith.constant 16 : index
        %get3A_1864 = tpu.vector_load %arg7[%get3A_1862, %get3A_1863] {strides = array<i32>} : memref<400x128xf32, #tpu.memory_space<vmem>>, vector<1x16xf32>,
        %get3A_1865 = vector.shape_cast %get3A_1864 : vector<1x16xf32> to vector<16xf32>
        %add3A_1866 = arith.addf %scan3A_1849, %get3A_1865 : vector<16xf32>
        %get3A_1867 = arith.index_cast %add3A_1857 : i32 to index
        %get3A_1868 = arith.constant 32 : index
        %get3A_1869 = tpu.vector_load %arg7[%get3A_1867, %get3A_1868] {strides = array<i32>} : memref<400x128xf32, #tpu.memory_space<vmem>>, vector<1x16xf32>,
        %get3A_1870 = vector.shape_cast %get3A_1869 : vector<1x16xf32> to vector<16xf32>
        %add3A_1871 = arith.addf %scan3A_1850, %get3A_1870 : vector<16xf32>
        %get3A_1872 = arith.index_cast %add3A_1857 : i32 to index
        %get3A_1873 = arith.constant 48 : index
        %get3A_1874 = tpu.vector_load %arg7[%get3A_1872, %get3A_1873] {strides = array<i32>} : memref<400x128xf32, #tpu.memory_space<vmem>>, vector<1x16xf32>,
        %get3A_1875 = vector.shape_cast %get3A_1874 : vector<1x16xf32> to vector<16xf32>
        %add3A_1876 = arith.addf %scan3A_1851, %get3A_1875 : vector<16xf32>
        %get3A_1877 = arith.index_cast %add3A_1857 : i32 to index
        %get3A_1878 = arith.constant 64 : index
        %get3A_1879 = tpu.vector_load %arg7[%get3A_1877, %get3A_1878] {strides = array<i32>} : memref<400x128xf32, #tpu.memory_space<vmem>>, vector<1x16xf32>,
        %get3A_1880 = vector.shape_cast %get3A_1879 : vector<1x16xf32> to vector<16xf32>
        %add3A_1881 = arith.addf %scan3A_1852, %get3A_1880 : vector<16xf32>
        %get3A_1882 = arith.index_cast %add3A_1857 : i32 to index
        %get3A_1883 = arith.constant 80 : index
        %get3A_1884 = tpu.vector_load %arg7[%get3A_1882, %get3A_1883] {strides = array<i32>} : memref<400x128xf32, #tpu.memory_space<vmem>>, vector<1x16xf32>,
        %get3A_1885 = vector.shape_cast %get3A_1884 : vector<1x16xf32> to vector<16xf32>
        %add3A_1886 = arith.addf %scan3A_1853, %get3A_1885 : vector<16xf32>
        %get3A_1887 = arith.index_cast %add3A_1857 : i32 to index
        %get3A_1888 = arith.constant 96 : index
        %get3A_1889 = tpu.vector_load %arg7[%get3A_1887, %get3A_1888] {strides = array<i32>} : memref<400x128xf32, #tpu.memory_space<vmem>>, vector<1x16xf32>,
        %get3A_1890 = vector.shape_cast %get3A_1889 : vector<1x16xf32> to vector<16xf32>
        %add3A_1891 = arith.addf %scan3A_1854, %get3A_1890 : vector<16xf32>
        %get3A_1892 = arith.index_cast %add3A_1857 : i32 to index
        %get3A_1893 = arith.constant 112 : index
        %get3A_1894 = tpu.vector_load %arg7[%get3A_1892, %get3A_1893] {strides = array<i32>} : memref<400x128xf32, #tpu.memory_space<vmem>>, vector<1x16xf32>,
        %get3A_1895 = vector.shape_cast %get3A_1894 : vector<1x16xf32> to vector<16xf32>
        %add3A_1896 = arith.addf %scan3A_1855, %get3A_1895 : vector<16xf32>
        scf.yield %add3A_1861, %add3A_1866, %add3A_1871, %add3A_1876, %add3A_1881, %add3A_1886, %add3A_1891, %add3A_1896 : vector<16xf32>, vector<16xf32>, vector<16xf32>, vector<16xf32>, vector<16xf32>, vector<16xf32>, vector<16xf32>, vector<16xf32>
      }
      %scan3A_895 = arith.constant 50 : i32
      %mul3A_896 = arith.constant 2.000000e-02 : f32
      %mul3A_897 = vector.broadcast %mul3A_896 : f32 to vector<16xf32>
      %mul3A_898 = arith.mulf %scan3A_894#0, %mul3A_897 : vector<16xf32>
      %swap3A_899 = arith.constant 7 : i32
      %swap3A_900 = arith.index_cast %swap3A_899 : i32 to index
      %swap3A_901 = arith.constant 0 : index
      %swap3A_902 = tpu.vector_load %arg9[%swap3A_900, %swap3A_901] {strides = array<i32>} : memref<8x128xf32, #tpu.memory_space<vmem>>, vector<1x16xf32>,
      %swap3A_903 = vector.shape_cast %swap3A_902 : vector<1x16xf32> to vector<16xf32>
      %swap3A_904 = vector.shape_cast %mul3A_898 : vector<16xf32> to vector<1x16xf32>
      tpu.vector_store %arg9[%swap3A_900, %swap3A_901], %swap3A_904 {strides = array<i32>} : memref<8x128xf32, #tpu.memory_space<vmem>>, vector<1x16xf32>,
      %mul3A_905 = arith.constant 2.000000e-02 : f32
      %mul3A_906 = vector.broadcast %mul3A_905 : f32 to vector<16xf32>
      %mul3A_907 = arith.mulf %scan3A_894#1, %mul3A_906 : vector<16xf32>
      %swap3A_908 = arith.constant 7 : i32
      %swap3A_909 = arith.index_cast %swap3A_908 : i32 to index
      %swap3A_910 = arith.constant 16 : index
      %swap3A_911 = tpu.vector_load %arg9[%swap3A_909, %swap3A_910] {strides = array<i32>} : memref<8x128xf32, #tpu.memory_space<vmem>>, vector<1x16xf32>,
      %swap3A_912 = vector.shape_cast %swap3A_911 : vector<1x16xf32> to vector<16xf32>
      %swap3A_913 = vector.shape_cast %mul3A_907 : vector<16xf32> to vector<1x16xf32>
      tpu.vector_store %arg9[%swap3A_909, %swap3A_910], %swap3A_913 {strides = array<i32>} : memref<8x128xf32, #tpu.memory_space<vmem>>, vector<1x16xf32>,
      %mul3A_914 = arith.constant 2.000000e-02 : f32
      %mul3A_915 = vector.broadcast %mul3A_914 : f32 to vector<16xf32>
      %mul3A_916 = arith.mulf %scan3A_894#2, %mul3A_915 : vector<16xf32>
      %swap3A_917 = arith.constant 7 : i32
      %swap3A_918 = arith.index_cast %swap3A_917 : i32 to index
      %swap3A_919 = arith.constant 32 : index
      %swap3A_920 = tpu.vector_load %arg9[%swap3A_918, %swap3A_919] {strides = array<i32>} : memref<8x128xf32, #tpu.memory_space<vmem>>, vector<1x16xf32>,
      %swap3A_921 = vector.shape_cast %swap3A_920 : vector<1x16xf32> to vector<16xf32>
      %swap3A_922 = vector.shape_cast %mul3A_916 : vector<16xf32> to vector<1x16xf32>
      tpu.vector_store %arg9[%swap3A_918, %swap3A_919], %swap3A_922 {strides = array<i32>} : memref<8x128xf32, #tpu.memory_space<vmem>>, vector<1x16xf32>,
      %mul3A_923 = arith.constant 2.000000e-02 : f32
      %mul3A_924 = vector.broadcast %mul3A_923 : f32 to vector<16xf32>
      %mul3A_925 = arith.mulf %scan3A_894#3, %mul3A_924 : vector<16xf32>
      %swap3A_926 = arith.constant 7 : i32
      %swap3A_927 = arith.index_cast %swap3A_926 : i32 to index
      %swap3A_928 = arith.constant 48 : index
      %swap3A_929 = tpu.vector_load %arg9[%swap3A_927, %swap3A_928] {strides = array<i32>} : memref<8x128xf32, #tpu.memory_space<vmem>>, vector<1x16xf32>,
      %swap3A_930 = vector.shape_cast %swap3A_929 : vector<1x16xf32> to vector<16xf32>
      %swap3A_931 = vector.shape_cast %mul3A_925 : vector<16xf32> to vector<1x16xf32>
      tpu.vector_store %arg9[%swap3A_927, %swap3A_928], %swap3A_931 {strides = array<i32>} : memref<8x128xf32, #tpu.memory_space<vmem>>, vector<1x16xf32>,
      %mul3A_932 = arith.constant 2.000000e-02 : f32
      %mul3A_933 = vector.broadcast %mul3A_932 : f32 to vector<16xf32>
      %mul3A_934 = arith.mulf %scan3A_894#4, %mul3A_933 : vector<16xf32>
      %swap3A_935 = arith.constant 7 : i32
      %swap3A_936 = arith.index_cast %swap3A_935 : i32 to index
      %swap3A_937 = arith.constant 64 : index
      %swap3A_938 = tpu.vector_load %arg9[%swap3A_936, %swap3A_937] {strides = array<i32>} : memref<8x128xf32, #tpu.memory_space<vmem>>, vector<1x16xf32>,
      %swap3A_939 = vector.shape_cast %swap3A_938 : vector<1x16xf32> to vector<16xf32>
      %swap3A_940 = vector.shape_cast %mul3A_934 : vector<16xf32> to vector<1x16xf32>
      tpu.vector_store %arg9[%swap3A_936, %swap3A_937], %swap3A_940 {strides = array<i32>} : memref<8x128xf32, #tpu.memory_space<vmem>>, vector<1x16xf32>,
      %mul3A_941 = arith.constant 2.000000e-02 : f32
      %mul3A_942 = vector.broadcast %mul3A_941 : f32 to vector<16xf32>
      %mul3A_943 = arith.mulf %scan3A_894#5, %mul3A_942 : vector<16xf32>
      %swap3A_944 = arith.constant 7 : i32
      %swap3A_945 = arith.index_cast %swap3A_944 : i32 to index
      %swap3A_946 = arith.constant 80 : index
      %swap3A_947 = tpu.vector_load %arg9[%swap3A_945, %swap3A_946] {strides = array<i32>} : memref<8x128xf32, #tpu.memory_space<vmem>>, vector<1x16xf32>,
      %swap3A_948 = vector.shape_cast %swap3A_947 : vector<1x16xf32> to vector<16xf32>
      %swap3A_949 = vector.shape_cast %mul3A_943 : vector<16xf32> to vector<1x16xf32>
      tpu.vector_store %arg9[%swap3A_945, %swap3A_946], %swap3A_949 {strides = array<i32>} : memref<8x128xf32, #tpu.memory_space<vmem>>, vector<1x16xf32>,
      %mul3A_950 = arith.constant 2.000000e-02 : f32
      %mul3A_951 = vector.broadcast %mul3A_950 : f32 to vector<16xf32>
      %mul3A_952 = arith.mulf %scan3A_894#6, %mul3A_951 : vector<16xf32>
      %swap3A_953 = arith.constant 7 : i32
      %swap3A_954 = arith.index_cast %swap3A_953 : i32 to index
      %swap3A_955 = arith.constant 96 : index
      %swap3A_956 = tpu.vector_load %arg9[%swap3A_954, %swap3A_955] {strides = array<i32>} : memref<8x128xf32, #tpu.memory_space<vmem>>, vector<1x16xf32>,
      %swap3A_957 = vector.shape_cast %swap3A_956 : vector<1x16xf32> to vector<16xf32>
      %swap3A_958 = vector.shape_cast %mul3A_952 : vector<16xf32> to vector<1x16xf32>
      tpu.vector_store %arg9[%swap3A_954, %swap3A_955], %swap3A_958 {strides = array<i32>} : memref<8x128xf32, #tpu.memory_space<vmem>>, vector<1x16xf32>,
      %mul3A_959 = arith.constant 2.000000e-02 : f32
      %mul3A_960 = vector.broadcast %mul3A_959 : f32 to vector<16xf32>
      %mul3A_961 = arith.mulf %scan3A_894#7, %mul3A_960 : vector<16xf32>
      %swap3A_962 = arith.constant 7 : i32
      %swap3A_963 = arith.index_cast %swap3A_962 : i32 to index
      %swap3A_964 = arith.constant 112 : index
      %swap3A_965 = tpu.vector_load %arg9[%swap3A_963, %swap3A_964] {strides = array<i32>} : memref<8x128xf32, #tpu.memory_space<vmem>>, vector<1x16xf32>,
      %swap3A_966 = vector.shape_cast %swap3A_965 : vector<1x16xf32> to vector<16xf32>
      %swap3A_967 = vector.shape_cast %mul3A_961 : vector<16xf32> to vector<1x16xf32>
      tpu.vector_store %arg9[%swap3A_963, %swap3A_964], %swap3A_967 {strides = array<i32>} : memref<8x128xf32, #tpu.memory_space<vmem>>, vector<1x16xf32>,
      %mul3A_968 = arith.constant 8 : i32
      %mul3A_969 = arith.muli %mul3A_120, %mul3A_968 : i32
      %add3A_970 = arith.addi %mul3A_4, %mul3A_969 : i32
      %dma_start3A_971 = arith.constant 0 : i32
      %dma_start3A_972 = tpu.memref_slice %arg4[%add3A_970, %dma_start3A_971] : memref<16384x128xf32, #tpu.memory_space<hbm>> -> memref<8x128xf32, #tpu.memory_space<hbm>>
      %dma_start3A_973 = arith.constant 0 : i32
      %dma_start3A_974 = tpu.memref_slice %arg4[%add3A_970, %dma_start3A_973] : memref<16384x128xf32, #tpu.memory_space<hbm>> -> memref<8x128xf32, #tpu.memory_space<hbm>>
      tpu.enqueue_dma source(%arg9 : memref<8x128xf32, #tpu.memory_space<vmem>>) target(%dma_start3A_974 : memref<8x128xf32, #tpu.memory_space<hbm>>) target_semaphore(%arg15 : memref<!tpu.dma_semaphore, #tpu.memory_space<semaphore_mem>>)
      %mul3A_975 = arith.constant 400 : i32
      %mul3A_976 = arith.muli %min3A_203, %mul3A_975 : i32
      %add3A_977 = arith.addi %mul3A_2, %mul3A_976 : i32
      %dma_wait3A_978 = tpu.memref_slice %arg2[%add3A_977] : memref<819200xi32, #tpu.memory_space<hbm>> -> memref<400xi32, #tpu.memory_space<hbm>>
      %dma_wait3A_979 = tpu.memref_slice %arg2[%add3A_977] : memref<819200xi32, #tpu.memory_space<hbm>> -> memref<400xi32, #tpu.memory_space<hbm>>
      tpu.wait_dma2 semaphore(%arg13 : memref<!tpu.dma_semaphore, #tpu.memory_space<semaphore_mem>>) src(%dma_wait3A_979 : memref<400xi32, #tpu.memory_space<hbm>>) dst(%arg5 : memref<400xi32, #tpu.memory_space<vmem>>)
      %dma_start3A_980 = arith.constant 0 : i32
      %dma_start3A_981 = arith.constant 0 : i32
      %dma_start3A_982 = tpu.memref_slice %arg7[%dma_start3A_980, %dma_start3A_981] : memref<400x128xf32, #tpu.memory_space<vmem>> -> memref<80x128xf32, #tpu.memory_space<vmem>>
      %dma_start3A_983 = arith.constant 0 : i32
      %dma_start3A_984 = tpu.memref_slice %arg5[%dma_start3A_983] : memref<400xi32, #tpu.memory_space<vmem>> -> memref<80xi32, #tpu.memory_space<vmem>>
      %dma_start3A_985 = arith.constant 0 : i32
      %dma_start3A_986 = arith.constant 0 : i32
      %dma_start3A_987 = tpu.memref_slice %arg3[%dma_start3A_985, %dma_start3A_986] : memref<100000x128xf32, #tpu.memory_space<hbm>> -> memref<100000x128xf32, #tpu.memory_space<hbm>>
      tpu.enqueue_indirect_dma source(%dma_start3A_987 : memref<100000x128xf32, #tpu.memory_space<hbm>>) target(%dma_start3A_982 : memref<80x128xf32, #tpu.memory_space<vmem>>) offsets(%dma_start3A_984 : memref<80xi32, #tpu.memory_space<vmem>>) semaphore(%arg11 : memref<!tpu.dma_semaphore, #tpu.memory_space<semaphore_mem>>)
      %dma_start3A_988 = arith.constant 80 : i32
      %dma_start3A_989 = arith.constant 0 : i32
      %dma_start3A_990 = tpu.memref_slice %arg7[%dma_start3A_988, %dma_start3A_989] : memref<400x128xf32, #tpu.memory_space<vmem>> -> memref<80x128xf32, #tpu.memory_space<vmem>>
      %dma_start3A_991 = arith.constant 80 : i32
      %dma_start3A_992 = tpu.memref_slice %arg5[%dma_start3A_991] : memref<400xi32, #tpu.memory_space<vmem>> -> memref<80xi32, #tpu.memory_space<vmem>>
      %dma_start3A_993 = arith.constant 0 : i32
      %dma_start3A_994 = arith.constant 0 : i32
      %dma_start3A_995 = tpu.memref_slice %arg3[%dma_start3A_993, %dma_start3A_994] : memref<100000x128xf32, #tpu.memory_space<hbm>> -> memref<100000x128xf32, #tpu.memory_space<hbm>>
      tpu.enqueue_indirect_dma source(%dma_start3A_995 : memref<100000x128xf32, #tpu.memory_space<hbm>>) target(%dma_start3A_990 : memref<80x128xf32, #tpu.memory_space<vmem>>) offsets(%dma_start3A_992 : memref<80xi32, #tpu.memory_space<vmem>>) semaphore(%arg11 : memref<!tpu.dma_semaphore, #tpu.memory_space<semaphore_mem>>)
      %dma_start3A_996 = arith.constant 160 : i32
      %dma_start3A_997 = arith.constant 0 : i32
      %dma_start3A_998 = tpu.memref_slice %arg7[%dma_start3A_996, %dma_start3A_997] : memref<400x128xf32, #tpu.memory_space<vmem>> -> memref<80x128xf32, #tpu.memory_space<vmem>>
      %dma_start3A_999 = arith.constant 160 : i32
      %dma_start3A_1000 = tpu.memref_slice %arg5[%dma_start3A_999] : memref<400xi32, #tpu.memory_space<vmem>> -> memref<80xi32, #tpu.memory_space<vmem>>
      %dma_start3A_1001 = arith.constant 0 : i32
      %dma_start3A_1002 = arith.constant 0 : i32
      %dma_start3A_1003 = tpu.memref_slice %arg3[%dma_start3A_1001, %dma_start3A_1002] : memref<100000x128xf32, #tpu.memory_space<hbm>> -> memref<100000x128xf32, #tpu.memory_space<hbm>>
      tpu.enqueue_indirect_dma source(%dma_start3A_1003 : memref<100000x128xf32, #tpu.memory_space<hbm>>) target(%dma_start3A_998 : memref<80x128xf32, #tpu.memory_space<vmem>>) offsets(%dma_start3A_1000 : memref<80xi32, #tpu.memory_space<vmem>>) semaphore(%arg11 : memref<!tpu.dma_semaphore, #tpu.memory_space<semaphore_mem>>)
      %dma_start3A_1004 = arith.constant 240 : i32
      %dma_start3A_1005 = arith.constant 0 : i32
      %dma_start3A_1006 = tpu.memref_slice %arg7[%dma_start3A_1004, %dma_start3A_1005] : memref<400x128xf32, #tpu.memory_space<vmem>> -> memref<80x128xf32, #tpu.memory_space<vmem>>
      %dma_start3A_1007 = arith.constant 240 : i32
      %dma_start3A_1008 = tpu.memref_slice %arg5[%dma_start3A_1007] : memref<400xi32, #tpu.memory_space<vmem>> -> memref<80xi32, #tpu.memory_space<vmem>>
      %dma_start3A_1009 = arith.constant 0 : i32
      %dma_start3A_1010 = arith.constant 0 : i32
      %dma_start3A_1011 = tpu.memref_slice %arg3[%dma_start3A_1009, %dma_start3A_1010] : memref<100000x128xf32, #tpu.memory_space<hbm>> -> memref<100000x128xf32, #tpu.memory_space<hbm>>
      tpu.enqueue_indirect_dma source(%dma_start3A_1011 : memref<100000x128xf32, #tpu.memory_space<hbm>>) target(%dma_start3A_1006 : memref<80x128xf32, #tpu.memory_space<vmem>>) offsets(%dma_start3A_1008 : memref<80xi32, #tpu.memory_space<vmem>>) semaphore(%arg11 : memref<!tpu.dma_semaphore, #tpu.memory_space<semaphore_mem>>)
      %dma_start3A_1012 = arith.constant 320 : i32
      %dma_start3A_1013 = arith.constant 0 : i32
      %dma_start3A_1014 = tpu.memref_slice %arg7[%dma_start3A_1012, %dma_start3A_1013] : memref<400x128xf32, #tpu.memory_space<vmem>> -> memref<80x128xf32, #tpu.memory_space<vmem>>
      %dma_start3A_1015 = arith.constant 320 : i32
      %dma_start3A_1016 = tpu.memref_slice %arg5[%dma_start3A_1015] : memref<400xi32, #tpu.memory_space<vmem>> -> memref<80xi32, #tpu.memory_space<vmem>>
      %dma_start3A_1017 = arith.constant 0 : i32
      %dma_start3A_1018 = arith.constant 0 : i32
      %dma_start3A_1019 = tpu.memref_slice %arg3[%dma_start3A_1017, %dma_start3A_1018] : memref<100000x128xf32, #tpu.memory_space<hbm>> -> memref<100000x128xf32, #tpu.memory_space<hbm>>
      tpu.enqueue_indirect_dma source(%dma_start3A_1019 : memref<100000x128xf32, #tpu.memory_space<hbm>>) target(%dma_start3A_1014 : memref<80x128xf32, #tpu.memory_space<vmem>>) offsets(%dma_start3A_1016 : memref<80xi32, #tpu.memory_space<vmem>>) semaphore(%arg11 : memref<!tpu.dma_semaphore, #tpu.memory_space<semaphore_mem>>)
      %dma_wait3A_1020 = arith.constant 0 : i32
      %dma_wait3A_1021 = arith.constant 0 : i32
      %dma_wait3A_1022 = tpu.memref_slice %arg8[%dma_wait3A_1020, %dma_wait3A_1021] : memref<400x128xf32, #tpu.memory_space<vmem>> -> memref<80x128xf32, #tpu.memory_space<vmem>>
      %dma_wait3A_1023 = arith.constant 0 : i32
      %dma_wait3A_1024 = tpu.memref_slice %arg6[%dma_wait3A_1023] : memref<400xi32, #tpu.memory_space<vmem>> -> memref<80xi32, #tpu.memory_space<vmem>>
      %dma_wait3A_1025 = arith.constant 0 : i32
      %dma_wait3A_1026 = arith.constant 0 : i32
      %dma_wait3A_1027 = tpu.memref_slice %arg3[%dma_wait3A_1025, %dma_wait3A_1026] : memref<100000x128xf32, #tpu.memory_space<hbm>> -> memref<100000x128xf32, #tpu.memory_space<hbm>>
      tpu.wait_indirect_dma semaphore(%arg12 : memref<!tpu.dma_semaphore, #tpu.memory_space<semaphore_mem>>) src(%dma_wait3A_1027 : memref<100000x128xf32, #tpu.memory_space<hbm>>) dst(%dma_wait3A_1022 : memref<80x128xf32, #tpu.memory_space<vmem>>)
      %dma_wait3A_1028 = arith.constant 80 : i32
      %dma_wait3A_1029 = arith.constant 0 : i32
      %dma_wait3A_1030 = tpu.memref_slice %arg8[%dma_wait3A_1028, %dma_wait3A_1029] : memref<400x128xf32, #tpu.memory_space<vmem>> -> memref<80x128xf32, #tpu.memory_space<vmem>>
      %dma_wait3A_1031 = arith.constant 80 : i32
      %dma_wait3A_1032 = tpu.memref_slice %arg6[%dma_wait3A_1031] : memref<400xi32, #tpu.memory_space<vmem>> -> memref<80xi32, #tpu.memory_space<vmem>>
      %dma_wait3A_1033 = arith.constant 0 : i32
      %dma_wait3A_1034 = arith.constant 0 : i32
      %dma_wait3A_1035 = tpu.memref_slice %arg3[%dma_wait3A_1033, %dma_wait3A_1034] : memref<100000x128xf32, #tpu.memory_space<hbm>> -> memref<100000x128xf32, #tpu.memory_space<hbm>>
      tpu.wait_indirect_dma semaphore(%arg12 : memref<!tpu.dma_semaphore, #tpu.memory_space<semaphore_mem>>) src(%dma_wait3A_1035 : memref<100000x128xf32, #tpu.memory_space<hbm>>) dst(%dma_wait3A_1030 : memref<80x128xf32, #tpu.memory_space<vmem>>)
      %dma_wait3A_1036 = arith.constant 160 : i32
      %dma_wait3A_1037 = arith.constant 0 : i32
      %dma_wait3A_1038 = tpu.memref_slice %arg8[%dma_wait3A_1036, %dma_wait3A_1037] : memref<400x128xf32, #tpu.memory_space<vmem>> -> memref<80x128xf32, #tpu.memory_space<vmem>>
      %dma_wait3A_1039 = arith.constant 160 : i32
      %dma_wait3A_1040 = tpu.memref_slice %arg6[%dma_wait3A_1039] : memref<400xi32, #tpu.memory_space<vmem>> -> memref<80xi32, #tpu.memory_space<vmem>>
      %dma_wait3A_1041 = arith.constant 0 : i32
      %dma_wait3A_1042 = arith.constant 0 : i32
      %dma_wait3A_1043 = tpu.memref_slice %arg3[%dma_wait3A_1041, %dma_wait3A_1042] : memref<100000x128xf32, #tpu.memory_space<hbm>> -> memref<100000x128xf32, #tpu.memory_space<hbm>>
      tpu.wait_indirect_dma semaphore(%arg12 : memref<!tpu.dma_semaphore, #tpu.memory_space<semaphore_mem>>) src(%dma_wait3A_1043 : memref<100000x128xf32, #tpu.memory_space<hbm>>) dst(%dma_wait3A_1038 : memref<80x128xf32, #tpu.memory_space<vmem>>)
      %dma_wait3A_1044 = arith.constant 240 : i32
      %dma_wait3A_1045 = arith.constant 0 : i32
      %dma_wait3A_1046 = tpu.memref_slice %arg8[%dma_wait3A_1044, %dma_wait3A_1045] : memref<400x128xf32, #tpu.memory_space<vmem>> -> memref<80x128xf32, #tpu.memory_space<vmem>>
      %dma_wait3A_1047 = arith.constant 240 : i32
      %dma_wait3A_1048 = tpu.memref_slice %arg6[%dma_wait3A_1047] : memref<400xi32, #tpu.memory_space<vmem>> -> memref<80xi32, #tpu.memory_space<vmem>>
      %dma_wait3A_1049 = arith.constant 0 : i32
      %dma_wait3A_1050 = arith.constant 0 : i32
      %dma_wait3A_1051 = tpu.memref_slice %arg3[%dma_wait3A_1049, %dma_wait3A_1050] : memref<100000x128xf32, #tpu.memory_space<hbm>> -> memref<100000x128xf32, #tpu.memory_space<hbm>>
      tpu.wait_indirect_dma semaphore(%arg12 : memref<!tpu.dma_semaphore, #tpu.memory_space<semaphore_mem>>) src(%dma_wait3A_1051 : memref<100000x128xf32, #tpu.memory_space<hbm>>) dst(%dma_wait3A_1046 : memref<80x128xf32, #tpu.memory_space<vmem>>)
      %dma_wait3A_1052 = arith.constant 320 : i32
      %dma_wait3A_1053 = arith.constant 0 : i32
      %dma_wait3A_1054 = tpu.memref_slice %arg8[%dma_wait3A_1052, %dma_wait3A_1053] : memref<400x128xf32, #tpu.memory_space<vmem>> -> memref<80x128xf32, #tpu.memory_space<vmem>>
      %dma_wait3A_1055 = arith.constant 320 : i32
      %dma_wait3A_1056 = tpu.memref_slice %arg6[%dma_wait3A_1055] : memref<400xi32, #tpu.memory_space<vmem>> -> memref<80xi32, #tpu.memory_space<vmem>>
      %dma_wait3A_1057 = arith.constant 0 : i32
      %dma_wait3A_1058 = arith.constant 0 : i32
      %dma_wait3A_1059 = tpu.memref_slice %arg3[%dma_wait3A_1057, %dma_wait3A_1058] : memref<100000x128xf32, #tpu.memory_space<hbm>> -> memref<100000x128xf32, #tpu.memory_space<hbm>>
      tpu.wait_indirect_dma semaphore(%arg12 : memref<!tpu.dma_semaphore, #tpu.memory_space<semaphore_mem>>) src(%dma_wait3A_1059 : memref<100000x128xf32, #tpu.memory_space<hbm>>) dst(%dma_wait3A_1054 : memref<80x128xf32, #tpu.memory_space<vmem>>)
      %add3A_1060 = arith.constant 3 : i32
      %add3A_1061 = arith.addi %mul3A_120, %add3A_1060 : i32
      %min3A_1062 = arith.constant 63 : i32
      %min3A_1063 = arith.minsi %add3A_1061, %min3A_1062 : i32
      %mul3A_1064 = arith.constant 400 : i32
      %mul3A_1065 = arith.muli %min3A_1063, %mul3A_1064 : i32
      %add3A_1066 = arith.addi %mul3A_2, %mul3A_1065 : i32
      %dma_start3A_1067 = tpu.memref_slice %arg2[%add3A_1066] : memref<819200xi32, #tpu.memory_space<hbm>> -> memref<400xi32, #tpu.memory_space<hbm>>
      %dma_start3A_1068 = tpu.memref_slice %arg2[%add3A_1066] : memref<819200xi32, #tpu.memory_space<hbm>> -> memref<400xi32, #tpu.memory_space<hbm>>
      tpu.enqueue_dma source(%dma_start3A_1068 : memref<400xi32, #tpu.memory_space<hbm>>) target(%arg6 : memref<400xi32, #tpu.memory_space<vmem>>) target_semaphore(%arg14 : memref<!tpu.dma_semaphore, #tpu.memory_space<semaphore_mem>>)
      %sub3A_1069 = arith.constant 1 : i32
      %sub3A_1070 = arith.subi %mul3A_120, %sub3A_1069 : i32
      %max3A_1071 = arith.constant 1 : i32
      %max3A_1072 = arith.maxsi %sub3A_1070, %max3A_1071 : i32
      %mul3A_1073 = arith.constant 8 : i32
      %mul3A_1074 = arith.muli %max3A_1072, %mul3A_1073 : i32
      %add3A_1075 = arith.addi %mul3A_4, %mul3A_1074 : i32
      %dma_wait3A_1076 = arith.constant 0 : i32
      %dma_wait3A_1077 = tpu.memref_slice %arg4[%add3A_1075, %dma_wait3A_1076] : memref<16384x128xf32, #tpu.memory_space<hbm>> -> memref<8x128xf32, #tpu.memory_space<hbm>>
      %dma_wait3A_1078 = arith.constant 0 : i32
      %dma_wait3A_1079 = tpu.memref_slice %arg4[%add3A_1075, %dma_wait3A_1078] : memref<16384x128xf32, #tpu.memory_space<hbm>> -> memref<8x128xf32, #tpu.memory_space<hbm>>
      tpu.wait_dma2 semaphore(%arg16 : memref<!tpu.dma_semaphore, #tpu.memory_space<semaphore_mem>>) src(%arg10 : memref<8x128xf32, #tpu.memory_space<vmem>>) dst(%dma_wait3A_1079 : memref<8x128xf32, #tpu.memory_space<hbm>>)
      %broadcast_in_dim3A_1080 = arith.constant 0.000000e+00 : f32
      %broadcast_in_dim3A_1081 = vector.broadcast %broadcast_in_dim3A_1080 : f32 to vector<16xf32>
      %broadcast_in_dim3A_1082 = arith.constant 0.000000e+00 : f32
      %broadcast_in_dim3A_1083 = vector.broadcast %broadcast_in_dim3A_1082 : f32 to vector<16xf32>
      %broadcast_in_dim3A_1084 = arith.constant 0.000000e+00 : f32
      %broadcast_in_dim3A_1085 = vector.broadcast %broadcast_in_dim3A_1084 : f32 to vector<16xf32>
      %broadcast_in_dim3A_1086 = arith.constant 0.000000e+00 : f32
      %broadcast_in_dim3A_1087 = vector.broadcast %broadcast_in_dim3A_1086 : f32 to vector<16xf32>
      %broadcast_in_dim3A_1088 = arith.constant 0.000000e+00 : f32
      %broadcast_in_dim3A_1089 = vector.broadcast %broadcast_in_dim3A_1088 : f32 to vector<16xf32>
      %broadcast_in_dim3A_1090 = arith.constant 0.000000e+00 : f32
      %broadcast_in_dim3A_1091 = vector.broadcast %broadcast_in_dim3A_1090 : f32 to vector<16xf32>
      %broadcast_in_dim3A_1092 = arith.constant 0.000000e+00 : f32
      %broadcast_in_dim3A_1093 = vector.broadcast %broadcast_in_dim3A_1092 : f32 to vector<16xf32>
      %broadcast_in_dim3A_1094 = arith.constant 0.000000e+00 : f32
      %broadcast_in_dim3A_1095 = vector.broadcast %broadcast_in_dim3A_1094 : f32 to vector<16xf32>
      %scan3A_1096 = arith.constant 0 : i32
      %scan3A_1097 = arith.constant 50 : i32
      %scan3A_1098 = arith.addi %scan3A_1096, %scan3A_1097 : i32
      %scan3A_1099 = arith.constant 1 : i32
      %scan3A_1100:8 = scf.for %scan3A_1847 = %scan3A_1096 to %scan3A_1098 step %scan3A_1099 iter_args(%scan3A_1848 = %broadcast_in_dim3A_1081, %scan3A_1849 = %broadcast_in_dim3A_1083, %scan3A_1850 = %broadcast_in_dim3A_1085, %scan3A_1851 = %broadcast_in_dim3A_1087, %scan3A_1852 = %broadcast_in_dim3A_1089, %scan3A_1853 = %broadcast_in_dim3A_1091, %scan3A_1854 = %broadcast_in_dim3A_1093, %scan3A_1855 = %broadcast_in_dim3A_1095) -> (vector<16xf32>, vector<16xf32>, vector<16xf32>, vector<16xf32>, vector<16xf32>, vector<16xf32>, vector<16xf32>, vector<16xf32>)  : i32 {
        %add3A_1856 = arith.constant 0 : i32
        %add3A_1857 = arith.addi %add3A_1856, %scan3A_1847 : i32
        %get3A = arith.index_cast %add3A_1857 : i32 to index
        %get3A_1858 = arith.constant 0 : index
        %get3A_1859 = tpu.vector_load %arg8[%get3A, %get3A_1858] {strides = array<i32>} : memref<400x128xf32, #tpu.memory_space<vmem>>, vector<1x16xf32>,
        %get3A_1860 = vector.shape_cast %get3A_1859 : vector<1x16xf32> to vector<16xf32>
        %add3A_1861 = arith.addf %scan3A_1848, %get3A_1860 : vector<16xf32>
        %get3A_1862 = arith.index_cast %add3A_1857 : i32 to index
        %get3A_1863 = arith.constant 16 : index
        %get3A_1864 = tpu.vector_load %arg8[%get3A_1862, %get3A_1863] {strides = array<i32>} : memref<400x128xf32, #tpu.memory_space<vmem>>, vector<1x16xf32>,
        %get3A_1865 = vector.shape_cast %get3A_1864 : vector<1x16xf32> to vector<16xf32>
        %add3A_1866 = arith.addf %scan3A_1849, %get3A_1865 : vector<16xf32>
        %get3A_1867 = arith.index_cast %add3A_1857 : i32 to index
        %get3A_1868 = arith.constant 32 : index
        %get3A_1869 = tpu.vector_load %arg8[%get3A_1867, %get3A_1868] {strides = array<i32>} : memref<400x128xf32, #tpu.memory_space<vmem>>, vector<1x16xf32>,
        %get3A_1870 = vector.shape_cast %get3A_1869 : vector<1x16xf32> to vector<16xf32>
        %add3A_1871 = arith.addf %scan3A_1850, %get3A_1870 : vector<16xf32>
        %get3A_1872 = arith.index_cast %add3A_1857 : i32 to index
        %get3A_1873 = arith.constant 48 : index
        %get3A_1874 = tpu.vector_load %arg8[%get3A_1872, %get3A_1873] {strides = array<i32>} : memref<400x128xf32, #tpu.memory_space<vmem>>, vector<1x16xf32>,
        %get3A_1875 = vector.shape_cast %get3A_1874 : vector<1x16xf32> to vector<16xf32>
        %add3A_1876 = arith.addf %scan3A_1851, %get3A_1875 : vector<16xf32>
        %get3A_1877 = arith.index_cast %add3A_1857 : i32 to index
        %get3A_1878 = arith.constant 64 : index
        %get3A_1879 = tpu.vector_load %arg8[%get3A_1877, %get3A_1878] {strides = array<i32>} : memref<400x128xf32, #tpu.memory_space<vmem>>, vector<1x16xf32>,
        %get3A_1880 = vector.shape_cast %get3A_1879 : vector<1x16xf32> to vector<16xf32>
        %add3A_1881 = arith.addf %scan3A_1852, %get3A_1880 : vector<16xf32>
        %get3A_1882 = arith.index_cast %add3A_1857 : i32 to index
        %get3A_1883 = arith.constant 80 : index
        %get3A_1884 = tpu.vector_load %arg8[%get3A_1882, %get3A_1883] {strides = array<i32>} : memref<400x128xf32, #tpu.memory_space<vmem>>, vector<1x16xf32>,
        %get3A_1885 = vector.shape_cast %get3A_1884 : vector<1x16xf32> to vector<16xf32>
        %add3A_1886 = arith.addf %scan3A_1853, %get3A_1885 : vector<16xf32>
        %get3A_1887 = arith.index_cast %add3A_1857 : i32 to index
        %get3A_1888 = arith.constant 96 : index
        %get3A_1889 = tpu.vector_load %arg8[%get3A_1887, %get3A_1888] {strides = array<i32>} : memref<400x128xf32, #tpu.memory_space<vmem>>, vector<1x16xf32>,
        %get3A_1890 = vector.shape_cast %get3A_1889 : vector<1x16xf32> to vector<16xf32>
        %add3A_1891 = arith.addf %scan3A_1854, %get3A_1890 : vector<16xf32>
        %get3A_1892 = arith.index_cast %add3A_1857 : i32 to index
        %get3A_1893 = arith.constant 112 : index
        %get3A_1894 = tpu.vector_load %arg8[%get3A_1892, %get3A_1893] {strides = array<i32>} : memref<400x128xf32, #tpu.memory_space<vmem>>, vector<1x16xf32>,
        %get3A_1895 = vector.shape_cast %get3A_1894 : vector<1x16xf32> to vector<16xf32>
        %add3A_1896 = arith.addf %scan3A_1855, %get3A_1895 : vector<16xf32>
        scf.yield %add3A_1861, %add3A_1866, %add3A_1871, %add3A_1876, %add3A_1881, %add3A_1886, %add3A_1891, %add3A_1896 : vector<16xf32>, vector<16xf32>, vector<16xf32>, vector<16xf32>, vector<16xf32>, vector<16xf32>, vector<16xf32>, vector<16xf32>
      }
      %scan3A_1101 = arith.constant 50 : i32
      %mul3A_1102 = arith.constant 2.000000e-02 : f32
      %mul3A_1103 = vector.broadcast %mul3A_1102 : f32 to vector<16xf32>
      %mul3A_1104 = arith.mulf %scan3A_1100#0, %mul3A_1103 : vector<16xf32>
      %swap3A_1105 = arith.constant 0 : i32
      %swap3A_1106 = arith.index_cast %swap3A_1105 : i32 to index
      %swap3A_1107 = arith.constant 0 : index
      %swap3A_1108 = tpu.vector_load %arg10[%swap3A_1106, %swap3A_1107] {strides = array<i32>} : memref<8x128xf32, #tpu.memory_space<vmem>>, vector<1x16xf32>,
      %swap3A_1109 = vector.shape_cast %swap3A_1108 : vector<1x16xf32> to vector<16xf32>
      %swap3A_1110 = vector.shape_cast %mul3A_1104 : vector<16xf32> to vector<1x16xf32>
      tpu.vector_store %arg10[%swap3A_1106, %swap3A_1107], %swap3A_1110 {strides = array<i32>} : memref<8x128xf32, #tpu.memory_space<vmem>>, vector<1x16xf32>,
      %mul3A_1111 = arith.constant 2.000000e-02 : f32
      %mul3A_1112 = vector.broadcast %mul3A_1111 : f32 to vector<16xf32>
      %mul3A_1113 = arith.mulf %scan3A_1100#1, %mul3A_1112 : vector<16xf32>
      %swap3A_1114 = arith.constant 0 : i32
      %swap3A_1115 = arith.index_cast %swap3A_1114 : i32 to index
      %swap3A_1116 = arith.constant 16 : index
      %swap3A_1117 = tpu.vector_load %arg10[%swap3A_1115, %swap3A_1116] {strides = array<i32>} : memref<8x128xf32, #tpu.memory_space<vmem>>, vector<1x16xf32>,
      %swap3A_1118 = vector.shape_cast %swap3A_1117 : vector<1x16xf32> to vector<16xf32>
      %swap3A_1119 = vector.shape_cast %mul3A_1113 : vector<16xf32> to vector<1x16xf32>
      tpu.vector_store %arg10[%swap3A_1115, %swap3A_1116], %swap3A_1119 {strides = array<i32>} : memref<8x128xf32, #tpu.memory_space<vmem>>, vector<1x16xf32>,
      %mul3A_1120 = arith.constant 2.000000e-02 : f32
      %mul3A_1121 = vector.broadcast %mul3A_1120 : f32 to vector<16xf32>
      %mul3A_1122 = arith.mulf %scan3A_1100#2, %mul3A_1121 : vector<16xf32>
      %swap3A_1123 = arith.constant 0 : i32
      %swap3A_1124 = arith.index_cast %swap3A_1123 : i32 to index
      %swap3A_1125 = arith.constant 32 : index
      %swap3A_1126 = tpu.vector_load %arg10[%swap3A_1124, %swap3A_1125] {strides = array<i32>} : memref<8x128xf32, #tpu.memory_space<vmem>>, vector<1x16xf32>,
      %swap3A_1127 = vector.shape_cast %swap3A_1126 : vector<1x16xf32> to vector<16xf32>
      %swap3A_1128 = vector.shape_cast %mul3A_1122 : vector<16xf32> to vector<1x16xf32>
      tpu.vector_store %arg10[%swap3A_1124, %swap3A_1125], %swap3A_1128 {strides = array<i32>} : memref<8x128xf32, #tpu.memory_space<vmem>>, vector<1x16xf32>,
      %mul3A_1129 = arith.constant 2.000000e-02 : f32
      %mul3A_1130 = vector.broadcast %mul3A_1129 : f32 to vector<16xf32>
      %mul3A_1131 = arith.mulf %scan3A_1100#3, %mul3A_1130 : vector<16xf32>
      %swap3A_1132 = arith.constant 0 : i32
      %swap3A_1133 = arith.index_cast %swap3A_1132 : i32 to index
      %swap3A_1134 = arith.constant 48 : index
      %swap3A_1135 = tpu.vector_load %arg10[%swap3A_1133, %swap3A_1134] {strides = array<i32>} : memref<8x128xf32, #tpu.memory_space<vmem>>, vector<1x16xf32>,
      %swap3A_1136 = vector.shape_cast %swap3A_1135 : vector<1x16xf32> to vector<16xf32>
      %swap3A_1137 = vector.shape_cast %mul3A_1131 : vector<16xf32> to vector<1x16xf32>
      tpu.vector_store %arg10[%swap3A_1133, %swap3A_1134], %swap3A_1137 {strides = array<i32>} : memref<8x128xf32, #tpu.memory_space<vmem>>, vector<1x16xf32>,
      %mul3A_1138 = arith.constant 2.000000e-02 : f32
      %mul3A_1139 = vector.broadcast %mul3A_1138 : f32 to vector<16xf32>
      %mul3A_1140 = arith.mulf %scan3A_1100#4, %mul3A_1139 : vector<16xf32>
      %swap3A_1141 = arith.constant 0 : i32
      %swap3A_1142 = arith.index_cast %swap3A_1141 : i32 to index
      %swap3A_1143 = arith.constant 64 : index
      %swap3A_1144 = tpu.vector_load %arg10[%swap3A_1142, %swap3A_1143] {strides = array<i32>} : memref<8x128xf32, #tpu.memory_space<vmem>>, vector<1x16xf32>,
      %swap3A_1145 = vector.shape_cast %swap3A_1144 : vector<1x16xf32> to vector<16xf32>
      %swap3A_1146 = vector.shape_cast %mul3A_1140 : vector<16xf32> to vector<1x16xf32>
      tpu.vector_store %arg10[%swap3A_1142, %swap3A_1143], %swap3A_1146 {strides = array<i32>} : memref<8x128xf32, #tpu.memory_space<vmem>>, vector<1x16xf32>,
      %mul3A_1147 = arith.constant 2.000000e-02 : f32
      %mul3A_1148 = vector.broadcast %mul3A_1147 : f32 to vector<16xf32>
      %mul3A_1149 = arith.mulf %scan3A_1100#5, %mul3A_1148 : vector<16xf32>
      %swap3A_1150 = arith.constant 0 : i32
      %swap3A_1151 = arith.index_cast %swap3A_1150 : i32 to index
      %swap3A_1152 = arith.constant 80 : index
      %swap3A_1153 = tpu.vector_load %arg10[%swap3A_1151, %swap3A_1152] {strides = array<i32>} : memref<8x128xf32, #tpu.memory_space<vmem>>, vector<1x16xf32>,
      %swap3A_1154 = vector.shape_cast %swap3A_1153 : vector<1x16xf32> to vector<16xf32>
      %swap3A_1155 = vector.shape_cast %mul3A_1149 : vector<16xf32> to vector<1x16xf32>
      tpu.vector_store %arg10[%swap3A_1151, %swap3A_1152], %swap3A_1155 {strides = array<i32>} : memref<8x128xf32, #tpu.memory_space<vmem>>, vector<1x16xf32>,
      %mul3A_1156 = arith.constant 2.000000e-02 : f32
      %mul3A_1157 = vector.broadcast %mul3A_1156 : f32 to vector<16xf32>
      %mul3A_1158 = arith.mulf %scan3A_1100#6, %mul3A_1157 : vector<16xf32>
      %swap3A_1159 = arith.constant 0 : i32
      %swap3A_1160 = arith.index_cast %swap3A_1159 : i32 to index
      %swap3A_1161 = arith.constant 96 : index
      %swap3A_1162 = tpu.vector_load %arg10[%swap3A_1160, %swap3A_1161] {strides = array<i32>} : memref<8x128xf32, #tpu.memory_space<vmem>>, vector<1x16xf32>,
      %swap3A_1163 = vector.shape_cast %swap3A_1162 : vector<1x16xf32> to vector<16xf32>
      %swap3A_1164 = vector.shape_cast %mul3A_1158 : vector<16xf32> to vector<1x16xf32>
      tpu.vector_store %arg10[%swap3A_1160, %swap3A_1161], %swap3A_1164 {strides = array<i32>} : memref<8x128xf32, #tpu.memory_space<vmem>>, vector<1x16xf32>,
      %mul3A_1165 = arith.constant 2.000000e-02 : f32
      %mul3A_1166 = vector.broadcast %mul3A_1165 : f32 to vector<16xf32>
      %mul3A_1167 = arith.mulf %scan3A_1100#7, %mul3A_1166 : vector<16xf32>
      %swap3A_1168 = arith.constant 0 : i32
      %swap3A_1169 = arith.index_cast %swap3A_1168 : i32 to index
      %swap3A_1170 = arith.constant 112 : index
      %swap3A_1171 = tpu.vector_load %arg10[%swap3A_1169, %swap3A_1170] {strides = array<i32>} : memref<8x128xf32, #tpu.memory_space<vmem>>, vector<1x16xf32>,
      %swap3A_1172 = vector.shape_cast %swap3A_1171 : vector<1x16xf32> to vector<16xf32>
      %swap3A_1173 = vector.shape_cast %mul3A_1167 : vector<16xf32> to vector<1x16xf32>
      tpu.vector_store %arg10[%swap3A_1169, %swap3A_1170], %swap3A_1173 {strides = array<i32>} : memref<8x128xf32, #tpu.memory_space<vmem>>, vector<1x16xf32>,
      %broadcast_in_dim3A_1174 = arith.constant 0.000000e+00 : f32
      %broadcast_in_dim3A_1175 = vector.broadcast %broadcast_in_dim3A_1174 : f32 to vector<16xf32>
      %broadcast_in_dim3A_1176 = arith.constant 0.000000e+00 : f32
      %broadcast_in_dim3A_1177 = vector.broadcast %broadcast_in_dim3A_1176 : f32 to vector<16xf32>
      %broadcast_in_dim3A_1178 = arith.constant 0.000000e+00 : f32
      %broadcast_in_dim3A_1179 = vector.broadcast %broadcast_in_dim3A_1178 : f32 to vector<16xf32>
      %broadcast_in_dim3A_1180 = arith.constant 0.000000e+00 : f32
      %broadcast_in_dim3A_1181 = vector.broadcast %broadcast_in_dim3A_1180 : f32 to vector<16xf32>
      %broadcast_in_dim3A_1182 = arith.constant 0.000000e+00 : f32
      %broadcast_in_dim3A_1183 = vector.broadcast %broadcast_in_dim3A_1182 : f32 to vector<16xf32>
      %broadcast_in_dim3A_1184 = arith.constant 0.000000e+00 : f32
      %broadcast_in_dim3A_1185 = vector.broadcast %broadcast_in_dim3A_1184 : f32 to vector<16xf32>
      %broadcast_in_dim3A_1186 = arith.constant 0.000000e+00 : f32
      %broadcast_in_dim3A_1187 = vector.broadcast %broadcast_in_dim3A_1186 : f32 to vector<16xf32>
      %broadcast_in_dim3A_1188 = arith.constant 0.000000e+00 : f32
      %broadcast_in_dim3A_1189 = vector.broadcast %broadcast_in_dim3A_1188 : f32 to vector<16xf32>
      %scan3A_1190 = arith.constant 0 : i32
      %scan3A_1191 = arith.constant 50 : i32
      %scan3A_1192 = arith.addi %scan3A_1190, %scan3A_1191 : i32
      %scan3A_1193 = arith.constant 1 : i32
      %scan3A_1194:8 = scf.for %scan3A_1847 = %scan3A_1190 to %scan3A_1192 step %scan3A_1193 iter_args(%scan3A_1848 = %broadcast_in_dim3A_1175, %scan3A_1849 = %broadcast_in_dim3A_1177, %scan3A_1850 = %broadcast_in_dim3A_1179, %scan3A_1851 = %broadcast_in_dim3A_1181, %scan3A_1852 = %broadcast_in_dim3A_1183, %scan3A_1853 = %broadcast_in_dim3A_1185, %scan3A_1854 = %broadcast_in_dim3A_1187, %scan3A_1855 = %broadcast_in_dim3A_1189) -> (vector<16xf32>, vector<16xf32>, vector<16xf32>, vector<16xf32>, vector<16xf32>, vector<16xf32>, vector<16xf32>, vector<16xf32>)  : i32 {
        %add3A_1856 = arith.constant 50 : i32
        %add3A_1857 = arith.addi %add3A_1856, %scan3A_1847 : i32
        %get3A = arith.index_cast %add3A_1857 : i32 to index
        %get3A_1858 = arith.constant 0 : index
        %get3A_1859 = tpu.vector_load %arg8[%get3A, %get3A_1858] {strides = array<i32>} : memref<400x128xf32, #tpu.memory_space<vmem>>, vector<1x16xf32>,
        %get3A_1860 = vector.shape_cast %get3A_1859 : vector<1x16xf32> to vector<16xf32>
        %add3A_1861 = arith.addf %scan3A_1848, %get3A_1860 : vector<16xf32>
        %get3A_1862 = arith.index_cast %add3A_1857 : i32 to index
        %get3A_1863 = arith.constant 16 : index
        %get3A_1864 = tpu.vector_load %arg8[%get3A_1862, %get3A_1863] {strides = array<i32>} : memref<400x128xf32, #tpu.memory_space<vmem>>, vector<1x16xf32>,
        %get3A_1865 = vector.shape_cast %get3A_1864 : vector<1x16xf32> to vector<16xf32>
        %add3A_1866 = arith.addf %scan3A_1849, %get3A_1865 : vector<16xf32>
        %get3A_1867 = arith.index_cast %add3A_1857 : i32 to index
        %get3A_1868 = arith.constant 32 : index
        %get3A_1869 = tpu.vector_load %arg8[%get3A_1867, %get3A_1868] {strides = array<i32>} : memref<400x128xf32, #tpu.memory_space<vmem>>, vector<1x16xf32>,
        %get3A_1870 = vector.shape_cast %get3A_1869 : vector<1x16xf32> to vector<16xf32>
        %add3A_1871 = arith.addf %scan3A_1850, %get3A_1870 : vector<16xf32>
        %get3A_1872 = arith.index_cast %add3A_1857 : i32 to index
        %get3A_1873 = arith.constant 48 : index
        %get3A_1874 = tpu.vector_load %arg8[%get3A_1872, %get3A_1873] {strides = array<i32>} : memref<400x128xf32, #tpu.memory_space<vmem>>, vector<1x16xf32>,
        %get3A_1875 = vector.shape_cast %get3A_1874 : vector<1x16xf32> to vector<16xf32>
        %add3A_1876 = arith.addf %scan3A_1851, %get3A_1875 : vector<16xf32>
        %get3A_1877 = arith.index_cast %add3A_1857 : i32 to index
        %get3A_1878 = arith.constant 64 : index
        %get3A_1879 = tpu.vector_load %arg8[%get3A_1877, %get3A_1878] {strides = array<i32>} : memref<400x128xf32, #tpu.memory_space<vmem>>, vector<1x16xf32>,
        %get3A_1880 = vector.shape_cast %get3A_1879 : vector<1x16xf32> to vector<16xf32>
        %add3A_1881 = arith.addf %scan3A_1852, %get3A_1880 : vector<16xf32>
        %get3A_1882 = arith.index_cast %add3A_1857 : i32 to index
        %get3A_1883 = arith.constant 80 : index
        %get3A_1884 = tpu.vector_load %arg8[%get3A_1882, %get3A_1883] {strides = array<i32>} : memref<400x128xf32, #tpu.memory_space<vmem>>, vector<1x16xf32>,
        %get3A_1885 = vector.shape_cast %get3A_1884 : vector<1x16xf32> to vector<16xf32>
        %add3A_1886 = arith.addf %scan3A_1853, %get3A_1885 : vector<16xf32>
        %get3A_1887 = arith.index_cast %add3A_1857 : i32 to index
        %get3A_1888 = arith.constant 96 : index
        %get3A_1889 = tpu.vector_load %arg8[%get3A_1887, %get3A_1888] {strides = array<i32>} : memref<400x128xf32, #tpu.memory_space<vmem>>, vector<1x16xf32>,
        %get3A_1890 = vector.shape_cast %get3A_1889 : vector<1x16xf32> to vector<16xf32>
        %add3A_1891 = arith.addf %scan3A_1854, %get3A_1890 : vector<16xf32>
        %get3A_1892 = arith.index_cast %add3A_1857 : i32 to index
        %get3A_1893 = arith.constant 112 : index
        %get3A_1894 = tpu.vector_load %arg8[%get3A_1892, %get3A_1893] {strides = array<i32>} : memref<400x128xf32, #tpu.memory_space<vmem>>, vector<1x16xf32>,
        %get3A_1895 = vector.shape_cast %get3A_1894 : vector<1x16xf32> to vector<16xf32>
        %add3A_1896 = arith.addf %scan3A_1855, %get3A_1895 : vector<16xf32>
        scf.yield %add3A_1861, %add3A_1866, %add3A_1871, %add3A_1876, %add3A_1881, %add3A_1886, %add3A_1891, %add3A_1896 : vector<16xf32>, vector<16xf32>, vector<16xf32>, vector<16xf32>, vector<16xf32>, vector<16xf32>, vector<16xf32>, vector<16xf32>
      }
      %scan3A_1195 = arith.constant 50 : i32
      %mul3A_1196 = arith.constant 2.000000e-02 : f32
      %mul3A_1197 = vector.broadcast %mul3A_1196 : f32 to vector<16xf32>
      %mul3A_1198 = arith.mulf %scan3A_1194#0, %mul3A_1197 : vector<16xf32>
      %swap3A_1199 = arith.constant 1 : i32
      %swap3A_1200 = arith.index_cast %swap3A_1199 : i32 to index
      %swap3A_1201 = arith.constant 0 : index
      %swap3A_1202 = tpu.vector_load %arg10[%swap3A_1200, %swap3A_1201] {strides = array<i32>} : memref<8x128xf32, #tpu.memory_space<vmem>>, vector<1x16xf32>,
      %swap3A_1203 = vector.shape_cast %swap3A_1202 : vector<1x16xf32> to vector<16xf32>
      %swap3A_1204 = vector.shape_cast %mul3A_1198 : vector<16xf32> to vector<1x16xf32>
      tpu.vector_store %arg10[%swap3A_1200, %swap3A_1201], %swap3A_1204 {strides = array<i32>} : memref<8x128xf32, #tpu.memory_space<vmem>>, vector<1x16xf32>,
      %mul3A_1205 = arith.constant 2.000000e-02 : f32
      %mul3A_1206 = vector.broadcast %mul3A_1205 : f32 to vector<16xf32>
      %mul3A_1207 = arith.mulf %scan3A_1194#1, %mul3A_1206 : vector<16xf32>
      %swap3A_1208 = arith.constant 1 : i32
      %swap3A_1209 = arith.index_cast %swap3A_1208 : i32 to index
      %swap3A_1210 = arith.constant 16 : index
      %swap3A_1211 = tpu.vector_load %arg10[%swap3A_1209, %swap3A_1210] {strides = array<i32>} : memref<8x128xf32, #tpu.memory_space<vmem>>, vector<1x16xf32>,
      %swap3A_1212 = vector.shape_cast %swap3A_1211 : vector<1x16xf32> to vector<16xf32>
      %swap3A_1213 = vector.shape_cast %mul3A_1207 : vector<16xf32> to vector<1x16xf32>
      tpu.vector_store %arg10[%swap3A_1209, %swap3A_1210], %swap3A_1213 {strides = array<i32>} : memref<8x128xf32, #tpu.memory_space<vmem>>, vector<1x16xf32>,
      %mul3A_1214 = arith.constant 2.000000e-02 : f32
      %mul3A_1215 = vector.broadcast %mul3A_1214 : f32 to vector<16xf32>
      %mul3A_1216 = arith.mulf %scan3A_1194#2, %mul3A_1215 : vector<16xf32>
      %swap3A_1217 = arith.constant 1 : i32
      %swap3A_1218 = arith.index_cast %swap3A_1217 : i32 to index
      %swap3A_1219 = arith.constant 32 : index
      %swap3A_1220 = tpu.vector_load %arg10[%swap3A_1218, %swap3A_1219] {strides = array<i32>} : memref<8x128xf32, #tpu.memory_space<vmem>>, vector<1x16xf32>,
      %swap3A_1221 = vector.shape_cast %swap3A_1220 : vector<1x16xf32> to vector<16xf32>
      %swap3A_1222 = vector.shape_cast %mul3A_1216 : vector<16xf32> to vector<1x16xf32>
      tpu.vector_store %arg10[%swap3A_1218, %swap3A_1219], %swap3A_1222 {strides = array<i32>} : memref<8x128xf32, #tpu.memory_space<vmem>>, vector<1x16xf32>,
      %mul3A_1223 = arith.constant 2.000000e-02 : f32
      %mul3A_1224 = vector.broadcast %mul3A_1223 : f32 to vector<16xf32>
      %mul3A_1225 = arith.mulf %scan3A_1194#3, %mul3A_1224 : vector<16xf32>
      %swap3A_1226 = arith.constant 1 : i32
      %swap3A_1227 = arith.index_cast %swap3A_1226 : i32 to index
      %swap3A_1228 = arith.constant 48 : index
      %swap3A_1229 = tpu.vector_load %arg10[%swap3A_1227, %swap3A_1228] {strides = array<i32>} : memref<8x128xf32, #tpu.memory_space<vmem>>, vector<1x16xf32>,
      %swap3A_1230 = vector.shape_cast %swap3A_1229 : vector<1x16xf32> to vector<16xf32>
      %swap3A_1231 = vector.shape_cast %mul3A_1225 : vector<16xf32> to vector<1x16xf32>
      tpu.vector_store %arg10[%swap3A_1227, %swap3A_1228], %swap3A_1231 {strides = array<i32>} : memref<8x128xf32, #tpu.memory_space<vmem>>, vector<1x16xf32>,
      %mul3A_1232 = arith.constant 2.000000e-02 : f32
      %mul3A_1233 = vector.broadcast %mul3A_1232 : f32 to vector<16xf32>
      %mul3A_1234 = arith.mulf %scan3A_1194#4, %mul3A_1233 : vector<16xf32>
      %swap3A_1235 = arith.constant 1 : i32
      %swap3A_1236 = arith.index_cast %swap3A_1235 : i32 to index
      %swap3A_1237 = arith.constant 64 : index
      %swap3A_1238 = tpu.vector_load %arg10[%swap3A_1236, %swap3A_1237] {strides = array<i32>} : memref<8x128xf32, #tpu.memory_space<vmem>>, vector<1x16xf32>,
      %swap3A_1239 = vector.shape_cast %swap3A_1238 : vector<1x16xf32> to vector<16xf32>
      %swap3A_1240 = vector.shape_cast %mul3A_1234 : vector<16xf32> to vector<1x16xf32>
      tpu.vector_store %arg10[%swap3A_1236, %swap3A_1237], %swap3A_1240 {strides = array<i32>} : memref<8x128xf32, #tpu.memory_space<vmem>>, vector<1x16xf32>,
      %mul3A_1241 = arith.constant 2.000000e-02 : f32
      %mul3A_1242 = vector.broadcast %mul3A_1241 : f32 to vector<16xf32>
      %mul3A_1243 = arith.mulf %scan3A_1194#5, %mul3A_1242 : vector<16xf32>
      %swap3A_1244 = arith.constant 1 : i32
      %swap3A_1245 = arith.index_cast %swap3A_1244 : i32 to index
      %swap3A_1246 = arith.constant 80 : index
      %swap3A_1247 = tpu.vector_load %arg10[%swap3A_1245, %swap3A_1246] {strides = array<i32>} : memref<8x128xf32, #tpu.memory_space<vmem>>, vector<1x16xf32>,
      %swap3A_1248 = vector.shape_cast %swap3A_1247 : vector<1x16xf32> to vector<16xf32>
      %swap3A_1249 = vector.shape_cast %mul3A_1243 : vector<16xf32> to vector<1x16xf32>
      tpu.vector_store %arg10[%swap3A_1245, %swap3A_1246], %swap3A_1249 {strides = array<i32>} : memref<8x128xf32, #tpu.memory_space<vmem>>, vector<1x16xf32>,
      %mul3A_1250 = arith.constant 2.000000e-02 : f32
      %mul3A_1251 = vector.broadcast %mul3A_1250 : f32 to vector<16xf32>
      %mul3A_1252 = arith.mulf %scan3A_1194#6, %mul3A_1251 : vector<16xf32>
      %swap3A_1253 = arith.constant 1 : i32
      %swap3A_1254 = arith.index_cast %swap3A_1253 : i32 to index
      %swap3A_1255 = arith.constant 96 : index
      %swap3A_1256 = tpu.vector_load %arg10[%swap3A_1254, %swap3A_1255] {strides = array<i32>} : memref<8x128xf32, #tpu.memory_space<vmem>>, vector<1x16xf32>,
      %swap3A_1257 = vector.shape_cast %swap3A_1256 : vector<1x16xf32> to vector<16xf32>
      %swap3A_1258 = vector.shape_cast %mul3A_1252 : vector<16xf32> to vector<1x16xf32>
      tpu.vector_store %arg10[%swap3A_1254, %swap3A_1255], %swap3A_1258 {strides = array<i32>} : memref<8x128xf32, #tpu.memory_space<vmem>>, vector<1x16xf32>,
      %mul3A_1259 = arith.constant 2.000000e-02 : f32
      %mul3A_1260 = vector.broadcast %mul3A_1259 : f32 to vector<16xf32>
      %mul3A_1261 = arith.mulf %scan3A_1194#7, %mul3A_1260 : vector<16xf32>
      %swap3A_1262 = arith.constant 1 : i32
      %swap3A_1263 = arith.index_cast %swap3A_1262 : i32 to index
      %swap3A_1264 = arith.constant 112 : index
      %swap3A_1265 = tpu.vector_load %arg10[%swap3A_1263, %swap3A_1264] {strides = array<i32>} : memref<8x128xf32, #tpu.memory_space<vmem>>, vector<1x16xf32>,
      %swap3A_1266 = vector.shape_cast %swap3A_1265 : vector<1x16xf32> to vector<16xf32>
      %swap3A_1267 = vector.shape_cast %mul3A_1261 : vector<16xf32> to vector<1x16xf32>
      tpu.vector_store %arg10[%swap3A_1263, %swap3A_1264], %swap3A_1267 {strides = array<i32>} : memref<8x128xf32, #tpu.memory_space<vmem>>, vector<1x16xf32>,
      %broadcast_in_dim3A_1268 = arith.constant 0.000000e+00 : f32
      %broadcast_in_dim3A_1269 = vector.broadcast %broadcast_in_dim3A_1268 : f32 to vector<16xf32>
      %broadcast_in_dim3A_1270 = arith.constant 0.000000e+00 : f32
      %broadcast_in_dim3A_1271 = vector.broadcast %broadcast_in_dim3A_1270 : f32 to vector<16xf32>
      %broadcast_in_dim3A_1272 = arith.constant 0.000000e+00 : f32
      %broadcast_in_dim3A_1273 = vector.broadcast %broadcast_in_dim3A_1272 : f32 to vector<16xf32>
      %broadcast_in_dim3A_1274 = arith.constant 0.000000e+00 : f32
      %broadcast_in_dim3A_1275 = vector.broadcast %broadcast_in_dim3A_1274 : f32 to vector<16xf32>
      %broadcast_in_dim3A_1276 = arith.constant 0.000000e+00 : f32
      %broadcast_in_dim3A_1277 = vector.broadcast %broadcast_in_dim3A_1276 : f32 to vector<16xf32>
      %broadcast_in_dim3A_1278 = arith.constant 0.000000e+00 : f32
      %broadcast_in_dim3A_1279 = vector.broadcast %broadcast_in_dim3A_1278 : f32 to vector<16xf32>
      %broadcast_in_dim3A_1280 = arith.constant 0.000000e+00 : f32
      %broadcast_in_dim3A_1281 = vector.broadcast %broadcast_in_dim3A_1280 : f32 to vector<16xf32>
      %broadcast_in_dim3A_1282 = arith.constant 0.000000e+00 : f32
      %broadcast_in_dim3A_1283 = vector.broadcast %broadcast_in_dim3A_1282 : f32 to vector<16xf32>
      %scan3A_1284 = arith.constant 0 : i32
      %scan3A_1285 = arith.constant 50 : i32
      %scan3A_1286 = arith.addi %scan3A_1284, %scan3A_1285 : i32
      %scan3A_1287 = arith.constant 1 : i32
      %scan3A_1288:8 = scf.for %scan3A_1847 = %scan3A_1284 to %scan3A_1286 step %scan3A_1287 iter_args(%scan3A_1848 = %broadcast_in_dim3A_1269, %scan3A_1849 = %broadcast_in_dim3A_1271, %scan3A_1850 = %broadcast_in_dim3A_1273, %scan3A_1851 = %broadcast_in_dim3A_1275, %scan3A_1852 = %broadcast_in_dim3A_1277, %scan3A_1853 = %broadcast_in_dim3A_1279, %scan3A_1854 = %broadcast_in_dim3A_1281, %scan3A_1855 = %broadcast_in_dim3A_1283) -> (vector<16xf32>, vector<16xf32>, vector<16xf32>, vector<16xf32>, vector<16xf32>, vector<16xf32>, vector<16xf32>, vector<16xf32>)  : i32 {
        %add3A_1856 = arith.constant 100 : i32
        %add3A_1857 = arith.addi %add3A_1856, %scan3A_1847 : i32
        %get3A = arith.index_cast %add3A_1857 : i32 to index
        %get3A_1858 = arith.constant 0 : index
        %get3A_1859 = tpu.vector_load %arg8[%get3A, %get3A_1858] {strides = array<i32>} : memref<400x128xf32, #tpu.memory_space<vmem>>, vector<1x16xf32>,
        %get3A_1860 = vector.shape_cast %get3A_1859 : vector<1x16xf32> to vector<16xf32>
        %add3A_1861 = arith.addf %scan3A_1848, %get3A_1860 : vector<16xf32>
        %get3A_1862 = arith.index_cast %add3A_1857 : i32 to index
        %get3A_1863 = arith.constant 16 : index
        %get3A_1864 = tpu.vector_load %arg8[%get3A_1862, %get3A_1863] {strides = array<i32>} : memref<400x128xf32, #tpu.memory_space<vmem>>, vector<1x16xf32>,
        %get3A_1865 = vector.shape_cast %get3A_1864 : vector<1x16xf32> to vector<16xf32>
        %add3A_1866 = arith.addf %scan3A_1849, %get3A_1865 : vector<16xf32>
        %get3A_1867 = arith.index_cast %add3A_1857 : i32 to index
        %get3A_1868 = arith.constant 32 : index
        %get3A_1869 = tpu.vector_load %arg8[%get3A_1867, %get3A_1868] {strides = array<i32>} : memref<400x128xf32, #tpu.memory_space<vmem>>, vector<1x16xf32>,
        %get3A_1870 = vector.shape_cast %get3A_1869 : vector<1x16xf32> to vector<16xf32>
        %add3A_1871 = arith.addf %scan3A_1850, %get3A_1870 : vector<16xf32>
        %get3A_1872 = arith.index_cast %add3A_1857 : i32 to index
        %get3A_1873 = arith.constant 48 : index
        %get3A_1874 = tpu.vector_load %arg8[%get3A_1872, %get3A_1873] {strides = array<i32>} : memref<400x128xf32, #tpu.memory_space<vmem>>, vector<1x16xf32>,
        %get3A_1875 = vector.shape_cast %get3A_1874 : vector<1x16xf32> to vector<16xf32>
        %add3A_1876 = arith.addf %scan3A_1851, %get3A_1875 : vector<16xf32>
        %get3A_1877 = arith.index_cast %add3A_1857 : i32 to index
        %get3A_1878 = arith.constant 64 : index
        %get3A_1879 = tpu.vector_load %arg8[%get3A_1877, %get3A_1878] {strides = array<i32>} : memref<400x128xf32, #tpu.memory_space<vmem>>, vector<1x16xf32>,
        %get3A_1880 = vector.shape_cast %get3A_1879 : vector<1x16xf32> to vector<16xf32>
        %add3A_1881 = arith.addf %scan3A_1852, %get3A_1880 : vector<16xf32>
        %get3A_1882 = arith.index_cast %add3A_1857 : i32 to index
        %get3A_1883 = arith.constant 80 : index
        %get3A_1884 = tpu.vector_load %arg8[%get3A_1882, %get3A_1883] {strides = array<i32>} : memref<400x128xf32, #tpu.memory_space<vmem>>, vector<1x16xf32>,
        %get3A_1885 = vector.shape_cast %get3A_1884 : vector<1x16xf32> to vector<16xf32>
        %add3A_1886 = arith.addf %scan3A_1853, %get3A_1885 : vector<16xf32>
        %get3A_1887 = arith.index_cast %add3A_1857 : i32 to index
        %get3A_1888 = arith.constant 96 : index
        %get3A_1889 = tpu.vector_load %arg8[%get3A_1887, %get3A_1888] {strides = array<i32>} : memref<400x128xf32, #tpu.memory_space<vmem>>, vector<1x16xf32>,
        %get3A_1890 = vector.shape_cast %get3A_1889 : vector<1x16xf32> to vector<16xf32>
        %add3A_1891 = arith.addf %scan3A_1854, %get3A_1890 : vector<16xf32>
        %get3A_1892 = arith.index_cast %add3A_1857 : i32 to index
        %get3A_1893 = arith.constant 112 : index
        %get3A_1894 = tpu.vector_load %arg8[%get3A_1892, %get3A_1893] {strides = array<i32>} : memref<400x128xf32, #tpu.memory_space<vmem>>, vector<1x16xf32>,
        %get3A_1895 = vector.shape_cast %get3A_1894 : vector<1x16xf32> to vector<16xf32>
        %add3A_1896 = arith.addf %scan3A_1855, %get3A_1895 : vector<16xf32>
        scf.yield %add3A_1861, %add3A_1866, %add3A_1871, %add3A_1876, %add3A_1881, %add3A_1886, %add3A_1891, %add3A_1896 : vector<16xf32>, vector<16xf32>, vector<16xf32>, vector<16xf32>, vector<16xf32>, vector<16xf32>, vector<16xf32>, vector<16xf32>
      }
      %scan3A_1289 = arith.constant 50 : i32
      %mul3A_1290 = arith.constant 2.000000e-02 : f32
      %mul3A_1291 = vector.broadcast %mul3A_1290 : f32 to vector<16xf32>
      %mul3A_1292 = arith.mulf %scan3A_1288#0, %mul3A_1291 : vector<16xf32>
      %swap3A_1293 = arith.constant 2 : i32
      %swap3A_1294 = arith.index_cast %swap3A_1293 : i32 to index
      %swap3A_1295 = arith.constant 0 : index
      %swap3A_1296 = tpu.vector_load %arg10[%swap3A_1294, %swap3A_1295] {strides = array<i32>} : memref<8x128xf32, #tpu.memory_space<vmem>>, vector<1x16xf32>,
      %swap3A_1297 = vector.shape_cast %swap3A_1296 : vector<1x16xf32> to vector<16xf32>
      %swap3A_1298 = vector.shape_cast %mul3A_1292 : vector<16xf32> to vector<1x16xf32>
      tpu.vector_store %arg10[%swap3A_1294, %swap3A_1295], %swap3A_1298 {strides = array<i32>} : memref<8x128xf32, #tpu.memory_space<vmem>>, vector<1x16xf32>,
      %mul3A_1299 = arith.constant 2.000000e-02 : f32
      %mul3A_1300 = vector.broadcast %mul3A_1299 : f32 to vector<16xf32>
      %mul3A_1301 = arith.mulf %scan3A_1288#1, %mul3A_1300 : vector<16xf32>
      %swap3A_1302 = arith.constant 2 : i32
      %swap3A_1303 = arith.index_cast %swap3A_1302 : i32 to index
      %swap3A_1304 = arith.constant 16 : index
      %swap3A_1305 = tpu.vector_load %arg10[%swap3A_1303, %swap3A_1304] {strides = array<i32>} : memref<8x128xf32, #tpu.memory_space<vmem>>, vector<1x16xf32>,
      %swap3A_1306 = vector.shape_cast %swap3A_1305 : vector<1x16xf32> to vector<16xf32>
      %swap3A_1307 = vector.shape_cast %mul3A_1301 : vector<16xf32> to vector<1x16xf32>
      tpu.vector_store %arg10[%swap3A_1303, %swap3A_1304], %swap3A_1307 {strides = array<i32>} : memref<8x128xf32, #tpu.memory_space<vmem>>, vector<1x16xf32>,
      %mul3A_1308 = arith.constant 2.000000e-02 : f32
      %mul3A_1309 = vector.broadcast %mul3A_1308 : f32 to vector<16xf32>
      %mul3A_1310 = arith.mulf %scan3A_1288#2, %mul3A_1309 : vector<16xf32>
      %swap3A_1311 = arith.constant 2 : i32
      %swap3A_1312 = arith.index_cast %swap3A_1311 : i32 to index
      %swap3A_1313 = arith.constant 32 : index
      %swap3A_1314 = tpu.vector_load %arg10[%swap3A_1312, %swap3A_1313] {strides = array<i32>} : memref<8x128xf32, #tpu.memory_space<vmem>>, vector<1x16xf32>,
      %swap3A_1315 = vector.shape_cast %swap3A_1314 : vector<1x16xf32> to vector<16xf32>
      %swap3A_1316 = vector.shape_cast %mul3A_1310 : vector<16xf32> to vector<1x16xf32>
      tpu.vector_store %arg10[%swap3A_1312, %swap3A_1313], %swap3A_1316 {strides = array<i32>} : memref<8x128xf32, #tpu.memory_space<vmem>>, vector<1x16xf32>,
      %mul3A_1317 = arith.constant 2.000000e-02 : f32
      %mul3A_1318 = vector.broadcast %mul3A_1317 : f32 to vector<16xf32>
      %mul3A_1319 = arith.mulf %scan3A_1288#3, %mul3A_1318 : vector<16xf32>
      %swap3A_1320 = arith.constant 2 : i32
      %swap3A_1321 = arith.index_cast %swap3A_1320 : i32 to index
      %swap3A_1322 = arith.constant 48 : index
      %swap3A_1323 = tpu.vector_load %arg10[%swap3A_1321, %swap3A_1322] {strides = array<i32>} : memref<8x128xf32, #tpu.memory_space<vmem>>, vector<1x16xf32>,
      %swap3A_1324 = vector.shape_cast %swap3A_1323 : vector<1x16xf32> to vector<16xf32>
      %swap3A_1325 = vector.shape_cast %mul3A_1319 : vector<16xf32> to vector<1x16xf32>
      tpu.vector_store %arg10[%swap3A_1321, %swap3A_1322], %swap3A_1325 {strides = array<i32>} : memref<8x128xf32, #tpu.memory_space<vmem>>, vector<1x16xf32>,
      %mul3A_1326 = arith.constant 2.000000e-02 : f32
      %mul3A_1327 = vector.broadcast %mul3A_1326 : f32 to vector<16xf32>
      %mul3A_1328 = arith.mulf %scan3A_1288#4, %mul3A_1327 : vector<16xf32>
      %swap3A_1329 = arith.constant 2 : i32
      %swap3A_1330 = arith.index_cast %swap3A_1329 : i32 to index
      %swap3A_1331 = arith.constant 64 : index
      %swap3A_1332 = tpu.vector_load %arg10[%swap3A_1330, %swap3A_1331] {strides = array<i32>} : memref<8x128xf32, #tpu.memory_space<vmem>>, vector<1x16xf32>,
      %swap3A_1333 = vector.shape_cast %swap3A_1332 : vector<1x16xf32> to vector<16xf32>
      %swap3A_1334 = vector.shape_cast %mul3A_1328 : vector<16xf32> to vector<1x16xf32>
      tpu.vector_store %arg10[%swap3A_1330, %swap3A_1331], %swap3A_1334 {strides = array<i32>} : memref<8x128xf32, #tpu.memory_space<vmem>>, vector<1x16xf32>,
      %mul3A_1335 = arith.constant 2.000000e-02 : f32
      %mul3A_1336 = vector.broadcast %mul3A_1335 : f32 to vector<16xf32>
      %mul3A_1337 = arith.mulf %scan3A_1288#5, %mul3A_1336 : vector<16xf32>
      %swap3A_1338 = arith.constant 2 : i32
      %swap3A_1339 = arith.index_cast %swap3A_1338 : i32 to index
      %swap3A_1340 = arith.constant 80 : index
      %swap3A_1341 = tpu.vector_load %arg10[%swap3A_1339, %swap3A_1340] {strides = array<i32>} : memref<8x128xf32, #tpu.memory_space<vmem>>, vector<1x16xf32>,
      %swap3A_1342 = vector.shape_cast %swap3A_1341 : vector<1x16xf32> to vector<16xf32>
      %swap3A_1343 = vector.shape_cast %mul3A_1337 : vector<16xf32> to vector<1x16xf32>
      tpu.vector_store %arg10[%swap3A_1339, %swap3A_1340], %swap3A_1343 {strides = array<i32>} : memref<8x128xf32, #tpu.memory_space<vmem>>, vector<1x16xf32>,
      %mul3A_1344 = arith.constant 2.000000e-02 : f32
      %mul3A_1345 = vector.broadcast %mul3A_1344 : f32 to vector<16xf32>
      %mul3A_1346 = arith.mulf %scan3A_1288#6, %mul3A_1345 : vector<16xf32>
      %swap3A_1347 = arith.constant 2 : i32
      %swap3A_1348 = arith.index_cast %swap3A_1347 : i32 to index
      %swap3A_1349 = arith.constant 96 : index
      %swap3A_1350 = tpu.vector_load %arg10[%swap3A_1348, %swap3A_1349] {strides = array<i32>} : memref<8x128xf32, #tpu.memory_space<vmem>>, vector<1x16xf32>,
      %swap3A_1351 = vector.shape_cast %swap3A_1350 : vector<1x16xf32> to vector<16xf32>
      %swap3A_1352 = vector.shape_cast %mul3A_1346 : vector<16xf32> to vector<1x16xf32>
      tpu.vector_store %arg10[%swap3A_1348, %swap3A_1349], %swap3A_1352 {strides = array<i32>} : memref<8x128xf32, #tpu.memory_space<vmem>>, vector<1x16xf32>,
      %mul3A_1353 = arith.constant 2.000000e-02 : f32
      %mul3A_1354 = vector.broadcast %mul3A_1353 : f32 to vector<16xf32>
      %mul3A_1355 = arith.mulf %scan3A_1288#7, %mul3A_1354 : vector<16xf32>
      %swap3A_1356 = arith.constant 2 : i32
      %swap3A_1357 = arith.index_cast %swap3A_1356 : i32 to index
      %swap3A_1358 = arith.constant 112 : index
      %swap3A_1359 = tpu.vector_load %arg10[%swap3A_1357, %swap3A_1358] {strides = array<i32>} : memref<8x128xf32, #tpu.memory_space<vmem>>, vector<1x16xf32>,
      %swap3A_1360 = vector.shape_cast %swap3A_1359 : vector<1x16xf32> to vector<16xf32>
      %swap3A_1361 = vector.shape_cast %mul3A_1355 : vector<16xf32> to vector<1x16xf32>
      tpu.vector_store %arg10[%swap3A_1357, %swap3A_1358], %swap3A_1361 {strides = array<i32>} : memref<8x128xf32, #tpu.memory_space<vmem>>, vector<1x16xf32>,
      %broadcast_in_dim3A_1362 = arith.constant 0.000000e+00 : f32
      %broadcast_in_dim3A_1363 = vector.broadcast %broadcast_in_dim3A_1362 : f32 to vector<16xf32>
      %broadcast_in_dim3A_1364 = arith.constant 0.000000e+00 : f32
      %broadcast_in_dim3A_1365 = vector.broadcast %broadcast_in_dim3A_1364 : f32 to vector<16xf32>
      %broadcast_in_dim3A_1366 = arith.constant 0.000000e+00 : f32
      %broadcast_in_dim3A_1367 = vector.broadcast %broadcast_in_dim3A_1366 : f32 to vector<16xf32>
      %broadcast_in_dim3A_1368 = arith.constant 0.000000e+00 : f32
      %broadcast_in_dim3A_1369 = vector.broadcast %broadcast_in_dim3A_1368 : f32 to vector<16xf32>
      %broadcast_in_dim3A_1370 = arith.constant 0.000000e+00 : f32
      %broadcast_in_dim3A_1371 = vector.broadcast %broadcast_in_dim3A_1370 : f32 to vector<16xf32>
      %broadcast_in_dim3A_1372 = arith.constant 0.000000e+00 : f32
      %broadcast_in_dim3A_1373 = vector.broadcast %broadcast_in_dim3A_1372 : f32 to vector<16xf32>
      %broadcast_in_dim3A_1374 = arith.constant 0.000000e+00 : f32
      %broadcast_in_dim3A_1375 = vector.broadcast %broadcast_in_dim3A_1374 : f32 to vector<16xf32>
      %broadcast_in_dim3A_1376 = arith.constant 0.000000e+00 : f32
      %broadcast_in_dim3A_1377 = vector.broadcast %broadcast_in_dim3A_1376 : f32 to vector<16xf32>
      %scan3A_1378 = arith.constant 0 : i32
      %scan3A_1379 = arith.constant 50 : i32
      %scan3A_1380 = arith.addi %scan3A_1378, %scan3A_1379 : i32
      %scan3A_1381 = arith.constant 1 : i32
      %scan3A_1382:8 = scf.for %scan3A_1847 = %scan3A_1378 to %scan3A_1380 step %scan3A_1381 iter_args(%scan3A_1848 = %broadcast_in_dim3A_1363, %scan3A_1849 = %broadcast_in_dim3A_1365, %scan3A_1850 = %broadcast_in_dim3A_1367, %scan3A_1851 = %broadcast_in_dim3A_1369, %scan3A_1852 = %broadcast_in_dim3A_1371, %scan3A_1853 = %broadcast_in_dim3A_1373, %scan3A_1854 = %broadcast_in_dim3A_1375, %scan3A_1855 = %broadcast_in_dim3A_1377) -> (vector<16xf32>, vector<16xf32>, vector<16xf32>, vector<16xf32>, vector<16xf32>, vector<16xf32>, vector<16xf32>, vector<16xf32>)  : i32 {
        %add3A_1856 = arith.constant 150 : i32
        %add3A_1857 = arith.addi %add3A_1856, %scan3A_1847 : i32
        %get3A = arith.index_cast %add3A_1857 : i32 to index
        %get3A_1858 = arith.constant 0 : index
        %get3A_1859 = tpu.vector_load %arg8[%get3A, %get3A_1858] {strides = array<i32>} : memref<400x128xf32, #tpu.memory_space<vmem>>, vector<1x16xf32>,
        %get3A_1860 = vector.shape_cast %get3A_1859 : vector<1x16xf32> to vector<16xf32>
        %add3A_1861 = arith.addf %scan3A_1848, %get3A_1860 : vector<16xf32>
        %get3A_1862 = arith.index_cast %add3A_1857 : i32 to index
        %get3A_1863 = arith.constant 16 : index
        %get3A_1864 = tpu.vector_load %arg8[%get3A_1862, %get3A_1863] {strides = array<i32>} : memref<400x128xf32, #tpu.memory_space<vmem>>, vector<1x16xf32>,
        %get3A_1865 = vector.shape_cast %get3A_1864 : vector<1x16xf32> to vector<16xf32>
        %add3A_1866 = arith.addf %scan3A_1849, %get3A_1865 : vector<16xf32>
        %get3A_1867 = arith.index_cast %add3A_1857 : i32 to index
        %get3A_1868 = arith.constant 32 : index
        %get3A_1869 = tpu.vector_load %arg8[%get3A_1867, %get3A_1868] {strides = array<i32>} : memref<400x128xf32, #tpu.memory_space<vmem>>, vector<1x16xf32>,
        %get3A_1870 = vector.shape_cast %get3A_1869 : vector<1x16xf32> to vector<16xf32>
        %add3A_1871 = arith.addf %scan3A_1850, %get3A_1870 : vector<16xf32>
        %get3A_1872 = arith.index_cast %add3A_1857 : i32 to index
        %get3A_1873 = arith.constant 48 : index
        %get3A_1874 = tpu.vector_load %arg8[%get3A_1872, %get3A_1873] {strides = array<i32>} : memref<400x128xf32, #tpu.memory_space<vmem>>, vector<1x16xf32>,
        %get3A_1875 = vector.shape_cast %get3A_1874 : vector<1x16xf32> to vector<16xf32>
        %add3A_1876 = arith.addf %scan3A_1851, %get3A_1875 : vector<16xf32>
        %get3A_1877 = arith.index_cast %add3A_1857 : i32 to index
        %get3A_1878 = arith.constant 64 : index
        %get3A_1879 = tpu.vector_load %arg8[%get3A_1877, %get3A_1878] {strides = array<i32>} : memref<400x128xf32, #tpu.memory_space<vmem>>, vector<1x16xf32>,
        %get3A_1880 = vector.shape_cast %get3A_1879 : vector<1x16xf32> to vector<16xf32>
        %add3A_1881 = arith.addf %scan3A_1852, %get3A_1880 : vector<16xf32>
        %get3A_1882 = arith.index_cast %add3A_1857 : i32 to index
        %get3A_1883 = arith.constant 80 : index
        %get3A_1884 = tpu.vector_load %arg8[%get3A_1882, %get3A_1883] {strides = array<i32>} : memref<400x128xf32, #tpu.memory_space<vmem>>, vector<1x16xf32>,
        %get3A_1885 = vector.shape_cast %get3A_1884 : vector<1x16xf32> to vector<16xf32>
        %add3A_1886 = arith.addf %scan3A_1853, %get3A_1885 : vector<16xf32>
        %get3A_1887 = arith.index_cast %add3A_1857 : i32 to index
        %get3A_1888 = arith.constant 96 : index
        %get3A_1889 = tpu.vector_load %arg8[%get3A_1887, %get3A_1888] {strides = array<i32>} : memref<400x128xf32, #tpu.memory_space<vmem>>, vector<1x16xf32>,
        %get3A_1890 = vector.shape_cast %get3A_1889 : vector<1x16xf32> to vector<16xf32>
        %add3A_1891 = arith.addf %scan3A_1854, %get3A_1890 : vector<16xf32>
        %get3A_1892 = arith.index_cast %add3A_1857 : i32 to index
        %get3A_1893 = arith.constant 112 : index
        %get3A_1894 = tpu.vector_load %arg8[%get3A_1892, %get3A_1893] {strides = array<i32>} : memref<400x128xf32, #tpu.memory_space<vmem>>, vector<1x16xf32>,
        %get3A_1895 = vector.shape_cast %get3A_1894 : vector<1x16xf32> to vector<16xf32>
        %add3A_1896 = arith.addf %scan3A_1855, %get3A_1895 : vector<16xf32>
        scf.yield %add3A_1861, %add3A_1866, %add3A_1871, %add3A_1876, %add3A_1881, %add3A_1886, %add3A_1891, %add3A_1896 : vector<16xf32>, vector<16xf32>, vector<16xf32>, vector<16xf32>, vector<16xf32>, vector<16xf32>, vector<16xf32>, vector<16xf32>
      }
      %scan3A_1383 = arith.constant 50 : i32
      %mul3A_1384 = arith.constant 2.000000e-02 : f32
      %mul3A_1385 = vector.broadcast %mul3A_1384 : f32 to vector<16xf32>
      %mul3A_1386 = arith.mulf %scan3A_1382#0, %mul3A_1385 : vector<16xf32>
      %swap3A_1387 = arith.constant 3 : i32
      %swap3A_1388 = arith.index_cast %swap3A_1387 : i32 to index
      %swap3A_1389 = arith.constant 0 : index
      %swap3A_1390 = tpu.vector_load %arg10[%swap3A_1388, %swap3A_1389] {strides = array<i32>} : memref<8x128xf32, #tpu.memory_space<vmem>>, vector<1x16xf32>,
      %swap3A_1391 = vector.shape_cast %swap3A_1390 : vector<1x16xf32> to vector<16xf32>
      %swap3A_1392 = vector.shape_cast %mul3A_1386 : vector<16xf32> to vector<1x16xf32>
      tpu.vector_store %arg10[%swap3A_1388, %swap3A_1389], %swap3A_1392 {strides = array<i32>} : memref<8x128xf32, #tpu.memory_space<vmem>>, vector<1x16xf32>,
      %mul3A_1393 = arith.constant 2.000000e-02 : f32
      %mul3A_1394 = vector.broadcast %mul3A_1393 : f32 to vector<16xf32>
      %mul3A_1395 = arith.mulf %scan3A_1382#1, %mul3A_1394 : vector<16xf32>
      %swap3A_1396 = arith.constant 3 : i32
      %swap3A_1397 = arith.index_cast %swap3A_1396 : i32 to index
      %swap3A_1398 = arith.constant 16 : index
      %swap3A_1399 = tpu.vector_load %arg10[%swap3A_1397, %swap3A_1398] {strides = array<i32>} : memref<8x128xf32, #tpu.memory_space<vmem>>, vector<1x16xf32>,
      %swap3A_1400 = vector.shape_cast %swap3A_1399 : vector<1x16xf32> to vector<16xf32>
      %swap3A_1401 = vector.shape_cast %mul3A_1395 : vector<16xf32> to vector<1x16xf32>
      tpu.vector_store %arg10[%swap3A_1397, %swap3A_1398], %swap3A_1401 {strides = array<i32>} : memref<8x128xf32, #tpu.memory_space<vmem>>, vector<1x16xf32>,
      %mul3A_1402 = arith.constant 2.000000e-02 : f32
      %mul3A_1403 = vector.broadcast %mul3A_1402 : f32 to vector<16xf32>
      %mul3A_1404 = arith.mulf %scan3A_1382#2, %mul3A_1403 : vector<16xf32>
      %swap3A_1405 = arith.constant 3 : i32
      %swap3A_1406 = arith.index_cast %swap3A_1405 : i32 to index
      %swap3A_1407 = arith.constant 32 : index
      %swap3A_1408 = tpu.vector_load %arg10[%swap3A_1406, %swap3A_1407] {strides = array<i32>} : memref<8x128xf32, #tpu.memory_space<vmem>>, vector<1x16xf32>,
      %swap3A_1409 = vector.shape_cast %swap3A_1408 : vector<1x16xf32> to vector<16xf32>
      %swap3A_1410 = vector.shape_cast %mul3A_1404 : vector<16xf32> to vector<1x16xf32>
      tpu.vector_store %arg10[%swap3A_1406, %swap3A_1407], %swap3A_1410 {strides = array<i32>} : memref<8x128xf32, #tpu.memory_space<vmem>>, vector<1x16xf32>,
      %mul3A_1411 = arith.constant 2.000000e-02 : f32
      %mul3A_1412 = vector.broadcast %mul3A_1411 : f32 to vector<16xf32>
      %mul3A_1413 = arith.mulf %scan3A_1382#3, %mul3A_1412 : vector<16xf32>
      %swap3A_1414 = arith.constant 3 : i32
      %swap3A_1415 = arith.index_cast %swap3A_1414 : i32 to index
      %swap3A_1416 = arith.constant 48 : index
      %swap3A_1417 = tpu.vector_load %arg10[%swap3A_1415, %swap3A_1416] {strides = array<i32>} : memref<8x128xf32, #tpu.memory_space<vmem>>, vector<1x16xf32>,
      %swap3A_1418 = vector.shape_cast %swap3A_1417 : vector<1x16xf32> to vector<16xf32>
      %swap3A_1419 = vector.shape_cast %mul3A_1413 : vector<16xf32> to vector<1x16xf32>
      tpu.vector_store %arg10[%swap3A_1415, %swap3A_1416], %swap3A_1419 {strides = array<i32>} : memref<8x128xf32, #tpu.memory_space<vmem>>, vector<1x16xf32>,
      %mul3A_1420 = arith.constant 2.000000e-02 : f32
      %mul3A_1421 = vector.broadcast %mul3A_1420 : f32 to vector<16xf32>
      %mul3A_1422 = arith.mulf %scan3A_1382#4, %mul3A_1421 : vector<16xf32>
      %swap3A_1423 = arith.constant 3 : i32
      %swap3A_1424 = arith.index_cast %swap3A_1423 : i32 to index
      %swap3A_1425 = arith.constant 64 : index
      %swap3A_1426 = tpu.vector_load %arg10[%swap3A_1424, %swap3A_1425] {strides = array<i32>} : memref<8x128xf32, #tpu.memory_space<vmem>>, vector<1x16xf32>,
      %swap3A_1427 = vector.shape_cast %swap3A_1426 : vector<1x16xf32> to vector<16xf32>
      %swap3A_1428 = vector.shape_cast %mul3A_1422 : vector<16xf32> to vector<1x16xf32>
      tpu.vector_store %arg10[%swap3A_1424, %swap3A_1425], %swap3A_1428 {strides = array<i32>} : memref<8x128xf32, #tpu.memory_space<vmem>>, vector<1x16xf32>,
      %mul3A_1429 = arith.constant 2.000000e-02 : f32
      %mul3A_1430 = vector.broadcast %mul3A_1429 : f32 to vector<16xf32>
      %mul3A_1431 = arith.mulf %scan3A_1382#5, %mul3A_1430 : vector<16xf32>
      %swap3A_1432 = arith.constant 3 : i32
      %swap3A_1433 = arith.index_cast %swap3A_1432 : i32 to index
      %swap3A_1434 = arith.constant 80 : index
      %swap3A_1435 = tpu.vector_load %arg10[%swap3A_1433, %swap3A_1434] {strides = array<i32>} : memref<8x128xf32, #tpu.memory_space<vmem>>, vector<1x16xf32>,
      %swap3A_1436 = vector.shape_cast %swap3A_1435 : vector<1x16xf32> to vector<16xf32>
      %swap3A_1437 = vector.shape_cast %mul3A_1431 : vector<16xf32> to vector<1x16xf32>
      tpu.vector_store %arg10[%swap3A_1433, %swap3A_1434], %swap3A_1437 {strides = array<i32>} : memref<8x128xf32, #tpu.memory_space<vmem>>, vector<1x16xf32>,
      %mul3A_1438 = arith.constant 2.000000e-02 : f32
      %mul3A_1439 = vector.broadcast %mul3A_1438 : f32 to vector<16xf32>
      %mul3A_1440 = arith.mulf %scan3A_1382#6, %mul3A_1439 : vector<16xf32>
      %swap3A_1441 = arith.constant 3 : i32
      %swap3A_1442 = arith.index_cast %swap3A_1441 : i32 to index
      %swap3A_1443 = arith.constant 96 : index
      %swap3A_1444 = tpu.vector_load %arg10[%swap3A_1442, %swap3A_1443] {strides = array<i32>} : memref<8x128xf32, #tpu.memory_space<vmem>>, vector<1x16xf32>,
      %swap3A_1445 = vector.shape_cast %swap3A_1444 : vector<1x16xf32> to vector<16xf32>
      %swap3A_1446 = vector.shape_cast %mul3A_1440 : vector<16xf32> to vector<1x16xf32>
      tpu.vector_store %arg10[%swap3A_1442, %swap3A_1443], %swap3A_1446 {strides = array<i32>} : memref<8x128xf32, #tpu.memory_space<vmem>>, vector<1x16xf32>,
      %mul3A_1447 = arith.constant 2.000000e-02 : f32
      %mul3A_1448 = vector.broadcast %mul3A_1447 : f32 to vector<16xf32>
      %mul3A_1449 = arith.mulf %scan3A_1382#7, %mul3A_1448 : vector<16xf32>
      %swap3A_1450 = arith.constant 3 : i32
      %swap3A_1451 = arith.index_cast %swap3A_1450 : i32 to index
      %swap3A_1452 = arith.constant 112 : index
      %swap3A_1453 = tpu.vector_load %arg10[%swap3A_1451, %swap3A_1452] {strides = array<i32>} : memref<8x128xf32, #tpu.memory_space<vmem>>, vector<1x16xf32>,
      %swap3A_1454 = vector.shape_cast %swap3A_1453 : vector<1x16xf32> to vector<16xf32>
      %swap3A_1455 = vector.shape_cast %mul3A_1449 : vector<16xf32> to vector<1x16xf32>
      tpu.vector_store %arg10[%swap3A_1451, %swap3A_1452], %swap3A_1455 {strides = array<i32>} : memref<8x128xf32, #tpu.memory_space<vmem>>, vector<1x16xf32>,
      %broadcast_in_dim3A_1456 = arith.constant 0.000000e+00 : f32
      %broadcast_in_dim3A_1457 = vector.broadcast %broadcast_in_dim3A_1456 : f32 to vector<16xf32>
      %broadcast_in_dim3A_1458 = arith.constant 0.000000e+00 : f32
      %broadcast_in_dim3A_1459 = vector.broadcast %broadcast_in_dim3A_1458 : f32 to vector<16xf32>
      %broadcast_in_dim3A_1460 = arith.constant 0.000000e+00 : f32
      %broadcast_in_dim3A_1461 = vector.broadcast %broadcast_in_dim3A_1460 : f32 to vector<16xf32>
      %broadcast_in_dim3A_1462 = arith.constant 0.000000e+00 : f32
      %broadcast_in_dim3A_1463 = vector.broadcast %broadcast_in_dim3A_1462 : f32 to vector<16xf32>
      %broadcast_in_dim3A_1464 = arith.constant 0.000000e+00 : f32
      %broadcast_in_dim3A_1465 = vector.broadcast %broadcast_in_dim3A_1464 : f32 to vector<16xf32>
      %broadcast_in_dim3A_1466 = arith.constant 0.000000e+00 : f32
      %broadcast_in_dim3A_1467 = vector.broadcast %broadcast_in_dim3A_1466 : f32 to vector<16xf32>
      %broadcast_in_dim3A_1468 = arith.constant 0.000000e+00 : f32
      %broadcast_in_dim3A_1469 = vector.broadcast %broadcast_in_dim3A_1468 : f32 to vector<16xf32>
      %broadcast_in_dim3A_1470 = arith.constant 0.000000e+00 : f32
      %broadcast_in_dim3A_1471 = vector.broadcast %broadcast_in_dim3A_1470 : f32 to vector<16xf32>
      %scan3A_1472 = arith.constant 0 : i32
      %scan3A_1473 = arith.constant 50 : i32
      %scan3A_1474 = arith.addi %scan3A_1472, %scan3A_1473 : i32
      %scan3A_1475 = arith.constant 1 : i32
      %scan3A_1476:8 = scf.for %scan3A_1847 = %scan3A_1472 to %scan3A_1474 step %scan3A_1475 iter_args(%scan3A_1848 = %broadcast_in_dim3A_1457, %scan3A_1849 = %broadcast_in_dim3A_1459, %scan3A_1850 = %broadcast_in_dim3A_1461, %scan3A_1851 = %broadcast_in_dim3A_1463, %scan3A_1852 = %broadcast_in_dim3A_1465, %scan3A_1853 = %broadcast_in_dim3A_1467, %scan3A_1854 = %broadcast_in_dim3A_1469, %scan3A_1855 = %broadcast_in_dim3A_1471) -> (vector<16xf32>, vector<16xf32>, vector<16xf32>, vector<16xf32>, vector<16xf32>, vector<16xf32>, vector<16xf32>, vector<16xf32>)  : i32 {
        %add3A_1856 = arith.constant 200 : i32
        %add3A_1857 = arith.addi %add3A_1856, %scan3A_1847 : i32
        %get3A = arith.index_cast %add3A_1857 : i32 to index
        %get3A_1858 = arith.constant 0 : index
        %get3A_1859 = tpu.vector_load %arg8[%get3A, %get3A_1858] {strides = array<i32>} : memref<400x128xf32, #tpu.memory_space<vmem>>, vector<1x16xf32>,
        %get3A_1860 = vector.shape_cast %get3A_1859 : vector<1x16xf32> to vector<16xf32>
        %add3A_1861 = arith.addf %scan3A_1848, %get3A_1860 : vector<16xf32>
        %get3A_1862 = arith.index_cast %add3A_1857 : i32 to index
        %get3A_1863 = arith.constant 16 : index
        %get3A_1864 = tpu.vector_load %arg8[%get3A_1862, %get3A_1863] {strides = array<i32>} : memref<400x128xf32, #tpu.memory_space<vmem>>, vector<1x16xf32>,
        %get3A_1865 = vector.shape_cast %get3A_1864 : vector<1x16xf32> to vector<16xf32>
        %add3A_1866 = arith.addf %scan3A_1849, %get3A_1865 : vector<16xf32>
        %get3A_1867 = arith.index_cast %add3A_1857 : i32 to index
        %get3A_1868 = arith.constant 32 : index
        %get3A_1869 = tpu.vector_load %arg8[%get3A_1867, %get3A_1868] {strides = array<i32>} : memref<400x128xf32, #tpu.memory_space<vmem>>, vector<1x16xf32>,
        %get3A_1870 = vector.shape_cast %get3A_1869 : vector<1x16xf32> to vector<16xf32>
        %add3A_1871 = arith.addf %scan3A_1850, %get3A_1870 : vector<16xf32>
        %get3A_1872 = arith.index_cast %add3A_1857 : i32 to index
        %get3A_1873 = arith.constant 48 : index
        %get3A_1874 = tpu.vector_load %arg8[%get3A_1872, %get3A_1873] {strides = array<i32>} : memref<400x128xf32, #tpu.memory_space<vmem>>, vector<1x16xf32>,
        %get3A_1875 = vector.shape_cast %get3A_1874 : vector<1x16xf32> to vector<16xf32>
        %add3A_1876 = arith.addf %scan3A_1851, %get3A_1875 : vector<16xf32>
        %get3A_1877 = arith.index_cast %add3A_1857 : i32 to index
        %get3A_1878 = arith.constant 64 : index
        %get3A_1879 = tpu.vector_load %arg8[%get3A_1877, %get3A_1878] {strides = array<i32>} : memref<400x128xf32, #tpu.memory_space<vmem>>, vector<1x16xf32>,
        %get3A_1880 = vector.shape_cast %get3A_1879 : vector<1x16xf32> to vector<16xf32>
        %add3A_1881 = arith.addf %scan3A_1852, %get3A_1880 : vector<16xf32>
        %get3A_1882 = arith.index_cast %add3A_1857 : i32 to index
        %get3A_1883 = arith.constant 80 : index
        %get3A_1884 = tpu.vector_load %arg8[%get3A_1882, %get3A_1883] {strides = array<i32>} : memref<400x128xf32, #tpu.memory_space<vmem>>, vector<1x16xf32>,
        %get3A_1885 = vector.shape_cast %get3A_1884 : vector<1x16xf32> to vector<16xf32>
        %add3A_1886 = arith.addf %scan3A_1853, %get3A_1885 : vector<16xf32>
        %get3A_1887 = arith.index_cast %add3A_1857 : i32 to index
        %get3A_1888 = arith.constant 96 : index
        %get3A_1889 = tpu.vector_load %arg8[%get3A_1887, %get3A_1888] {strides = array<i32>} : memref<400x128xf32, #tpu.memory_space<vmem>>, vector<1x16xf32>,
        %get3A_1890 = vector.shape_cast %get3A_1889 : vector<1x16xf32> to vector<16xf32>
        %add3A_1891 = arith.addf %scan3A_1854, %get3A_1890 : vector<16xf32>
        %get3A_1892 = arith.index_cast %add3A_1857 : i32 to index
        %get3A_1893 = arith.constant 112 : index
        %get3A_1894 = tpu.vector_load %arg8[%get3A_1892, %get3A_1893] {strides = array<i32>} : memref<400x128xf32, #tpu.memory_space<vmem>>, vector<1x16xf32>,
        %get3A_1895 = vector.shape_cast %get3A_1894 : vector<1x16xf32> to vector<16xf32>
        %add3A_1896 = arith.addf %scan3A_1855, %get3A_1895 : vector<16xf32>
        scf.yield %add3A_1861, %add3A_1866, %add3A_1871, %add3A_1876, %add3A_1881, %add3A_1886, %add3A_1891, %add3A_1896 : vector<16xf32>, vector<16xf32>, vector<16xf32>, vector<16xf32>, vector<16xf32>, vector<16xf32>, vector<16xf32>, vector<16xf32>
      }
      %scan3A_1477 = arith.constant 50 : i32
      %mul3A_1478 = arith.constant 2.000000e-02 : f32
      %mul3A_1479 = vector.broadcast %mul3A_1478 : f32 to vector<16xf32>
      %mul3A_1480 = arith.mulf %scan3A_1476#0, %mul3A_1479 : vector<16xf32>
      %swap3A_1481 = arith.constant 4 : i32
      %swap3A_1482 = arith.index_cast %swap3A_1481 : i32 to index
      %swap3A_1483 = arith.constant 0 : index
      %swap3A_1484 = tpu.vector_load %arg10[%swap3A_1482, %swap3A_1483] {strides = array<i32>} : memref<8x128xf32, #tpu.memory_space<vmem>>, vector<1x16xf32>,
      %swap3A_1485 = vector.shape_cast %swap3A_1484 : vector<1x16xf32> to vector<16xf32>
      %swap3A_1486 = vector.shape_cast %mul3A_1480 : vector<16xf32> to vector<1x16xf32>
      tpu.vector_store %arg10[%swap3A_1482, %swap3A_1483], %swap3A_1486 {strides = array<i32>} : memref<8x128xf32, #tpu.memory_space<vmem>>, vector<1x16xf32>,
      %mul3A_1487 = arith.constant 2.000000e-02 : f32
      %mul3A_1488 = vector.broadcast %mul3A_1487 : f32 to vector<16xf32>
      %mul3A_1489 = arith.mulf %scan3A_1476#1, %mul3A_1488 : vector<16xf32>
      %swap3A_1490 = arith.constant 4 : i32
      %swap3A_1491 = arith.index_cast %swap3A_1490 : i32 to index
      %swap3A_1492 = arith.constant 16 : index
      %swap3A_1493 = tpu.vector_load %arg10[%swap3A_1491, %swap3A_1492] {strides = array<i32>} : memref<8x128xf32, #tpu.memory_space<vmem>>, vector<1x16xf32>,
      %swap3A_1494 = vector.shape_cast %swap3A_1493 : vector<1x16xf32> to vector<16xf32>
      %swap3A_1495 = vector.shape_cast %mul3A_1489 : vector<16xf32> to vector<1x16xf32>
      tpu.vector_store %arg10[%swap3A_1491, %swap3A_1492], %swap3A_1495 {strides = array<i32>} : memref<8x128xf32, #tpu.memory_space<vmem>>, vector<1x16xf32>,
      %mul3A_1496 = arith.constant 2.000000e-02 : f32
      %mul3A_1497 = vector.broadcast %mul3A_1496 : f32 to vector<16xf32>
      %mul3A_1498 = arith.mulf %scan3A_1476#2, %mul3A_1497 : vector<16xf32>
      %swap3A_1499 = arith.constant 4 : i32
      %swap3A_1500 = arith.index_cast %swap3A_1499 : i32 to index
      %swap3A_1501 = arith.constant 32 : index
      %swap3A_1502 = tpu.vector_load %arg10[%swap3A_1500, %swap3A_1501] {strides = array<i32>} : memref<8x128xf32, #tpu.memory_space<vmem>>, vector<1x16xf32>,
      %swap3A_1503 = vector.shape_cast %swap3A_1502 : vector<1x16xf32> to vector<16xf32>
      %swap3A_1504 = vector.shape_cast %mul3A_1498 : vector<16xf32> to vector<1x16xf32>
      tpu.vector_store %arg10[%swap3A_1500, %swap3A_1501], %swap3A_1504 {strides = array<i32>} : memref<8x128xf32, #tpu.memory_space<vmem>>, vector<1x16xf32>,
      %mul3A_1505 = arith.constant 2.000000e-02 : f32
      %mul3A_1506 = vector.broadcast %mul3A_1505 : f32 to vector<16xf32>
      %mul3A_1507 = arith.mulf %scan3A_1476#3, %mul3A_1506 : vector<16xf32>
      %swap3A_1508 = arith.constant 4 : i32
      %swap3A_1509 = arith.index_cast %swap3A_1508 : i32 to index
      %swap3A_1510 = arith.constant 48 : index
      %swap3A_1511 = tpu.vector_load %arg10[%swap3A_1509, %swap3A_1510] {strides = array<i32>} : memref<8x128xf32, #tpu.memory_space<vmem>>, vector<1x16xf32>,
      %swap3A_1512 = vector.shape_cast %swap3A_1511 : vector<1x16xf32> to vector<16xf32>
      %swap3A_1513 = vector.shape_cast %mul3A_1507 : vector<16xf32> to vector<1x16xf32>
      tpu.vector_store %arg10[%swap3A_1509, %swap3A_1510], %swap3A_1513 {strides = array<i32>} : memref<8x128xf32, #tpu.memory_space<vmem>>, vector<1x16xf32>,
      %mul3A_1514 = arith.constant 2.000000e-02 : f32
      %mul3A_1515 = vector.broadcast %mul3A_1514 : f32 to vector<16xf32>
      %mul3A_1516 = arith.mulf %scan3A_1476#4, %mul3A_1515 : vector<16xf32>
      %swap3A_1517 = arith.constant 4 : i32
      %swap3A_1518 = arith.index_cast %swap3A_1517 : i32 to index
      %swap3A_1519 = arith.constant 64 : index
      %swap3A_1520 = tpu.vector_load %arg10[%swap3A_1518, %swap3A_1519] {strides = array<i32>} : memref<8x128xf32, #tpu.memory_space<vmem>>, vector<1x16xf32>,
      %swap3A_1521 = vector.shape_cast %swap3A_1520 : vector<1x16xf32> to vector<16xf32>
      %swap3A_1522 = vector.shape_cast %mul3A_1516 : vector<16xf32> to vector<1x16xf32>
      tpu.vector_store %arg10[%swap3A_1518, %swap3A_1519], %swap3A_1522 {strides = array<i32>} : memref<8x128xf32, #tpu.memory_space<vmem>>, vector<1x16xf32>,
      %mul3A_1523 = arith.constant 2.000000e-02 : f32
      %mul3A_1524 = vector.broadcast %mul3A_1523 : f32 to vector<16xf32>
      %mul3A_1525 = arith.mulf %scan3A_1476#5, %mul3A_1524 : vector<16xf32>
      %swap3A_1526 = arith.constant 4 : i32
      %swap3A_1527 = arith.index_cast %swap3A_1526 : i32 to index
      %swap3A_1528 = arith.constant 80 : index
      %swap3A_1529 = tpu.vector_load %arg10[%swap3A_1527, %swap3A_1528] {strides = array<i32>} : memref<8x128xf32, #tpu.memory_space<vmem>>, vector<1x16xf32>,
      %swap3A_1530 = vector.shape_cast %swap3A_1529 : vector<1x16xf32> to vector<16xf32>
      %swap3A_1531 = vector.shape_cast %mul3A_1525 : vector<16xf32> to vector<1x16xf32>
      tpu.vector_store %arg10[%swap3A_1527, %swap3A_1528], %swap3A_1531 {strides = array<i32>} : memref<8x128xf32, #tpu.memory_space<vmem>>, vector<1x16xf32>,
      %mul3A_1532 = arith.constant 2.000000e-02 : f32
      %mul3A_1533 = vector.broadcast %mul3A_1532 : f32 to vector<16xf32>
      %mul3A_1534 = arith.mulf %scan3A_1476#6, %mul3A_1533 : vector<16xf32>
      %swap3A_1535 = arith.constant 4 : i32
      %swap3A_1536 = arith.index_cast %swap3A_1535 : i32 to index
      %swap3A_1537 = arith.constant 96 : index
      %swap3A_1538 = tpu.vector_load %arg10[%swap3A_1536, %swap3A_1537] {strides = array<i32>} : memref<8x128xf32, #tpu.memory_space<vmem>>, vector<1x16xf32>,
      %swap3A_1539 = vector.shape_cast %swap3A_1538 : vector<1x16xf32> to vector<16xf32>
      %swap3A_1540 = vector.shape_cast %mul3A_1534 : vector<16xf32> to vector<1x16xf32>
      tpu.vector_store %arg10[%swap3A_1536, %swap3A_1537], %swap3A_1540 {strides = array<i32>} : memref<8x128xf32, #tpu.memory_space<vmem>>, vector<1x16xf32>,
      %mul3A_1541 = arith.constant 2.000000e-02 : f32
      %mul3A_1542 = vector.broadcast %mul3A_1541 : f32 to vector<16xf32>
      %mul3A_1543 = arith.mulf %scan3A_1476#7, %mul3A_1542 : vector<16xf32>
      %swap3A_1544 = arith.constant 4 : i32
      %swap3A_1545 = arith.index_cast %swap3A_1544 : i32 to index
      %swap3A_1546 = arith.constant 112 : index
      %swap3A_1547 = tpu.vector_load %arg10[%swap3A_1545, %swap3A_1546] {strides = array<i32>} : memref<8x128xf32, #tpu.memory_space<vmem>>, vector<1x16xf32>,
      %swap3A_1548 = vector.shape_cast %swap3A_1547 : vector<1x16xf32> to vector<16xf32>
      %swap3A_1549 = vector.shape_cast %mul3A_1543 : vector<16xf32> to vector<1x16xf32>
      tpu.vector_store %arg10[%swap3A_1545, %swap3A_1546], %swap3A_1549 {strides = array<i32>} : memref<8x128xf32, #tpu.memory_space<vmem>>, vector<1x16xf32>,
      %broadcast_in_dim3A_1550 = arith.constant 0.000000e+00 : f32
      %broadcast_in_dim3A_1551 = vector.broadcast %broadcast_in_dim3A_1550 : f32 to vector<16xf32>
      %broadcast_in_dim3A_1552 = arith.constant 0.000000e+00 : f32
      %broadcast_in_dim3A_1553 = vector.broadcast %broadcast_in_dim3A_1552 : f32 to vector<16xf32>
      %broadcast_in_dim3A_1554 = arith.constant 0.000000e+00 : f32
      %broadcast_in_dim3A_1555 = vector.broadcast %broadcast_in_dim3A_1554 : f32 to vector<16xf32>
      %broadcast_in_dim3A_1556 = arith.constant 0.000000e+00 : f32
      %broadcast_in_dim3A_1557 = vector.broadcast %broadcast_in_dim3A_1556 : f32 to vector<16xf32>
      %broadcast_in_dim3A_1558 = arith.constant 0.000000e+00 : f32
      %broadcast_in_dim3A_1559 = vector.broadcast %broadcast_in_dim3A_1558 : f32 to vector<16xf32>
      %broadcast_in_dim3A_1560 = arith.constant 0.000000e+00 : f32
      %broadcast_in_dim3A_1561 = vector.broadcast %broadcast_in_dim3A_1560 : f32 to vector<16xf32>
      %broadcast_in_dim3A_1562 = arith.constant 0.000000e+00 : f32
      %broadcast_in_dim3A_1563 = vector.broadcast %broadcast_in_dim3A_1562 : f32 to vector<16xf32>
      %broadcast_in_dim3A_1564 = arith.constant 0.000000e+00 : f32
      %broadcast_in_dim3A_1565 = vector.broadcast %broadcast_in_dim3A_1564 : f32 to vector<16xf32>
      %scan3A_1566 = arith.constant 0 : i32
      %scan3A_1567 = arith.constant 50 : i32
      %scan3A_1568 = arith.addi %scan3A_1566, %scan3A_1567 : i32
      %scan3A_1569 = arith.constant 1 : i32
      %scan3A_1570:8 = scf.for %scan3A_1847 = %scan3A_1566 to %scan3A_1568 step %scan3A_1569 iter_args(%scan3A_1848 = %broadcast_in_dim3A_1551, %scan3A_1849 = %broadcast_in_dim3A_1553, %scan3A_1850 = %broadcast_in_dim3A_1555, %scan3A_1851 = %broadcast_in_dim3A_1557, %scan3A_1852 = %broadcast_in_dim3A_1559, %scan3A_1853 = %broadcast_in_dim3A_1561, %scan3A_1854 = %broadcast_in_dim3A_1563, %scan3A_1855 = %broadcast_in_dim3A_1565) -> (vector<16xf32>, vector<16xf32>, vector<16xf32>, vector<16xf32>, vector<16xf32>, vector<16xf32>, vector<16xf32>, vector<16xf32>)  : i32 {
        %add3A_1856 = arith.constant 250 : i32
        %add3A_1857 = arith.addi %add3A_1856, %scan3A_1847 : i32
        %get3A = arith.index_cast %add3A_1857 : i32 to index
        %get3A_1858 = arith.constant 0 : index
        %get3A_1859 = tpu.vector_load %arg8[%get3A, %get3A_1858] {strides = array<i32>} : memref<400x128xf32, #tpu.memory_space<vmem>>, vector<1x16xf32>,
        %get3A_1860 = vector.shape_cast %get3A_1859 : vector<1x16xf32> to vector<16xf32>
        %add3A_1861 = arith.addf %scan3A_1848, %get3A_1860 : vector<16xf32>
        %get3A_1862 = arith.index_cast %add3A_1857 : i32 to index
        %get3A_1863 = arith.constant 16 : index
        %get3A_1864 = tpu.vector_load %arg8[%get3A_1862, %get3A_1863] {strides = array<i32>} : memref<400x128xf32, #tpu.memory_space<vmem>>, vector<1x16xf32>,
        %get3A_1865 = vector.shape_cast %get3A_1864 : vector<1x16xf32> to vector<16xf32>
        %add3A_1866 = arith.addf %scan3A_1849, %get3A_1865 : vector<16xf32>
        %get3A_1867 = arith.index_cast %add3A_1857 : i32 to index
        %get3A_1868 = arith.constant 32 : index
        %get3A_1869 = tpu.vector_load %arg8[%get3A_1867, %get3A_1868] {strides = array<i32>} : memref<400x128xf32, #tpu.memory_space<vmem>>, vector<1x16xf32>,
        %get3A_1870 = vector.shape_cast %get3A_1869 : vector<1x16xf32> to vector<16xf32>
        %add3A_1871 = arith.addf %scan3A_1850, %get3A_1870 : vector<16xf32>
        %get3A_1872 = arith.index_cast %add3A_1857 : i32 to index
        %get3A_1873 = arith.constant 48 : index
        %get3A_1874 = tpu.vector_load %arg8[%get3A_1872, %get3A_1873] {strides = array<i32>} : memref<400x128xf32, #tpu.memory_space<vmem>>, vector<1x16xf32>,
        %get3A_1875 = vector.shape_cast %get3A_1874 : vector<1x16xf32> to vector<16xf32>
        %add3A_1876 = arith.addf %scan3A_1851, %get3A_1875 : vector<16xf32>
        %get3A_1877 = arith.index_cast %add3A_1857 : i32 to index
        %get3A_1878 = arith.constant 64 : index
        %get3A_1879 = tpu.vector_load %arg8[%get3A_1877, %get3A_1878] {strides = array<i32>} : memref<400x128xf32, #tpu.memory_space<vmem>>, vector<1x16xf32>,
        %get3A_1880 = vector.shape_cast %get3A_1879 : vector<1x16xf32> to vector<16xf32>
        %add3A_1881 = arith.addf %scan3A_1852, %get3A_1880 : vector<16xf32>
        %get3A_1882 = arith.index_cast %add3A_1857 : i32 to index
        %get3A_1883 = arith.constant 80 : index
        %get3A_1884 = tpu.vector_load %arg8[%get3A_1882, %get3A_1883] {strides = array<i32>} : memref<400x128xf32, #tpu.memory_space<vmem>>, vector<1x16xf32>,
        %get3A_1885 = vector.shape_cast %get3A_1884 : vector<1x16xf32> to vector<16xf32>
        %add3A_1886 = arith.addf %scan3A_1853, %get3A_1885 : vector<16xf32>
        %get3A_1887 = arith.index_cast %add3A_1857 : i32 to index
        %get3A_1888 = arith.constant 96 : index
        %get3A_1889 = tpu.vector_load %arg8[%get3A_1887, %get3A_1888] {strides = array<i32>} : memref<400x128xf32, #tpu.memory_space<vmem>>, vector<1x16xf32>,
        %get3A_1890 = vector.shape_cast %get3A_1889 : vector<1x16xf32> to vector<16xf32>
        %add3A_1891 = arith.addf %scan3A_1854, %get3A_1890 : vector<16xf32>
        %get3A_1892 = arith.index_cast %add3A_1857 : i32 to index
        %get3A_1893 = arith.constant 112 : index
        %get3A_1894 = tpu.vector_load %arg8[%get3A_1892, %get3A_1893] {strides = array<i32>} : memref<400x128xf32, #tpu.memory_space<vmem>>, vector<1x16xf32>,
        %get3A_1895 = vector.shape_cast %get3A_1894 : vector<1x16xf32> to vector<16xf32>
        %add3A_1896 = arith.addf %scan3A_1855, %get3A_1895 : vector<16xf32>
        scf.yield %add3A_1861, %add3A_1866, %add3A_1871, %add3A_1876, %add3A_1881, %add3A_1886, %add3A_1891, %add3A_1896 : vector<16xf32>, vector<16xf32>, vector<16xf32>, vector<16xf32>, vector<16xf32>, vector<16xf32>, vector<16xf32>, vector<16xf32>
      }
      %scan3A_1571 = arith.constant 50 : i32
      %mul3A_1572 = arith.constant 2.000000e-02 : f32
      %mul3A_1573 = vector.broadcast %mul3A_1572 : f32 to vector<16xf32>
      %mul3A_1574 = arith.mulf %scan3A_1570#0, %mul3A_1573 : vector<16xf32>
      %swap3A_1575 = arith.constant 5 : i32
      %swap3A_1576 = arith.index_cast %swap3A_1575 : i32 to index
      %swap3A_1577 = arith.constant 0 : index
      %swap3A_1578 = tpu.vector_load %arg10[%swap3A_1576, %swap3A_1577] {strides = array<i32>} : memref<8x128xf32, #tpu.memory_space<vmem>>, vector<1x16xf32>,
      %swap3A_1579 = vector.shape_cast %swap3A_1578 : vector<1x16xf32> to vector<16xf32>
      %swap3A_1580 = vector.shape_cast %mul3A_1574 : vector<16xf32> to vector<1x16xf32>
      tpu.vector_store %arg10[%swap3A_1576, %swap3A_1577], %swap3A_1580 {strides = array<i32>} : memref<8x128xf32, #tpu.memory_space<vmem>>, vector<1x16xf32>,
      %mul3A_1581 = arith.constant 2.000000e-02 : f32
      %mul3A_1582 = vector.broadcast %mul3A_1581 : f32 to vector<16xf32>
      %mul3A_1583 = arith.mulf %scan3A_1570#1, %mul3A_1582 : vector<16xf32>
      %swap3A_1584 = arith.constant 5 : i32
      %swap3A_1585 = arith.index_cast %swap3A_1584 : i32 to index
      %swap3A_1586 = arith.constant 16 : index
      %swap3A_1587 = tpu.vector_load %arg10[%swap3A_1585, %swap3A_1586] {strides = array<i32>} : memref<8x128xf32, #tpu.memory_space<vmem>>, vector<1x16xf32>,
      %swap3A_1588 = vector.shape_cast %swap3A_1587 : vector<1x16xf32> to vector<16xf32>
      %swap3A_1589 = vector.shape_cast %mul3A_1583 : vector<16xf32> to vector<1x16xf32>
      tpu.vector_store %arg10[%swap3A_1585, %swap3A_1586], %swap3A_1589 {strides = array<i32>} : memref<8x128xf32, #tpu.memory_space<vmem>>, vector<1x16xf32>,
      %mul3A_1590 = arith.constant 2.000000e-02 : f32
      %mul3A_1591 = vector.broadcast %mul3A_1590 : f32 to vector<16xf32>
      %mul3A_1592 = arith.mulf %scan3A_1570#2, %mul3A_1591 : vector<16xf32>
      %swap3A_1593 = arith.constant 5 : i32
      %swap3A_1594 = arith.index_cast %swap3A_1593 : i32 to index
      %swap3A_1595 = arith.constant 32 : index
      %swap3A_1596 = tpu.vector_load %arg10[%swap3A_1594, %swap3A_1595] {strides = array<i32>} : memref<8x128xf32, #tpu.memory_space<vmem>>, vector<1x16xf32>,
      %swap3A_1597 = vector.shape_cast %swap3A_1596 : vector<1x16xf32> to vector<16xf32>
      %swap3A_1598 = vector.shape_cast %mul3A_1592 : vector<16xf32> to vector<1x16xf32>
      tpu.vector_store %arg10[%swap3A_1594, %swap3A_1595], %swap3A_1598 {strides = array<i32>} : memref<8x128xf32, #tpu.memory_space<vmem>>, vector<1x16xf32>,
      %mul3A_1599 = arith.constant 2.000000e-02 : f32
      %mul3A_1600 = vector.broadcast %mul3A_1599 : f32 to vector<16xf32>
      %mul3A_1601 = arith.mulf %scan3A_1570#3, %mul3A_1600 : vector<16xf32>
      %swap3A_1602 = arith.constant 5 : i32
      %swap3A_1603 = arith.index_cast %swap3A_1602 : i32 to index
      %swap3A_1604 = arith.constant 48 : index
      %swap3A_1605 = tpu.vector_load %arg10[%swap3A_1603, %swap3A_1604] {strides = array<i32>} : memref<8x128xf32, #tpu.memory_space<vmem>>, vector<1x16xf32>,
      %swap3A_1606 = vector.shape_cast %swap3A_1605 : vector<1x16xf32> to vector<16xf32>
      %swap3A_1607 = vector.shape_cast %mul3A_1601 : vector<16xf32> to vector<1x16xf32>
      tpu.vector_store %arg10[%swap3A_1603, %swap3A_1604], %swap3A_1607 {strides = array<i32>} : memref<8x128xf32, #tpu.memory_space<vmem>>, vector<1x16xf32>,
      %mul3A_1608 = arith.constant 2.000000e-02 : f32
      %mul3A_1609 = vector.broadcast %mul3A_1608 : f32 to vector<16xf32>
      %mul3A_1610 = arith.mulf %scan3A_1570#4, %mul3A_1609 : vector<16xf32>
      %swap3A_1611 = arith.constant 5 : i32
      %swap3A_1612 = arith.index_cast %swap3A_1611 : i32 to index
      %swap3A_1613 = arith.constant 64 : index
      %swap3A_1614 = tpu.vector_load %arg10[%swap3A_1612, %swap3A_1613] {strides = array<i32>} : memref<8x128xf32, #tpu.memory_space<vmem>>, vector<1x16xf32>,
      %swap3A_1615 = vector.shape_cast %swap3A_1614 : vector<1x16xf32> to vector<16xf32>
      %swap3A_1616 = vector.shape_cast %mul3A_1610 : vector<16xf32> to vector<1x16xf32>
      tpu.vector_store %arg10[%swap3A_1612, %swap3A_1613], %swap3A_1616 {strides = array<i32>} : memref<8x128xf32, #tpu.memory_space<vmem>>, vector<1x16xf32>,
      %mul3A_1617 = arith.constant 2.000000e-02 : f32
      %mul3A_1618 = vector.broadcast %mul3A_1617 : f32 to vector<16xf32>
      %mul3A_1619 = arith.mulf %scan3A_1570#5, %mul3A_1618 : vector<16xf32>
      %swap3A_1620 = arith.constant 5 : i32
      %swap3A_1621 = arith.index_cast %swap3A_1620 : i32 to index
      %swap3A_1622 = arith.constant 80 : index
      %swap3A_1623 = tpu.vector_load %arg10[%swap3A_1621, %swap3A_1622] {strides = array<i32>} : memref<8x128xf32, #tpu.memory_space<vmem>>, vector<1x16xf32>,
      %swap3A_1624 = vector.shape_cast %swap3A_1623 : vector<1x16xf32> to vector<16xf32>
      %swap3A_1625 = vector.shape_cast %mul3A_1619 : vector<16xf32> to vector<1x16xf32>
      tpu.vector_store %arg10[%swap3A_1621, %swap3A_1622], %swap3A_1625 {strides = array<i32>} : memref<8x128xf32, #tpu.memory_space<vmem>>, vector<1x16xf32>,
      %mul3A_1626 = arith.constant 2.000000e-02 : f32
      %mul3A_1627 = vector.broadcast %mul3A_1626 : f32 to vector<16xf32>
      %mul3A_1628 = arith.mulf %scan3A_1570#6, %mul3A_1627 : vector<16xf32>
      %swap3A_1629 = arith.constant 5 : i32
      %swap3A_1630 = arith.index_cast %swap3A_1629 : i32 to index
      %swap3A_1631 = arith.constant 96 : index
      %swap3A_1632 = tpu.vector_load %arg10[%swap3A_1630, %swap3A_1631] {strides = array<i32>} : memref<8x128xf32, #tpu.memory_space<vmem>>, vector<1x16xf32>,
      %swap3A_1633 = vector.shape_cast %swap3A_1632 : vector<1x16xf32> to vector<16xf32>
      %swap3A_1634 = vector.shape_cast %mul3A_1628 : vector<16xf32> to vector<1x16xf32>
      tpu.vector_store %arg10[%swap3A_1630, %swap3A_1631], %swap3A_1634 {strides = array<i32>} : memref<8x128xf32, #tpu.memory_space<vmem>>, vector<1x16xf32>,
      %mul3A_1635 = arith.constant 2.000000e-02 : f32
      %mul3A_1636 = vector.broadcast %mul3A_1635 : f32 to vector<16xf32>
      %mul3A_1637 = arith.mulf %scan3A_1570#7, %mul3A_1636 : vector<16xf32>
      %swap3A_1638 = arith.constant 5 : i32
      %swap3A_1639 = arith.index_cast %swap3A_1638 : i32 to index
      %swap3A_1640 = arith.constant 112 : index
      %swap3A_1641 = tpu.vector_load %arg10[%swap3A_1639, %swap3A_1640] {strides = array<i32>} : memref<8x128xf32, #tpu.memory_space<vmem>>, vector<1x16xf32>,
      %swap3A_1642 = vector.shape_cast %swap3A_1641 : vector<1x16xf32> to vector<16xf32>
      %swap3A_1643 = vector.shape_cast %mul3A_1637 : vector<16xf32> to vector<1x16xf32>
      tpu.vector_store %arg10[%swap3A_1639, %swap3A_1640], %swap3A_1643 {strides = array<i32>} : memref<8x128xf32, #tpu.memory_space<vmem>>, vector<1x16xf32>,
      %broadcast_in_dim3A_1644 = arith.constant 0.000000e+00 : f32
      %broadcast_in_dim3A_1645 = vector.broadcast %broadcast_in_dim3A_1644 : f32 to vector<16xf32>
      %broadcast_in_dim3A_1646 = arith.constant 0.000000e+00 : f32
      %broadcast_in_dim3A_1647 = vector.broadcast %broadcast_in_dim3A_1646 : f32 to vector<16xf32>
      %broadcast_in_dim3A_1648 = arith.constant 0.000000e+00 : f32
      %broadcast_in_dim3A_1649 = vector.broadcast %broadcast_in_dim3A_1648 : f32 to vector<16xf32>
      %broadcast_in_dim3A_1650 = arith.constant 0.000000e+00 : f32
      %broadcast_in_dim3A_1651 = vector.broadcast %broadcast_in_dim3A_1650 : f32 to vector<16xf32>
      %broadcast_in_dim3A_1652 = arith.constant 0.000000e+00 : f32
      %broadcast_in_dim3A_1653 = vector.broadcast %broadcast_in_dim3A_1652 : f32 to vector<16xf32>
      %broadcast_in_dim3A_1654 = arith.constant 0.000000e+00 : f32
      %broadcast_in_dim3A_1655 = vector.broadcast %broadcast_in_dim3A_1654 : f32 to vector<16xf32>
      %broadcast_in_dim3A_1656 = arith.constant 0.000000e+00 : f32
      %broadcast_in_dim3A_1657 = vector.broadcast %broadcast_in_dim3A_1656 : f32 to vector<16xf32>
      %broadcast_in_dim3A_1658 = arith.constant 0.000000e+00 : f32
      %broadcast_in_dim3A_1659 = vector.broadcast %broadcast_in_dim3A_1658 : f32 to vector<16xf32>
      %scan3A_1660 = arith.constant 0 : i32
      %scan3A_1661 = arith.constant 50 : i32
      %scan3A_1662 = arith.addi %scan3A_1660, %scan3A_1661 : i32
      %scan3A_1663 = arith.constant 1 : i32
      %scan3A_1664:8 = scf.for %scan3A_1847 = %scan3A_1660 to %scan3A_1662 step %scan3A_1663 iter_args(%scan3A_1848 = %broadcast_in_dim3A_1645, %scan3A_1849 = %broadcast_in_dim3A_1647, %scan3A_1850 = %broadcast_in_dim3A_1649, %scan3A_1851 = %broadcast_in_dim3A_1651, %scan3A_1852 = %broadcast_in_dim3A_1653, %scan3A_1853 = %broadcast_in_dim3A_1655, %scan3A_1854 = %broadcast_in_dim3A_1657, %scan3A_1855 = %broadcast_in_dim3A_1659) -> (vector<16xf32>, vector<16xf32>, vector<16xf32>, vector<16xf32>, vector<16xf32>, vector<16xf32>, vector<16xf32>, vector<16xf32>)  : i32 {
        %add3A_1856 = arith.constant 300 : i32
        %add3A_1857 = arith.addi %add3A_1856, %scan3A_1847 : i32
        %get3A = arith.index_cast %add3A_1857 : i32 to index
        %get3A_1858 = arith.constant 0 : index
        %get3A_1859 = tpu.vector_load %arg8[%get3A, %get3A_1858] {strides = array<i32>} : memref<400x128xf32, #tpu.memory_space<vmem>>, vector<1x16xf32>,
        %get3A_1860 = vector.shape_cast %get3A_1859 : vector<1x16xf32> to vector<16xf32>
        %add3A_1861 = arith.addf %scan3A_1848, %get3A_1860 : vector<16xf32>
        %get3A_1862 = arith.index_cast %add3A_1857 : i32 to index
        %get3A_1863 = arith.constant 16 : index
        %get3A_1864 = tpu.vector_load %arg8[%get3A_1862, %get3A_1863] {strides = array<i32>} : memref<400x128xf32, #tpu.memory_space<vmem>>, vector<1x16xf32>,
        %get3A_1865 = vector.shape_cast %get3A_1864 : vector<1x16xf32> to vector<16xf32>
        %add3A_1866 = arith.addf %scan3A_1849, %get3A_1865 : vector<16xf32>
        %get3A_1867 = arith.index_cast %add3A_1857 : i32 to index
        %get3A_1868 = arith.constant 32 : index
        %get3A_1869 = tpu.vector_load %arg8[%get3A_1867, %get3A_1868] {strides = array<i32>} : memref<400x128xf32, #tpu.memory_space<vmem>>, vector<1x16xf32>,
        %get3A_1870 = vector.shape_cast %get3A_1869 : vector<1x16xf32> to vector<16xf32>
        %add3A_1871 = arith.addf %scan3A_1850, %get3A_1870 : vector<16xf32>
        %get3A_1872 = arith.index_cast %add3A_1857 : i32 to index
        %get3A_1873 = arith.constant 48 : index
        %get3A_1874 = tpu.vector_load %arg8[%get3A_1872, %get3A_1873] {strides = array<i32>} : memref<400x128xf32, #tpu.memory_space<vmem>>, vector<1x16xf32>,
        %get3A_1875 = vector.shape_cast %get3A_1874 : vector<1x16xf32> to vector<16xf32>
        %add3A_1876 = arith.addf %scan3A_1851, %get3A_1875 : vector<16xf32>
        %get3A_1877 = arith.index_cast %add3A_1857 : i32 to index
        %get3A_1878 = arith.constant 64 : index
        %get3A_1879 = tpu.vector_load %arg8[%get3A_1877, %get3A_1878] {strides = array<i32>} : memref<400x128xf32, #tpu.memory_space<vmem>>, vector<1x16xf32>,
        %get3A_1880 = vector.shape_cast %get3A_1879 : vector<1x16xf32> to vector<16xf32>
        %add3A_1881 = arith.addf %scan3A_1852, %get3A_1880 : vector<16xf32>
        %get3A_1882 = arith.index_cast %add3A_1857 : i32 to index
        %get3A_1883 = arith.constant 80 : index
        %get3A_1884 = tpu.vector_load %arg8[%get3A_1882, %get3A_1883] {strides = array<i32>} : memref<400x128xf32, #tpu.memory_space<vmem>>, vector<1x16xf32>,
        %get3A_1885 = vector.shape_cast %get3A_1884 : vector<1x16xf32> to vector<16xf32>
        %add3A_1886 = arith.addf %scan3A_1853, %get3A_1885 : vector<16xf32>
        %get3A_1887 = arith.index_cast %add3A_1857 : i32 to index
        %get3A_1888 = arith.constant 96 : index
        %get3A_1889 = tpu.vector_load %arg8[%get3A_1887, %get3A_1888] {strides = array<i32>} : memref<400x128xf32, #tpu.memory_space<vmem>>, vector<1x16xf32>,
        %get3A_1890 = vector.shape_cast %get3A_1889 : vector<1x16xf32> to vector<16xf32>
        %add3A_1891 = arith.addf %scan3A_1854, %get3A_1890 : vector<16xf32>
        %get3A_1892 = arith.index_cast %add3A_1857 : i32 to index
        %get3A_1893 = arith.constant 112 : index
        %get3A_1894 = tpu.vector_load %arg8[%get3A_1892, %get3A_1893] {strides = array<i32>} : memref<400x128xf32, #tpu.memory_space<vmem>>, vector<1x16xf32>,
        %get3A_1895 = vector.shape_cast %get3A_1894 : vector<1x16xf32> to vector<16xf32>
        %add3A_1896 = arith.addf %scan3A_1855, %get3A_1895 : vector<16xf32>
        scf.yield %add3A_1861, %add3A_1866, %add3A_1871, %add3A_1876, %add3A_1881, %add3A_1886, %add3A_1891, %add3A_1896 : vector<16xf32>, vector<16xf32>, vector<16xf32>, vector<16xf32>, vector<16xf32>, vector<16xf32>, vector<16xf32>, vector<16xf32>
      }
      %scan3A_1665 = arith.constant 50 : i32
      %mul3A_1666 = arith.constant 2.000000e-02 : f32
      %mul3A_1667 = vector.broadcast %mul3A_1666 : f32 to vector<16xf32>
      %mul3A_1668 = arith.mulf %scan3A_1664#0, %mul3A_1667 : vector<16xf32>
      %swap3A_1669 = arith.constant 6 : i32
      %swap3A_1670 = arith.index_cast %swap3A_1669 : i32 to index
      %swap3A_1671 = arith.constant 0 : index
      %swap3A_1672 = tpu.vector_load %arg10[%swap3A_1670, %swap3A_1671] {strides = array<i32>} : memref<8x128xf32, #tpu.memory_space<vmem>>, vector<1x16xf32>,
      %swap3A_1673 = vector.shape_cast %swap3A_1672 : vector<1x16xf32> to vector<16xf32>
      %swap3A_1674 = vector.shape_cast %mul3A_1668 : vector<16xf32> to vector<1x16xf32>
      tpu.vector_store %arg10[%swap3A_1670, %swap3A_1671], %swap3A_1674 {strides = array<i32>} : memref<8x128xf32, #tpu.memory_space<vmem>>, vector<1x16xf32>,
      %mul3A_1675 = arith.constant 2.000000e-02 : f32
      %mul3A_1676 = vector.broadcast %mul3A_1675 : f32 to vector<16xf32>
      %mul3A_1677 = arith.mulf %scan3A_1664#1, %mul3A_1676 : vector<16xf32>
      %swap3A_1678 = arith.constant 6 : i32
      %swap3A_1679 = arith.index_cast %swap3A_1678 : i32 to index
      %swap3A_1680 = arith.constant 16 : index
      %swap3A_1681 = tpu.vector_load %arg10[%swap3A_1679, %swap3A_1680] {strides = array<i32>} : memref<8x128xf32, #tpu.memory_space<vmem>>, vector<1x16xf32>,
      %swap3A_1682 = vector.shape_cast %swap3A_1681 : vector<1x16xf32> to vector<16xf32>
      %swap3A_1683 = vector.shape_cast %mul3A_1677 : vector<16xf32> to vector<1x16xf32>
      tpu.vector_store %arg10[%swap3A_1679, %swap3A_1680], %swap3A_1683 {strides = array<i32>} : memref<8x128xf32, #tpu.memory_space<vmem>>, vector<1x16xf32>,
      %mul3A_1684 = arith.constant 2.000000e-02 : f32
      %mul3A_1685 = vector.broadcast %mul3A_1684 : f32 to vector<16xf32>
      %mul3A_1686 = arith.mulf %scan3A_1664#2, %mul3A_1685 : vector<16xf32>
      %swap3A_1687 = arith.constant 6 : i32
      %swap3A_1688 = arith.index_cast %swap3A_1687 : i32 to index
      %swap3A_1689 = arith.constant 32 : index
      %swap3A_1690 = tpu.vector_load %arg10[%swap3A_1688, %swap3A_1689] {strides = array<i32>} : memref<8x128xf32, #tpu.memory_space<vmem>>, vector<1x16xf32>,
      %swap3A_1691 = vector.shape_cast %swap3A_1690 : vector<1x16xf32> to vector<16xf32>
      %swap3A_1692 = vector.shape_cast %mul3A_1686 : vector<16xf32> to vector<1x16xf32>
      tpu.vector_store %arg10[%swap3A_1688, %swap3A_1689], %swap3A_1692 {strides = array<i32>} : memref<8x128xf32, #tpu.memory_space<vmem>>, vector<1x16xf32>,
      %mul3A_1693 = arith.constant 2.000000e-02 : f32
      %mul3A_1694 = vector.broadcast %mul3A_1693 : f32 to vector<16xf32>
      %mul3A_1695 = arith.mulf %scan3A_1664#3, %mul3A_1694 : vector<16xf32>
      %swap3A_1696 = arith.constant 6 : i32
      %swap3A_1697 = arith.index_cast %swap3A_1696 : i32 to index
      %swap3A_1698 = arith.constant 48 : index
      %swap3A_1699 = tpu.vector_load %arg10[%swap3A_1697, %swap3A_1698] {strides = array<i32>} : memref<8x128xf32, #tpu.memory_space<vmem>>, vector<1x16xf32>,
      %swap3A_1700 = vector.shape_cast %swap3A_1699 : vector<1x16xf32> to vector<16xf32>
      %swap3A_1701 = vector.shape_cast %mul3A_1695 : vector<16xf32> to vector<1x16xf32>
      tpu.vector_store %arg10[%swap3A_1697, %swap3A_1698], %swap3A_1701 {strides = array<i32>} : memref<8x128xf32, #tpu.memory_space<vmem>>, vector<1x16xf32>,
      %mul3A_1702 = arith.constant 2.000000e-02 : f32
      %mul3A_1703 = vector.broadcast %mul3A_1702 : f32 to vector<16xf32>
      %mul3A_1704 = arith.mulf %scan3A_1664#4, %mul3A_1703 : vector<16xf32>
      %swap3A_1705 = arith.constant 6 : i32
      %swap3A_1706 = arith.index_cast %swap3A_1705 : i32 to index
      %swap3A_1707 = arith.constant 64 : index
      %swap3A_1708 = tpu.vector_load %arg10[%swap3A_1706, %swap3A_1707] {strides = array<i32>} : memref<8x128xf32, #tpu.memory_space<vmem>>, vector<1x16xf32>,
      %swap3A_1709 = vector.shape_cast %swap3A_1708 : vector<1x16xf32> to vector<16xf32>
      %swap3A_1710 = vector.shape_cast %mul3A_1704 : vector<16xf32> to vector<1x16xf32>
      tpu.vector_store %arg10[%swap3A_1706, %swap3A_1707], %swap3A_1710 {strides = array<i32>} : memref<8x128xf32, #tpu.memory_space<vmem>>, vector<1x16xf32>,
      %mul3A_1711 = arith.constant 2.000000e-02 : f32
      %mul3A_1712 = vector.broadcast %mul3A_1711 : f32 to vector<16xf32>
      %mul3A_1713 = arith.mulf %scan3A_1664#5, %mul3A_1712 : vector<16xf32>
      %swap3A_1714 = arith.constant 6 : i32
      %swap3A_1715 = arith.index_cast %swap3A_1714 : i32 to index
      %swap3A_1716 = arith.constant 80 : index
      %swap3A_1717 = tpu.vector_load %arg10[%swap3A_1715, %swap3A_1716] {strides = array<i32>} : memref<8x128xf32, #tpu.memory_space<vmem>>, vector<1x16xf32>,
      %swap3A_1718 = vector.shape_cast %swap3A_1717 : vector<1x16xf32> to vector<16xf32>
      %swap3A_1719 = vector.shape_cast %mul3A_1713 : vector<16xf32> to vector<1x16xf32>
      tpu.vector_store %arg10[%swap3A_1715, %swap3A_1716], %swap3A_1719 {strides = array<i32>} : memref<8x128xf32, #tpu.memory_space<vmem>>, vector<1x16xf32>,
      %mul3A_1720 = arith.constant 2.000000e-02 : f32
      %mul3A_1721 = vector.broadcast %mul3A_1720 : f32 to vector<16xf32>
      %mul3A_1722 = arith.mulf %scan3A_1664#6, %mul3A_1721 : vector<16xf32>
      %swap3A_1723 = arith.constant 6 : i32
      %swap3A_1724 = arith.index_cast %swap3A_1723 : i32 to index
      %swap3A_1725 = arith.constant 96 : index
      %swap3A_1726 = tpu.vector_load %arg10[%swap3A_1724, %swap3A_1725] {strides = array<i32>} : memref<8x128xf32, #tpu.memory_space<vmem>>, vector<1x16xf32>,
      %swap3A_1727 = vector.shape_cast %swap3A_1726 : vector<1x16xf32> to vector<16xf32>
      %swap3A_1728 = vector.shape_cast %mul3A_1722 : vector<16xf32> to vector<1x16xf32>
      tpu.vector_store %arg10[%swap3A_1724, %swap3A_1725], %swap3A_1728 {strides = array<i32>} : memref<8x128xf32, #tpu.memory_space<vmem>>, vector<1x16xf32>,
      %mul3A_1729 = arith.constant 2.000000e-02 : f32
      %mul3A_1730 = vector.broadcast %mul3A_1729 : f32 to vector<16xf32>
      %mul3A_1731 = arith.mulf %scan3A_1664#7, %mul3A_1730 : vector<16xf32>
      %swap3A_1732 = arith.constant 6 : i32
      %swap3A_1733 = arith.index_cast %swap3A_1732 : i32 to index
      %swap3A_1734 = arith.constant 112 : index
      %swap3A_1735 = tpu.vector_load %arg10[%swap3A_1733, %swap3A_1734] {strides = array<i32>} : memref<8x128xf32, #tpu.memory_space<vmem>>, vector<1x16xf32>,
      %swap3A_1736 = vector.shape_cast %swap3A_1735 : vector<1x16xf32> to vector<16xf32>
      %swap3A_1737 = vector.shape_cast %mul3A_1731 : vector<16xf32> to vector<1x16xf32>
      tpu.vector_store %arg10[%swap3A_1733, %swap3A_1734], %swap3A_1737 {strides = array<i32>} : memref<8x128xf32, #tpu.memory_space<vmem>>, vector<1x16xf32>,
      %broadcast_in_dim3A_1738 = arith.constant 0.000000e+00 : f32
      %broadcast_in_dim3A_1739 = vector.broadcast %broadcast_in_dim3A_1738 : f32 to vector<16xf32>
      %broadcast_in_dim3A_1740 = arith.constant 0.000000e+00 : f32
      %broadcast_in_dim3A_1741 = vector.broadcast %broadcast_in_dim3A_1740 : f32 to vector<16xf32>
      %broadcast_in_dim3A_1742 = arith.constant 0.000000e+00 : f32
      %broadcast_in_dim3A_1743 = vector.broadcast %broadcast_in_dim3A_1742 : f32 to vector<16xf32>
      %broadcast_in_dim3A_1744 = arith.constant 0.000000e+00 : f32
      %broadcast_in_dim3A_1745 = vector.broadcast %broadcast_in_dim3A_1744 : f32 to vector<16xf32>
      %broadcast_in_dim3A_1746 = arith.constant 0.000000e+00 : f32
      %broadcast_in_dim3A_1747 = vector.broadcast %broadcast_in_dim3A_1746 : f32 to vector<16xf32>
      %broadcast_in_dim3A_1748 = arith.constant 0.000000e+00 : f32
      %broadcast_in_dim3A_1749 = vector.broadcast %broadcast_in_dim3A_1748 : f32 to vector<16xf32>
      %broadcast_in_dim3A_1750 = arith.constant 0.000000e+00 : f32
      %broadcast_in_dim3A_1751 = vector.broadcast %broadcast_in_dim3A_1750 : f32 to vector<16xf32>
      %broadcast_in_dim3A_1752 = arith.constant 0.000000e+00 : f32
      %broadcast_in_dim3A_1753 = vector.broadcast %broadcast_in_dim3A_1752 : f32 to vector<16xf32>
      %scan3A_1754 = arith.constant 0 : i32
      %scan3A_1755 = arith.constant 50 : i32
      %scan3A_1756 = arith.addi %scan3A_1754, %scan3A_1755 : i32
      %scan3A_1757 = arith.constant 1 : i32
      %scan3A_1758:8 = scf.for %scan3A_1847 = %scan3A_1754 to %scan3A_1756 step %scan3A_1757 iter_args(%scan3A_1848 = %broadcast_in_dim3A_1739, %scan3A_1849 = %broadcast_in_dim3A_1741, %scan3A_1850 = %broadcast_in_dim3A_1743, %scan3A_1851 = %broadcast_in_dim3A_1745, %scan3A_1852 = %broadcast_in_dim3A_1747, %scan3A_1853 = %broadcast_in_dim3A_1749, %scan3A_1854 = %broadcast_in_dim3A_1751, %scan3A_1855 = %broadcast_in_dim3A_1753) -> (vector<16xf32>, vector<16xf32>, vector<16xf32>, vector<16xf32>, vector<16xf32>, vector<16xf32>, vector<16xf32>, vector<16xf32>)  : i32 {
        %add3A_1856 = arith.constant 350 : i32
        %add3A_1857 = arith.addi %add3A_1856, %scan3A_1847 : i32
        %get3A = arith.index_cast %add3A_1857 : i32 to index
        %get3A_1858 = arith.constant 0 : index
        %get3A_1859 = tpu.vector_load %arg8[%get3A, %get3A_1858] {strides = array<i32>} : memref<400x128xf32, #tpu.memory_space<vmem>>, vector<1x16xf32>,
        %get3A_1860 = vector.shape_cast %get3A_1859 : vector<1x16xf32> to vector<16xf32>
        %add3A_1861 = arith.addf %scan3A_1848, %get3A_1860 : vector<16xf32>
        %get3A_1862 = arith.index_cast %add3A_1857 : i32 to index
        %get3A_1863 = arith.constant 16 : index
        %get3A_1864 = tpu.vector_load %arg8[%get3A_1862, %get3A_1863] {strides = array<i32>} : memref<400x128xf32, #tpu.memory_space<vmem>>, vector<1x16xf32>,
        %get3A_1865 = vector.shape_cast %get3A_1864 : vector<1x16xf32> to vector<16xf32>
        %add3A_1866 = arith.addf %scan3A_1849, %get3A_1865 : vector<16xf32>
        %get3A_1867 = arith.index_cast %add3A_1857 : i32 to index
        %get3A_1868 = arith.constant 32 : index
        %get3A_1869 = tpu.vector_load %arg8[%get3A_1867, %get3A_1868] {strides = array<i32>} : memref<400x128xf32, #tpu.memory_space<vmem>>, vector<1x16xf32>,
        %get3A_1870 = vector.shape_cast %get3A_1869 : vector<1x16xf32> to vector<16xf32>
        %add3A_1871 = arith.addf %scan3A_1850, %get3A_1870 : vector<16xf32>
        %get3A_1872 = arith.index_cast %add3A_1857 : i32 to index
        %get3A_1873 = arith.constant 48 : index
        %get3A_1874 = tpu.vector_load %arg8[%get3A_1872, %get3A_1873] {strides = array<i32>} : memref<400x128xf32, #tpu.memory_space<vmem>>, vector<1x16xf32>,
        %get3A_1875 = vector.shape_cast %get3A_1874 : vector<1x16xf32> to vector<16xf32>
        %add3A_1876 = arith.addf %scan3A_1851, %get3A_1875 : vector<16xf32>
        %get3A_1877 = arith.index_cast %add3A_1857 : i32 to index
        %get3A_1878 = arith.constant 64 : index
        %get3A_1879 = tpu.vector_load %arg8[%get3A_1877, %get3A_1878] {strides = array<i32>} : memref<400x128xf32, #tpu.memory_space<vmem>>, vector<1x16xf32>,
        %get3A_1880 = vector.shape_cast %get3A_1879 : vector<1x16xf32> to vector<16xf32>
        %add3A_1881 = arith.addf %scan3A_1852, %get3A_1880 : vector<16xf32>
        %get3A_1882 = arith.index_cast %add3A_1857 : i32 to index
        %get3A_1883 = arith.constant 80 : index
        %get3A_1884 = tpu.vector_load %arg8[%get3A_1882, %get3A_1883] {strides = array<i32>} : memref<400x128xf32, #tpu.memory_space<vmem>>, vector<1x16xf32>,
        %get3A_1885 = vector.shape_cast %get3A_1884 : vector<1x16xf32> to vector<16xf32>
        %add3A_1886 = arith.addf %scan3A_1853, %get3A_1885 : vector<16xf32>
        %get3A_1887 = arith.index_cast %add3A_1857 : i32 to index
        %get3A_1888 = arith.constant 96 : index
        %get3A_1889 = tpu.vector_load %arg8[%get3A_1887, %get3A_1888] {strides = array<i32>} : memref<400x128xf32, #tpu.memory_space<vmem>>, vector<1x16xf32>,
        %get3A_1890 = vector.shape_cast %get3A_1889 : vector<1x16xf32> to vector<16xf32>
        %add3A_1891 = arith.addf %scan3A_1854, %get3A_1890 : vector<16xf32>
        %get3A_1892 = arith.index_cast %add3A_1857 : i32 to index
        %get3A_1893 = arith.constant 112 : index
        %get3A_1894 = tpu.vector_load %arg8[%get3A_1892, %get3A_1893] {strides = array<i32>} : memref<400x128xf32, #tpu.memory_space<vmem>>, vector<1x16xf32>,
        %get3A_1895 = vector.shape_cast %get3A_1894 : vector<1x16xf32> to vector<16xf32>
        %add3A_1896 = arith.addf %scan3A_1855, %get3A_1895 : vector<16xf32>
        scf.yield %add3A_1861, %add3A_1866, %add3A_1871, %add3A_1876, %add3A_1881, %add3A_1886, %add3A_1891, %add3A_1896 : vector<16xf32>, vector<16xf32>, vector<16xf32>, vector<16xf32>, vector<16xf32>, vector<16xf32>, vector<16xf32>, vector<16xf32>
      }
      %scan3A_1759 = arith.constant 50 : i32
      %mul3A_1760 = arith.constant 2.000000e-02 : f32
      %mul3A_1761 = vector.broadcast %mul3A_1760 : f32 to vector<16xf32>
      %mul3A_1762 = arith.mulf %scan3A_1758#0, %mul3A_1761 : vector<16xf32>
      %swap3A_1763 = arith.constant 7 : i32
      %swap3A_1764 = arith.index_cast %swap3A_1763 : i32 to index
      %swap3A_1765 = arith.constant 0 : index
      %swap3A_1766 = tpu.vector_load %arg10[%swap3A_1764, %swap3A_1765] {strides = array<i32>} : memref<8x128xf32, #tpu.memory_space<vmem>>, vector<1x16xf32>,
      %swap3A_1767 = vector.shape_cast %swap3A_1766 : vector<1x16xf32> to vector<16xf32>
      %swap3A_1768 = vector.shape_cast %mul3A_1762 : vector<16xf32> to vector<1x16xf32>
      tpu.vector_store %arg10[%swap3A_1764, %swap3A_1765], %swap3A_1768 {strides = array<i32>} : memref<8x128xf32, #tpu.memory_space<vmem>>, vector<1x16xf32>,
      %mul3A_1769 = arith.constant 2.000000e-02 : f32
      %mul3A_1770 = vector.broadcast %mul3A_1769 : f32 to vector<16xf32>
      %mul3A_1771 = arith.mulf %scan3A_1758#1, %mul3A_1770 : vector<16xf32>
      %swap3A_1772 = arith.constant 7 : i32
      %swap3A_1773 = arith.index_cast %swap3A_1772 : i32 to index
      %swap3A_1774 = arith.constant 16 : index
      %swap3A_1775 = tpu.vector_load %arg10[%swap3A_1773, %swap3A_1774] {strides = array<i32>} : memref<8x128xf32, #tpu.memory_space<vmem>>, vector<1x16xf32>,
      %swap3A_1776 = vector.shape_cast %swap3A_1775 : vector<1x16xf32> to vector<16xf32>
      %swap3A_1777 = vector.shape_cast %mul3A_1771 : vector<16xf32> to vector<1x16xf32>
      tpu.vector_store %arg10[%swap3A_1773, %swap3A_1774], %swap3A_1777 {strides = array<i32>} : memref<8x128xf32, #tpu.memory_space<vmem>>, vector<1x16xf32>,
      %mul3A_1778 = arith.constant 2.000000e-02 : f32
      %mul3A_1779 = vector.broadcast %mul3A_1778 : f32 to vector<16xf32>
      %mul3A_1780 = arith.mulf %scan3A_1758#2, %mul3A_1779 : vector<16xf32>
      %swap3A_1781 = arith.constant 7 : i32
      %swap3A_1782 = arith.index_cast %swap3A_1781 : i32 to index
      %swap3A_1783 = arith.constant 32 : index
      %swap3A_1784 = tpu.vector_load %arg10[%swap3A_1782, %swap3A_1783] {strides = array<i32>} : memref<8x128xf32, #tpu.memory_space<vmem>>, vector<1x16xf32>,
      %swap3A_1785 = vector.shape_cast %swap3A_1784 : vector<1x16xf32> to vector<16xf32>
      %swap3A_1786 = vector.shape_cast %mul3A_1780 : vector<16xf32> to vector<1x16xf32>
      tpu.vector_store %arg10[%swap3A_1782, %swap3A_1783], %swap3A_1786 {strides = array<i32>} : memref<8x128xf32, #tpu.memory_space<vmem>>, vector<1x16xf32>,
      %mul3A_1787 = arith.constant 2.000000e-02 : f32
      %mul3A_1788 = vector.broadcast %mul3A_1787 : f32 to vector<16xf32>
      %mul3A_1789 = arith.mulf %scan3A_1758#3, %mul3A_1788 : vector<16xf32>
      %swap3A_1790 = arith.constant 7 : i32
      %swap3A_1791 = arith.index_cast %swap3A_1790 : i32 to index
      %swap3A_1792 = arith.constant 48 : index
      %swap3A_1793 = tpu.vector_load %arg10[%swap3A_1791, %swap3A_1792] {strides = array<i32>} : memref<8x128xf32, #tpu.memory_space<vmem>>, vector<1x16xf32>,
      %swap3A_1794 = vector.shape_cast %swap3A_1793 : vector<1x16xf32> to vector<16xf32>
      %swap3A_1795 = vector.shape_cast %mul3A_1789 : vector<16xf32> to vector<1x16xf32>
      tpu.vector_store %arg10[%swap3A_1791, %swap3A_1792], %swap3A_1795 {strides = array<i32>} : memref<8x128xf32, #tpu.memory_space<vmem>>, vector<1x16xf32>,
      %mul3A_1796 = arith.constant 2.000000e-02 : f32
      %mul3A_1797 = vector.broadcast %mul3A_1796 : f32 to vector<16xf32>
      %mul3A_1798 = arith.mulf %scan3A_1758#4, %mul3A_1797 : vector<16xf32>
      %swap3A_1799 = arith.constant 7 : i32
      %swap3A_1800 = arith.index_cast %swap3A_1799 : i32 to index
      %swap3A_1801 = arith.constant 64 : index
      %swap3A_1802 = tpu.vector_load %arg10[%swap3A_1800, %swap3A_1801] {strides = array<i32>} : memref<8x128xf32, #tpu.memory_space<vmem>>, vector<1x16xf32>,
      %swap3A_1803 = vector.shape_cast %swap3A_1802 : vector<1x16xf32> to vector<16xf32>
      %swap3A_1804 = vector.shape_cast %mul3A_1798 : vector<16xf32> to vector<1x16xf32>
      tpu.vector_store %arg10[%swap3A_1800, %swap3A_1801], %swap3A_1804 {strides = array<i32>} : memref<8x128xf32, #tpu.memory_space<vmem>>, vector<1x16xf32>,
      %mul3A_1805 = arith.constant 2.000000e-02 : f32
      %mul3A_1806 = vector.broadcast %mul3A_1805 : f32 to vector<16xf32>
      %mul3A_1807 = arith.mulf %scan3A_1758#5, %mul3A_1806 : vector<16xf32>
      %swap3A_1808 = arith.constant 7 : i32
      %swap3A_1809 = arith.index_cast %swap3A_1808 : i32 to index
      %swap3A_1810 = arith.constant 80 : index
      %swap3A_1811 = tpu.vector_load %arg10[%swap3A_1809, %swap3A_1810] {strides = array<i32>} : memref<8x128xf32, #tpu.memory_space<vmem>>, vector<1x16xf32>,
      %swap3A_1812 = vector.shape_cast %swap3A_1811 : vector<1x16xf32> to vector<16xf32>
      %swap3A_1813 = vector.shape_cast %mul3A_1807 : vector<16xf32> to vector<1x16xf32>
      tpu.vector_store %arg10[%swap3A_1809, %swap3A_1810], %swap3A_1813 {strides = array<i32>} : memref<8x128xf32, #tpu.memory_space<vmem>>, vector<1x16xf32>,
      %mul3A_1814 = arith.constant 2.000000e-02 : f32
      %mul3A_1815 = vector.broadcast %mul3A_1814 : f32 to vector<16xf32>
      %mul3A_1816 = arith.mulf %scan3A_1758#6, %mul3A_1815 : vector<16xf32>
      %swap3A_1817 = arith.constant 7 : i32
      %swap3A_1818 = arith.index_cast %swap3A_1817 : i32 to index
      %swap3A_1819 = arith.constant 96 : index
      %swap3A_1820 = tpu.vector_load %arg10[%swap3A_1818, %swap3A_1819] {strides = array<i32>} : memref<8x128xf32, #tpu.memory_space<vmem>>, vector<1x16xf32>,
      %swap3A_1821 = vector.shape_cast %swap3A_1820 : vector<1x16xf32> to vector<16xf32>
      %swap3A_1822 = vector.shape_cast %mul3A_1816 : vector<16xf32> to vector<1x16xf32>
      tpu.vector_store %arg10[%swap3A_1818, %swap3A_1819], %swap3A_1822 {strides = array<i32>} : memref<8x128xf32, #tpu.memory_space<vmem>>, vector<1x16xf32>,
      %mul3A_1823 = arith.constant 2.000000e-02 : f32
      %mul3A_1824 = vector.broadcast %mul3A_1823 : f32 to vector<16xf32>
      %mul3A_1825 = arith.mulf %scan3A_1758#7, %mul3A_1824 : vector<16xf32>
      %swap3A_1826 = arith.constant 7 : i32
      %swap3A_1827 = arith.index_cast %swap3A_1826 : i32 to index
      %swap3A_1828 = arith.constant 112 : index
      %swap3A_1829 = tpu.vector_load %arg10[%swap3A_1827, %swap3A_1828] {strides = array<i32>} : memref<8x128xf32, #tpu.memory_space<vmem>>, vector<1x16xf32>,
      %swap3A_1830 = vector.shape_cast %swap3A_1829 : vector<1x16xf32> to vector<16xf32>
      %swap3A_1831 = vector.shape_cast %mul3A_1825 : vector<16xf32> to vector<1x16xf32>
      tpu.vector_store %arg10[%swap3A_1827, %swap3A_1828], %swap3A_1831 {strides = array<i32>} : memref<8x128xf32, #tpu.memory_space<vmem>>, vector<1x16xf32>,
      %add3A_1832 = arith.constant 1 : i32
      %add3A_1833 = arith.addi %mul3A_120, %add3A_1832 : i32
      %mul3A_1834 = arith.constant 8 : i32
      %mul3A_1835 = arith.muli %add3A_1833, %mul3A_1834 : i32
      %add3A_1836 = arith.addi %mul3A_4, %mul3A_1835 : i32
      %dma_start3A_1837 = arith.constant 0 : i32
      %dma_start3A_1838 = tpu.memref_slice %arg4[%add3A_1836, %dma_start3A_1837] : memref<16384x128xf32, #tpu.memory_space<hbm>> -> memref<8x128xf32, #tpu.memory_space<hbm>>
      %dma_start3A_1839 = arith.constant 0 : i32
      %dma_start3A_1840 = tpu.memref_slice %arg4[%add3A_1836, %dma_start3A_1839] : memref<16384x128xf32, #tpu.memory_space<hbm>> -> memref<8x128xf32, #tpu.memory_space<hbm>>
      tpu.enqueue_dma source(%arg10 : memref<8x128xf32, #tpu.memory_space<vmem>>) target(%dma_start3A_1840 : memref<8x128xf32, #tpu.memory_space<hbm>>) target_semaphore(%arg16 : memref<!tpu.dma_semaphore, #tpu.memory_space<semaphore_mem>>)
      %mul3A_1841 = arith.constant 400 : i32
      %mul3A_1842 = arith.muli %min3A_1063, %mul3A_1841 : i32
      %add3A_1843 = arith.addi %mul3A_2, %mul3A_1842 : i32
      %dma_wait3A_1844 = tpu.memref_slice %arg2[%add3A_1843] : memref<819200xi32, #tpu.memory_space<hbm>> -> memref<400xi32, #tpu.memory_space<hbm>>
      %dma_wait3A_1845 = tpu.memref_slice %arg2[%add3A_1843] : memref<819200xi32, #tpu.memory_space<hbm>> -> memref<400xi32, #tpu.memory_space<hbm>>
      tpu.wait_dma2 semaphore(%arg14 : memref<!tpu.dma_semaphore, #tpu.memory_space<semaphore_mem>>) src(%dma_wait3A_1845 : memref<400xi32, #tpu.memory_space<hbm>>) dst(%arg6 : memref<400xi32, #tpu.memory_space<vmem>>)
      %scan3A_1846 = arith.constant 0 : i32
      scf.yield %scan3A_1846 : i32
    }
    %scan3A_65 = arith.constant 32 : i32
    %dma_wait3A = arith.constant 0 : i32
    %dma_wait3A_66 = arith.constant 0 : i32
    %dma_wait3A_67 = tpu.memref_slice %arg7[%dma_wait3A, %dma_wait3A_66] : memref<400x128xf32, #tpu.memory_space<vmem>> -> memref<80x128xf32, #tpu.memory_space<vmem>>
    %dma_wait3A_68 = arith.constant 0 : i32
    %dma_wait3A_69 = tpu.memref_slice %arg5[%dma_wait3A_68] : memref<400xi32, #tpu.memory_space<vmem>> -> memref<80xi32, #tpu.memory_space<vmem>>
    %dma_wait3A_70 = arith.constant 0 : i32
    %dma_wait3A_71 = arith.constant 0 : i32
    %dma_wait3A_72 = tpu.memref_slice %arg3[%dma_wait3A_70, %dma_wait3A_71] : memref<100000x128xf32, #tpu.memory_space<hbm>> -> memref<100000x128xf32, #tpu.memory_space<hbm>>
    tpu.wait_indirect_dma semaphore(%arg11 : memref<!tpu.dma_semaphore, #tpu.memory_space<semaphore_mem>>) src(%dma_wait3A_72 : memref<100000x128xf32, #tpu.memory_space<hbm>>) dst(%dma_wait3A_67 : memref<80x128xf32, #tpu.memory_space<vmem>>)
    %dma_wait3A_73 = arith.constant 80 : i32
    %dma_wait3A_74 = arith.constant 0 : i32
    %dma_wait3A_75 = tpu.memref_slice %arg7[%dma_wait3A_73, %dma_wait3A_74] : memref<400x128xf32, #tpu.memory_space<vmem>> -> memref<80x128xf32, #tpu.memory_space<vmem>>
    %dma_wait3A_76 = arith.constant 80 : i32
    %dma_wait3A_77 = tpu.memref_slice %arg5[%dma_wait3A_76] : memref<400xi32, #tpu.memory_space<vmem>> -> memref<80xi32, #tpu.memory_space<vmem>>
    %dma_wait3A_78 = arith.constant 0 : i32
    %dma_wait3A_79 = arith.constant 0 : i32
    %dma_wait3A_80 = tpu.memref_slice %arg3[%dma_wait3A_78, %dma_wait3A_79] : memref<100000x128xf32, #tpu.memory_space<hbm>> -> memref<100000x128xf32, #tpu.memory_space<hbm>>
    tpu.wait_indirect_dma semaphore(%arg11 : memref<!tpu.dma_semaphore, #tpu.memory_space<semaphore_mem>>) src(%dma_wait3A_80 : memref<100000x128xf32, #tpu.memory_space<hbm>>) dst(%dma_wait3A_75 : memref<80x128xf32, #tpu.memory_space<vmem>>)
    %dma_wait3A_81 = arith.constant 160 : i32
    %dma_wait3A_82 = arith.constant 0 : i32
    %dma_wait3A_83 = tpu.memref_slice %arg7[%dma_wait3A_81, %dma_wait3A_82] : memref<400x128xf32, #tpu.memory_space<vmem>> -> memref<80x128xf32, #tpu.memory_space<vmem>>
    %dma_wait3A_84 = arith.constant 160 : i32
    %dma_wait3A_85 = tpu.memref_slice %arg5[%dma_wait3A_84] : memref<400xi32, #tpu.memory_space<vmem>> -> memref<80xi32, #tpu.memory_space<vmem>>
    %dma_wait3A_86 = arith.constant 0 : i32
    %dma_wait3A_87 = arith.constant 0 : i32
    %dma_wait3A_88 = tpu.memref_slice %arg3[%dma_wait3A_86, %dma_wait3A_87] : memref<100000x128xf32, #tpu.memory_space<hbm>> -> memref<100000x128xf32, #tpu.memory_space<hbm>>
    tpu.wait_indirect_dma semaphore(%arg11 : memref<!tpu.dma_semaphore, #tpu.memory_space<semaphore_mem>>) src(%dma_wait3A_88 : memref<100000x128xf32, #tpu.memory_space<hbm>>) dst(%dma_wait3A_83 : memref<80x128xf32, #tpu.memory_space<vmem>>)
    %dma_wait3A_89 = arith.constant 240 : i32
    %dma_wait3A_90 = arith.constant 0 : i32
    %dma_wait3A_91 = tpu.memref_slice %arg7[%dma_wait3A_89, %dma_wait3A_90] : memref<400x128xf32, #tpu.memory_space<vmem>> -> memref<80x128xf32, #tpu.memory_space<vmem>>
    %dma_wait3A_92 = arith.constant 240 : i32
    %dma_wait3A_93 = tpu.memref_slice %arg5[%dma_wait3A_92] : memref<400xi32, #tpu.memory_space<vmem>> -> memref<80xi32, #tpu.memory_space<vmem>>
    %dma_wait3A_94 = arith.constant 0 : i32
    %dma_wait3A_95 = arith.constant 0 : i32
    %dma_wait3A_96 = tpu.memref_slice %arg3[%dma_wait3A_94, %dma_wait3A_95] : memref<100000x128xf32, #tpu.memory_space<hbm>> -> memref<100000x128xf32, #tpu.memory_space<hbm>>
    tpu.wait_indirect_dma semaphore(%arg11 : memref<!tpu.dma_semaphore, #tpu.memory_space<semaphore_mem>>) src(%dma_wait3A_96 : memref<100000x128xf32, #tpu.memory_space<hbm>>) dst(%dma_wait3A_91 : memref<80x128xf32, #tpu.memory_space<vmem>>)
    %dma_wait3A_97 = arith.constant 320 : i32
    %dma_wait3A_98 = arith.constant 0 : i32
    %dma_wait3A_99 = tpu.memref_slice %arg7[%dma_wait3A_97, %dma_wait3A_98] : memref<400x128xf32, #tpu.memory_space<vmem>> -> memref<80x128xf32, #tpu.memory_space<vmem>>
    %dma_wait3A_100 = arith.constant 320 : i32
    %dma_wait3A_101 = tpu.memref_slice %arg5[%dma_wait3A_100] : memref<400xi32, #tpu.memory_space<vmem>> -> memref<80xi32, #tpu.memory_space<vmem>>
    %dma_wait3A_102 = arith.constant 0 : i32
    %dma_wait3A_103 = arith.constant 0 : i32
    %dma_wait3A_104 = tpu.memref_slice %arg3[%dma_wait3A_102, %dma_wait3A_103] : memref<100000x128xf32, #tpu.memory_space<hbm>> -> memref<100000x128xf32, #tpu.memory_space<hbm>>
    tpu.wait_indirect_dma semaphore(%arg11 : memref<!tpu.dma_semaphore, #tpu.memory_space<semaphore_mem>>) src(%dma_wait3A_104 : memref<100000x128xf32, #tpu.memory_space<hbm>>) dst(%dma_wait3A_99 : memref<80x128xf32, #tpu.memory_space<vmem>>)
    %add3A_105 = arith.constant 496 : i32
    %add3A_106 = arith.addi %mul3A_4, %add3A_105 : i32
    %dma_wait3A_107 = arith.constant 0 : i32
    %dma_wait3A_108 = tpu.memref_slice %arg4[%add3A_106, %dma_wait3A_107] : memref<16384x128xf32, #tpu.memory_space<hbm>> -> memref<8x128xf32, #tpu.memory_space<hbm>>
    %dma_wait3A_109 = arith.constant 0 : i32
    %dma_wait3A_110 = tpu.memref_slice %arg4[%add3A_106, %dma_wait3A_109] : memref<16384x128xf32, #tpu.memory_space<hbm>> -> memref<8x128xf32, #tpu.memory_space<hbm>>
    tpu.wait_dma2 semaphore(%arg15 : memref<!tpu.dma_semaphore, #tpu.memory_space<semaphore_mem>>) src(%arg9 : memref<8x128xf32, #tpu.memory_space<vmem>>) dst(%dma_wait3A_110 : memref<8x128xf32, #tpu.memory_space<hbm>>)
    %add3A_111 = arith.constant 504 : i32
    %add3A_112 = arith.addi %mul3A_4, %add3A_111 : i32
    %dma_wait3A_113 = arith.constant 0 : i32
    %dma_wait3A_114 = tpu.memref_slice %arg4[%add3A_112, %dma_wait3A_113] : memref<16384x128xf32, #tpu.memory_space<hbm>> -> memref<8x128xf32, #tpu.memory_space<hbm>>
    %dma_wait3A_115 = arith.constant 0 : i32
    %dma_wait3A_116 = tpu.memref_slice %arg4[%add3A_112, %dma_wait3A_115] : memref<16384x128xf32, #tpu.memory_space<hbm>> -> memref<8x128xf32, #tpu.memory_space<hbm>>
    tpu.wait_dma2 semaphore(%arg16 : memref<!tpu.dma_semaphore, #tpu.memory_space<semaphore_mem>>) src(%arg10 : memref<8x128xf32, #tpu.memory_space<vmem>>) dst(%dma_wait3A_116 : memref<8x128xf32, #tpu.memory_space<hbm>>)
    return
  }
}

module attributes {stable_mosaic.version = 14 : i64} {
  func.func @_mlp_body(%arg0: i32, %arg1: memref<8192x128xf32, #tpu.memory_space<vmem>>, %arg2: memref<8192x2xf32, #tpu.memory_space<vmem>>, %arg3: memref<128x50xf32, #tpu.memory_space<vmem>>, %arg4: memref<2x50xf32, #tpu.memory_space<vmem>>, %arg5: memref<1x50xf32, #tpu.memory_space<vmem>>, %arg6: memref<50x50xf32, #tpu.memory_space<vmem>>, %arg7: memref<1x50xf32, #tpu.memory_space<vmem>>, %arg8: memref<50x10xf32, #tpu.memory_space<vmem>>, %arg9: memref<1x10xf32, #tpu.memory_space<vmem>>, %arg10: memref<10x8192xf32, #tpu.memory_space<vmem>>) attributes {dimension_semantics = [#tpu.dimension_semantics<arbitrary>], iteration_bounds = array<i64: 2>, scalar_prefetch = 0 : i64, scratch_operands = 0 : i64, tpu.core_type = #tpu.core_type<tc>, window_params = [{transform_indices = @transform_0, window_bounds = array<i64: 8192, 128>}, {transform_indices = @transform_1, window_bounds = array<i64: 8192, 2>}, {pipeline_mode = #tpu.pipeline_mode<synchronous>, transform_indices = @transform_2, window_bounds = array<i64: 128, 50>}, {pipeline_mode = #tpu.pipeline_mode<synchronous>, transform_indices = @transform_3, window_bounds = array<i64: 2, 50>}, {pipeline_mode = #tpu.pipeline_mode<synchronous>, transform_indices = @transform_4, window_bounds = array<i64: 1, 50>}, {pipeline_mode = #tpu.pipeline_mode<synchronous>, transform_indices = @transform_5, window_bounds = array<i64: 50, 50>}, {pipeline_mode = #tpu.pipeline_mode<synchronous>, transform_indices = @transform_6, window_bounds = array<i64: 1, 50>}, {pipeline_mode = #tpu.pipeline_mode<synchronous>, transform_indices = @transform_7, window_bounds = array<i64: 50, 10>}, {pipeline_mode = #tpu.pipeline_mode<synchronous>, transform_indices = @transform_8, window_bounds = array<i64: 1, 10>}, {transform_indices = @transform_9, window_bounds = array<i64: 10, 8192>}]} {
    %get3A = arith.constant 0 : index
    %get3A_0 = arith.constant 0 : index
    %get3A_1 = vector.load %arg1[%get3A, %get3A_0] : memref<8192x128xf32, #tpu.memory_space<vmem>>, vector<8192x128xf32>
    %get3A_2 = arith.constant 0 : index
    %get3A_3 = arith.constant 0 : index
    %get3A_4 = vector.load %arg3[%get3A_2, %get3A_3] : memref<128x50xf32, #tpu.memory_space<vmem>>, vector<128x50xf32>
    %dot_general3A = arith.constant dense<0.000000e+00> : vector<8192x50xf32>
    %dot_general3A_5 = tpu.matmul %get3A_1, %get3A_4, %dot_general3A {dimension_numbers = #tpu.dot_dimension_numbers<[1], [0], [0], [1], [0, 0, 1, 1], [], []>, transpose_lhs_hint = false} : vector<8192x128xf32>, vector<128x50xf32>, vector<8192x50xf32> -> vector<8192x50xf32>
    %get3A_6 = arith.constant 0 : index
    %get3A_7 = arith.constant 0 : index
    %get3A_8 = vector.load %arg2[%get3A_6, %get3A_7] : memref<8192x2xf32, #tpu.memory_space<vmem>>, vector<8192x2xf32>
    %get3A_9 = arith.constant 0 : index
    %get3A_10 = arith.constant 0 : index
    %get3A_11 = vector.load %arg4[%get3A_9, %get3A_10] : memref<2x50xf32, #tpu.memory_space<vmem>>, vector<2x50xf32>
    %dot_general3A_12 = arith.constant dense<0.000000e+00> : vector<8192x50xf32>
    %dot_general3A_13 = tpu.matmul %get3A_8, %get3A_11, %dot_general3A_12 {dimension_numbers = #tpu.dot_dimension_numbers<[1], [0], [0], [1], [0, 0, 1, 1], [], []>, transpose_lhs_hint = false} : vector<8192x2xf32>, vector<2x50xf32>, vector<8192x50xf32> -> vector<8192x50xf32>
    %add3A = arith.addf %dot_general3A_5, %dot_general3A_13 : vector<8192x50xf32>
    %get3A_14 = arith.constant 0 : index
    %get3A_15 = arith.constant 0 : index
    %get3A_16 = vector.load %arg5[%get3A_14, %get3A_15] : memref<1x50xf32, #tpu.memory_space<vmem>>, vector<1x50xf32>
    %add3A_17 = vector.broadcast %get3A_16 : vector<1x50xf32> to vector<8192x50xf32>
    %add3A_18 = arith.addf %add3A, %add3A_17 : vector<8192x50xf32>
    %max3A = arith.constant 0.000000e+00 : f32
    %max3A_19 = vector.broadcast %max3A : f32 to vector<8192x50xf32>
    %max3A_20 = arith.maximumf %add3A_18, %max3A_19 : vector<8192x50xf32>
    %get3A_21 = arith.constant 0 : index
    %get3A_22 = arith.constant 0 : index
    %get3A_23 = vector.load %arg6[%get3A_21, %get3A_22] : memref<50x50xf32, #tpu.memory_space<vmem>>, vector<50x50xf32>
    %dot_general3A_24 = arith.constant dense<0.000000e+00> : vector<8192x50xf32>
    %dot_general3A_25 = tpu.matmul %max3A_20, %get3A_23, %dot_general3A_24 {dimension_numbers = #tpu.dot_dimension_numbers<[1], [0], [0], [1], [0, 0, 1, 1], [], []>, transpose_lhs_hint = false} : vector<8192x50xf32>, vector<50x50xf32>, vector<8192x50xf32> -> vector<8192x50xf32>
    %get3A_26 = arith.constant 0 : index
    %get3A_27 = arith.constant 0 : index
    %get3A_28 = vector.load %arg7[%get3A_26, %get3A_27] : memref<1x50xf32, #tpu.memory_space<vmem>>, vector<1x50xf32>
    %add3A_29 = vector.broadcast %get3A_28 : vector<1x50xf32> to vector<8192x50xf32>
    %add3A_30 = arith.addf %dot_general3A_25, %add3A_29 : vector<8192x50xf32>
    %max3A_31 = arith.constant 0.000000e+00 : f32
    %max3A_32 = vector.broadcast %max3A_31 : f32 to vector<8192x50xf32>
    %max3A_33 = arith.maximumf %add3A_30, %max3A_32 : vector<8192x50xf32>
    %get3A_34 = arith.constant 0 : index
    %get3A_35 = arith.constant 0 : index
    %get3A_36 = vector.load %arg8[%get3A_34, %get3A_35] : memref<50x10xf32, #tpu.memory_space<vmem>>, vector<50x10xf32>
    %dot_general3A_37 = arith.constant dense<0.000000e+00> : vector<8192x10xf32>
    %dot_general3A_38 = tpu.matmul %max3A_33, %get3A_36, %dot_general3A_37 {dimension_numbers = #tpu.dot_dimension_numbers<[1], [0], [0], [1], [0, 0, 1, 1], [], []>, transpose_lhs_hint = false} : vector<8192x50xf32>, vector<50x10xf32>, vector<8192x10xf32> -> vector<8192x10xf32>
    %get3A_39 = arith.constant 0 : index
    %get3A_40 = arith.constant 0 : index
    %get3A_41 = vector.load %arg9[%get3A_39, %get3A_40] : memref<1x10xf32, #tpu.memory_space<vmem>>, vector<1x10xf32>
    %add3A_42 = vector.broadcast %get3A_41 : vector<1x10xf32> to vector<8192x10xf32>
    %add3A_43 = arith.addf %dot_general3A_38, %add3A_42 : vector<8192x10xf32>
    %transpose3A = tpu.transpose %add3A_43, [1, 0] : vector<8192x10xf32> -> vector<10x8192xf32>
    %swap3A = arith.constant 0 : index
    %swap3A_44 = arith.constant 0 : index
    %swap3A_45 = vector.load %arg10[%swap3A, %swap3A_44] : memref<10x8192xf32, #tpu.memory_space<vmem>>, vector<10x8192xf32>
    tpu.vector_store %arg10[%swap3A, %swap3A_44], %transpose3A {strides = array<i32>} : memref<10x8192xf32, #tpu.memory_space<vmem>>, vector<10x8192xf32>,
    return
  }
  func.func @transform_0(%arg0: i32) -> (i32, i32) {
    %c0_i32 = arith.constant 0 : i32
    %c0_i32_0 = arith.constant 0 : i32
    return %arg0, %c0_i32 : i32, i32
  }
  func.func @transform_1(%arg0: i32) -> (i32, i32) {
    %c0_i32 = arith.constant 0 : i32
    %c0_i32_0 = arith.constant 0 : i32
    return %arg0, %c0_i32 : i32, i32
  }
  func.func @transform_2(%arg0: i32) -> (i32, i32) {
    %c0_i32 = arith.constant 0 : i32
    %c0_i32_0 = arith.constant 0 : i32
    %c0_i32_1 = arith.constant 0 : i32
    return %c0_i32, %c0_i32_0 : i32, i32
  }
  func.func @transform_3(%arg0: i32) -> (i32, i32) {
    %c0_i32 = arith.constant 0 : i32
    %c0_i32_0 = arith.constant 0 : i32
    %c0_i32_1 = arith.constant 0 : i32
    return %c0_i32, %c0_i32_0 : i32, i32
  }
  func.func @transform_4(%arg0: i32) -> (i32, i32) {
    %c0_i32 = arith.constant 0 : i32
    %c0_i32_0 = arith.constant 0 : i32
    %c0_i32_1 = arith.constant 0 : i32
    return %c0_i32, %c0_i32_0 : i32, i32
  }
  func.func @transform_5(%arg0: i32) -> (i32, i32) {
    %c0_i32 = arith.constant 0 : i32
    %c0_i32_0 = arith.constant 0 : i32
    %c0_i32_1 = arith.constant 0 : i32
    return %c0_i32, %c0_i32_0 : i32, i32
  }
  func.func @transform_6(%arg0: i32) -> (i32, i32) {
    %c0_i32 = arith.constant 0 : i32
    %c0_i32_0 = arith.constant 0 : i32
    %c0_i32_1 = arith.constant 0 : i32
    return %c0_i32, %c0_i32_0 : i32, i32
  }
  func.func @transform_7(%arg0: i32) -> (i32, i32) {
    %c0_i32 = arith.constant 0 : i32
    %c0_i32_0 = arith.constant 0 : i32
    %c0_i32_1 = arith.constant 0 : i32
    return %c0_i32, %c0_i32_0 : i32, i32
  }
  func.func @transform_8(%arg0: i32) -> (i32, i32) {
    %c0_i32 = arith.constant 0 : i32
    %c0_i32_0 = arith.constant 0 : i32
    %c0_i32_1 = arith.constant 0 : i32
    return %c0_i32, %c0_i32_0 : i32, i32
  }
  func.func @transform_9(%arg0: i32) -> (i32, i32) {
    %c0_i32 = arith.constant 0 : i32
    %c0_i32_0 = arith.constant 0 : i32
    return %c0_i32, %arg0 : i32, i32
  }
}

</mosaic_0001>

<sc_bundles>
// kernel: kernel.4.cloned.1.call-start
scs
__scs_entry_jumppad:
0x0: {  	(pc) =	sbr.rel $0x88, $3  }
0x1: {  	(tag) =	ssettag $0x0;
	lr =	simm.s32 $0x1  }
0x2: {  	[smem:$0x3F97] =	sst lr;
	_ =	strace $0xD0000000  }
0x3: {  	_ = 	snop  }
0x4: {  	_ = 	snop  }
0x5: {  	_ = 	snop  }
0x6: {  	_ = 	snop  }
0x7: {  	_ = 	snop  }
__scs_overlays_trampoline_lowered:
0x8: {  	[smem:$0x3FA6] =	sst s0  }
0x9: {  	[smem:$0x3FA7] =	sst s1  }
0xa: {  	[smem:$0x3FA8] =	sst s2  }
0xb: {  	[smem:$0x3FA9] =	sst s3  }
0xc: {  	[smem:$0x3FAA] =	sst s4  }
0xd: {  	[smem:$0x3FAB] =	sst s5  }
0xe: {  	[smem:$0x3FAC] =	sst s6  }
0xf: {  	[smem:$0x3FAD] =	sst s7  }
0x10: {  	[smem:$0x3FAE] =	sst s8  }
0x11: {  	[smem:$0x3FAF] =	sst s9;
	s0 =	simm.s32 @!p0 $0x0  }
0x12: {  	s1 =	sld [smem:$0x3F95];
	s0 =	simm.s32 @p0 $0x1  }
0x13: {  	[smem:$0x3FB0] =	sst s0;
	s0 =	simm.s32 @!p1 $0x0  }
0x14: {  	s2 =	sld [smem:$0x3F94];
	s0 =	simm.s32 @p1 $0x1  }
0x15: {  	[smem:$0x3FB1] =	sst s0;
	s0 =	simm.s32 @!p2 $0x0  }
0x16: {  	s3 =	sld [smem:$0x3FDB];
	s0 =	simm.s32 @p2 $0x1  }
0x17: {  	s4 =	simm.s32 $0x1BF5;
	[smem:$0x3FB3] =	sst s0  }
0x18: {  	s0 =	sld [smem:$0x3F96];
	_ =	swait.ge [sflag:s4], $0x0  }
0x19: {  	s7 =	sld [smem:$0x3F97]  }
0x1a: {  	s8 =	sadd.s32 $0xFFFFE003, lr  }
0x1b: {  	s9 =	sadd.s32 $0xFFFFFEF7, lr;
	s5 =	simm.s32 $0xFFFFFFFF;
	p2 =	slt.u32 s8, $0xFFFFF086  }
0x1c: {  	p1 =	slt.u32 s9, $0xF7A;
	s5 =	simm.s32 @!p2 $0x0  }
0x1d: {  	s5 =	simm.s32 @p1 $0x1;
	p0 =	seq.s32 s7, s2  }
0x1e: {  	s7 =	smul.u32 @!p0 $0xF7A, s2;
	p2 =	seq.s32 @!p0 s5, $0x0  }
0x1f: {  	s9 =	smul.u32 $0xF7A, s1;
	s8 =	simm.s32 @!p0 $0x1BF5;
	p2 =	por !p2, p0  }
0x20: {  	[sflag:s8] =	ssyncset.s32 @!p0 $0xFFFFF086;
	s6 =	sadd.s32 @!p0 s3, s7;
	s7 =	simm.s32 @!p0 $0x108  }
0x21: {  	s3 =	sadd.s32 s3, s9;
	s6 =	sadd.s32 @!p0 $0x88, s6;
	s7 =	simm.s32 @p2 $0x1082  }
0x22: {  	[simem:s7], [sflag:s8] =	dma.local @!p0 [hbm:s6], $0xF7A  }
0x23: {  	s9 =	sor.u32 $0xD0000000, s2;
	s6 =	simm.s32 $0x108;
	_ =	swait.ge @!p0 [sflag:s8], $0x0  }
0x24: {  	s3 =	sadd.s32 $0x88, s3;
	s6 =	simm.s32 @!p1 $0x1082;
	[sflag:s4] =	ssyncset.s32 $0xFFFFF086  }
0x25: {  	[simem:s6], [sflag:s4] =	dma.local [hbm:s3], $0xF7A  }
0x26: {  	[smem:$0x3F97] =	sst s1;
	(tag) =	ssettag s2;
	_ =	strace s9  }
0x27: {  	s1 =	sld [smem:$0x3FA7]  }
0x28: {  	s2 =	sld [smem:$0x3FA8]  }
0x29: {  	s4 =	sld [smem:$0x3FAA]  }
0x2a: {  	p0 =	seq.s32 s5, $0x0;
	s5 =	sld [smem:$0x3FAB]  }
0x2b: {  	s6 =	sld [smem:$0x3FAC]  }
0x2c: {  	s7 =	sld [smem:$0x3FAD]  }
0x2d: {  	s3 =	simm.s32 $0x108;
	s8 =	sld [smem:$0x3FAE]  }
0x2e: {  	s3 =	simm.s32 @!p0 $0x1082;
	s9 =	sld [smem:$0x3FAF]  }
0x2f: {  	lr =	sadd.s32 s0, s3;
	s0 =	sld [smem:$0x3FA6]  }
0x30: {  	s3 =	sld [smem:$0x3FA9]  }
0x31: {  	[smem:$0x3FB2] =	sst s10  }
0x32: {  	s10 =	sld [smem:$0x3FB0];
	_ =	sdelay $0x3  }
0x33: {  	p0 =	seq.s32 s10, $0x1;
	s10 =	sld [smem:$0x3FB2];
	_ =	sdelay $0x3  }
0x34: {  	[smem:$0x3FB2] =	sst s10  }
0x35: {  	s10 =	sld [smem:$0x3FB1];
	_ =	sdelay $0x3  }
0x36: {  	p1 =	seq.s32 s10, $0x1;
	s10 =	sld [smem:$0x3FB2];
	_ =	sdelay $0x3  }
0x37: {  	[smem:$0x3FB2] =	sst s10  }
0x38: {  	s10 =	sld [smem:$0x3FB3]  }
0x39: {  	_ = 	snop;
	(pc) =	sbr.ind lr, $3  }
0x3a: {  	_ = 	snop  }
0x3b: {  	_ = 	snop  }
0x3c: {  	p2 =	seq.s32 s10, $0x1;
	s10 =	sld [smem:$0x3FB2]  }
0x3d: {  	_ =	shalt  }
0x3e: {  	_ =	shalt  }
0x3f: {  	_ =	shalt  }
0x40: {  	_ =	shalt  }
0x41: {  	_ =	shalt  }
0x42: {  	_ =	shalt  }
0x43: {  	_ =	shalt  }
0x44: {  	_ =	shalt  }
0x45: {  	_ =	shalt  }
0x46: {  	_ =	shalt  }
0x47: {  	_ =	shalt  }
0x48: {  	_ =	shalt  }
0x49: {  	_ =	shalt  }
0x4a: {  	_ =	shalt  }
0x4b: {  	_ =	shalt  }
0x4c: {  	_ =	shalt  }
0x4d: {  	_ =	shalt  }
0x4e: {  	_ =	shalt  }
0x4f: {  	_ =	shalt  }
0x50: {  	_ =	shalt  }
0x51: {  	_ =	shalt  }
0x52: {  	_ =	shalt  }
0x53: {  	_ =	shalt  }
0x54: {  	_ =	shalt  }
0x55: {  	_ =	shalt  }
0x56: {  	_ =	shalt  }
0x57: {  	_ =	shalt  }
0x58: {  	_ =	shalt  }
0x59: {  	_ =	shalt  }
0x5a: {  	_ =	shalt  }
0x5b: {  	_ =	shalt  }
0x5c: {  	_ =	shalt  }
0x5d: {  	_ =	shalt  }
0x5e: {  	_ =	shalt  }
0x5f: {  	_ =	shalt  }
0x60: {  	_ =	shalt  }
0x61: {  	_ =	shalt  }
0x62: {  	_ =	shalt  }
0x63: {  	_ =	shalt  }
0x64: {  	_ =	shalt  }
0x65: {  	_ =	shalt  }
0x66: {  	_ =	shalt  }
0x67: {  	_ =	shalt  }
0x68: {  	_ =	shalt  }
0x69: {  	_ =	shalt  }
0x6a: {  	_ =	shalt  }
0x6b: {  	_ =	shalt  }
0x6c: {  	_ =	shalt  }
0x6d: {  	_ =	shalt  }
0x6e: {  	_ =	shalt  }
0x6f: {  	_ =	shalt  }
0x70: {  	_ =	shalt  }
0x71: {  	_ =	shalt  }
0x72: {  	_ =	shalt  }
0x73: {  	_ =	shalt  }
0x74: {  	_ =	shalt  }
0x75: {  	_ =	shalt  }
0x76: {  	_ =	shalt  }
0x77: {  	_ =	shalt  }
0x78: {  	_ =	shalt  }
0x79: {  	_ =	shalt  }
0x7a: {  	_ =	shalt  }
0x7b: {  	_ =	shalt  }
0x7c: {  	_ =	shalt  }
0x7d: {  	_ =	shalt  }
0x7e: {  	_ =	shalt  }
0x7f: {  	_ =	shalt  }
0x80: {  	_ =	shalt  }
0x81: {  	_ =	shalt  }
0x82: {  	_ =	shalt  }
0x83: {  	_ =	shalt  }
0x84: {  	_ =	shalt  }
0x85: {  	_ =	shalt  }
0x86: {  	_ =	shalt  }
0x87: {  	_ =	shalt  }
.Lfunc_end0:
.L_simem_size_0:
called_computation_lowered:
.L_overlay_start_0:
0x88: {  	s2 =	sld [smem:$0x3FD9]  }
0x89: {  	s3 =	sld [smem:$0x3FFE];
	_ =	sdelay $0x1  }
0x8a: {  	s1 =	srdreg.scid  }
0x8b: {  	s0 =	sand.u32 $0x1, s1  }
0x8c: {  	s17 =	sshll.u32 s0, $0xA;
	s2 =	sadd.s32 s3, s2  }
0x8d: {  	s2 =	sadd.s32 s2, s17  }
0x8e: {  	[smem:$0x3FBE] =	sst s2  }
0x8f: {  	_ = 	snop  }
0x90: {  	s2 =	sld [smem:$0x3FC6];
	(tm) =	ssettm $0x1  }
0x91: {  	s18 =	sld [smem:$0x3FFB];
	_ =	sdelay $0x3  }
0x92: {  	_ =	strace s18  }
0x93: {  	s3 =	sld [smem:$0x3FFC];
	_ =	sdelay $0x3  }
0x94: {  	_ =	strace s3  }
0x95: {  	s3 =	sld [smem:$0x3FFD];
	_ =	sdelay $0x3  }
0x96: {  	_ =	strace s3  }
0x97: {  	_ =	strace $0x8FFFFFFF  }
0x98: {  	s19 =	sld [smem:$0x3FDB];
	_ =	sdelay $0x1  }
0x99: {  	s4 =	simm.s32 $_scs_section_size  }
0x9a: {  	s5 =	simm.s32 $_size__tile_overlayer_lowered;
	s6 =	simm.s32 $_tile_overlayer_lowered  }
0x9b: {  	s22 =	simm.s32 $0x1BFF;
	s21 =	sshll.u32 s6, $0x1;
	s3 =	sadd.s32 s4, s19  }
0x9c: {  	s7 =	simm.s32 $0x0;
	s20 =	sshll.u32 s5, $0x1;
	s5 =	sadd.s32 s21, s3  }
0x9d: {  	[timem:s7], [sflag:s22] =	dma.local [hbm:s5], s20  }
0x9e: {  	_ =	swait.ge [sflag:s22], s20  }
0x9f: {  	s4 =	ssub.s32 $0x0, s20;
	[sflag:s22] =	ssyncset.done $0x0  }
0xa0: {  	[sflag:s22] =	ssyncadd.s32 s4;
	_ =	sdelay $0x1  }
0xa1: {  	s23 =	simm.s32 $0x1B8B  }
0xa2: {  	_ =	swait.ge [sflag:s23], $0x1  }
0xa3: {  	[sflag:s23] =	ssyncset.done $0x0  }
0xa4: {  	s25 =	simm.s32 $0x1B8E;
	s24 =	sld [smem:$0x3FFE];
	[sflag:s23] =	ssyncadd.s32 $0xFFFFFFFF  }
0xa5: {  	s26 =	simm.s32 $execute0_lowered;
	[smem:$0x3FD2] =	sst s25  }
0xa6: {  	s5 =	sshll.u32 s26, $0x1;
	_ =	strace $0x80000046;
	[dreg:$0x1] =	wrdreg $0xFFFFFFFF  }
0xa7: {  	s28 =	simm.s32 $_size_execute0_lowered;
	s3 =	sadd.s32 s3, s5;
	[dreg:$0x0] =	wrdreg $0x0  }
0xa8: {  	s5 =	sshll.u32 s28, $0x1;
	[dreg:$0x2] =	wrdreg s3  }
0xa9: {  	[dreg:$0x3] =	wrdreg s5  }
0xaa: {  	[dreg:$0x4] =	wrdreg $0xC0  }
0xab: {  	_ =	task [dreg:s7], $0x5FFFF  }
0xac: {  	[dreg:$0x1] =	wrdreg $0xFFFFFFFF  }
0xad: {  	[dreg:$0x0] =	wrdreg $0x60  }
0xae: {  	[dreg:$0x2] =	wrdreg s24  }
0xaf: {  	[dreg:$0x3] =	wrdreg s2  }
0xb0: {  	[dreg:$0x4] =	wrdreg $0x9  }
0xb1: {  	_ =	task.clear_ibuf [dreg:s7], $0x5FFFF;
	_ =	strace $0x90000046  }
0xb2: {  	s29 =	simm.s32 $0x9;
	_ =	strace $0x80000048  }
0xb3: {  	_ =	swait.ge [sflag:s29], $0x1  }
0xb4: {  	[sflag:s29] =	ssyncadd.s32 $0xFFFFFFFF  }
0xb5: {  	_ =	strace $0x90000048  }
0xb6: {  	_ =	sfence  }
0xb7: {  	s30 =	sld [smem:$0x0];
	_ =	sdelay $0x2  }
0xb8: {  	s31 =	sshll.u32 s1, $0xD;
	s1 =	sshrl.u32 s1, $0x2  }
0xb9: {  	s3 =	sand.u32 $0x4000, s31;
	s1 =	sadd.s32 s1, s30  }
0xba: {  	s0 =	sor.u32 s3, s0;
	s1 =	sshll.u32 s1, $0x11  }
0xbb: {  	s0 =	sor.u32 s1, s0  }
0xbc: {  	s0 =	sadd.s32 $0x8F2B, s0  }
0xbd: {  	[sflag:s0] =	ssyncadd.remote.s32 $0x1  }
0xbe: {  	_ =	sfence.sel $0xFFFF  }
0xbf: {  	[dreg:$0x0] =	wrdreg $0xFFFFFFFF;
	(pc) =	sbr.abs _section_cstart, $3  }
0xc0: {  	[dreg:$0x1] =	wrdreg $0xFFFFFFFF  }
0xc1: {  	_ =	task.clear_ibuf [dreg:s7], $0x2FFFF;
	_ =	strace $0x9FFFFFFF  }
0xc2: {  	(tm) =	ssettm $0x7FFFFFFF  }
0xc3: {  	_ =	shalt  }
tec
execute0_lowered:
.L_overlay_start_1:
0x0: {  	(tag) =	ssettag $0x1  }
0x1: {  	s0 =	rddreg [dreg:$0x0];
	s1 =	srdreg.scid  }
0x2: {  	s3 =	stileid.u32;
	s2 =	rddreg [dreg:$0x1];
	s13 =	simm.s32 $0x50  }
0x3: {  	s14 =	simm.s32 $0x400;
	s15 =	simm.s32 $0x2C00;
	s16 =	simm.s32 $0xA0  }
0x4: {  	s17 =	simm.s32 $0x5400;
	s18 =	simm.s32 $0xF0;
	s19 =	simm.s32 $0x7C00  }
0x5: {  	s20 =	simm.s32 $0x140;
	s21 =	simm.s32 $0xA400;
	s22 =	simm.s32 $0x200  }
0x6: {  	s23 =	simm.s32 $0x19400;
	s24 =	simm.s32 $0x19800;
	s8 =	simm.s32 $0x1  }
0x7: {  	s11 =	simm.s32 $0x5;
	s12 =	simm.s32 $0x2;
	s25 =	simm.s32 $0x6  }
0x8: {  	s26 =	simm.s32 $0x4;
	s1 =	sand.u32 $0x1, s1;
	s4 =	sshll.u32 s3, $0x1  }
0x9: {  	s28 =	simm.s32 $0x0;
	s3 =	simm.s32 $0x0;
	s5 =	sor.u32 s1, s4  }
0xa: {  	[smem:$0x7FF] =	sst s3;
	s4 =	sadd.s32 $0x1C00, s0;
	s1 =	ssub.s32 $0x2, s1  }
0xb: {  	s6 =	smul.u32 $0x6400, s5;
	s5 =	sshll.u32 s5, $0xD;
	s29 =	sshrl.u32 s1, $0x1  }
0xc: {  	_ =	strace $0x80000047;
	s0 =	sadd.s32 s5, s0;
	s1 =	ssub.s32 s1, s29  }
0xd: {  	s5 =	simm.s32 $0x3;
	s7 =	sshrl.u32 s6, $0x3;
	s31 =	smax.u32 s1, $0x1  }
0xe: {  	s9 =	sor.u32 $0x320, s6;
	s7 =	sadd.s32 s4, s7;
	[dreg:$0x6] =	wrdreg s31  }
0xf: {  	s10 =	sadd.s32 $0x4B0, s6;
	[dreg:$0x3] =	wrdreg s7;
	s30 =	sadd.s32 $0x32, s7  }
0x10: {  	s7 =	sadd.s32 $0x1AC00, s0;
	s0 =	sadd.s32 $0x1AC80, s0;
	[dreg:$0x4] =	wrdreg s30  }
0x11: {  	s6 =	simm.s32 $0x16C00;
	[dreg:$0x5] =	wrdreg s0;
	s0 =	simm.s32 $0x340  }
.LBB2_1:
0x12: {  	[dreg:$0x7] =	wrdreg s28  }
0x13: {  	s1 =	rddreg [dreg:$0x3];
	s28 =	simm.s32 $0x7  }
0x14: {  	[tilespmem:s3], [sflag:$0x7] =	stream.linear.gather [hbm4b:s1+s3], $0x190, $0x38;
	[tilespmem:$0x19C00] =	vst v63  }
0x15: {  	_ =	swait.ge [sflag:s28], $0x190  }
0x16: {  	[sflag:s28] =	ssyncset.done $0x0  }
0x17: {  	[sflag:s28] =	ssyncadd.s32 $0xFFFFFE70  }
0x18: {  	[tilespmem:s14], [sflag:$0x1] =	stream.indirect.gather [hbm4b:s2+s13], $0x80, s3, s13, $0xb8;
	[tilespmem:$0x19C00] =	vst v63  }
0x19: {  	_ = 	snop  }
0x1a: {  	[tilespmem:s15], [sflag:$0x1] =	stream.indirect.gather [hbm4b:s2+s13], $0x80, s13, s13, $0xb8;
	[tilespmem:$0x19C00] =	vst v63  }
0x1b: {  	_ = 	snop  }
0x1c: {  	[tilespmem:s17], [sflag:$0x1] =	stream.indirect.gather [hbm4b:s2+s13], $0x80, s16, s13, $0xb8;
	[tilespmem:$0x19C00] =	vst v63  }
0x1d: {  	_ = 	snop  }
0x1e: {  	[tilespmem:s19], [sflag:$0x1] =	stream.indirect.gather [hbm4b:s2+s13], $0x80, s18, s13, $0xb8;
	[tilespmem:$0x19C00] =	vst v63  }
0x1f: {  	_ = 	snop  }
0x20: {  	[tilespmem:s21], [sflag:$0x1] =	stream.indirect.gather [hbm4b:s2+s13], $0x80, s20, s13, $0xb8;
	[tilespmem:$0x19C00] =	vst v63  }
0x21: {  	s30 =	rddreg [dreg:$0x4]  }
0x22: {  	[tilespmem:s22], [sflag:$0x7] =	stream.linear.gather [hbm4b:s30+s3], $0x190, $0x38;
	[tilespmem:$0x19C00] =	vst v63  }
0x23: {  	_ =	swait.ge [sflag:s28], $0x190  }
0x24: {  	[sflag:s28] =	ssyncset.done $0x0  }
0x25: {  	[sflag:s28] =	ssyncadd.s32 $0xFFFFFE70  }
0x26: {  	[hbm4b:s7+s3] =	stream.linear.scatter [tilespmem:s23], [sflag:$0x5], $0x400, $0x38;
	[tilespmem:$0x19C00] =	vst v63  }
0x27: {  	s31 =	rddreg [dreg:$0x5];
	s28 =	simm.s32 $0x0  }
0x28: {  	[hbm4b:s31+s3] =	stream.linear.scatter [tilespmem:s24], [sflag:$0x6], $0x400, $0x38;
	[tilespmem:$0x19C00] =	vst v63  }
.LBB2_2:
0x29: {  	s1 =	simm.s32 $0xCC00  }
0x2a: {  	[tilespmem:s1], [sflag:$0x2] =	stream.indirect.gather [hbm4b:s2+s13], $0x80, s22, s13, $0xb8;
	[tilespmem:$0x19C00] =	vst v63  }
0x2b: {  	s29 =	simm.s32 $0xF400;
	s1 =	simm.s32 $0x250  }
0x2c: {  	[tilespmem:s29], [sflag:$0x2] =	stream.indirect.gather [hbm4b:s2+s13], $0x80, s1, s13, $0xb8;
	[tilespmem:$0x19C00] =	vst v63  }
0x2d: {  	s1 =	simm.s32 $0x2A0;
	s29 =	simm.s32 $0x11C00  }
0x2e: {  	[tilespmem:s29], [sflag:$0x2] =	stream.indirect.gather [hbm4b:s2+s13], $0x80, s1, s13, $0xb8;
	[tilespmem:$0x19C00] =	vst v63  }
0x2f: {  	s1 =	simm.s32 $0x2F0;
	s29 =	simm.s32 $0x14400  }
0x30: {  	[tilespmem:s29], [sflag:$0x2] =	stream.indirect.gather [hbm4b:s2+s13], $0x80, s1, s13, $0xb8;
	[tilespmem:$0x19C00] =	vst v63  }
0x31: {  	_ = 	snop  }
0x32: {  	[tilespmem:s6], [sflag:$0x2] =	stream.indirect.gather [hbm4b:s2+s13], $0x80, s0, s13, $0xb8;
	[tilespmem:$0x19C00] =	vst v63  }
0x33: {  	_ =	swait.ge [sflag:s8], $0x2800  }
0x34: {  	[sflag:s8] =	ssyncset.done $0x0  }
0x35: {  	[sflag:s8] =	ssyncadd.s32 $0xFFFFD800  }
0x36: {  	_ =	swait.ge [sflag:s8], $0x2800  }
0x37: {  	[sflag:s8] =	ssyncset.done $0x0  }
0x38: {  	[sflag:s8] =	ssyncadd.s32 $0xFFFFD800  }
0x39: {  	_ =	swait.ge [sflag:s8], $0x2800  }
0x3a: {  	[sflag:s8] =	ssyncset.done $0x0  }
0x3b: {  	s29 =	sshll.u32 s28, $0x1;
	[sflag:s8] =	ssyncadd.s32 $0xFFFFD800  }
0x3c: {  	s30 =	smin.u32 s29, $0x3D;
	_ =	swait.ge [sflag:s8], $0x2800  }
0x3d: {  	s30 =	smul.u32 $0x190, s30;
	[sflag:s8] =	ssyncset.done $0x0  }
0x3e: {  	[sflag:s8] =	ssyncadd.s32 $0xFFFFD800  }
0x3f: {  	s30 =	sadd.s32 s30, s9;
	_ =	swait.ge [sflag:s8], $0x2800  }
0x40: {  	s30 =	sshrl.u32 s30, $0x3;
	[sflag:s8] =	ssyncset.done $0x0  }
0x41: {  	s31 =	simm.s32 $0x0;
	s30 =	sadd.s32 s4, s30;
	[sflag:s8] =	ssyncadd.s32 $0xFFFFD800  }
0x42: {  	[tilespmem:s31], [sflag:$0x3] =	stream.linear.gather [hbm4b:s30+s31], $0x190, $0x38;
	[tilespmem:$0x19C00] =	vst v63  }
0x43: {  	_ =	swait.ge [sflag:s11], $0x400  }
0x44: {  	[sflag:s11] =	ssyncset.done $0x0  }
0x45: {  	s1 =	simm.s32 $0x0;
	[sflag:s11] =	ssyncadd.s32 $0xFFFFFC00  }
0x46: {  	v0 =	vld [tilespmem:s1+$0x470]  }
0x47: {  	v2 =	vld [tilespmem:s1+$0x400]  }
0x48: {  	v3 =	vld [tilespmem:s1+$0x410]  }
0x49: {  	v12 =	vld [tilespmem:s1+$0x420]  }
0x4a: {  	v10 =	vld [tilespmem:s1+$0x430]  }
0x4b: {  	v1 =	vimm.f32 $0.0e+00;
	v6 =	vimm.f32 $0.0e+00;
	v7 =	vld [tilespmem:s1+$0x440]  }
0x4c: {  	v9 =	vimm.f32 $0.0e+00;
	v8 =	vld [tilespmem:s1+$0x450];
	v0 =	vadd.f32 v0, v1;
	v5 =	vadd.f32 v2, v1  }
0x4d: {  	s30 =	simm.s32 $0x80;
	s31 =	simm.s32 $0x400;
	v11 =	vld [tilespmem:s1+$0x460];
	v4 =	vadd.f32 v3, v1;
	v3 =	vimm.f32 $0.0e+00;
	v2 =	vimm.f32 $0.0e+00  }
.LBB2_3:
0x4e: {  	p0 =	sne.s32 s31, $0x6200;
	v13 =	vld [tilespmem:s30+$0x470];
	v1 =	vadd.f32 v12, v1  }
0x4f: {  	v14 =	vld [tilespmem:s30+$0x400];
	v6 =	vadd.f32 v10, v6  }
0x50: {  	v15 =	vld [tilespmem:s30+$0x410];
	v9 =	vadd.f32 v7, v9  }
.Ltmp0:
0x51: {  	v12 =	vld [tilespmem:s30+$0x420];
	v3 =	vadd.f32 v8, v3;
	(pc) =	sbr.rel @p0 .LBB2_3-.Ltmp0, $4  }
0x52: {  	v10 =	vld [tilespmem:s30+$0x430];
	v2 =	vadd.f32 v11, v2  }
0x53: {  	v7 =	vld [tilespmem:s30+$0x440];
	v0 =	vadd.f32 v13, v0  }
0x54: {  	v5 =	vadd.f32 v14, v5;
	v8 =	vld [tilespmem:s30+$0x450]  }
0x55: {  	v4 =	vadd.f32 v15, v4;
	v11 =	vld [tilespmem:s30+$0x460];
	s30 =	sshra.s32 s31, $0x2;
	s31 =	sadd.s32 $0x200, s31  }
0x56: {  	v13 =	vld [tilespmem:s30+$0x400]  }
0x57: {  	v14 =	vld [tilespmem:s30+$0x410]  }
0x58: {  	v15 =	vld [tilespmem:s30+$0x420]  }
0x59: {  	v1 =	vadd.f32 v12, v1;
	v12 =	vld [tilespmem:s30+$0x450]  }
0x5a: {  	v16 =	vld [tilespmem:s30+$0x430]  }
0x5b: {  	v17 =	vld [tilespmem:s30+$0x440];
	v7 =	vadd.f32 v7, v9;
	v5 =	vadd.f32 v13, v5  }
0x5c: {  	v9 =	vld [tilespmem:s30+$0x470];
	v3 =	vadd.f32 v8, v3;
	v4 =	vadd.f32 v14, v4  }
0x5d: {  	v6 =	vadd.f32 v10, v6;
	v10 =	vld [tilespmem:s30+$0x460];
	v1 =	vadd.f32 v15, v1;
	v5 =	vmul.f32 $1.999999960e-02, v5  }
0x5e: {  	v3 =	vadd.f32 v12, v3;
	v4 =	vmul.f32 $1.999999960e-02, v4  }
0x5f: {  	v6 =	vadd.f32 v16, v6;
	v1 =	vmul.f32 $1.999999960e-02, v1;
	[tilespmem:$0x19400] =	vst v5  }
0x60: {  	v2 =	vadd.f32 v11, v2;
	v7 =	vadd.f32 v17, v7;
	v3 =	vmul.f32 $1.999999960e-02, v3;
	[tilespmem:$0x19410] =	vst v4  }
0x61: {  	v0 =	vadd.f32 v9, v0;
	v4 =	vmul.f32 $1.999999960e-02, v6;
	[tilespmem:$0x19420] =	vst v1  }
0x62: {  	v2 =	vadd.f32 v10, v2;
	v1 =	vmul.f32 $1.999999960e-02, v7;
	[tilespmem:$0x19450] =	vst v3  }
0x63: {  	v0 =	vmul.f32 $1.999999960e-02, v0;
	[tilespmem:$0x19430] =	vst v4  }
0x64: {  	[tilespmem:$0x19440] =	vst v1;
	v1 =	vmul.f32 $1.999999960e-02, v2  }
0x65: {  	[tilespmem:$0x19470] =	vst v0  }
0x66: {  	s1 =	simm.s32 $0x0;
	[tilespmem:$0x19460] =	vst v1  }
0x67: {  	v0 =	vld [tilespmem:s1+$0x1D70]  }
0x68: {  	v2 =	vld [tilespmem:s1+$0x1D00]  }
0x69: {  	v3 =	vld [tilespmem:s1+$0x1D10]  }
0x6a: {  	v12 =	vld [tilespmem:s1+$0x1D20]  }
0x6b: {  	v10 =	vld [tilespmem:s1+$0x1D30]  }
0x6c: {  	v9 =	vimm.f32 $0.0e+00;
	v1 =	vimm.f32 $0.0e+00;
	v7 =	vld [tilespmem:s1+$0x1D40]  }
0x6d: {  	v6 =	vimm.f32 $0.0e+00;
	v8 =	vld [tilespmem:s1+$0x1D50];
	v0 =	vadd.f32 v0, v1;
	v5 =	vadd.f32 v2, v1  }
0x6e: {  	s31 =	simm.s32 $0x400;
	s30 =	simm.s32 $0x80;
	v11 =	vld [tilespmem:s1+$0x1D60];
	v4 =	vadd.f32 v3, v1;
	v3 =	vimm.f32 $0.0e+00;
	v2 =	vimm.f32 $0.0e+00  }
.LBB2_5:
0x6f: {  	p0 =	sne.s32 s31, $0x6200;
	v13 =	vld [tilespmem:s30+$0x1D70];
	v1 =	vadd.f32 v12, v1  }
0x70: {  	v14 =	vld [tilespmem:s30+$0x1D00];
	v6 =	vadd.f32 v10, v6  }
0x71: {  	v15 =	vld [tilespmem:s30+$0x1D10];
	v9 =	vadd.f32 v7, v9  }
.Ltmp1:
0x72: {  	v12 =	vld [tilespmem:s30+$0x1D20];
	v3 =	vadd.f32 v8, v3;
	(pc) =	sbr.rel @p0 .LBB2_5-.Ltmp1, $4  }
0x73: {  	v10 =	vld [tilespmem:s30+$0x1D30];
	v2 =	vadd.f32 v11, v2  }
0x74: {  	v7 =	vld [tilespmem:s30+$0x1D40];
	v0 =	vadd.f32 v13, v0  }
0x75: {  	v5 =	vadd.f32 v14, v5;
	v8 =	vld [tilespmem:s30+$0x1D50]  }
0x76: {  	v4 =	vadd.f32 v15, v4;
	v11 =	vld [tilespmem:s30+$0x1D60];
	s30 =	sshra.s32 s31, $0x2;
	s31 =	sadd.s32 $0x200, s31  }
0x77: {  	v13 =	vld [tilespmem:s30+$0x1D00]  }
0x78: {  	v14 =	vld [tilespmem:s30+$0x1D10]  }
0x79: {  	v15 =	vld [tilespmem:s30+$0x1D20]  }
0x7a: {  	v1 =	vadd.f32 v12, v1;
	v12 =	vld [tilespmem:s30+$0x1D50]  }
0x7b: {  	v16 =	vld [tilespmem:s30+$0x1D30]  }
0x7c: {  	v17 =	vld [tilespmem:s30+$0x1D40];
	v7 =	vadd.f32 v7, v9;
	v5 =	vadd.f32 v13, v5  }
0x7d: {  	v9 =	vld [tilespmem:s30+$0x1D70];
	v3 =	vadd.f32 v8, v3;
	v4 =	vadd.f32 v14, v4  }
0x7e: {  	v6 =	vadd.f32 v10, v6;
	v10 =	vld [tilespmem:s30+$0x1D60];
	v1 =	vadd.f32 v15, v1;
	v5 =	vmul.f32 $1.999999960e-02, v5  }
0x7f: {  	v3 =	vadd.f32 v12, v3;
	v4 =	vmul.f32 $1.999999960e-02, v4  }
0x80: {  	v6 =	vadd.f32 v16, v6;
	v1 =	vmul.f32 $1.999999960e-02, v1;
	[tilespmem:$0x19480] =	vst v5  }
0x81: {  	v2 =	vadd.f32 v11, v2;
	v7 =	vadd.f32 v17, v7;
	v3 =	vmul.f32 $1.999999960e-02, v3;
	[tilespmem:$0x19490] =	vst v4  }
0x82: {  	v0 =	vadd.f32 v9, v0;
	v4 =	vmul.f32 $1.999999960e-02, v6;
	[tilespmem:$0x194A0] =	vst v1  }
0x83: {  	v2 =	vadd.f32 v10, v2;
	v1 =	vmul.f32 $1.999999960e-02, v7;
	[tilespmem:$0x194D0] =	vst v3  }
0x84: {  	v0 =	vmul.f32 $1.999999960e-02, v0;
	[tilespmem:$0x194B0] =	vst v4  }
0x85: {  	[tilespmem:$0x194C0] =	vst v1;
	v1 =	vmul.f32 $1.999999960e-02, v2  }
0x86: {  	[tilespmem:$0x194F0] =	vst v0  }
0x87: {  	s1 =	simm.s32 $0x0;
	[tilespmem:$0x194E0] =	vst v1  }
0x88: {  	v0 =	vld [tilespmem:s1+$0x3670]  }
0x89: {  	v2 =	vld [tilespmem:s1+$0x3600]  }
0x8a: {  	v3 =	vld [tilespmem:s1+$0x3610]  }
0x8b: {  	v12 =	vld [tilespmem:s1+$0x3620]  }
0x8c: {  	v10 =	vld [tilespmem:s1+$0x3630]  }
0x8d: {  	v9 =	vimm.f32 $0.0e+00;
	v1 =	vimm.f32 $0.0e+00;
	v7 =	vld [tilespmem:s1+$0x3640]  }
0x8e: {  	v6 =	vimm.f32 $0.0e+00;
	v8 =	vld [tilespmem:s1+$0x3650];
	v0 =	vadd.f32 v0, v1;
	v5 =	vadd.f32 v2, v1  }
0x8f: {  	s31 =	simm.s32 $0x400;
	s30 =	simm.s32 $0x80;
	v11 =	vld [tilespmem:s1+$0x3660];
	v4 =	vadd.f32 v3, v1;
	v3 =	vimm.f32 $0.0e+00;
	v2 =	vimm.f32 $0.0e+00  }
.LBB2_7:
0x90: {  	p0 =	sne.s32 s31, $0x6200;
	v13 =	vld [tilespmem:s30+$0x3670];
	v1 =	vadd.f32 v12, v1  }
0x91: {  	v14 =	vld [tilespmem:s30+$0x3600];
	v6 =	vadd.f32 v10, v6  }
0x92: {  	v15 =	vld [tilespmem:s30+$0x3610];
	v9 =	vadd.f32 v7, v9  }
.Ltmp2:
0x93: {  	v12 =	vld [tilespmem:s30+$0x3620];
	v3 =	vadd.f32 v8, v3;
	(pc) =	sbr.rel @p0 .LBB2_7-.Ltmp2, $4  }
0x94: {  	v10 =	vld [tilespmem:s30+$0x3630];
	v2 =	vadd.f32 v11, v2  }
0x95: {  	v7 =	vld [tilespmem:s30+$0x3640];
	v0 =	vadd.f32 v13, v0  }
0x96: {  	v5 =	vadd.f32 v14, v5;
	v8 =	vld [tilespmem:s30+$0x3650]  }
0x97: {  	v4 =	vadd.f32 v15, v4;
	v11 =	vld [tilespmem:s30+$0x3660];
	s30 =	sshra.s32 s31, $0x2;
	s31 =	sadd.s32 $0x200, s31  }
0x98: {  	v13 =	vld [tilespmem:s30+$0x3600]  }
0x99: {  	v14 =	vld [tilespmem:s30+$0x3610]  }
0x9a: {  	v15 =	vld [tilespmem:s30+$0x3620]  }
0x9b: {  	v1 =	vadd.f32 v12, v1;
	v12 =	vld [tilespmem:s30+$0x3650]  }
0x9c: {  	v16 =	vld [tilespmem:s30+$0x3630]  }
0x9d: {  	v17 =	vld [tilespmem:s30+$0x3640];
	v7 =	vadd.f32 v7, v9;
	v5 =	vadd.f32 v13, v5  }
0x9e: {  	v9 =	vld [tilespmem:s30+$0x3670];
	v3 =	vadd.f32 v8, v3;
	v4 =	vadd.f32 v14, v4  }
0x9f: {  	v6 =	vadd.f32 v10, v6;
	v10 =	vld [tilespmem:s30+$0x3660];
	v1 =	vadd.f32 v15, v1;
	v5 =	vmul.f32 $1.999999960e-02, v5  }
0xa0: {  	v3 =	vadd.f32 v12, v3;
	v4 =	vmul.f32 $1.999999960e-02, v4  }
0xa1: {  	v6 =	vadd.f32 v16, v6;
	v1 =	vmul.f32 $1.999999960e-02, v1;
	[tilespmem:$0x19500] =	vst v5  }
0xa2: {  	v2 =	vadd.f32 v11, v2;
	v7 =	vadd.f32 v17, v7;
	v3 =	vmul.f32 $1.999999960e-02, v3;
	[tilespmem:$0x19510] =	vst v4  }
0xa3: {  	v0 =	vadd.f32 v9, v0;
	v4 =	vmul.f32 $1.999999960e-02, v6;
	[tilespmem:$0x19520] =	vst v1  }
0xa4: {  	v2 =	vadd.f32 v10, v2;
	v1 =	vmul.f32 $1.999999960e-02, v7;
	[tilespmem:$0x19550] =	vst v3  }
0xa5: {  	v0 =	vmul.f32 $1.999999960e-02, v0;
	[tilespmem:$0x19530] =	vst v4  }
0xa6: {  	[tilespmem:$0x19540] =	vst v1;
	v1 =	vmul.f32 $1.999999960e-02, v2  }
0xa7: {  	[tilespmem:$0x19570] =	vst v0  }
0xa8: {  	s1 =	simm.s32 $0x0;
	[tilespmem:$0x19560] =	vst v1  }
0xa9: {  	v0 =	vld [tilespmem:s1+$0x4F70]  }
0xaa: {  	v2 =	vld [tilespmem:s1+$0x4F00]  }
0xab: {  	v3 =	vld [tilespmem:s1+$0x4F10]  }
0xac: {  	v12 =	vld [tilespmem:s1+$0x4F20]  }
0xad: {  	v10 =	vld [tilespmem:s1+$0x4F30]  }
0xae: {  	v9 =	vimm.f32 $0.0e+00;
	v1 =	vimm.f32 $0.0e+00;
	v7 =	vld [tilespmem:s1+$0x4F40]  }
0xaf: {  	v6 =	vimm.f32 $0.0e+00;
	v8 =	vld [tilespmem:s1+$0x4F50];
	v0 =	vadd.f32 v0, v1;
	v5 =	vadd.f32 v2, v1  }
0xb0: {  	s31 =	simm.s32 $0x400;
	s30 =	simm.s32 $0x80;
	v11 =	vld [tilespmem:s1+$0x4F60];
	v4 =	vadd.f32 v3, v1;
	v3 =	vimm.f32 $0.0e+00;
	v2 =	vimm.f32 $0.0e+00  }
.LBB2_9:
0xb1: {  	p0 =	sne.s32 s31, $0x6200;
	v13 =	vld [tilespmem:s30+$0x4F70];
	v1 =	vadd.f32 v12, v1  }
0xb2: {  	v14 =	vld [tilespmem:s30+$0x4F00];
	v6 =	vadd.f32 v10, v6  }
0xb3: {  	v15 =	vld [tilespmem:s30+$0x4F10];
	v9 =	vadd.f32 v7, v9  }
.Ltmp3:
0xb4: {  	v12 =	vld [tilespmem:s30+$0x4F20];
	v3 =	vadd.f32 v8, v3;
	(pc) =	sbr.rel @p0 .LBB2_9-.Ltmp3, $4  }
0xb5: {  	v10 =	vld [tilespmem:s30+$0x4F30];
	v2 =	vadd.f32 v11, v2  }
0xb6: {  	v7 =	vld [tilespmem:s30+$0x4F40];
	v0 =	vadd.f32 v13, v0  }
0xb7: {  	v5 =	vadd.f32 v14, v5;
	v8 =	vld [tilespmem:s30+$0x4F50]  }
0xb8: {  	v4 =	vadd.f32 v15, v4;
	v11 =	vld [tilespmem:s30+$0x4F60];
	s30 =	sshra.s32 s31, $0x2;
	s31 =	sadd.s32 $0x200, s31  }
0xb9: {  	v13 =	vld [tilespmem:s30+$0x4F00]  }
0xba: {  	v14 =	vld [tilespmem:s30+$0x4F10]  }
0xbb: {  	v15 =	vld [tilespmem:s30+$0x4F20]  }
0xbc: {  	v1 =	vadd.f32 v12, v1;
	v12 =	vld [tilespmem:s30+$0x4F50]  }
0xbd: {  	v16 =	vld [tilespmem:s30+$0x4F30]  }
0xbe: {  	v17 =	vld [tilespmem:s30+$0x4F40];
	v7 =	vadd.f32 v7, v9;
	v5 =	vadd.f32 v13, v5  }
0xbf: {  	v9 =	vld [tilespmem:s30+$0x4F70];
	v3 =	vadd.f32 v8, v3;
	v4 =	vadd.f32 v14, v4  }
0xc0: {  	v6 =	vadd.f32 v10, v6;
	v10 =	vld [tilespmem:s30+$0x4F60];
	v1 =	vadd.f32 v15, v1;
	v5 =	vmul.f32 $1.999999960e-02, v5  }
0xc1: {  	v3 =	vadd.f32 v12, v3;
	v4 =	vmul.f32 $1.999999960e-02, v4  }
0xc2: {  	v6 =	vadd.f32 v16, v6;
	v1 =	vmul.f32 $1.999999960e-02, v1;
	[tilespmem:$0x19580] =	vst v5  }
0xc3: {  	v2 =	vadd.f32 v11, v2;
	v7 =	vadd.f32 v17, v7;
	v3 =	vmul.f32 $1.999999960e-02, v3;
	[tilespmem:$0x19590] =	vst v4  }
0xc4: {  	v0 =	vadd.f32 v9, v0;
	v4 =	vmul.f32 $1.999999960e-02, v6;
	[tilespmem:$0x195A0] =	vst v1  }
0xc5: {  	v2 =	vadd.f32 v10, v2;
	v1 =	vmul.f32 $1.999999960e-02, v7;
	[tilespmem:$0x195D0] =	vst v3  }
0xc6: {  	v0 =	vmul.f32 $1.999999960e-02, v0;
	[tilespmem:$0x195B0] =	vst v4  }
0xc7: {  	[tilespmem:$0x195C0] =	vst v1;
	v1 =	vmul.f32 $1.999999960e-02, v2  }
0xc8: {  	[tilespmem:$0x195F0] =	vst v0  }
0xc9: {  	s1 =	simm.s32 $0x0;
	[tilespmem:$0x195E0] =	vst v1  }
0xca: {  	v0 =	vld [tilespmem:s1+$0x6870]  }
0xcb: {  	v2 =	vld [tilespmem:s1+$0x6800]  }
0xcc: {  	v3 =	vld [tilespmem:s1+$0x6810]  }
0xcd: {  	v12 =	vld [tilespmem:s1+$0x6820]  }
0xce: {  	v10 =	vld [tilespmem:s1+$0x6830]  }
0xcf: {  	v9 =	vimm.f32 $0.0e+00;
	v1 =	vimm.f32 $0.0e+00;
	v7 =	vld [tilespmem:s1+$0x6840]  }
0xd0: {  	v6 =	vimm.f32 $0.0e+00;
	v8 =	vld [tilespmem:s1+$0x6850];
	v0 =	vadd.f32 v0, v1;
	v5 =	vadd.f32 v2, v1  }
0xd1: {  	s31 =	simm.s32 $0x400;
	s30 =	simm.s32 $0x80;
	v11 =	vld [tilespmem:s1+$0x6860];
	v4 =	vadd.f32 v3, v1;
	v3 =	vimm.f32 $0.0e+00;
	v2 =	vimm.f32 $0.0e+00  }
.LBB2_11:
0xd2: {  	p0 =	sne.s32 s31, $0x6200;
	v13 =	vld [tilespmem:s30+$0x6870];
	v1 =	vadd.f32 v12, v1  }
0xd3: {  	v14 =	vld [tilespmem:s30+$0x6800];
	v6 =	vadd.f32 v10, v6  }
0xd4: {  	v15 =	vld [tilespmem:s30+$0x6810];
	v9 =	vadd.f32 v7, v9  }
.Ltmp4:
0xd5: {  	v12 =	vld [tilespmem:s30+$0x6820];
	v3 =	vadd.f32 v8, v3;
	(pc) =	sbr.rel @p0 .LBB2_11-.Ltmp4, $4  }
0xd6: {  	v10 =	vld [tilespmem:s30+$0x6830];
	v2 =	vadd.f32 v11, v2  }
0xd7: {  	v7 =	vld [tilespmem:s30+$0x6840];
	v0 =	vadd.f32 v13, v0  }
0xd8: {  	v5 =	vadd.f32 v14, v5;
	v8 =	vld [tilespmem:s30+$0x6850]  }
0xd9: {  	v4 =	vadd.f32 v15, v4;
	v11 =	vld [tilespmem:s30+$0x6860];
	s30 =	sshra.s32 s31, $0x2;
	s31 =	sadd.s32 $0x200, s31  }
0xda: {  	v13 =	vld [tilespmem:s30+$0x6800]  }
0xdb: {  	v14 =	vld [tilespmem:s30+$0x6810]  }
0xdc: {  	v15 =	vld [tilespmem:s30+$0x6820]  }
0xdd: {  	v1 =	vadd.f32 v12, v1;
	v12 =	vld [tilespmem:s30+$0x6850]  }
0xde: {  	v16 =	vld [tilespmem:s30+$0x6830]  }
0xdf: {  	v17 =	vld [tilespmem:s30+$0x6840];
	v7 =	vadd.f32 v7, v9;
	v5 =	vadd.f32 v13, v5  }
0xe0: {  	v9 =	vld [tilespmem:s30+$0x6870];
	v3 =	vadd.f32 v8, v3;
	v4 =	vadd.f32 v14, v4  }
0xe1: {  	v6 =	vadd.f32 v10, v6;
	v10 =	vld [tilespmem:s30+$0x6860];
	v1 =	vadd.f32 v15, v1;
	v5 =	vmul.f32 $1.999999960e-02, v5  }
0xe2: {  	v3 =	vadd.f32 v12, v3;
	v4 =	vmul.f32 $1.999999960e-02, v4  }
0xe3: {  	v6 =	vadd.f32 v16, v6;
	v1 =	vmul.f32 $1.999999960e-02, v1;
	[tilespmem:$0x19600] =	vst v5  }
0xe4: {  	v2 =	vadd.f32 v11, v2;
	v7 =	vadd.f32 v17, v7;
	v3 =	vmul.f32 $1.999999960e-02, v3;
	[tilespmem:$0x19610] =	vst v4  }
0xe5: {  	v0 =	vadd.f32 v9, v0;
	v4 =	vmul.f32 $1.999999960e-02, v6;
	[tilespmem:$0x19620] =	vst v1  }
0xe6: {  	v2 =	vadd.f32 v10, v2;
	v1 =	vmul.f32 $1.999999960e-02, v7;
	[tilespmem:$0x19650] =	vst v3  }
0xe7: {  	v0 =	vmul.f32 $1.999999960e-02, v0;
	[tilespmem:$0x19630] =	vst v4  }
0xe8: {  	[tilespmem:$0x19640] =	vst v1;
	v1 =	vmul.f32 $1.999999960e-02, v2  }
0xe9: {  	[tilespmem:$0x19670] =	vst v0  }
0xea: {  	s1 =	simm.s32 $0x0;
	[tilespmem:$0x19660] =	vst v1  }
0xeb: {  	v0 =	vld [tilespmem:s1+$0x8170]  }
0xec: {  	v2 =	vld [tilespmem:s1+$0x8100]  }
0xed: {  	v3 =	vld [tilespmem:s1+$0x8110]  }
0xee: {  	v12 =	vld [tilespmem:s1+$0x8120]  }
0xef: {  	v10 =	vld [tilespmem:s1+$0x8130]  }
0xf0: {  	v9 =	vimm.f32 $0.0e+00;
	v1 =	vimm.f32 $0.0e+00;
	v7 =	vld [tilespmem:s1+$0x8140]  }
0xf1: {  	v6 =	vimm.f32 $0.0e+00;
	v8 =	vld [tilespmem:s1+$0x8150];
	v0 =	vadd.f32 v0, v1;
	v5 =	vadd.f32 v2, v1  }
0xf2: {  	s31 =	simm.s32 $0x400;
	s30 =	simm.s32 $0x80;
	v11 =	vld [tilespmem:s1+$0x8160];
	v4 =	vadd.f32 v3, v1;
	v3 =	vimm.f32 $0.0e+00;
	v2 =	vimm.f32 $0.0e+00  }
.LBB2_13:
0xf3: {  	p0 =	sne.s32 s31, $0x6200;
	v13 =	vld [tilespmem:s30+$0x8170];
	v1 =	vadd.f32 v12, v1  }
0xf4: {  	v14 =	vld [tilespmem:s30+$0x8100];
	v6 =	vadd.f32 v10, v6  }
0xf5: {  	v15 =	vld [tilespmem:s30+$0x8110];
	v9 =	vadd.f32 v7, v9  }
.Ltmp5:
0xf6: {  	v12 =	vld [tilespmem:s30+$0x8120];
	v3 =	vadd.f32 v8, v3;
	(pc) =	sbr.rel @p0 .LBB2_13-.Ltmp5, $4  }
0xf7: {  	v10 =	vld [tilespmem:s30+$0x8130];
	v2 =	vadd.f32 v11, v2  }
0xf8: {  	v7 =	vld [tilespmem:s30+$0x8140];
	v0 =	vadd.f32 v13, v0  }
0xf9: {  	v5 =	vadd.f32 v14, v5;
	v8 =	vld [tilespmem:s30+$0x8150]  }
0xfa: {  	v4 =	vadd.f32 v15, v4;
	v11 =	vld [tilespmem:s30+$0x8160];
	s30 =	sshra.s32 s31, $0x2;
	s31 =	sadd.s32 $0x200, s31  }
0xfb: {  	v13 =	vld [tilespmem:s30+$0x8100]  }
0xfc: {  	v14 =	vld [tilespmem:s30+$0x8110]  }
0xfd: {  	v15 =	vld [tilespmem:s30+$0x8120]  }
0xfe: {  	v1 =	vadd.f32 v12, v1;
	v12 =	vld [tilespmem:s30+$0x8150]  }
0xff: {  	v16 =	vld [tilespmem:s30+$0x8130]  }
0x100: {  	v17 =	vld [tilespmem:s30+$0x8140];
	v7 =	vadd.f32 v7, v9;
	v5 =	vadd.f32 v13, v5  }
0x101: {  	v9 =	vld [tilespmem:s30+$0x8170];
	v3 =	vadd.f32 v8, v3;
	v4 =	vadd.f32 v14, v4  }
0x102: {  	v6 =	vadd.f32 v10, v6;
	v10 =	vld [tilespmem:s30+$0x8160];
	v1 =	vadd.f32 v15, v1;
	v5 =	vmul.f32 $1.999999960e-02, v5  }
0x103: {  	v3 =	vadd.f32 v12, v3;
	v4 =	vmul.f32 $1.999999960e-02, v4  }
0x104: {  	v6 =	vadd.f32 v16, v6;
	v1 =	vmul.f32 $1.999999960e-02, v1;
	[tilespmem:$0x19680] =	vst v5  }
0x105: {  	v2 =	vadd.f32 v11, v2;
	v7 =	vadd.f32 v17, v7;
	v3 =	vmul.f32 $1.999999960e-02, v3;
	[tilespmem:$0x19690] =	vst v4  }
0x106: {  	v0 =	vadd.f32 v9, v0;
	v4 =	vmul.f32 $1.999999960e-02, v6;
	[tilespmem:$0x196A0] =	vst v1  }
0x107: {  	v2 =	vadd.f32 v10, v2;
	v1 =	vmul.f32 $1.999999960e-02, v7;
	[tilespmem:$0x196D0] =	vst v3  }
0x108: {  	v0 =	vmul.f32 $1.999999960e-02, v0;
	[tilespmem:$0x196B0] =	vst v4  }
0x109: {  	[tilespmem:$0x196C0] =	vst v1;
	v1 =	vmul.f32 $1.999999960e-02, v2  }
0x10a: {  	[tilespmem:$0x196F0] =	vst v0  }
0x10b: {  	s1 =	simm.s32 $0x0;
	[tilespmem:$0x196E0] =	vst v1  }
0x10c: {  	v0 =	vld [tilespmem:s1+$0x9A70]  }
0x10d: {  	v2 =	vld [tilespmem:s1+$0x9A00]  }
0x10e: {  	v3 =	vld [tilespmem:s1+$0x9A10]  }
0x10f: {  	v12 =	vld [tilespmem:s1+$0x9A20]  }
0x110: {  	v10 =	vld [tilespmem:s1+$0x9A30]  }
0x111: {  	v9 =	vimm.f32 $0.0e+00;
	v1 =	vimm.f32 $0.0e+00;
	v7 =	vld [tilespmem:s1+$0x9A40]  }
0x112: {  	v6 =	vimm.f32 $0.0e+00;
	v8 =	vld [tilespmem:s1+$0x9A50];
	v0 =	vadd.f32 v0, v1;
	v5 =	vadd.f32 v2, v1  }
0x113: {  	s31 =	simm.s32 $0x400;
	s30 =	simm.s32 $0x80;
	v11 =	vld [tilespmem:s1+$0x9A60];
	v4 =	vadd.f32 v3, v1;
	v3 =	vimm.f32 $0.0e+00;
	v2 =	vimm.f32 $0.0e+00  }
.LBB2_15:
0x114: {  	p0 =	sne.s32 s31, $0x6200;
	v13 =	vld [tilespmem:s30+$0x9A70];
	v1 =	vadd.f32 v12, v1  }
0x115: {  	v14 =	vld [tilespmem:s30+$0x9A00];
	v6 =	vadd.f32 v10, v6  }
0x116: {  	v15 =	vld [tilespmem:s30+$0x9A10];
	v9 =	vadd.f32 v7, v9  }
.Ltmp6:
0x117: {  	v12 =	vld [tilespmem:s30+$0x9A20];
	v3 =	vadd.f32 v8, v3;
	(pc) =	sbr.rel @p0 .LBB2_15-.Ltmp6, $4  }
0x118: {  	v10 =	vld [tilespmem:s30+$0x9A30];
	v2 =	vadd.f32 v11, v2  }
0x119: {  	v7 =	vld [tilespmem:s30+$0x9A40];
	v0 =	vadd.f32 v13, v0  }
0x11a: {  	v5 =	vadd.f32 v14, v5;
	v8 =	vld [tilespmem:s30+$0x9A50]  }
0x11b: {  	v4 =	vadd.f32 v15, v4;
	v11 =	vld [tilespmem:s30+$0x9A60];
	s30 =	sshra.s32 s31, $0x2;
	s31 =	sadd.s32 $0x200, s31  }
0x11c: {  	v13 =	vld [tilespmem:s30+$0x9A00]  }
0x11d: {  	v14 =	vld [tilespmem:s30+$0x9A10]  }
0x11e: {  	v15 =	vld [tilespmem:s30+$0x9A20]  }
0x11f: {  	v1 =	vadd.f32 v12, v1;
	v12 =	vld [tilespmem:s30+$0x9A50]  }
0x120: {  	v16 =	vld [tilespmem:s30+$0x9A30]  }
0x121: {  	v17 =	vld [tilespmem:s30+$0x9A40];
	v7 =	vadd.f32 v7, v9;
	v5 =	vadd.f32 v13, v5  }
0x122: {  	v9 =	vld [tilespmem:s30+$0x9A70];
	v3 =	vadd.f32 v8, v3;
	v4 =	vadd.f32 v14, v4  }
0x123: {  	v6 =	vadd.f32 v10, v6;
	v10 =	vld [tilespmem:s30+$0x9A60];
	v1 =	vadd.f32 v15, v1;
	v5 =	vmul.f32 $1.999999960e-02, v5  }
0x124: {  	v3 =	vadd.f32 v12, v3;
	v4 =	vmul.f32 $1.999999960e-02, v4  }
0x125: {  	v6 =	vadd.f32 v16, v6;
	v1 =	vmul.f32 $1.999999960e-02, v1;
	[tilespmem:$0x19700] =	vst v5  }
0x126: {  	v2 =	vadd.f32 v11, v2;
	v7 =	vadd.f32 v17, v7;
	v3 =	vmul.f32 $1.999999960e-02, v3;
	[tilespmem:$0x19710] =	vst v4  }
0x127: {  	v0 =	vadd.f32 v9, v0;
	v4 =	vmul.f32 $1.999999960e-02, v6;
	[tilespmem:$0x19720] =	vst v1  }
0x128: {  	v2 =	vadd.f32 v10, v2;
	v1 =	vmul.f32 $1.999999960e-02, v7;
	[tilespmem:$0x19750] =	vst v3  }
0x129: {  	v0 =	vmul.f32 $1.999999960e-02, v0;
	[tilespmem:$0x19730] =	vst v4  }
0x12a: {  	[tilespmem:$0x19740] =	vst v1;
	v1 =	vmul.f32 $1.999999960e-02, v2  }
0x12b: {  	[tilespmem:$0x19770] =	vst v0  }
0x12c: {  	s1 =	simm.s32 $0x0;
	[tilespmem:$0x19760] =	vst v1  }
0x12d: {  	v0 =	vld [tilespmem:s1+$0xB370]  }
0x12e: {  	v2 =	vld [tilespmem:s1+$0xB300]  }
0x12f: {  	v3 =	vld [tilespmem:s1+$0xB310]  }
0x130: {  	v12 =	vld [tilespmem:s1+$0xB320]  }
0x131: {  	v10 =	vld [tilespmem:s1+$0xB330]  }
0x132: {  	v9 =	vimm.f32 $0.0e+00;
	v1 =	vimm.f32 $0.0e+00;
	v7 =	vld [tilespmem:s1+$0xB340]  }
0x133: {  	v6 =	vimm.f32 $0.0e+00;
	v8 =	vld [tilespmem:s1+$0xB350];
	v0 =	vadd.f32 v0, v1;
	v5 =	vadd.f32 v2, v1  }
0x134: {  	s31 =	simm.s32 $0x400;
	s30 =	simm.s32 $0x80;
	v11 =	vld [tilespmem:s1+$0xB360];
	v4 =	vadd.f32 v3, v1;
	v3 =	vimm.f32 $0.0e+00;
	v2 =	vimm.f32 $0.0e+00  }
.LBB2_17:
0x135: {  	p0 =	sne.s32 s31, $0x6200;
	v13 =	vld [tilespmem:s30+$0xB370];
	v1 =	vadd.f32 v12, v1  }
0x136: {  	v14 =	vld [tilespmem:s30+$0xB300];
	v6 =	vadd.f32 v10, v6  }
0x137: {  	v15 =	vld [tilespmem:s30+$0xB310];
	v9 =	vadd.f32 v7, v9  }
.Ltmp7:
0x138: {  	v12 =	vld [tilespmem:s30+$0xB320];
	v3 =	vadd.f32 v8, v3;
	(pc) =	sbr.rel @p0 .LBB2_17-.Ltmp7, $4  }
0x139: {  	v10 =	vld [tilespmem:s30+$0xB330];
	v2 =	vadd.f32 v11, v2  }
0x13a: {  	v7 =	vld [tilespmem:s30+$0xB340];
	v0 =	vadd.f32 v13, v0  }
0x13b: {  	v5 =	vadd.f32 v14, v5;
	v8 =	vld [tilespmem:s30+$0xB350]  }
0x13c: {  	v4 =	vadd.f32 v15, v4;
	v11 =	vld [tilespmem:s30+$0xB360];
	s30 =	sshra.s32 s31, $0x2;
	s31 =	sadd.s32 $0x200, s31  }
0x13d: {  	v13 =	vld [tilespmem:s30+$0xB300]  }
0x13e: {  	v14 =	vld [tilespmem:s30+$0xB310]  }
0x13f: {  	v15 =	vld [tilespmem:s30+$0xB320]  }
0x140: {  	v1 =	vadd.f32 v12, v1;
	v12 =	vld [tilespmem:s30+$0xB350]  }
0x141: {  	v16 =	vld [tilespmem:s30+$0xB330]  }
0x142: {  	v17 =	vld [tilespmem:s30+$0xB340];
	v7 =	vadd.f32 v7, v9;
	v5 =	vadd.f32 v13, v5  }
0x143: {  	v9 =	vld [tilespmem:s30+$0xB370];
	v3 =	vadd.f32 v8, v3;
	v4 =	vadd.f32 v14, v4  }
0x144: {  	v6 =	vadd.f32 v10, v6;
	v10 =	vld [tilespmem:s30+$0xB360];
	v1 =	vadd.f32 v15, v1;
	v5 =	vmul.f32 $1.999999960e-02, v5  }
0x145: {  	v3 =	vadd.f32 v12, v3;
	v4 =	vmul.f32 $1.999999960e-02, v4  }
0x146: {  	v6 =	vadd.f32 v16, v6;
	v1 =	vmul.f32 $1.999999960e-02, v1;
	[tilespmem:$0x19780] =	vst v5  }
0x147: {  	v2 =	vadd.f32 v11, v2;
	v7 =	vadd.f32 v17, v7;
	v3 =	vmul.f32 $1.999999960e-02, v3;
	[tilespmem:$0x19790] =	vst v4  }
0x148: {  	v0 =	vadd.f32 v9, v0;
	v4 =	vmul.f32 $1.999999960e-02, v6;
	[tilespmem:$0x197A0] =	vst v1  }
0x149: {  	v2 =	vadd.f32 v10, v2;
	v1 =	vmul.f32 $1.999999960e-02, v7;
	[tilespmem:$0x197D0] =	vst v3  }
0x14a: {  	v0 =	vmul.f32 $1.999999960e-02, v0;
	[tilespmem:$0x197B0] =	vst v4  }
0x14b: {  	[tilespmem:$0x197C0] =	vst v1;
	v1 =	vmul.f32 $1.999999960e-02, v2  }
0x14c: {  	s1 =	sshll.u32 s28, $0x8;
	[tilespmem:$0x197F0] =	vst v0  }
0x14d: {  	s30 =	sadd.s32 s1, s7;
	s1 =	simm.s32 $0x0;
	[tilespmem:$0x197E0] =	vst v1  }
0x14e: {  	[hbm4b:s30+s1] =	stream.linear.scatter [tilespmem:s23], [sflag:$0x5], $0x400, $0x38;
	[tilespmem:$0x19C00] =	vst v63  }
0x14f: {  	_ =	swait.ge [sflag:s5], $0x190  }
0x150: {  	[sflag:s5] =	ssyncset.done $0x0  }
0x151: {  	[sflag:s5] =	ssyncadd.s32 $0xFFFFFE70  }
0x152: {  	[tilespmem:s14], [sflag:$0x1] =	stream.indirect.gather [hbm4b:s2+s13], $0x80, s1, s13, $0xb8;
	[tilespmem:$0x19C00] =	vst v63  }
0x153: {  	_ = 	snop  }
0x154: {  	[tilespmem:s15], [sflag:$0x1] =	stream.indirect.gather [hbm4b:s2+s13], $0x80, s13, s13, $0xb8;
	[tilespmem:$0x19C00] =	vst v63  }
0x155: {  	_ = 	snop  }
0x156: {  	[tilespmem:s17], [sflag:$0x1] =	stream.indirect.gather [hbm4b:s2+s13], $0x80, s16, s13, $0xb8;
	[tilespmem:$0x19C00] =	vst v63  }
0x157: {  	_ = 	snop  }
0x158: {  	[tilespmem:s19], [sflag:$0x1] =	stream.indirect.gather [hbm4b:s2+s13], $0x80, s18, s13, $0xb8;
	[tilespmem:$0x19C00] =	vst v63  }
0x159: {  	_ = 	snop  }
0x15a: {  	[tilespmem:s21], [sflag:$0x1] =	stream.indirect.gather [hbm4b:s2+s13], $0x80, s20, s13, $0xb8;
	[tilespmem:$0x19C00] =	vst v63  }
0x15b: {  	_ =	swait.ge [sflag:s12], $0x2800  }
0x15c: {  	[sflag:s12] =	ssyncset.done $0x0  }
0x15d: {  	[sflag:s12] =	ssyncadd.s32 $0xFFFFD800  }
0x15e: {  	_ =	swait.ge [sflag:s12], $0x2800  }
0x15f: {  	[sflag:s12] =	ssyncset.done $0x0  }
0x160: {  	[sflag:s12] =	ssyncadd.s32 $0xFFFFD800  }
0x161: {  	_ =	swait.ge [sflag:s12], $0x2800  }
0x162: {  	[sflag:s12] =	ssyncset.done $0x0  }
0x163: {  	[sflag:s12] =	ssyncadd.s32 $0xFFFFD800  }
0x164: {  	s29 =	smin.u32 s29, $0x3C;
	_ =	swait.ge [sflag:s12], $0x2800  }
0x165: {  	s29 =	smul.u32 $0x190, s29;
	[sflag:s12] =	ssyncset.done $0x0  }
0x166: {  	[sflag:s12] =	ssyncadd.s32 $0xFFFFD800  }
0x167: {  	s29 =	sadd.s32 s29, s10;
	_ =	swait.ge [sflag:s12], $0x2800  }
0x168: {  	s29 =	sshrl.u32 s29, $0x3;
	[sflag:s12] =	ssyncset.done $0x0  }
0x169: {  	s29 =	sadd.s32 s4, s29;
	[sflag:s12] =	ssyncadd.s32 $0xFFFFD800  }
0x16a: {  	[tilespmem:s22], [sflag:$0x4] =	stream.linear.gather [hbm4b:s29+s1], $0x190, $0x38;
	[tilespmem:$0x19C00] =	vst v63  }
0x16b: {  	_ =	swait.ge [sflag:s25], $0x400  }
0x16c: {  	[sflag:s25] =	ssyncset.done $0x0  }
0x16d: {  	s1 =	simm.s32 $0x0;
	[sflag:s25] =	ssyncadd.s32 $0xFFFFFC00  }
0x16e: {  	v0 =	vld [tilespmem:s1+$0xCC70]  }
0x16f: {  	v2 =	vld [tilespmem:s1+$0xCC00]  }
0x170: {  	v3 =	vld [tilespmem:s1+$0xCC10]  }
0x171: {  	v12 =	vld [tilespmem:s1+$0xCC20]  }
0x172: {  	v10 =	vld [tilespmem:s1+$0xCC30]  }
0x173: {  	v9 =	vimm.f32 $0.0e+00;
	v1 =	vimm.f32 $0.0e+00;
	v7 =	vld [tilespmem:s1+$0xCC40]  }
0x174: {  	v6 =	vimm.f32 $0.0e+00;
	v8 =	vld [tilespmem:s1+$0xCC50];
	v0 =	vadd.f32 v0, v1;
	v5 =	vadd.f32 v2, v1  }
0x175: {  	s31 =	simm.s32 $0x400;
	s29 =	simm.s32 $0x80;
	v11 =	vld [tilespmem:s1+$0xCC60];
	v4 =	vadd.f32 v3, v1;
	v3 =	vimm.f32 $0.0e+00;
	v2 =	vimm.f32 $0.0e+00  }
.LBB2_19:
0x176: {  	p0 =	sne.s32 s31, $0x6200;
	v13 =	vld [tilespmem:s29+$0xCC70];
	v1 =	vadd.f32 v12, v1  }
0x177: {  	v14 =	vld [tilespmem:s29+$0xCC00];
	v6 =	vadd.f32 v10, v6  }
0x178: {  	v15 =	vld [tilespmem:s29+$0xCC10];
	v9 =	vadd.f32 v7, v9  }
.Ltmp8:
0x179: {  	v12 =	vld [tilespmem:s29+$0xCC20];
	v3 =	vadd.f32 v8, v3;
	(pc) =	sbr.rel @p0 .LBB2_19-.Ltmp8, $4  }
0x17a: {  	v10 =	vld [tilespmem:s29+$0xCC30];
	v2 =	vadd.f32 v11, v2  }
0x17b: {  	v7 =	vld [tilespmem:s29+$0xCC40];
	v0 =	vadd.f32 v13, v0  }
0x17c: {  	v5 =	vadd.f32 v14, v5;
	v8 =	vld [tilespmem:s29+$0xCC50]  }
0x17d: {  	v4 =	vadd.f32 v15, v4;
	v11 =	vld [tilespmem:s29+$0xCC60];
	s29 =	sshra.s32 s31, $0x2;
	s31 =	sadd.s32 $0x200, s31  }
0x17e: {  	v13 =	vld [tilespmem:s29+$0xCC00]  }
0x17f: {  	v14 =	vld [tilespmem:s29+$0xCC10]  }
0x180: {  	v15 =	vld [tilespmem:s29+$0xCC20]  }
0x181: {  	v1 =	vadd.f32 v12, v1;
	v12 =	vld [tilespmem:s29+$0xCC50]  }
0x182: {  	v16 =	vld [tilespmem:s29+$0xCC30]  }
0x183: {  	v17 =	vld [tilespmem:s29+$0xCC40];
	v7 =	vadd.f32 v7, v9;
	v5 =	vadd.f32 v13, v5  }
0x184: {  	v9 =	vld [tilespmem:s29+$0xCC70];
	v3 =	vadd.f32 v8, v3;
	v4 =	vadd.f32 v14, v4  }
0x185: {  	v6 =	vadd.f32 v10, v6;
	v10 =	vld [tilespmem:s29+$0xCC60];
	v1 =	vadd.f32 v15, v1;
	v5 =	vmul.f32 $1.999999960e-02, v5  }
0x186: {  	v3 =	vadd.f32 v12, v3;
	v4 =	vmul.f32 $1.999999960e-02, v4  }
0x187: {  	v6 =	vadd.f32 v16, v6;
	v1 =	vmul.f32 $1.999999960e-02, v1;
	[tilespmem:$0x19800] =	vst v5  }
0x188: {  	v2 =	vadd.f32 v11, v2;
	v7 =	vadd.f32 v17, v7;
	v3 =	vmul.f32 $1.999999960e-02, v3;
	[tilespmem:$0x19810] =	vst v4  }
0x189: {  	v0 =	vadd.f32 v9, v0;
	v4 =	vmul.f32 $1.999999960e-02, v6;
	[tilespmem:$0x19820] =	vst v1  }
0x18a: {  	v2 =	vadd.f32 v10, v2;
	v1 =	vmul.f32 $1.999999960e-02, v7;
	[tilespmem:$0x19850] =	vst v3  }
0x18b: {  	v0 =	vmul.f32 $1.999999960e-02, v0;
	[tilespmem:$0x19830] =	vst v4  }
0x18c: {  	[tilespmem:$0x19840] =	vst v1;
	v1 =	vmul.f32 $1.999999960e-02, v2  }
0x18d: {  	[tilespmem:$0x19870] =	vst v0  }
0x18e: {  	s1 =	simm.s32 $0x0;
	[tilespmem:$0x19860] =	vst v1  }
0x18f: {  	v0 =	vld [tilespmem:s1+$0xE570]  }
0x190: {  	v2 =	vld [tilespmem:s1+$0xE500]  }
0x191: {  	v3 =	vld [tilespmem:s1+$0xE510]  }
0x192: {  	v12 =	vld [tilespmem:s1+$0xE520]  }
0x193: {  	v10 =	vld [tilespmem:s1+$0xE530]  }
0x194: {  	v9 =	vimm.f32 $0.0e+00;
	v1 =	vimm.f32 $0.0e+00;
	v7 =	vld [tilespmem:s1+$0xE540]  }
0x195: {  	v6 =	vimm.f32 $0.0e+00;
	v8 =	vld [tilespmem:s1+$0xE550];
	v0 =	vadd.f32 v0, v1;
	v5 =	vadd.f32 v2, v1  }
0x196: {  	s31 =	simm.s32 $0x400;
	s29 =	simm.s32 $0x80;
	v11 =	vld [tilespmem:s1+$0xE560];
	v4 =	vadd.f32 v3, v1;
	v3 =	vimm.f32 $0.0e+00;
	v2 =	vimm.f32 $0.0e+00  }
.LBB2_21:
0x197: {  	p0 =	sne.s32 s31, $0x6200;
	v13 =	vld [tilespmem:s29+$0xE570];
	v1 =	vadd.f32 v12, v1  }
0x198: {  	v14 =	vld [tilespmem:s29+$0xE500];
	v6 =	vadd.f32 v10, v6  }
0x199: {  	v15 =	vld [tilespmem:s29+$0xE510];
	v9 =	vadd.f32 v7, v9  }
.Ltmp9:
0x19a: {  	v12 =	vld [tilespmem:s29+$0xE520];
	v3 =	vadd.f32 v8, v3;
	(pc) =	sbr.rel @p0 .LBB2_21-.Ltmp9, $4  }
0x19b: {  	v10 =	vld [tilespmem:s29+$0xE530];
	v2 =	vadd.f32 v11, v2  }
0x19c: {  	v7 =	vld [tilespmem:s29+$0xE540];
	v0 =	vadd.f32 v13, v0  }
0x19d: {  	v5 =	vadd.f32 v14, v5;
	v8 =	vld [tilespmem:s29+$0xE550]  }
0x19e: {  	v4 =	vadd.f32 v15, v4;
	v11 =	vld [tilespmem:s29+$0xE560];
	s29 =	sshra.s32 s31, $0x2;
	s31 =	sadd.s32 $0x200, s31  }
0x19f: {  	v13 =	vld [tilespmem:s29+$0xE500]  }
0x1a0: {  	v14 =	vld [tilespmem:s29+$0xE510]  }
0x1a1: {  	v15 =	vld [tilespmem:s29+$0xE520]  }
0x1a2: {  	v1 =	vadd.f32 v12, v1;
	v12 =	vld [tilespmem:s29+$0xE550]  }
0x1a3: {  	v16 =	vld [tilespmem:s29+$0xE530]  }
0x1a4: {  	v17 =	vld [tilespmem:s29+$0xE540];
	v7 =	vadd.f32 v7, v9;
	v5 =	vadd.f32 v13, v5  }
0x1a5: {  	v9 =	vld [tilespmem:s29+$0xE570];
	v3 =	vadd.f32 v8, v3;
	v4 =	vadd.f32 v14, v4  }
0x1a6: {  	v6 =	vadd.f32 v10, v6;
	v10 =	vld [tilespmem:s29+$0xE560];
	v1 =	vadd.f32 v15, v1;
	v5 =	vmul.f32 $1.999999960e-02, v5  }
0x1a7: {  	v3 =	vadd.f32 v12, v3;
	v4 =	vmul.f32 $1.999999960e-02, v4  }
0x1a8: {  	v6 =	vadd.f32 v16, v6;
	v1 =	vmul.f32 $1.999999960e-02, v1;
	[tilespmem:$0x19880] =	vst v5  }
0x1a9: {  	v2 =	vadd.f32 v11, v2;
	v7 =	vadd.f32 v17, v7;
	v3 =	vmul.f32 $1.999999960e-02, v3;
	[tilespmem:$0x19890] =	vst v4  }
0x1aa: {  	v0 =	vadd.f32 v9, v0;
	v4 =	vmul.f32 $1.999999960e-02, v6;
	[tilespmem:$0x198A0] =	vst v1  }
0x1ab: {  	v2 =	vadd.f32 v10, v2;
	v1 =	vmul.f32 $1.999999960e-02, v7;
	[tilespmem:$0x198D0] =	vst v3  }
0x1ac: {  	v0 =	vmul.f32 $1.999999960e-02, v0;
	[tilespmem:$0x198B0] =	vst v4  }
0x1ad: {  	[tilespmem:$0x198C0] =	vst v1;
	v1 =	vmul.f32 $1.999999960e-02, v2  }
0x1ae: {  	[tilespmem:$0x198F0] =	vst v0  }
0x1af: {  	s1 =	simm.s32 $0x0;
	[tilespmem:$0x198E0] =	vst v1  }
0x1b0: {  	v0 =	vld [tilespmem:s1+$0xFE70]  }
0x1b1: {  	v2 =	vld [tilespmem:s1+$0xFE00]  }
0x1b2: {  	v3 =	vld [tilespmem:s1+$0xFE10]  }
0x1b3: {  	v12 =	vld [tilespmem:s1+$0xFE20]  }
0x1b4: {  	v10 =	vld [tilespmem:s1+$0xFE30]  }
0x1b5: {  	v9 =	vimm.f32 $0.0e+00;
	v1 =	vimm.f32 $0.0e+00;
	v7 =	vld [tilespmem:s1+$0xFE40]  }
0x1b6: {  	v6 =	vimm.f32 $0.0e+00;
	v8 =	vld [tilespmem:s1+$0xFE50];
	v0 =	vadd.f32 v0, v1;
	v5 =	vadd.f32 v2, v1  }
0x1b7: {  	s31 =	simm.s32 $0x400;
	s29 =	simm.s32 $0x80;
	v11 =	vld [tilespmem:s1+$0xFE60];
	v4 =	vadd.f32 v3, v1;
	v3 =	vimm.f32 $0.0e+00;
	v2 =	vimm.f32 $0.0e+00  }
.LBB2_23:
0x1b8: {  	p0 =	sne.s32 s31, $0x6200;
	v13 =	vld [tilespmem:s29+$0xFE70];
	v1 =	vadd.f32 v12, v1  }
0x1b9: {  	v14 =	vld [tilespmem:s29+$0xFE00];
	v6 =	vadd.f32 v10, v6  }
0x1ba: {  	v15 =	vld [tilespmem:s29+$0xFE10];
	v9 =	vadd.f32 v7, v9  }
.Ltmp10:
0x1bb: {  	v12 =	vld [tilespmem:s29+$0xFE20];
	v3 =	vadd.f32 v8, v3;
	(pc) =	sbr.rel @p0 .LBB2_23-.Ltmp10, $4  }
0x1bc: {  	v10 =	vld [tilespmem:s29+$0xFE30];
	v2 =	vadd.f32 v11, v2  }
0x1bd: {  	v7 =	vld [tilespmem:s29+$0xFE40];
	v0 =	vadd.f32 v13, v0  }
0x1be: {  	v5 =	vadd.f32 v14, v5;
	v8 =	vld [tilespmem:s29+$0xFE50]  }
0x1bf: {  	v4 =	vadd.f32 v15, v4;
	v11 =	vld [tilespmem:s29+$0xFE60];
	s29 =	sshra.s32 s31, $0x2;
	s31 =	sadd.s32 $0x200, s31  }
0x1c0: {  	v13 =	vld [tilespmem:s29+$0xFE00]  }
0x1c1: {  	v14 =	vld [tilespmem:s29+$0xFE10]  }
0x1c2: {  	v15 =	vld [tilespmem:s29+$0xFE20]  }
0x1c3: {  	v1 =	vadd.f32 v12, v1;
	v12 =	vld [tilespmem:s29+$0xFE50]  }
0x1c4: {  	v16 =	vld [tilespmem:s29+$0xFE30]  }
0x1c5: {  	v17 =	vld [tilespmem:s29+$0xFE40];
	v7 =	vadd.f32 v7, v9;
	v5 =	vadd.f32 v13, v5  }
0x1c6: {  	v9 =	vld [tilespmem:s29+$0xFE70];
	v3 =	vadd.f32 v8, v3;
	v4 =	vadd.f32 v14, v4  }
0x1c7: {  	v6 =	vadd.f32 v10, v6;
	v10 =	vld [tilespmem:s29+$0xFE60];
	v1 =	vadd.f32 v15, v1;
	v5 =	vmul.f32 $1.999999960e-02, v5  }
0x1c8: {  	v3 =	vadd.f32 v12, v3;
	v4 =	vmul.f32 $1.999999960e-02, v4  }
0x1c9: {  	v6 =	vadd.f32 v16, v6;
	v1 =	vmul.f32 $1.999999960e-02, v1;
	[tilespmem:$0x19900] =	vst v5  }
0x1ca: {  	v2 =	vadd.f32 v11, v2;
	v7 =	vadd.f32 v17, v7;
	v3 =	vmul.f32 $1.999999960e-02, v3;
	[tilespmem:$0x19910] =	vst v4  }
0x1cb: {  	v0 =	vadd.f32 v9, v0;
	v4 =	vmul.f32 $1.999999960e-02, v6;
	[tilespmem:$0x19920] =	vst v1  }
0x1cc: {  	v2 =	vadd.f32 v10, v2;
	v1 =	vmul.f32 $1.999999960e-02, v7;
	[tilespmem:$0x19950] =	vst v3  }
0x1cd: {  	v0 =	vmul.f32 $1.999999960e-02, v0;
	[tilespmem:$0x19930] =	vst v4  }
0x1ce: {  	[tilespmem:$0x19940] =	vst v1;
	v1 =	vmul.f32 $1.999999960e-02, v2  }
0x1cf: {  	[tilespmem:$0x19970] =	vst v0  }
0x1d0: {  	s1 =	simm.s32 $0x0;
	[tilespmem:$0x19960] =	vst v1  }
0x1d1: {  	v0 =	vld [tilespmem:s1+$0x11770]  }
0x1d2: {  	v2 =	vld [tilespmem:s1+$0x11700]  }
0x1d3: {  	v3 =	vld [tilespmem:s1+$0x11710]  }
0x1d4: {  	v12 =	vld [tilespmem:s1+$0x11720]  }
0x1d5: {  	v10 =	vld [tilespmem:s1+$0x11730]  }
0x1d6: {  	v9 =	vimm.f32 $0.0e+00;
	v1 =	vimm.f32 $0.0e+00;
	v7 =	vld [tilespmem:s1+$0x11740]  }
0x1d7: {  	v6 =	vimm.f32 $0.0e+00;
	v8 =	vld [tilespmem:s1+$0x11750];
	v0 =	vadd.f32 v0, v1;
	v5 =	vadd.f32 v2, v1  }
0x1d8: {  	s31 =	simm.s32 $0x400;
	s29 =	simm.s32 $0x80;
	v11 =	vld [tilespmem:s1+$0x11760];
	v4 =	vadd.f32 v3, v1;
	v3 =	vimm.f32 $0.0e+00;
	v2 =	vimm.f32 $0.0e+00  }
.LBB2_25:
0x1d9: {  	p0 =	sne.s32 s31, $0x6200;
	v13 =	vld [tilespmem:s29+$0x11770];
	v1 =	vadd.f32 v12, v1  }
0x1da: {  	v14 =	vld [tilespmem:s29+$0x11700];
	v6 =	vadd.f32 v10, v6  }
0x1db: {  	v15 =	vld [tilespmem:s29+$0x11710];
	v9 =	vadd.f32 v7, v9  }
.Ltmp11:
0x1dc: {  	v12 =	vld [tilespmem:s29+$0x11720];
	v3 =	vadd.f32 v8, v3;
	(pc) =	sbr.rel @p0 .LBB2_25-.Ltmp11, $4  }
0x1dd: {  	v10 =	vld [tilespmem:s29+$0x11730];
	v2 =	vadd.f32 v11, v2  }
0x1de: {  	v7 =	vld [tilespmem:s29+$0x11740];
	v0 =	vadd.f32 v13, v0  }
0x1df: {  	v5 =	vadd.f32 v14, v5;
	v8 =	vld [tilespmem:s29+$0x11750]  }
0x1e0: {  	v4 =	vadd.f32 v15, v4;
	v11 =	vld [tilespmem:s29+$0x11760];
	s29 =	sshra.s32 s31, $0x2;
	s31 =	sadd.s32 $0x200, s31  }
0x1e1: {  	v13 =	vld [tilespmem:s29+$0x11700]  }
0x1e2: {  	v14 =	vld [tilespmem:s29+$0x11710]  }
0x1e3: {  	v15 =	vld [tilespmem:s29+$0x11720]  }
0x1e4: {  	v1 =	vadd.f32 v12, v1;
	v12 =	vld [tilespmem:s29+$0x11750]  }
0x1e5: {  	v16 =	vld [tilespmem:s29+$0x11730]  }
0x1e6: {  	v17 =	vld [tilespmem:s29+$0x11740];
	v7 =	vadd.f32 v7, v9;
	v5 =	vadd.f32 v13, v5  }
0x1e7: {  	v9 =	vld [tilespmem:s29+$0x11770];
	v3 =	vadd.f32 v8, v3;
	v4 =	vadd.f32 v14, v4  }
0x1e8: {  	v6 =	vadd.f32 v10, v6;
	v10 =	vld [tilespmem:s29+$0x11760];
	v1 =	vadd.f32 v15, v1;
	v5 =	vmul.f32 $1.999999960e-02, v5  }
0x1e9: {  	v3 =	vadd.f32 v12, v3;
	v4 =	vmul.f32 $1.999999960e-02, v4  }
0x1ea: {  	v6 =	vadd.f32 v16, v6;
	v1 =	vmul.f32 $1.999999960e-02, v1;
	[tilespmem:$0x19980] =	vst v5  }
0x1eb: {  	v2 =	vadd.f32 v11, v2;
	v7 =	vadd.f32 v17, v7;
	v3 =	vmul.f32 $1.999999960e-02, v3;
	[tilespmem:$0x19990] =	vst v4  }
0x1ec: {  	v0 =	vadd.f32 v9, v0;
	v4 =	vmul.f32 $1.999999960e-02, v6;
	[tilespmem:$0x199A0] =	vst v1  }
0x1ed: {  	v2 =	vadd.f32 v10, v2;
	v1 =	vmul.f32 $1.999999960e-02, v7;
	[tilespmem:$0x199D0] =	vst v3  }
0x1ee: {  	v0 =	vmul.f32 $1.999999960e-02, v0;
	[tilespmem:$0x199B0] =	vst v4  }
0x1ef: {  	[tilespmem:$0x199C0] =	vst v1;
	v1 =	vmul.f32 $1.999999960e-02, v2  }
0x1f0: {  	[tilespmem:$0x199F0] =	vst v0  }
0x1f1: {  	s1 =	simm.s32 $0x0;
	[tilespmem:$0x199E0] =	vst v1  }
0x1f2: {  	v0 =	vld [tilespmem:s1+$0x13070]  }
0x1f3: {  	v2 =	vld [tilespmem:s1+$0x13000]  }
0x1f4: {  	v3 =	vld [tilespmem:s1+$0x13010]  }
0x1f5: {  	v12 =	vld [tilespmem:s1+$0x13020]  }
0x1f6: {  	v10 =	vld [tilespmem:s1+$0x13030]  }
0x1f7: {  	v9 =	vimm.f32 $0.0e+00;
	v1 =	vimm.f32 $0.0e+00;
	v7 =	vld [tilespmem:s1+$0x13040]  }
0x1f8: {  	v6 =	vimm.f32 $0.0e+00;
	v8 =	vld [tilespmem:s1+$0x13050];
	v0 =	vadd.f32 v0, v1;
	v5 =	vadd.f32 v2, v1  }
0x1f9: {  	s31 =	simm.s32 $0x400;
	s29 =	simm.s32 $0x80;
	v11 =	vld [tilespmem:s1+$0x13060];
	v4 =	vadd.f32 v3, v1;
	v3 =	vimm.f32 $0.0e+00;
	v2 =	vimm.f32 $0.0e+00  }
.LBB2_27:
0x1fa: {  	p0 =	sne.s32 s31, $0x6200;
	v13 =	vld [tilespmem:s29+$0x13070];
	v1 =	vadd.f32 v12, v1  }
0x1fb: {  	v14 =	vld [tilespmem:s29+$0x13000];
	v6 =	vadd.f32 v10, v6  }
0x1fc: {  	v15 =	vld [tilespmem:s29+$0x13010];
	v9 =	vadd.f32 v7, v9  }
.Ltmp12:
0x1fd: {  	v12 =	vld [tilespmem:s29+$0x13020];
	v3 =	vadd.f32 v8, v3;
	(pc) =	sbr.rel @p0 .LBB2_27-.Ltmp12, $4  }
0x1fe: {  	v10 =	vld [tilespmem:s29+$0x13030];
	v2 =	vadd.f32 v11, v2  }
0x1ff: {  	v7 =	vld [tilespmem:s29+$0x13040];
	v0 =	vadd.f32 v13, v0  }
0x200: {  	v5 =	vadd.f32 v14, v5;
	v8 =	vld [tilespmem:s29+$0x13050]  }
0x201: {  	v4 =	vadd.f32 v15, v4;
	v11 =	vld [tilespmem:s29+$0x13060];
	s29 =	sshra.s32 s31, $0x2;
	s31 =	sadd.s32 $0x200, s31  }
0x202: {  	v13 =	vld [tilespmem:s29+$0x13000]  }
0x203: {  	v14 =	vld [tilespmem:s29+$0x13010]  }
0x204: {  	v15 =	vld [tilespmem:s29+$0x13020]  }
0x205: {  	v1 =	vadd.f32 v12, v1;
	v12 =	vld [tilespmem:s29+$0x13050]  }
0x206: {  	v16 =	vld [tilespmem:s29+$0x13030]  }
0x207: {  	v17 =	vld [tilespmem:s29+$0x13040];
	v7 =	vadd.f32 v7, v9;
	v5 =	vadd.f32 v13, v5  }
0x208: {  	v9 =	vld [tilespmem:s29+$0x13070];
	v3 =	vadd.f32 v8, v3;
	v4 =	vadd.f32 v14, v4  }
0x209: {  	v6 =	vadd.f32 v10, v6;
	v10 =	vld [tilespmem:s29+$0x13060];
	v1 =	vadd.f32 v15, v1;
	v5 =	vmul.f32 $1.999999960e-02, v5  }
0x20a: {  	v3 =	vadd.f32 v12, v3;
	v4 =	vmul.f32 $1.999999960e-02, v4  }
0x20b: {  	v6 =	vadd.f32 v16, v6;
	v1 =	vmul.f32 $1.999999960e-02, v1;
	[tilespmem:$0x19A00] =	vst v5  }
0x20c: {  	v2 =	vadd.f32 v11, v2;
	v7 =	vadd.f32 v17, v7;
	v3 =	vmul.f32 $1.999999960e-02, v3;
	[tilespmem:$0x19A10] =	vst v4  }
0x20d: {  	v0 =	vadd.f32 v9, v0;
	v4 =	vmul.f32 $1.999999960e-02, v6;
	[tilespmem:$0x19A20] =	vst v1  }
0x20e: {  	v2 =	vadd.f32 v10, v2;
	v1 =	vmul.f32 $1.999999960e-02, v7;
	[tilespmem:$0x19A50] =	vst v3  }
0x20f: {  	v0 =	vmul.f32 $1.999999960e-02, v0;
	[tilespmem:$0x19A30] =	vst v4  }
0x210: {  	[tilespmem:$0x19A40] =	vst v1;
	v1 =	vmul.f32 $1.999999960e-02, v2  }
0x211: {  	[tilespmem:$0x19A70] =	vst v0  }
0x212: {  	s1 =	simm.s32 $0x0;
	[tilespmem:$0x19A60] =	vst v1  }
0x213: {  	v0 =	vld [tilespmem:s1+$0x14970]  }
0x214: {  	v2 =	vld [tilespmem:s1+$0x14900]  }
0x215: {  	v3 =	vld [tilespmem:s1+$0x14910]  }
0x216: {  	v12 =	vld [tilespmem:s1+$0x14920]  }
0x217: {  	v10 =	vld [tilespmem:s1+$0x14930]  }
0x218: {  	v9 =	vimm.f32 $0.0e+00;
	v1 =	vimm.f32 $0.0e+00;
	v7 =	vld [tilespmem:s1+$0x14940]  }
0x219: {  	v6 =	vimm.f32 $0.0e+00;
	v8 =	vld [tilespmem:s1+$0x14950];
	v0 =	vadd.f32 v0, v1;
	v5 =	vadd.f32 v2, v1  }
0x21a: {  	s31 =	simm.s32 $0x400;
	s29 =	simm.s32 $0x80;
	v11 =	vld [tilespmem:s1+$0x14960];
	v4 =	vadd.f32 v3, v1;
	v3 =	vimm.f32 $0.0e+00;
	v2 =	vimm.f32 $0.0e+00  }
.LBB2_29:
0x21b: {  	p0 =	sne.s32 s31, $0x6200;
	v13 =	vld [tilespmem:s29+$0x14970];
	v1 =	vadd.f32 v12, v1  }
0x21c: {  	v14 =	vld [tilespmem:s29+$0x14900];
	v6 =	vadd.f32 v10, v6  }
0x21d: {  	v15 =	vld [tilespmem:s29+$0x14910];
	v9 =	vadd.f32 v7, v9  }
.Ltmp13:
0x21e: {  	v12 =	vld [tilespmem:s29+$0x14920];
	v3 =	vadd.f32 v8, v3;
	(pc) =	sbr.rel @p0 .LBB2_29-.Ltmp13, $4  }
0x21f: {  	v10 =	vld [tilespmem:s29+$0x14930];
	v2 =	vadd.f32 v11, v2  }
0x220: {  	v7 =	vld [tilespmem:s29+$0x14940];
	v0 =	vadd.f32 v13, v0  }
0x221: {  	v5 =	vadd.f32 v14, v5;
	v8 =	vld [tilespmem:s29+$0x14950]  }
0x222: {  	v4 =	vadd.f32 v15, v4;
	v11 =	vld [tilespmem:s29+$0x14960];
	s29 =	sshra.s32 s31, $0x2;
	s31 =	sadd.s32 $0x200, s31  }
0x223: {  	v13 =	vld [tilespmem:s29+$0x14900]  }
0x224: {  	v14 =	vld [tilespmem:s29+$0x14910]  }
0x225: {  	v15 =	vld [tilespmem:s29+$0x14920]  }
0x226: {  	v1 =	vadd.f32 v12, v1;
	v12 =	vld [tilespmem:s29+$0x14950]  }
0x227: {  	v16 =	vld [tilespmem:s29+$0x14930]  }
0x228: {  	v17 =	vld [tilespmem:s29+$0x14940];
	v7 =	vadd.f32 v7, v9;
	v5 =	vadd.f32 v13, v5  }
0x229: {  	v9 =	vld [tilespmem:s29+$0x14970];
	v3 =	vadd.f32 v8, v3;
	v4 =	vadd.f32 v14, v4  }
0x22a: {  	v6 =	vadd.f32 v10, v6;
	v10 =	vld [tilespmem:s29+$0x14960];
	v1 =	vadd.f32 v15, v1;
	v5 =	vmul.f32 $1.999999960e-02, v5  }
0x22b: {  	v3 =	vadd.f32 v12, v3;
	v4 =	vmul.f32 $1.999999960e-02, v4  }
0x22c: {  	v6 =	vadd.f32 v16, v6;
	v1 =	vmul.f32 $1.999999960e-02, v1;
	[tilespmem:$0x19A80] =	vst v5  }
0x22d: {  	v2 =	vadd.f32 v11, v2;
	v7 =	vadd.f32 v17, v7;
	v3 =	vmul.f32 $1.999999960e-02, v3;
	[tilespmem:$0x19A90] =	vst v4  }
0x22e: {  	v0 =	vadd.f32 v9, v0;
	v4 =	vmul.f32 $1.999999960e-02, v6;
	[tilespmem:$0x19AA0] =	vst v1  }
0x22f: {  	v2 =	vadd.f32 v10, v2;
	v1 =	vmul.f32 $1.999999960e-02, v7;
	[tilespmem:$0x19AD0] =	vst v3  }
0x230: {  	v0 =	vmul.f32 $1.999999960e-02, v0;
	[tilespmem:$0x19AB0] =	vst v4  }
0x231: {  	[tilespmem:$0x19AC0] =	vst v1;
	v1 =	vmul.f32 $1.999999960e-02, v2  }
0x232: {  	[tilespmem:$0x19AF0] =	vst v0  }
0x233: {  	s1 =	simm.s32 $0x0;
	[tilespmem:$0x19AE0] =	vst v1  }
0x234: {  	v0 =	vld [tilespmem:s1+$0x16270]  }
0x235: {  	v2 =	vld [tilespmem:s1+$0x16200]  }
0x236: {  	v3 =	vld [tilespmem:s1+$0x16210]  }
0x237: {  	v12 =	vld [tilespmem:s1+$0x16220]  }
0x238: {  	v10 =	vld [tilespmem:s1+$0x16230]  }
0x239: {  	v9 =	vimm.f32 $0.0e+00;
	v1 =	vimm.f32 $0.0e+00;
	v7 =	vld [tilespmem:s1+$0x16240]  }
0x23a: {  	v6 =	vimm.f32 $0.0e+00;
	v8 =	vld [tilespmem:s1+$0x16250];
	v0 =	vadd.f32 v0, v1;
	v5 =	vadd.f32 v2, v1  }
0x23b: {  	s31 =	simm.s32 $0x400;
	s29 =	simm.s32 $0x80;
	v11 =	vld [tilespmem:s1+$0x16260];
	v4 =	vadd.f32 v3, v1;
	v3 =	vimm.f32 $0.0e+00;
	v2 =	vimm.f32 $0.0e+00  }
.LBB2_31:
0x23c: {  	p0 =	sne.s32 s31, $0x6200;
	v13 =	vld [tilespmem:s29+$0x16270];
	v1 =	vadd.f32 v12, v1  }
0x23d: {  	v14 =	vld [tilespmem:s29+$0x16200];
	v6 =	vadd.f32 v10, v6  }
0x23e: {  	v15 =	vld [tilespmem:s29+$0x16210];
	v9 =	vadd.f32 v7, v9  }
.Ltmp14:
0x23f: {  	v12 =	vld [tilespmem:s29+$0x16220];
	v3 =	vadd.f32 v8, v3;
	(pc) =	sbr.rel @p0 .LBB2_31-.Ltmp14, $4  }
0x240: {  	v10 =	vld [tilespmem:s29+$0x16230];
	v2 =	vadd.f32 v11, v2  }
0x241: {  	v7 =	vld [tilespmem:s29+$0x16240];
	v0 =	vadd.f32 v13, v0  }
0x242: {  	v5 =	vadd.f32 v14, v5;
	v8 =	vld [tilespmem:s29+$0x16250]  }
0x243: {  	v4 =	vadd.f32 v15, v4;
	v11 =	vld [tilespmem:s29+$0x16260];
	s29 =	sshra.s32 s31, $0x2;
	s31 =	sadd.s32 $0x200, s31  }
0x244: {  	v13 =	vld [tilespmem:s29+$0x16200]  }
0x245: {  	v14 =	vld [tilespmem:s29+$0x16210]  }
0x246: {  	v15 =	vld [tilespmem:s29+$0x16220]  }
0x247: {  	v1 =	vadd.f32 v12, v1;
	v12 =	vld [tilespmem:s29+$0x16250]  }
0x248: {  	v16 =	vld [tilespmem:s29+$0x16230]  }
0x249: {  	v17 =	vld [tilespmem:s29+$0x16240];
	v7 =	vadd.f32 v7, v9;
	v5 =	vadd.f32 v13, v5  }
0x24a: {  	v9 =	vld [tilespmem:s29+$0x16270];
	v3 =	vadd.f32 v8, v3;
	v4 =	vadd.f32 v14, v4  }
0x24b: {  	v6 =	vadd.f32 v10, v6;
	v10 =	vld [tilespmem:s29+$0x16260];
	v1 =	vadd.f32 v15, v1;
	v5 =	vmul.f32 $1.999999960e-02, v5  }
0x24c: {  	v3 =	vadd.f32 v12, v3;
	v4 =	vmul.f32 $1.999999960e-02, v4  }
0x24d: {  	v6 =	vadd.f32 v16, v6;
	v1 =	vmul.f32 $1.999999960e-02, v1;
	[tilespmem:$0x19B00] =	vst v5  }
0x24e: {  	v2 =	vadd.f32 v11, v2;
	v7 =	vadd.f32 v17, v7;
	v3 =	vmul.f32 $1.999999960e-02, v3;
	[tilespmem:$0x19B10] =	vst v4  }
0x24f: {  	v0 =	vadd.f32 v9, v0;
	v4 =	vmul.f32 $1.999999960e-02, v6;
	[tilespmem:$0x19B20] =	vst v1  }
0x250: {  	v2 =	vadd.f32 v10, v2;
	v1 =	vmul.f32 $1.999999960e-02, v7;
	[tilespmem:$0x19B50] =	vst v3  }
0x251: {  	v0 =	vmul.f32 $1.999999960e-02, v0;
	[tilespmem:$0x19B30] =	vst v4  }
0x252: {  	[tilespmem:$0x19B40] =	vst v1;
	v1 =	vmul.f32 $1.999999960e-02, v2  }
0x253: {  	[tilespmem:$0x19B70] =	vst v0  }
0x254: {  	s1 =	simm.s32 $0x0;
	[tilespmem:$0x19B60] =	vst v1  }
0x255: {  	v0 =	vld [tilespmem:s1+$0x17B70]  }
0x256: {  	v2 =	vld [tilespmem:s1+$0x17B00]  }
0x257: {  	v3 =	vld [tilespmem:s1+$0x17B10]  }
0x258: {  	v12 =	vld [tilespmem:s1+$0x17B20]  }
0x259: {  	v10 =	vld [tilespmem:s1+$0x17B30]  }
0x25a: {  	v9 =	vimm.f32 $0.0e+00;
	v1 =	vimm.f32 $0.0e+00;
	v7 =	vld [tilespmem:s1+$0x17B40]  }
0x25b: {  	v6 =	vimm.f32 $0.0e+00;
	v8 =	vld [tilespmem:s1+$0x17B50];
	v0 =	vadd.f32 v0, v1;
	v5 =	vadd.f32 v2, v1  }
0x25c: {  	s31 =	simm.s32 $0x400;
	s29 =	simm.s32 $0x80;
	v11 =	vld [tilespmem:s1+$0x17B60];
	v4 =	vadd.f32 v3, v1;
	v3 =	vimm.f32 $0.0e+00;
	v2 =	vimm.f32 $0.0e+00  }
.LBB2_33:
0x25d: {  	p0 =	sne.s32 s31, $0x6200;
	v13 =	vld [tilespmem:s29+$0x17B70];
	v1 =	vadd.f32 v12, v1  }
0x25e: {  	v14 =	vld [tilespmem:s29+$0x17B00];
	v6 =	vadd.f32 v10, v6  }
0x25f: {  	v15 =	vld [tilespmem:s29+$0x17B10];
	v9 =	vadd.f32 v7, v9  }
.Ltmp15:
0x260: {  	v12 =	vld [tilespmem:s29+$0x17B20];
	v3 =	vadd.f32 v8, v3;
	(pc) =	sbr.rel @p0 .LBB2_33-.Ltmp15, $4  }
0x261: {  	v10 =	vld [tilespmem:s29+$0x17B30];
	v2 =	vadd.f32 v11, v2  }
0x262: {  	v7 =	vld [tilespmem:s29+$0x17B40];
	v0 =	vadd.f32 v13, v0  }
0x263: {  	v5 =	vadd.f32 v14, v5;
	v8 =	vld [tilespmem:s29+$0x17B50]  }
0x264: {  	v4 =	vadd.f32 v15, v4;
	v11 =	vld [tilespmem:s29+$0x17B60];
	s29 =	sshra.s32 s31, $0x2;
	s31 =	sadd.s32 $0x200, s31  }
0x265: {  	v13 =	vld [tilespmem:s29+$0x17B00]  }
0x266: {  	v14 =	vld [tilespmem:s29+$0x17B10]  }
0x267: {  	v15 =	vld [tilespmem:s29+$0x17B20]  }
0x268: {  	v16 =	vld [tilespmem:s29+$0x17B30]  }
0x269: {  	v17 =	vld [tilespmem:s29+$0x17B40]  }
0x26a: {  	v1 =	vadd.f32 v12, v1;
	v58 =	vld [tilespmem:s29+$0x17B50];
	v5 =	vadd.f32 v13, v5  }
0x26b: {  	v60 =	vld [tilespmem:s29+$0x17B70];
	v6 =	vadd.f32 v10, v6;
	v4 =	vadd.f32 v14, v4  }
0x26c: {  	v59 =	vld [tilespmem:s29+$0x17B60];
	v7 =	vadd.f32 v7, v9;
	v1 =	vadd.f32 v15, v1;
	v5 =	vmul.f32 $1.999999960e-02, v5  }
0x26d: {  	v3 =	vadd.f32 v8, v3;
	v6 =	vadd.f32 v16, v6;
	v4 =	vmul.f32 $1.999999960e-02, v4  }
0x26e: {  	v7 =	vadd.f32 v17, v7;
	v1 =	vmul.f32 $1.999999960e-02, v1;
	[tilespmem:$0x19B80] =	vst v5  }
0x26f: {  	v2 =	vadd.f32 v11, v2;
	v3 =	vadd.f32 v58, v3;
	v61 =	vmul.f32 $1.999999960e-02, v6;
	[tilespmem:$0x19B90] =	vst v4  }
0x270: {  	v0 =	vadd.f32 v60, v0;
	v62 =	vmul.f32 $1.999999960e-02, v7;
	[tilespmem:$0x19BA0] =	vst v1  }
0x271: {  	v2 =	vadd.f32 v59, v2;
	v3 =	vmul.f32 $1.999999960e-02, v3;
	[tilespmem:$0x19BB0] =	vst v61  }
0x272: {  	v0 =	vmul.f32 $1.999999960e-02, v0;
	[tilespmem:$0x19BC0] =	vst v62  }
0x273: {  	s28 =	sadd.s32 $0x1, s28;
	v63 =	vmul.f32 $1.999999960e-02, v2;
	[tilespmem:$0x19BD0] =	vst v3  }
0x274: {  	p0 =	sne.s32 s28, $0x20;
	[tilespmem:$0x19BF0] =	vst v0  }
.Ltmp16:
0x275: {  	s1 =	sadd.s32 $0x80, s30;
	[tilespmem:$0x19BE0] =	vst v63;
	(pc) =	sbr.rel @p0 .LBB2_2-.Ltmp16, $4  }
0x276: {  	[hbm4b:s1+s3] =	stream.linear.scatter [tilespmem:s24], [sflag:$0x6], $0x400, $0x38;
	[tilespmem:$0x19C00] =	vst v63  }
0x277: {  	_ =	swait.ge [sflag:s26], $0x190  }
0x278: {  	[sflag:s26] =	ssyncset.done $0x0  }
0x279: {  	[sflag:s26] =	ssyncadd.s32 $0xFFFFFE70  }
0x27a: {  	_ =	swait.ge [sflag:s8], $0x2800  }
0x27b: {  	[sflag:s8] =	ssyncset.done $0x0  }
0x27c: {  	[sflag:s8] =	ssyncadd.s32 $0xFFFFD800  }
0x27d: {  	_ =	swait.ge [sflag:s8], $0x2800  }
0x27e: {  	[sflag:s8] =	ssyncset.done $0x0  }
0x27f: {  	[sflag:s8] =	ssyncadd.s32 $0xFFFFD800  }
0x280: {  	_ =	swait.ge [sflag:s8], $0x2800  }
0x281: {  	[sflag:s8] =	ssyncset.done $0x0  }
0x282: {  	[sflag:s8] =	ssyncadd.s32 $0xFFFFD800  }
0x283: {  	_ =	swait.ge [sflag:s8], $0x2800  }
0x284: {  	[sflag:s8] =	ssyncset.done $0x0  }
0x285: {  	[sflag:s8] =	ssyncadd.s32 $0xFFFFD800  }
0x286: {  	_ =	swait.ge [sflag:s8], $0x2800  }
0x287: {  	[sflag:s8] =	ssyncset.done $0x0  }
0x288: {  	[sflag:s8] =	ssyncadd.s32 $0xFFFFD800  }
0x289: {  	_ =	swait.ge [sflag:s11], $0x400  }
0x28a: {  	[sflag:s11] =	ssyncset.done $0x0  }
0x28b: {  	[sflag:s11] =	ssyncadd.s32 $0xFFFFFC00  }
0x28c: {  	_ =	swait.ge [sflag:s25], $0x400  }
0x28d: {  	s28 =	rddreg [dreg:$0x7]  }
0x28e: {  	s1 =	rddreg [dreg:$0x6];
	s28 =	sadd.s32 $0x1, s28  }
0x28f: {  	p0 =	sne.s32 s28, s1  }
.Ltmp17:
0x290: {  	_ = 	snop;
	(pc) =	sbr.rel @p0 .LBB2_1-.Ltmp17, $3  }
0x291: {  	_ =	sdelay $0x1  }
0x292: {  	[sflag:s25] =	ssyncset.done $0x0  }
0x293: {  	[sflag:s25] =	ssyncadd.s32 $0xFFFFFC00  }
0x294: {  	_ =	sfence.sel $0x180000  }
0x295: {  	[bflag:$0x0] =	sbarrier.arrive $0xFFFF  }
0x296: {  	_ =	strace $0x90000047  }
0x297: {  	s0 =	stileid.u32;
	[bflag:$0x2] =	sbarrier.arrive $0xFFFF  }
0x298: {  	p0 =	sne.s32 s0, $0x0;
	s0 =	rddreg [dreg:$0x2]  }
0x299: {  	s0 =	sadd.s32 @!p0 $0x100000, s0  }
0x29a: {  	[sflag:s0] =	ssyncadd.tile.s32 @!p0 $0x1;
	_ =	shalt  }
.Lfunc_end2:
_tile_overlayer_lowered:
.L_overlay_start_2:
0x29b: {  	(tag) =	ssettag $0x2  }
0x29c: {  	s0 =	rddreg [dreg:$0x0];
	s2 =	stileid.u32  }
0x29d: {  	s1 =	rddreg [dreg:$0x1];
	p0 =	sne.s32 s2, $0x0  }
0x29e: {  	s3 =	rddreg [dreg:$0x2];
	[bflag:$0x3] =	sbarrier.arrive $0xFFFF;
	s2 =	simm.s32 @!p0 $0x1C07  }
0x29f: {  	[timem:s3], [sflag:s2] =	dma.local @!p0 [hbm:s0], s1  }
0x2a0: {  	s0 =	simm.s32 @!p0 $0x7  }
0x2a1: {  	_ =	swait.ge @!p0 [sflag:s0], s1  }
0x2a2: {  	s1 =	ssub.s32 @!p0 $0x0, s1;
	[sflag:s0] =	ssyncset.done @!p0 $0x0  }
0x2a3: {  	[sflag:s0] =	ssyncadd.s32 @!p0 s1  }
0x2a4: {  	[bflag:$0x3] =	sbarrier.arrive $0xFFFF  }
0x2a5: {  	_ =	shalt  }

</sc_bundles>
